<compile_context>
chip_gen: v7x
topology: tpu7x:2x2x1
jax: 0.10.2.dev20260603
libtpu: 0.0.44.dev20260713+nightly
codegen_flags: <defaults>
</compile_context>

<pallas_src>
import functools

import jax
import jax.numpy as jnp
from jax import lax
from jax.experimental import pallas as pl
from jax.experimental.pallas import tpu as pltpu
from jax.experimental.pallas import tpu_sc as plsc

N = 50000
E = 800000
F_IN = 40
D = 64
Q = 16
NL = 5

NC = 2
NS = 16
CHUNK = 128
BW = 1568
DUMP = 32 * BW + 31
NPAD = 32 * BW + 32
ROWS_PER_TILE = NPAD // NS
E_CAP = 811008

BN_ROWS = 1000
NB = N // BN_ROWS
E8 = E_CAP // 8
EB8 = 3168
NEB8 = E8 // EB8



def _sc_edge_body(htab, e4, src, dst, meta, out, idx_s, idx_d, ebuf, gbuf,
                  bounce, mrow, agg_s, sem):
    c = lax.axis_index("c")
    s = lax.axis_index("s")
    zvec = jnp.zeros((16,), jnp.float32)
    r0 = s * ROWS_PER_TILE

    pltpu.sync_copy(meta.at[pl.ds(s * 16, 16)], mrow)
    nck0 = mrow[:][0]
    pltpu.sync_copy(meta.at[pl.ds(512 + s * 16, 16)], mrow)
    off0 = pl.multiple_of(mrow[:][0], CHUNK)
    pltpu.sync_copy(meta.at[pl.ds((s + 16) * 16, 16)], mrow)
    nck1 = mrow[:][0]
    pltpu.sync_copy(meta.at[pl.ds(512 + (s + 16) * 16, 16)], mrow)
    off1 = pl.multiple_of(mrow[:][0], CHUNK)

    @pl.loop(0, ROWS_PER_TILE)
    def _z(i):
        bounce[i, :] = zvec

    @pl.loop(0, 2)
    def _pass(p):
        q = c * 2 + p
        qn = q * N

        pltpu.sync_copy(bounce, agg_s.at[pl.ds(r0, ROWS_PER_TILE)])
        plsc.subcore_barrier()

        @pl.loop(0, nck0 + nck1)
        def _chunk(i):
            second = i >= nck0
            base = jnp.where(second, off1 + (i - nck0) * CHUNK,
                             off0 + i * CHUNK)
            base = pl.multiple_of(base, CHUNK)
            pltpu.sync_copy(src.at[pl.ds(base, CHUNK)], idx_s)
            pltpu.sync_copy(dst.at[pl.ds(base, CHUNK)], idx_d)
            pltpu.sync_copy(e4.at[pl.ds(q * E_CAP + base, CHUNK)], ebuf)

            @pl.loop(0, CHUNK // 16)
            def _adj(k):
                idx_s[pl.ds(k * 16, 16)] = idx_s[pl.ds(k * 16, 16)] + qn

            pltpu.async_copy(htab.at[idx_s], gbuf, sem).wait()

            @pl.loop(0, CHUNK)
            def _msg(j):
                gbuf[j, :] = jnp.maximum(gbuf[j, :] + ebuf[j, :], 0.0)

            pltpu.sync_copy(gbuf, agg_s.at[idx_d], add=True)

        plsc.subcore_barrier()
        pltpu.sync_copy(agg_s.at[pl.ds(r0, ROWS_PER_TILE)],
                        out.at[pl.ds(q * NPAD + r0, ROWS_PER_TILE)])
        plsc.subcore_barrier()


_sc_edge = functools.partial(
    pl.kernel,
    out_type=jax.ShapeDtypeStruct((4 * NPAD, Q), jnp.float32),
    mesh=plsc.VectorSubcoreMesh(core_axis_name="c", subcore_axis_name="s",
                                num_cores=NC, num_subcores=NS),
    scratch_types=[
        pltpu.VMEM((CHUNK,), jnp.int32),
        pltpu.VMEM((CHUNK,), jnp.int32),
        pltpu.VMEM((CHUNK, Q), jnp.float32),
        pltpu.VMEM((CHUNK, Q), jnp.float32),
        pltpu.VMEM((ROWS_PER_TILE, Q), jnp.float32),
        pltpu.VMEM((16,), jnp.int32),
        pltpu.VMEM_SHARED((NPAD, Q), jnp.float32),
        pltpu.SemaphoreType.DMA,
    ],
    compiler_params=pltpu.CompilerParams(use_tc_tiling_on_sc=False),
)(_sc_edge_body)



def _dot_bf16(a, b):
    return jnp.dot(a.astype(jnp.bfloat16), b.astype(jnp.bfloat16),
                   preferred_element_type=jnp.float32)


def _split4(y, out_ref):
    out_ref[0] = y[:, 0 * Q:1 * Q]
    out_ref[1] = y[:, 1 * Q:2 * Q]
    out_ref[2] = y[:, 2 * Q:3 * Q]
    out_ref[3] = y[:, 3 * Q:4 * Q]


def _embed_body(x_ref, w_ref, b_ref, out_ref):
    y = _dot_bf16(x_ref[...], w_ref[...])
    _split4(jnp.maximum(y + b_ref[...], 0.0), out_ref)


_embed = pl.pallas_call(
    _embed_body,
    grid=(NB,),
    in_specs=[
        pl.BlockSpec((BN_ROWS, F_IN), lambda j: (j, 0)),
        pl.BlockSpec((F_IN, D), lambda j: (0, 0)),
        pl.BlockSpec((1, D), lambda j: (0, 0)),
    ],
    out_specs=pl.BlockSpec((4, BN_ROWS, Q), lambda j: (0, j, 0)),
    out_shape=jax.ShapeDtypeStruct((4, N, Q), jnp.float32),
)


def _edge_mlp_body(ea_ref, w_ref, b_ref, out_ref):
    ea = ea_ref[...]
    for q in range(4):
        y = _dot_bf16(ea, w_ref[q])
        out_ref[q] = jnp.maximum(y + b_ref[q], 0.0)


_edge_mlp = pl.pallas_call(
    _edge_mlp_body,
    grid=(NEB8,),
    in_specs=[
        pl.BlockSpec((EB8, 32), lambda j: (j, 0)),
        pl.BlockSpec((4, 32, 128), lambda j: (0, 0, 0)),
        pl.BlockSpec((4, 1, 128), lambda j: (0, 0, 0)),
    ],
    out_specs=pl.BlockSpec((4, EB8, 128), lambda j: (0, j, 0)),
    out_shape=jax.ShapeDtypeStruct((4, E8, 128), jnp.float32),
)


def _mlp_body(h4_ref, agg_ref, w1_ref, b1_ref, w2_ref, b2_ref, eps_ref,
              z_ref, stats_ref, acc_ref):
    j = pl.program_id(0)
    h = jnp.concatenate([h4_ref[0], h4_ref[1], h4_ref[2], h4_ref[3]], axis=1)
    agg = jnp.concatenate([agg_ref[0], agg_ref[1], agg_ref[2], agg_ref[3]],
                          axis=1)
    hc = (1.0 + eps_ref[0, 0]) * h + agg
    t = _dot_bf16(hc, w1_ref[...])
    t = jnp.maximum(t + b1_ref[...], 0.0)
    t = _dot_bf16(t, w2_ref[...])
    t = t + b2_ref[...]
    z_ref[...] = t

    @pl.when(j == 0)
    def _():
        acc_ref[...] = jnp.zeros_like(acc_ref)

    acc_ref[0:1, :] += jnp.sum(t, axis=0, keepdims=True)
    acc_ref[1:2, :] += jnp.sum(t * t, axis=0, keepdims=True)

    @pl.when(j == NB - 1)
    def _():
        stats_ref[...] = acc_ref[...]


_mlp = pl.pallas_call(
    _mlp_body,
    grid=(NB,),
    in_specs=[
        pl.BlockSpec((4, BN_ROWS, Q), lambda j: (0, j, 0)),
        pl.BlockSpec((4, BN_ROWS, Q), lambda j: (0, j, 0)),
        pl.BlockSpec((D, 2 * D), lambda j: (0, 0)),
        pl.BlockSpec((1, 2 * D), lambda j: (0, 0)),
        pl.BlockSpec((2 * D, D), lambda j: (0, 0)),
        pl.BlockSpec((1, D), lambda j: (0, 0)),
        pl.BlockSpec((1, 1), lambda j: (0, 0)),
    ],
    out_specs=[
        pl.BlockSpec((BN_ROWS, D), lambda j: (j, 0)),
        pl.BlockSpec((2, D), lambda j: (0, 0)),
    ],
    out_shape=[
        jax.ShapeDtypeStruct((N, D), jnp.float32),
        jax.ShapeDtypeStruct((2, D), jnp.float32),
    ],
    scratch_shapes=[pltpu.VMEM((2, D), jnp.float32)],
)


def _bn_body(z_ref, stats_ref, g_ref, be_ref, out_ref, *, relu, split):
    mean = stats_ref[0:1, :] / N
    var = stats_ref[1:2, :] / N - mean * mean
    y = ((z_ref[...] - mean) / jnp.sqrt(var + 1e-5)) * g_ref[...] + be_ref[...]
    if relu:
        y = jnp.maximum(y, 0.0)
    if split:
        _split4(y, out_ref)
    else:
        out_ref[...] = y


def _make_bn(relu, split):
    if split:
        out_specs = pl.BlockSpec((4, BN_ROWS, Q), lambda j: (0, j, 0))
        out_shape = jax.ShapeDtypeStruct((4, N, Q), jnp.float32)
    else:
        out_specs = pl.BlockSpec((BN_ROWS, D), lambda j: (j, 0))
        out_shape = jax.ShapeDtypeStruct((N, D), jnp.float32)
    return pl.pallas_call(
        functools.partial(_bn_body, relu=relu, split=split),
        grid=(NB,),
        in_specs=[
            pl.BlockSpec((BN_ROWS, D), lambda j: (j, 0)),
            pl.BlockSpec((2, D), lambda j: (0, 0)),
            pl.BlockSpec((1, D), lambda j: (0, 0)),
            pl.BlockSpec((1, D), lambda j: (0, 0)),
        ],
        out_specs=out_specs,
        out_shape=out_shape,
    )


_bn_mid = _make_bn(relu=True, split=True)
_bn_last = _make_bn(relu=False, split=False)



def kernel(x, edge_index, edge_attr, params):
    src = edge_index[0].astype(jnp.int32)
    dst = edge_index[1].astype(jnp.int32)
    bucket = dst // BW
    counts = jnp.bincount(bucket, length=32)
    nchunks = (counts + (CHUNK - 1)) // CHUNK
    off = jnp.concatenate([jnp.zeros((1,), jnp.int32),
                           jnp.cumsum(nchunks * CHUNK)[:-1].astype(jnp.int32)])
    onehot = (bucket[:, None] == jnp.arange(32)[None, :]).astype(jnp.int32)
    rank = jnp.take_along_axis(jnp.cumsum(onehot, axis=0) - onehot,
                               bucket[:, None], axis=1)[:, 0]
    pos = off[bucket] + rank
    src_p = jnp.zeros((E_CAP,), jnp.int32).at[pos].set(src)
    dst_p = jnp.full((E_CAP,), DUMP, jnp.int32).at[pos].set(dst)
    ea_b = jnp.zeros((E_CAP, 4), jnp.float32).at[pos].set(edge_attr)
    rot = (jnp.arange(32)[:, None] + jnp.arange(16)[None, :]) % 32
    meta = jnp.stack([nchunks.astype(jnp.int32)[rot],
                      off[rot]]).reshape(1024)
    ea8 = ea_b.reshape(E8, 32)
    eye8 = jnp.eye(8, dtype=jnp.float32)

    h4 = _embed(x, params['W_emb'], params['b_emb'].reshape(1, D))
    out = None
    for l, p in enumerate(params['layers']):
        w8 = jnp.stack([jnp.kron(eye8, p['W_e'][:, q * Q:(q + 1) * Q])
                        for q in range(4)])
        b8 = jnp.stack([jnp.tile(p['b_e'][q * Q:(q + 1) * Q], 8)[None, :]
                        for q in range(4)])
        e4 = _edge_mlp(ea8, w8, b8).reshape(4 * E_CAP, Q)
        agg = _sc_edge(h4.reshape(4 * N, Q), e4, src_p, dst_p, meta)
        z, stats = _mlp(h4, agg.reshape(4, NPAD, Q),
                        p['W1'], p['b1'].reshape(1, 2 * D),
                        p['W2'], p['b2'].reshape(1, D),
                        p['eps'].reshape(1, 1))
        gam = p['gamma'].reshape(1, D)
        bet = p['beta'].reshape(1, D)
        if l < NL - 1:
            h4 = _bn_mid(z, stats, gam, bet)
        else:
            out = _bn_last(z, stats, gam, bet)
    return out

# --- scband reference (transcript-rebuilt; emitter-appended) ---
"""Pipeline reference for scband-gnn-22385369546935 (READ-ONLY COPY).

The authoritative reference and input builder live on the scoring server;
editing this copy changes nothing except your own understanding.
"""

import jax, jax.numpy as jnp
import numpy as np

N = 50000
E = 800000
F_IN = 40
D = 64
D_EDGE = 4
L = 5


def _dense(k, fan_in, fan_out):
    return (jax.random.normal(k, (fan_in, fan_out), dtype=jnp.float32) / np.sqrt(fan_in)).astype(jnp.float32)


def setup_inputs(seed: int = 0) -> dict:
    key = jax.random.key(seed)
    kx, ke, ka, kp = jax.random.split(key, 4)
    x = jax.random.normal(kx, (N, F_IN), dtype=jnp.float32)
    edge_index = jax.random.randint(ke, (2, E), 0, N)
    edge_attr = jax.random.normal(ka, (E, D_EDGE), dtype=jnp.float32)

    pkeys = jax.random.split(kp, 1 + 4 * L)
    params = {
        'W_emb': _dense(pkeys[0], F_IN, D),
        'b_emb': jnp.zeros((D,), jnp.float32),
        'layers': [],
    }
    for l in range(L):
        k0, k1, k2, k3 = pkeys[1 + 4 * l: 1 + 4 * (l + 1)]
        params['layers'].append({
            'W_e': _dense(k0, D_EDGE, D),
            'b_e': jnp.zeros((D,), jnp.float32),
            'W1': _dense(k1, D, 2 * D),
            'b1': jnp.zeros((2 * D,), jnp.float32),
            'W2': _dense(k2, 2 * D, D),
            'b2': jnp.zeros((D,), jnp.float32),
            'eps': jnp.zeros((), jnp.float32),
            'gamma': jnp.ones((D,), jnp.float32),
            'beta': jnp.zeros((D,), jnp.float32),
        })
    return {'x': x, 'edge_index': edge_index, 'edge_attr': edge_attr, 'params': params}


def _forward(x, edge_attr, params, edge_index):
    # x_embedding1: Linear + ReLU
    h = jax.nn.relu(x @ params['W_emb'] + params['b_emb'])
    src = edge_index[0]
    dst = edge_index[1]
    for l, p in enumerate(params['layers']):
        # GIN conv with edge features: msg = relu(h[src] + edge_emb), add-aggregate
        e = jax.nn.relu(edge_attr @ p['W_e'] + p['b_e'])
        msg = jax.nn.relu(jnp.take(h, src, axis=0) + e)
        agg = jax.ops.segment_sum(msg, dst, num_segments=N)
        hh = (1.0 + p['eps']) * h + agg
        hh = jax.nn.relu(hh @ p['W1'] + p['b1']) @ p['W2'] + p['b2']
        # BatchNorm1d (batch statistics, affine)
        mean = jnp.mean(hh, axis=0)
        var = jnp.var(hh, axis=0)
        hh = (hh - mean) / jnp.sqrt(var + 1e-5) * p['gamma'] + p['beta']
        # dropout with drop_ratio=0.0 is identity; relu on all but last layer
        if l < L - 1:
            hh = jax.nn.relu(hh)
        h = hh
    # JK == 'last'
    return h


def reference(x, edge_index, edge_attr, params):
    return _forward(x, edge_attr, params, edge_index)

if __name__ == "__main__":
    import jax
    _d = setup_inputs()
    print(jax.jit(kernel)(*tuple(_d.values())))

</pallas_src>

<mosaic_0001>
#map = affine_map<(d0, d1) -> (0, 0)>
#map1 = affine_map<(d0, d1) -> (0)>
module attributes {stable_mosaic.version = 14 : i64} {
  func.func @_sc_edge_body(%arg0: i32, %arg1: i32, %arg2: memref<200000x16xf32, #tpu.memory_space<hbm>>, %arg3: memref<3244032x16xf32, #tpu.memory_space<hbm>>, %arg4: memref<811008xi32, #tpu.memory_space<hbm>>, %arg5: memref<811008xi32, #tpu.memory_space<hbm>>, %arg6: memref<1024xi32, #tpu.memory_space<hbm>>, %arg7: memref<200832x16xf32, #tpu.memory_space<hbm>>, %arg8: memref<128xi32, #tpu.memory_space<vmem>>, %arg9: memref<128xi32, #tpu.memory_space<vmem>>, %arg10: memref<128x16xf32, #tpu.memory_space<vmem>>, %arg11: memref<128x16xf32, #tpu.memory_space<vmem>>, %arg12: memref<3138x16xf32, #tpu.memory_space<vmem>>, %arg13: memref<16xi32, #tpu.memory_space<vmem>>, %arg14: memref<50208x16xf32, #tpu.memory_space<vmem_shared>>, %arg15: memref<!tpu.dma_semaphore, #tpu.memory_space<semaphore_mem>>) attributes {dimension_semantics = [#tpu.dimension_semantics<core_parallel>, #tpu.dimension_semantics<subcore_parallel>], iteration_bounds = array<i64: 2, 16>, scalar_prefetch = 0 : i64, scratch_operands = 8 : i64, tpu.core_type = #tpu.core_type<sc_vector_subcore>, window_params = [{transform_indices = #map}, {transform_indices = #map}, {transform_indices = #map1}, {transform_indices = #map1}, {transform_indices = #map1}, {transform_indices = #map}]} {
    %broadcast_in_dim3A = arith.constant 0.000000e+00 : f32
    %broadcast_in_dim3A_0 = vector.broadcast %broadcast_in_dim3A : f32 to vector<16xf32>
    %mul3A = arith.constant 3138 : i32
    %mul3A_1 = arith.muli %arg1, %mul3A : i32
    %mul3A_2 = arith.constant 16 : i32
    %mul3A_3 = arith.muli %arg1, %mul3A_2 : i32
    "tpu.region"() ({
      %run_scoped3A = tpu.sem_alloc : memref<!tpu.dma_semaphore, #tpu.memory_space<semaphore_mem>>
      %dma_start3A = tpu.memref_slice %arg6[%mul3A_3] : memref<1024xi32, #tpu.memory_space<hbm>> -> memref<16xi32, #tpu.memory_space<hbm>>
      %dma_start3A_44 = tpu.memref_slice %arg6[%mul3A_3] : memref<1024xi32, #tpu.memory_space<hbm>> -> memref<16xi32, #tpu.memory_space<hbm>>
      tpu.enqueue_dma source(%dma_start3A_44 : memref<16xi32, #tpu.memory_space<hbm>>) target(%arg13 : memref<16xi32, #tpu.memory_space<vmem>>) target_semaphore(%run_scoped3A : memref<!tpu.dma_semaphore, #tpu.memory_space<semaphore_mem>>)
      %dma_wait3A = tpu.memref_slice %arg6[%mul3A_3] : memref<1024xi32, #tpu.memory_space<hbm>> -> memref<16xi32, #tpu.memory_space<hbm>>
      %dma_wait3A_45 = tpu.memref_slice %arg6[%mul3A_3] : memref<1024xi32, #tpu.memory_space<hbm>> -> memref<16xi32, #tpu.memory_space<hbm>>
      tpu.wait_dma2 semaphore(%run_scoped3A : memref<!tpu.dma_semaphore, #tpu.memory_space<semaphore_mem>>) src(%dma_wait3A_45 : memref<16xi32, #tpu.memory_space<hbm>>) dst(%arg13 : memref<16xi32, #tpu.memory_space<vmem>>)
      tpu.yield
    }) : () -> ()
    %get3A = arith.constant 0 : index
    %get3A_4 = tpu.vector_load %arg13[%get3A] {strides = array<i32>} : memref<16xi32, #tpu.memory_space<vmem>>, vector<16xi32>,
    %get3A_5 = vector.shape_cast %get3A_4 : vector<16xi32> to vector<16xi32>
    %slice3A = vector.extract_strided_slice %get3A_5 {offsets = [0], sizes = [1], strides = [1]} : vector<16xi32> to vector<1xi32>
    %squeeze3A = vector.extract %slice3A[0] : i32 from vector<1xi32>
    %mul3A_6 = arith.constant 16 : i32
    %mul3A_7 = arith.muli %arg1, %mul3A_6 : i32
    %add3A = arith.constant 512 : i32
    %add3A_8 = arith.addi %add3A, %mul3A_7 : i32
    "tpu.region"() ({
      %run_scoped3A = tpu.sem_alloc : memref<!tpu.dma_semaphore, #tpu.memory_space<semaphore_mem>>
      %dma_start3A = tpu.memref_slice %arg6[%add3A_8] : memref<1024xi32, #tpu.memory_space<hbm>> -> memref<16xi32, #tpu.memory_space<hbm>>
      %dma_start3A_44 = tpu.memref_slice %arg6[%add3A_8] : memref<1024xi32, #tpu.memory_space<hbm>> -> memref<16xi32, #tpu.memory_space<hbm>>
      tpu.enqueue_dma source(%dma_start3A_44 : memref<16xi32, #tpu.memory_space<hbm>>) target(%arg13 : memref<16xi32, #tpu.memory_space<vmem>>) target_semaphore(%run_scoped3A : memref<!tpu.dma_semaphore, #tpu.memory_space<semaphore_mem>>)
      %dma_wait3A = tpu.memref_slice %arg6[%add3A_8] : memref<1024xi32, #tpu.memory_space<hbm>> -> memref<16xi32, #tpu.memory_space<hbm>>
      %dma_wait3A_45 = tpu.memref_slice %arg6[%add3A_8] : memref<1024xi32, #tpu.memory_space<hbm>> -> memref<16xi32, #tpu.memory_space<hbm>>
      tpu.wait_dma2 semaphore(%run_scoped3A : memref<!tpu.dma_semaphore, #tpu.memory_space<semaphore_mem>>) src(%dma_wait3A_45 : memref<16xi32, #tpu.memory_space<hbm>>) dst(%arg13 : memref<16xi32, #tpu.memory_space<vmem>>)
      tpu.yield
    }) : () -> ()
    %get3A_9 = arith.constant 0 : index
    %get3A_10 = tpu.vector_load %arg13[%get3A_9] {strides = array<i32>} : memref<16xi32, #tpu.memory_space<vmem>>, vector<16xi32>,
    %get3A_11 = vector.shape_cast %get3A_10 : vector<16xi32> to vector<16xi32>
    %slice3A_12 = vector.extract_strided_slice %get3A_11 {offsets = [0], sizes = [1], strides = [1]} : vector<16xi32> to vector<1xi32>
    %squeeze3A_13 = vector.extract %slice3A_12[0] : i32 from vector<1xi32>
    %multiple_of3A = tpu.assume_multiple %squeeze3A_13, 128 : i32
    %add3A_14 = arith.constant 16 : i32
    %add3A_15 = arith.addi %arg1, %add3A_14 : i32
    %mul3A_16 = arith.constant 16 : i32
    %mul3A_17 = arith.muli %add3A_15, %mul3A_16 : i32
    "tpu.region"() ({
      %run_scoped3A = tpu.sem_alloc : memref<!tpu.dma_semaphore, #tpu.memory_space<semaphore_mem>>
      %dma_start3A = tpu.memref_slice %arg6[%mul3A_17] : memref<1024xi32, #tpu.memory_space<hbm>> -> memref<16xi32, #tpu.memory_space<hbm>>
      %dma_start3A_44 = tpu.memref_slice %arg6[%mul3A_17] : memref<1024xi32, #tpu.memory_space<hbm>> -> memref<16xi32, #tpu.memory_space<hbm>>
      tpu.enqueue_dma source(%dma_start3A_44 : memref<16xi32, #tpu.memory_space<hbm>>) target(%arg13 : memref<16xi32, #tpu.memory_space<vmem>>) target_semaphore(%run_scoped3A : memref<!tpu.dma_semaphore, #tpu.memory_space<semaphore_mem>>)
      %dma_wait3A = tpu.memref_slice %arg6[%mul3A_17] : memref<1024xi32, #tpu.memory_space<hbm>> -> memref<16xi32, #tpu.memory_space<hbm>>
      %dma_wait3A_45 = tpu.memref_slice %arg6[%mul3A_17] : memref<1024xi32, #tpu.memory_space<hbm>> -> memref<16xi32, #tpu.memory_space<hbm>>
      tpu.wait_dma2 semaphore(%run_scoped3A : memref<!tpu.dma_semaphore, #tpu.memory_space<semaphore_mem>>) src(%dma_wait3A_45 : memref<16xi32, #tpu.memory_space<hbm>>) dst(%arg13 : memref<16xi32, #tpu.memory_space<vmem>>)
      tpu.yield
    }) : () -> ()
    %get3A_18 = arith.constant 0 : index
    %get3A_19 = tpu.vector_load %arg13[%get3A_18] {strides = array<i32>} : memref<16xi32, #tpu.memory_space<vmem>>, vector<16xi32>,
    %get3A_20 = vector.shape_cast %get3A_19 : vector<16xi32> to vector<16xi32>
    %slice3A_21 = vector.extract_strided_slice %get3A_20 {offsets = [0], sizes = [1], strides = [1]} : vector<16xi32> to vector<1xi32>
    %squeeze3A_22 = vector.extract %slice3A_21[0] : i32 from vector<1xi32>
    %add3A_23 = arith.constant 16 : i32
    %add3A_24 = arith.addi %arg1, %add3A_23 : i32
    %mul3A_25 = arith.constant 16 : i32
    %mul3A_26 = arith.muli %add3A_24, %mul3A_25 : i32
    %add3A_27 = arith.constant 512 : i32
    %add3A_28 = arith.addi %add3A_27, %mul3A_26 : i32
    "tpu.region"() ({
      %run_scoped3A = tpu.sem_alloc : memref<!tpu.dma_semaphore, #tpu.memory_space<semaphore_mem>>
      %dma_start3A = tpu.memref_slice %arg6[%add3A_28] : memref<1024xi32, #tpu.memory_space<hbm>> -> memref<16xi32, #tpu.memory_space<hbm>>
      %dma_start3A_44 = tpu.memref_slice %arg6[%add3A_28] : memref<1024xi32, #tpu.memory_space<hbm>> -> memref<16xi32, #tpu.memory_space<hbm>>
      tpu.enqueue_dma source(%dma_start3A_44 : memref<16xi32, #tpu.memory_space<hbm>>) target(%arg13 : memref<16xi32, #tpu.memory_space<vmem>>) target_semaphore(%run_scoped3A : memref<!tpu.dma_semaphore, #tpu.memory_space<semaphore_mem>>)
      %dma_wait3A = tpu.memref_slice %arg6[%add3A_28] : memref<1024xi32, #tpu.memory_space<hbm>> -> memref<16xi32, #tpu.memory_space<hbm>>
      %dma_wait3A_45 = tpu.memref_slice %arg6[%add3A_28] : memref<1024xi32, #tpu.memory_space<hbm>> -> memref<16xi32, #tpu.memory_space<hbm>>
      tpu.wait_dma2 semaphore(%run_scoped3A : memref<!tpu.dma_semaphore, #tpu.memory_space<semaphore_mem>>) src(%dma_wait3A_45 : memref<16xi32, #tpu.memory_space<hbm>>) dst(%arg13 : memref<16xi32, #tpu.memory_space<vmem>>)
      tpu.yield
    }) : () -> ()
    %get3A_29 = arith.constant 0 : index
    %get3A_30 = tpu.vector_load %arg13[%get3A_29] {strides = array<i32>} : memref<16xi32, #tpu.memory_space<vmem>>, vector<16xi32>,
    %get3A_31 = vector.shape_cast %get3A_30 : vector<16xi32> to vector<16xi32>
    %slice3A_32 = vector.extract_strided_slice %get3A_31 {offsets = [0], sizes = [1], strides = [1]} : vector<16xi32> to vector<1xi32>
    %squeeze3A_33 = vector.extract %slice3A_32[0] : i32 from vector<1xi32>
    %multiple_of3A_34 = tpu.assume_multiple %squeeze3A_33, 128 : i32
    %scan3A = arith.constant 0 : i32
    %scan3A_35 = arith.constant 3138 : i32
    %scan3A_36 = arith.addi %scan3A, %scan3A_35 : i32
    %scan3A_37 = arith.constant 1 : i32
    scf.for %scan3A_44 = %scan3A to %scan3A_36 step %scan3A_37  : i32 {
      %mul3A_45 = arith.constant 1 : i32
      %mul3A_46 = arith.muli %scan3A_44, %mul3A_45 : i32
      %add3A_47 = arith.constant 0 : i32
      %add3A_48 = arith.addi %add3A_47, %mul3A_46 : i32
      %swap3A = arith.index_cast %add3A_48 : i32 to index
      %swap3A_49 = arith.constant 0 : index
      %swap3A_50 = tpu.vector_load %arg12[%swap3A, %swap3A_49] {strides = array<i32>} : memref<3138x16xf32, #tpu.memory_space<vmem>>, vector<1x16xf32>,
      %swap3A_51 = vector.shape_cast %swap3A_50 : vector<1x16xf32> to vector<16xf32>
      %swap3A_52 = vector.shape_cast %broadcast_in_dim3A_0 : vector<16xf32> to vector<1x16xf32>
      tpu.vector_store %arg12[%swap3A, %swap3A_49], %swap3A_52 {strides = array<i32>} : memref<3138x16xf32, #tpu.memory_space<vmem>>, vector<1x16xf32>,
    }
    %scan3A_38 = arith.constant 3138 : i32
    %scan3A_39 = arith.constant 0 : i32
    %scan3A_40 = arith.constant 2 : i32
    %scan3A_41 = arith.addi %scan3A_39, %scan3A_40 : i32
    %scan3A_42 = arith.constant 1 : i32
    scf.for %scan3A_44 = %scan3A_39 to %scan3A_41 step %scan3A_42  : i32 {
      %mul3A_45 = arith.constant 1 : i32
      %mul3A_46 = arith.muli %scan3A_44, %mul3A_45 : i32
      %add3A_47 = arith.constant 0 : i32
      %add3A_48 = arith.addi %add3A_47, %mul3A_46 : i32
      %mul3A_49 = arith.constant 2 : i32
      %mul3A_50 = arith.muli %arg0, %mul3A_49 : i32
      %add3A_51 = arith.addi %mul3A_50, %add3A_48 : i32
      %mul3A_52 = arith.constant 50000 : i32
      %mul3A_53 = arith.muli %add3A_51, %mul3A_52 : i32
      "tpu.region"() ({
        %run_scoped3A = tpu.sem_alloc : memref<!tpu.dma_semaphore, #tpu.memory_space<semaphore_mem>>
        %dma_start3A = arith.constant 0 : i32
        %dma_start3A_76 = tpu.memref_slice %arg14[%mul3A_1, %dma_start3A] : memref<50208x16xf32, #tpu.memory_space<vmem_shared>> -> memref<3138x16xf32, #tpu.memory_space<vmem_shared>>
        %dma_start3A_77 = arith.constant 0 : i32
        %dma_start3A_78 = tpu.memref_slice %arg14[%mul3A_1, %dma_start3A_77] : memref<50208x16xf32, #tpu.memory_space<vmem_shared>> -> memref<3138x16xf32, #tpu.memory_space<vmem_shared>>
        tpu.enqueue_dma source(%arg12 : memref<3138x16xf32, #tpu.memory_space<vmem>>) target(%dma_start3A_78 : memref<3138x16xf32, #tpu.memory_space<vmem_shared>>) target_semaphore(%run_scoped3A : memref<!tpu.dma_semaphore, #tpu.memory_space<semaphore_mem>>)
        %dma_wait3A = arith.constant 0 : i32
        %dma_wait3A_79 = tpu.memref_slice %arg14[%mul3A_1, %dma_wait3A] : memref<50208x16xf32, #tpu.memory_space<vmem_shared>> -> memref<3138x16xf32, #tpu.memory_space<vmem_shared>>
        %dma_wait3A_80 = arith.constant 0 : i32
        %dma_wait3A_81 = tpu.memref_slice %arg14[%mul3A_1, %dma_wait3A_80] : memref<50208x16xf32, #tpu.memory_space<vmem_shared>> -> memref<3138x16xf32, #tpu.memory_space<vmem_shared>>
        tpu.wait_dma2 semaphore(%run_scoped3A : memref<!tpu.dma_semaphore, #tpu.memory_space<semaphore_mem>>) src(%arg12 : memref<3138x16xf32, #tpu.memory_space<vmem>>) dst(%dma_wait3A_81 : memref<3138x16xf32, #tpu.memory_space<vmem_shared>>)
        tpu.yield
      }) : () -> ()
      %barrier3A = arith.constant 0 : index
      tpu.barrier barrier_id(%barrier3A)
      %add3A_54 = arith.addi %squeeze3A, %squeeze3A_22 : i32
      %sub3A = arith.constant 0 : i32
      %sub3A_55 = arith.subi %add3A_54, %sub3A : i32
      %sub3A_56 = arith.constant 1 : i32
      %sub3A_57 = arith.constant 1 : i32
      %sub3A_58 = arith.subi %sub3A_56, %sub3A_57 : i32
      %add3A_59 = arith.addi %sub3A_55, %sub3A_58 : i32
      %div3A = arith.constant 1 : i32
      %div3A_60 = arith.divsi %add3A_59, %div3A : i32
      %while3A = arith.constant 1 : i32
      %while3A_61 = arith.constant 0 : i32
      %while3A_62 = arith.constant 0 : i32
      %while3A_63 = arith.subi %div3A_60, %while3A_62 : i32
      %while3A_64 = arith.addi %while3A_62, %while3A_63 : i32
      %while3A_65 = arith.constant 1 : i32
      %while3A_66 = arith.divsi %while3A_63, %while3A_65 : i32
      %while3A_67 = arith.muli %while3A_66, %while3A_65 : i32
      %while3A_68 = arith.addi %while3A_62, %while3A_67 : i32
      %while3A_69 = arith.constant 1 : i32
      scf.for %while3A_76 = %while3A_62 to %while3A_68 step %while3A_69  : i32 {
        %mul3A_77 = arith.muli %while3A_76, %while3A : i32
        %add3A_78 = arith.addi %while3A_61, %mul3A_77 : i32
        %ge3A = arith.cmpi sge, %add3A_78, %squeeze3A : i32
        %sub3A_79 = arith.subi %add3A_78, %squeeze3A : i32
        %mul3A_80 = arith.constant 128 : i32
        %mul3A_81 = arith.muli %sub3A_79, %mul3A_80 : i32
        %add3A_82 = arith.addi %multiple_of3A_34, %mul3A_81 : i32
        %mul3A_83 = arith.constant 128 : i32
        %mul3A_84 = arith.muli %add3A_78, %mul3A_83 : i32
        %add3A_85 = arith.addi %multiple_of3A, %mul3A_84 : i32
        %select_n3A = arith.select %ge3A, %add3A_82, %add3A_85 : i32
        %multiple_of3A_86 = tpu.assume_multiple %select_n3A, 128 : i32
        "tpu.region"() ({
          %run_scoped3A = tpu.sem_alloc : memref<!tpu.dma_semaphore, #tpu.memory_space<semaphore_mem>>
          %dma_start3A_104 = tpu.memref_slice %arg4[%multiple_of3A_86] : memref<811008xi32, #tpu.memory_space<hbm>> -> memref<128xi32, #tpu.memory_space<hbm>>
          %dma_start3A_105 = tpu.memref_slice %arg4[%multiple_of3A_86] : memref<811008xi32, #tpu.memory_space<hbm>> -> memref<128xi32, #tpu.memory_space<hbm>>
          tpu.enqueue_dma source(%dma_start3A_105 : memref<128xi32, #tpu.memory_space<hbm>>) target(%arg8 : memref<128xi32, #tpu.memory_space<vmem>>) target_semaphore(%run_scoped3A : memref<!tpu.dma_semaphore, #tpu.memory_space<semaphore_mem>>)
          %dma_wait3A_106 = tpu.memref_slice %arg4[%multiple_of3A_86] : memref<811008xi32, #tpu.memory_space<hbm>> -> memref<128xi32, #tpu.memory_space<hbm>>
          %dma_wait3A_107 = tpu.memref_slice %arg4[%multiple_of3A_86] : memref<811008xi32, #tpu.memory_space<hbm>> -> memref<128xi32, #tpu.memory_space<hbm>>
          tpu.wait_dma2 semaphore(%run_scoped3A : memref<!tpu.dma_semaphore, #tpu.memory_space<semaphore_mem>>) src(%dma_wait3A_107 : memref<128xi32, #tpu.memory_space<hbm>>) dst(%arg8 : memref<128xi32, #tpu.memory_space<vmem>>)
          tpu.yield
        }) : () -> ()
        "tpu.region"() ({
          %run_scoped3A = tpu.sem_alloc : memref<!tpu.dma_semaphore, #tpu.memory_space<semaphore_mem>>
          %dma_start3A_104 = tpu.memref_slice %arg5[%multiple_of3A_86] : memref<811008xi32, #tpu.memory_space<hbm>> -> memref<128xi32, #tpu.memory_space<hbm>>
          %dma_start3A_105 = tpu.memref_slice %arg5[%multiple_of3A_86] : memref<811008xi32, #tpu.memory_space<hbm>> -> memref<128xi32, #tpu.memory_space<hbm>>
          tpu.enqueue_dma source(%dma_start3A_105 : memref<128xi32, #tpu.memory_space<hbm>>) target(%arg9 : memref<128xi32, #tpu.memory_space<vmem>>) target_semaphore(%run_scoped3A : memref<!tpu.dma_semaphore, #tpu.memory_space<semaphore_mem>>)
          %dma_wait3A_106 = tpu.memref_slice %arg5[%multiple_of3A_86] : memref<811008xi32, #tpu.memory_space<hbm>> -> memref<128xi32, #tpu.memory_space<hbm>>
          %dma_wait3A_107 = tpu.memref_slice %arg5[%multiple_of3A_86] : memref<811008xi32, #tpu.memory_space<hbm>> -> memref<128xi32, #tpu.memory_space<hbm>>
          tpu.wait_dma2 semaphore(%run_scoped3A : memref<!tpu.dma_semaphore, #tpu.memory_space<semaphore_mem>>) src(%dma_wait3A_107 : memref<128xi32, #tpu.memory_space<hbm>>) dst(%arg9 : memref<128xi32, #tpu.memory_space<vmem>>)
          tpu.yield
        }) : () -> ()
        %mul3A_87 = arith.constant 811008 : i32
        %mul3A_88 = arith.muli %add3A_51, %mul3A_87 : i32
        %add3A_89 = arith.addi %mul3A_88, %multiple_of3A_86 : i32
        "tpu.region"() ({
          %run_scoped3A = tpu.sem_alloc : memref<!tpu.dma_semaphore, #tpu.memory_space<semaphore_mem>>
          %dma_start3A_104 = arith.constant 0 : i32
          %dma_start3A_105 = tpu.memref_slice %arg3[%add3A_89, %dma_start3A_104] : memref<3244032x16xf32, #tpu.memory_space<hbm>> -> memref<128x16xf32, #tpu.memory_space<hbm>>
          %dma_start3A_106 = arith.constant 0 : i32
          %dma_start3A_107 = tpu.memref_slice %arg3[%add3A_89, %dma_start3A_106] : memref<3244032x16xf32, #tpu.memory_space<hbm>> -> memref<128x16xf32, #tpu.memory_space<hbm>>
          tpu.enqueue_dma source(%dma_start3A_107 : memref<128x16xf32, #tpu.memory_space<hbm>>) target(%arg10 : memref<128x16xf32, #tpu.memory_space<vmem>>) target_semaphore(%run_scoped3A : memref<!tpu.dma_semaphore, #tpu.memory_space<semaphore_mem>>)
          %dma_wait3A_108 = arith.constant 0 : i32
          %dma_wait3A_109 = tpu.memref_slice %arg3[%add3A_89, %dma_wait3A_108] : memref<3244032x16xf32, #tpu.memory_space<hbm>> -> memref<128x16xf32, #tpu.memory_space<hbm>>
          %dma_wait3A_110 = arith.constant 0 : i32
          %dma_wait3A_111 = tpu.memref_slice %arg3[%add3A_89, %dma_wait3A_110] : memref<3244032x16xf32, #tpu.memory_space<hbm>> -> memref<128x16xf32, #tpu.memory_space<hbm>>
          tpu.wait_dma2 semaphore(%run_scoped3A : memref<!tpu.dma_semaphore, #tpu.memory_space<semaphore_mem>>) src(%dma_wait3A_111 : memref<128x16xf32, #tpu.memory_space<hbm>>) dst(%arg10 : memref<128x16xf32, #tpu.memory_space<vmem>>)
          tpu.yield
        }) : () -> ()
        %scan3A_90 = arith.constant 0 : i32
        %scan3A_91 = arith.constant 8 : i32
        %scan3A_92 = arith.addi %scan3A_90, %scan3A_91 : i32
        %scan3A_93 = arith.constant 1 : i32
        scf.for %scan3A_104 = %scan3A_90 to %scan3A_92 step %scan3A_93  : i32 {
          %mul3A_105 = arith.constant 1 : i32
          %mul3A_106 = arith.muli %scan3A_104, %mul3A_105 : i32
          %add3A_107 = arith.constant 0 : i32
          %add3A_108 = arith.addi %add3A_107, %mul3A_106 : i32
          %mul3A_109 = arith.constant 16 : i32
          %mul3A_110 = arith.muli %add3A_108, %mul3A_109 : i32
          %get3A_111 = arith.index_cast %mul3A_110 : i32 to index
          %get3A_112 = tpu.vector_load %arg8[%get3A_111] {strides = array<i32>} : memref<128xi32, #tpu.memory_space<vmem>>, vector<16xi32>,
          %get3A_113 = vector.shape_cast %get3A_112 : vector<16xi32> to vector<16xi32>
          %add3A_114 = vector.broadcast %mul3A_53 : i32 to vector<16xi32>
          %add3A_115 = arith.addi %get3A_113, %add3A_114 : vector<16xi32>
          %mul3A_116 = arith.constant 16 : i32
          %mul3A_117 = arith.muli %add3A_108, %mul3A_116 : i32
          %swap3A = arith.index_cast %mul3A_117 : i32 to index
          %swap3A_118 = tpu.vector_load %arg8[%swap3A] {strides = array<i32>} : memref<128xi32, #tpu.memory_space<vmem>>, vector<16xi32>,
          %swap3A_119 = vector.shape_cast %swap3A_118 : vector<16xi32> to vector<16xi32>
          %swap3A_120 = vector.shape_cast %add3A_115 : vector<16xi32> to vector<16xi32>
          tpu.vector_store %arg8[%swap3A], %swap3A_120 {strides = array<i32>} : memref<128xi32, #tpu.memory_space<vmem>>, vector<16xi32>,
        }
        %scan3A_94 = arith.constant 8 : i32
        %dma_start3A = arith.constant 0 : i32
        %dma_start3A_95 = arith.constant 0 : i32
        %dma_start3A_96 = tpu.memref_slice %arg2[%dma_start3A, %dma_start3A_95] : memref<200000x16xf32, #tpu.memory_space<hbm>> -> memref<200000x16xf32, #tpu.memory_space<hbm>>
        tpu.enqueue_indirect_dma source(%dma_start3A_96 : memref<200000x16xf32, #tpu.memory_space<hbm>>) target(%arg11 : memref<128x16xf32, #tpu.memory_space<vmem>>) offsets(%arg8 : memref<128xi32, #tpu.memory_space<vmem>>) semaphore(%arg15 : memref<!tpu.dma_semaphore, #tpu.memory_space<semaphore_mem>>)
        %dma_wait3A = arith.constant 0 : i32
        %dma_wait3A_97 = arith.constant 0 : i32
        %dma_wait3A_98 = tpu.memref_slice %arg2[%dma_wait3A, %dma_wait3A_97] : memref<200000x16xf32, #tpu.memory_space<hbm>> -> memref<200000x16xf32, #tpu.memory_space<hbm>>
        tpu.wait_indirect_dma semaphore(%arg15 : memref<!tpu.dma_semaphore, #tpu.memory_space<semaphore_mem>>) src(%dma_wait3A_98 : memref<200000x16xf32, #tpu.memory_space<hbm>>) dst(%arg11 : memref<128x16xf32, #tpu.memory_space<vmem>>)
        %scan3A_99 = arith.constant 0 : i32
        %scan3A_100 = arith.constant 128 : i32
        %scan3A_101 = arith.addi %scan3A_99, %scan3A_100 : i32
        %scan3A_102 = arith.constant 1 : i32
        scf.for %scan3A_104 = %scan3A_99 to %scan3A_101 step %scan3A_102  : i32 {
          %mul3A_105 = arith.constant 1 : i32
          %mul3A_106 = arith.muli %scan3A_104, %mul3A_105 : i32
          %add3A_107 = arith.constant 0 : i32
          %add3A_108 = arith.addi %add3A_107, %mul3A_106 : i32
          %get3A_109 = arith.index_cast %add3A_108 : i32 to index
          %get3A_110 = arith.constant 0 : index
          %get3A_111 = tpu.vector_load %arg11[%get3A_109, %get3A_110] {strides = array<i32>} : memref<128x16xf32, #tpu.memory_space<vmem>>, vector<1x16xf32>,
          %get3A_112 = vector.shape_cast %get3A_111 : vector<1x16xf32> to vector<16xf32>
          %get3A_113 = arith.index_cast %add3A_108 : i32 to index
          %get3A_114 = arith.constant 0 : index
          %get3A_115 = tpu.vector_load %arg10[%get3A_113, %get3A_114] {strides = array<i32>} : memref<128x16xf32, #tpu.memory_space<vmem>>, vector<1x16xf32>,
          %get3A_116 = vector.shape_cast %get3A_115 : vector<1x16xf32> to vector<16xf32>
          %add3A_117 = arith.addf %get3A_112, %get3A_116 : vector<16xf32>
          %max3A = arith.constant 0.000000e+00 : f32
          %max3A_118 = vector.broadcast %max3A : f32 to vector<16xf32>
          %max3A_119 = arith.maximumf %add3A_117, %max3A_118 : vector<16xf32>
          %swap3A = arith.index_cast %add3A_108 : i32 to index
          %swap3A_120 = arith.constant 0 : index
          %swap3A_121 = tpu.vector_load %arg11[%swap3A, %swap3A_120] {strides = array<i32>} : memref<128x16xf32, #tpu.memory_space<vmem>>, vector<1x16xf32>,
          %swap3A_122 = vector.shape_cast %swap3A_121 : vector<1x16xf32> to vector<16xf32>
          %swap3A_123 = vector.shape_cast %max3A_119 : vector<16xf32> to vector<1x16xf32>
          tpu.vector_store %arg11[%swap3A, %swap3A_120], %swap3A_123 {strides = array<i32>} : memref<128x16xf32, #tpu.memory_space<vmem>>, vector<1x16xf32>,
        }
        %scan3A_103 = arith.constant 128 : i32
        "tpu.region"() ({
          %run_scoped3A = tpu.sem_alloc : memref<!tpu.dma_semaphore, #tpu.memory_space<semaphore_mem>>
          %dma_start3A_104 = arith.constant 0 : i32
          %dma_start3A_105 = arith.constant 0 : i32
          %dma_start3A_106 = tpu.memref_slice %arg14[%dma_start3A_104, %dma_start3A_105] : memref<50208x16xf32, #tpu.memory_space<vmem_shared>> -> memref<50208x16xf32, #tpu.memory_space<vmem_shared>>
          tpu.enqueue_indirect_dma source(%arg11 : memref<128x16xf32, #tpu.memory_space<vmem>>) target(%dma_start3A_106 : memref<50208x16xf32, #tpu.memory_space<vmem_shared>>) offsets(%arg9 : memref<128xi32, #tpu.memory_space<vmem>>) semaphore(%run_scoped3A : memref<!tpu.dma_semaphore, #tpu.memory_space<semaphore_mem>>) {add = true}
          %dma_wait3A_107 = arith.constant 0 : i32
          %dma_wait3A_108 = arith.constant 0 : i32
          %dma_wait3A_109 = tpu.memref_slice %arg14[%dma_wait3A_107, %dma_wait3A_108] : memref<50208x16xf32, #tpu.memory_space<vmem_shared>> -> memref<50208x16xf32, #tpu.memory_space<vmem_shared>>
          tpu.wait_indirect_dma semaphore(%run_scoped3A : memref<!tpu.dma_semaphore, #tpu.memory_space<semaphore_mem>>) src(%arg11 : memref<128x16xf32, #tpu.memory_space<vmem>>) dst(%dma_wait3A_109 : memref<50208x16xf32, #tpu.memory_space<vmem_shared>>)
          tpu.yield
        }) : () -> ()
      }
      %while3A_70 = arith.constant 1 : i32
      scf.for %while3A_76 = %while3A_68 to %while3A_64 step %while3A_70  : i32 {
        %mul3A_77 = arith.muli %while3A_76, %while3A : i32
        %add3A_78 = arith.addi %while3A_61, %mul3A_77 : i32
        %ge3A = arith.cmpi sge, %add3A_78, %squeeze3A : i32
        %sub3A_79 = arith.subi %add3A_78, %squeeze3A : i32
        %mul3A_80 = arith.constant 128 : i32
        %mul3A_81 = arith.muli %sub3A_79, %mul3A_80 : i32
        %add3A_82 = arith.addi %multiple_of3A_34, %mul3A_81 : i32
        %mul3A_83 = arith.constant 128 : i32
        %mul3A_84 = arith.muli %add3A_78, %mul3A_83 : i32
        %add3A_85 = arith.addi %multiple_of3A, %mul3A_84 : i32
        %select_n3A = arith.select %ge3A, %add3A_82, %add3A_85 : i32
        %multiple_of3A_86 = tpu.assume_multiple %select_n3A, 128 : i32
        "tpu.region"() ({
          %run_scoped3A = tpu.sem_alloc : memref<!tpu.dma_semaphore, #tpu.memory_space<semaphore_mem>>
          %dma_start3A_104 = tpu.memref_slice %arg4[%multiple_of3A_86] : memref<811008xi32, #tpu.memory_space<hbm>> -> memref<128xi32, #tpu.memory_space<hbm>>
          %dma_start3A_105 = tpu.memref_slice %arg4[%multiple_of3A_86] : memref<811008xi32, #tpu.memory_space<hbm>> -> memref<128xi32, #tpu.memory_space<hbm>>
          tpu.enqueue_dma source(%dma_start3A_105 : memref<128xi32, #tpu.memory_space<hbm>>) target(%arg8 : memref<128xi32, #tpu.memory_space<vmem>>) target_semaphore(%run_scoped3A : memref<!tpu.dma_semaphore, #tpu.memory_space<semaphore_mem>>)
          %dma_wait3A_106 = tpu.memref_slice %arg4[%multiple_of3A_86] : memref<811008xi32, #tpu.memory_space<hbm>> -> memref<128xi32, #tpu.memory_space<hbm>>
          %dma_wait3A_107 = tpu.memref_slice %arg4[%multiple_of3A_86] : memref<811008xi32, #tpu.memory_space<hbm>> -> memref<128xi32, #tpu.memory_space<hbm>>
          tpu.wait_dma2 semaphore(%run_scoped3A : memref<!tpu.dma_semaphore, #tpu.memory_space<semaphore_mem>>) src(%dma_wait3A_107 : memref<128xi32, #tpu.memory_space<hbm>>) dst(%arg8 : memref<128xi32, #tpu.memory_space<vmem>>)
          tpu.yield
        }) : () -> ()
        "tpu.region"() ({
          %run_scoped3A = tpu.sem_alloc : memref<!tpu.dma_semaphore, #tpu.memory_space<semaphore_mem>>
          %dma_start3A_104 = tpu.memref_slice %arg5[%multiple_of3A_86] : memref<811008xi32, #tpu.memory_space<hbm>> -> memref<128xi32, #tpu.memory_space<hbm>>
          %dma_start3A_105 = tpu.memref_slice %arg5[%multiple_of3A_86] : memref<811008xi32, #tpu.memory_space<hbm>> -> memref<128xi32, #tpu.memory_space<hbm>>
          tpu.enqueue_dma source(%dma_start3A_105 : memref<128xi32, #tpu.memory_space<hbm>>) target(%arg9 : memref<128xi32, #tpu.memory_space<vmem>>) target_semaphore(%run_scoped3A : memref<!tpu.dma_semaphore, #tpu.memory_space<semaphore_mem>>)
          %dma_wait3A_106 = tpu.memref_slice %arg5[%multiple_of3A_86] : memref<811008xi32, #tpu.memory_space<hbm>> -> memref<128xi32, #tpu.memory_space<hbm>>
          %dma_wait3A_107 = tpu.memref_slice %arg5[%multiple_of3A_86] : memref<811008xi32, #tpu.memory_space<hbm>> -> memref<128xi32, #tpu.memory_space<hbm>>
          tpu.wait_dma2 semaphore(%run_scoped3A : memref<!tpu.dma_semaphore, #tpu.memory_space<semaphore_mem>>) src(%dma_wait3A_107 : memref<128xi32, #tpu.memory_space<hbm>>) dst(%arg9 : memref<128xi32, #tpu.memory_space<vmem>>)
          tpu.yield
        }) : () -> ()
        %mul3A_87 = arith.constant 811008 : i32
        %mul3A_88 = arith.muli %add3A_51, %mul3A_87 : i32
        %add3A_89 = arith.addi %mul3A_88, %multiple_of3A_86 : i32
        "tpu.region"() ({
          %run_scoped3A = tpu.sem_alloc : memref<!tpu.dma_semaphore, #tpu.memory_space<semaphore_mem>>
          %dma_start3A_104 = arith.constant 0 : i32
          %dma_start3A_105 = tpu.memref_slice %arg3[%add3A_89, %dma_start3A_104] : memref<3244032x16xf32, #tpu.memory_space<hbm>> -> memref<128x16xf32, #tpu.memory_space<hbm>>
          %dma_start3A_106 = arith.constant 0 : i32
          %dma_start3A_107 = tpu.memref_slice %arg3[%add3A_89, %dma_start3A_106] : memref<3244032x16xf32, #tpu.memory_space<hbm>> -> memref<128x16xf32, #tpu.memory_space<hbm>>
          tpu.enqueue_dma source(%dma_start3A_107 : memref<128x16xf32, #tpu.memory_space<hbm>>) target(%arg10 : memref<128x16xf32, #tpu.memory_space<vmem>>) target_semaphore(%run_scoped3A : memref<!tpu.dma_semaphore, #tpu.memory_space<semaphore_mem>>)
          %dma_wait3A_108 = arith.constant 0 : i32
          %dma_wait3A_109 = tpu.memref_slice %arg3[%add3A_89, %dma_wait3A_108] : memref<3244032x16xf32, #tpu.memory_space<hbm>> -> memref<128x16xf32, #tpu.memory_space<hbm>>
          %dma_wait3A_110 = arith.constant 0 : i32
          %dma_wait3A_111 = tpu.memref_slice %arg3[%add3A_89, %dma_wait3A_110] : memref<3244032x16xf32, #tpu.memory_space<hbm>> -> memref<128x16xf32, #tpu.memory_space<hbm>>
          tpu.wait_dma2 semaphore(%run_scoped3A : memref<!tpu.dma_semaphore, #tpu.memory_space<semaphore_mem>>) src(%dma_wait3A_111 : memref<128x16xf32, #tpu.memory_space<hbm>>) dst(%arg10 : memref<128x16xf32, #tpu.memory_space<vmem>>)
          tpu.yield
        }) : () -> ()
        %scan3A_90 = arith.constant 0 : i32
        %scan3A_91 = arith.constant 8 : i32
        %scan3A_92 = arith.addi %scan3A_90, %scan3A_91 : i32
        %scan3A_93 = arith.constant 1 : i32
        scf.for %scan3A_104 = %scan3A_90 to %scan3A_92 step %scan3A_93  : i32 {
          %mul3A_105 = arith.constant 1 : i32
          %mul3A_106 = arith.muli %scan3A_104, %mul3A_105 : i32
          %add3A_107 = arith.constant 0 : i32
          %add3A_108 = arith.addi %add3A_107, %mul3A_106 : i32
          %mul3A_109 = arith.constant 16 : i32
          %mul3A_110 = arith.muli %add3A_108, %mul3A_109 : i32
          %get3A_111 = arith.index_cast %mul3A_110 : i32 to index
          %get3A_112 = tpu.vector_load %arg8[%get3A_111] {strides = array<i32>} : memref<128xi32, #tpu.memory_space<vmem>>, vector<16xi32>,
          %get3A_113 = vector.shape_cast %get3A_112 : vector<16xi32> to vector<16xi32>
          %add3A_114 = vector.broadcast %mul3A_53 : i32 to vector<16xi32>
          %add3A_115 = arith.addi %get3A_113, %add3A_114 : vector<16xi32>
          %mul3A_116 = arith.constant 16 : i32
          %mul3A_117 = arith.muli %add3A_108, %mul3A_116 : i32
          %swap3A = arith.index_cast %mul3A_117 : i32 to index
          %swap3A_118 = tpu.vector_load %arg8[%swap3A] {strides = array<i32>} : memref<128xi32, #tpu.memory_space<vmem>>, vector<16xi32>,
          %swap3A_119 = vector.shape_cast %swap3A_118 : vector<16xi32> to vector<16xi32>
          %swap3A_120 = vector.shape_cast %add3A_115 : vector<16xi32> to vector<16xi32>
          tpu.vector_store %arg8[%swap3A], %swap3A_120 {strides = array<i32>} : memref<128xi32, #tpu.memory_space<vmem>>, vector<16xi32>,
        }
        %scan3A_94 = arith.constant 8 : i32
        %dma_start3A = arith.constant 0 : i32
        %dma_start3A_95 = arith.constant 0 : i32
        %dma_start3A_96 = tpu.memref_slice %arg2[%dma_start3A, %dma_start3A_95] : memref<200000x16xf32, #tpu.memory_space<hbm>> -> memref<200000x16xf32, #tpu.memory_space<hbm>>
        tpu.enqueue_indirect_dma source(%dma_start3A_96 : memref<200000x16xf32, #tpu.memory_space<hbm>>) target(%arg11 : memref<128x16xf32, #tpu.memory_space<vmem>>) offsets(%arg8 : memref<128xi32, #tpu.memory_space<vmem>>) semaphore(%arg15 : memref<!tpu.dma_semaphore, #tpu.memory_space<semaphore_mem>>)
        %dma_wait3A = arith.constant 0 : i32
        %dma_wait3A_97 = arith.constant 0 : i32
        %dma_wait3A_98 = tpu.memref_slice %arg2[%dma_wait3A, %dma_wait3A_97] : memref<200000x16xf32, #tpu.memory_space<hbm>> -> memref<200000x16xf32, #tpu.memory_space<hbm>>
        tpu.wait_indirect_dma semaphore(%arg15 : memref<!tpu.dma_semaphore, #tpu.memory_space<semaphore_mem>>) src(%dma_wait3A_98 : memref<200000x16xf32, #tpu.memory_space<hbm>>) dst(%arg11 : memref<128x16xf32, #tpu.memory_space<vmem>>)
        %scan3A_99 = arith.constant 0 : i32
        %scan3A_100 = arith.constant 128 : i32
        %scan3A_101 = arith.addi %scan3A_99, %scan3A_100 : i32
        %scan3A_102 = arith.constant 1 : i32
        scf.for %scan3A_104 = %scan3A_99 to %scan3A_101 step %scan3A_102  : i32 {
          %mul3A_105 = arith.constant 1 : i32
          %mul3A_106 = arith.muli %scan3A_104, %mul3A_105 : i32
          %add3A_107 = arith.constant 0 : i32
          %add3A_108 = arith.addi %add3A_107, %mul3A_106 : i32
          %get3A_109 = arith.index_cast %add3A_108 : i32 to index
          %get3A_110 = arith.constant 0 : index
          %get3A_111 = tpu.vector_load %arg11[%get3A_109, %get3A_110] {strides = array<i32>} : memref<128x16xf32, #tpu.memory_space<vmem>>, vector<1x16xf32>,
          %get3A_112 = vector.shape_cast %get3A_111 : vector<1x16xf32> to vector<16xf32>
          %get3A_113 = arith.index_cast %add3A_108 : i32 to index
          %get3A_114 = arith.constant 0 : index
          %get3A_115 = tpu.vector_load %arg10[%get3A_113, %get3A_114] {strides = array<i32>} : memref<128x16xf32, #tpu.memory_space<vmem>>, vector<1x16xf32>,
          %get3A_116 = vector.shape_cast %get3A_115 : vector<1x16xf32> to vector<16xf32>
          %add3A_117 = arith.addf %get3A_112, %get3A_116 : vector<16xf32>
          %max3A = arith.constant 0.000000e+00 : f32
          %max3A_118 = vector.broadcast %max3A : f32 to vector<16xf32>
          %max3A_119 = arith.maximumf %add3A_117, %max3A_118 : vector<16xf32>
          %swap3A = arith.index_cast %add3A_108 : i32 to index
          %swap3A_120 = arith.constant 0 : index
          %swap3A_121 = tpu.vector_load %arg11[%swap3A, %swap3A_120] {strides = array<i32>} : memref<128x16xf32, #tpu.memory_space<vmem>>, vector<1x16xf32>,
          %swap3A_122 = vector.shape_cast %swap3A_121 : vector<1x16xf32> to vector<16xf32>
          %swap3A_123 = vector.shape_cast %max3A_119 : vector<16xf32> to vector<1x16xf32>
          tpu.vector_store %arg11[%swap3A, %swap3A_120], %swap3A_123 {strides = array<i32>} : memref<128x16xf32, #tpu.memory_space<vmem>>, vector<1x16xf32>,
        }
        %scan3A_103 = arith.constant 128 : i32
        "tpu.region"() ({
          %run_scoped3A = tpu.sem_alloc : memref<!tpu.dma_semaphore, #tpu.memory_space<semaphore_mem>>
          %dma_start3A_104 = arith.constant 0 : i32
          %dma_start3A_105 = arith.constant 0 : i32
          %dma_start3A_106 = tpu.memref_slice %arg14[%dma_start3A_104, %dma_start3A_105] : memref<50208x16xf32, #tpu.memory_space<vmem_shared>> -> memref<50208x16xf32, #tpu.memory_space<vmem_shared>>
          tpu.enqueue_indirect_dma source(%arg11 : memref<128x16xf32, #tpu.memory_space<vmem>>) target(%dma_start3A_106 : memref<50208x16xf32, #tpu.memory_space<vmem_shared>>) offsets(%arg9 : memref<128xi32, #tpu.memory_space<vmem>>) semaphore(%run_scoped3A : memref<!tpu.dma_semaphore, #tpu.memory_space<semaphore_mem>>) {add = true}
          %dma_wait3A_107 = arith.constant 0 : i32
          %dma_wait3A_108 = arith.constant 0 : i32
          %dma_wait3A_109 = tpu.memref_slice %arg14[%dma_wait3A_107, %dma_wait3A_108] : memref<50208x16xf32, #tpu.memory_space<vmem_shared>> -> memref<50208x16xf32, #tpu.memory_space<vmem_shared>>
          tpu.wait_indirect_dma semaphore(%run_scoped3A : memref<!tpu.dma_semaphore, #tpu.memory_space<semaphore_mem>>) src(%arg11 : memref<128x16xf32, #tpu.memory_space<vmem>>) dst(%dma_wait3A_109 : memref<50208x16xf32, #tpu.memory_space<vmem_shared>>)
          tpu.yield
        }) : () -> ()
      }
      %barrier3A_71 = arith.constant 0 : index
      tpu.barrier barrier_id(%barrier3A_71)
      %mul3A_72 = arith.constant 50208 : i32
      %mul3A_73 = arith.muli %add3A_51, %mul3A_72 : i32
      %add3A_74 = arith.addi %mul3A_73, %mul3A_1 : i32
      "tpu.region"() ({
        %run_scoped3A = tpu.sem_alloc : memref<!tpu.dma_semaphore, #tpu.memory_space<semaphore_mem>>
        %dma_start3A = arith.constant 0 : i32
        %dma_start3A_76 = tpu.memref_slice %arg7[%add3A_74, %dma_start3A] : memref<200832x16xf32, #tpu.memory_space<hbm>> -> memref<3138x16xf32, #tpu.memory_space<hbm>>
        %dma_start3A_77 = arith.constant 0 : i32
        %dma_start3A_78 = tpu.memref_slice %arg14[%mul3A_1, %dma_start3A_77] : memref<50208x16xf32, #tpu.memory_space<vmem_shared>> -> memref<3138x16xf32, #tpu.memory_space<vmem_shared>>
        tpu.enqueue_dma source(%dma_start3A_78 : memref<3138x16xf32, #tpu.memory_space<vmem_shared>>) target(%dma_start3A_76 : memref<3138x16xf32, #tpu.memory_space<hbm>>) target_semaphore(%run_scoped3A : memref<!tpu.dma_semaphore, #tpu.memory_space<semaphore_mem>>)
        %dma_wait3A = arith.constant 0 : i32
        %dma_wait3A_79 = tpu.memref_slice %arg7[%add3A_74, %dma_wait3A] : memref<200832x16xf32, #tpu.memory_space<hbm>> -> memref<3138x16xf32, #tpu.memory_space<hbm>>
        %dma_wait3A_80 = arith.constant 0 : i32
        %dma_wait3A_81 = tpu.memref_slice %arg14[%mul3A_1, %dma_wait3A_80] : memref<50208x16xf32, #tpu.memory_space<vmem_shared>> -> memref<3138x16xf32, #tpu.memory_space<vmem_shared>>
        tpu.wait_dma2 semaphore(%run_scoped3A : memref<!tpu.dma_semaphore, #tpu.memory_space<semaphore_mem>>) src(%dma_wait3A_81 : memref<3138x16xf32, #tpu.memory_space<vmem_shared>>) dst(%dma_wait3A_79 : memref<3138x16xf32, #tpu.memory_space<hbm>>)
        tpu.yield
      }) : () -> ()
      %barrier3A_75 = arith.constant 0 : index
      tpu.barrier barrier_id(%barrier3A_75)
    }
    %scan3A_43 = arith.constant 2 : i32
    return
  }
}

#map = affine_map<(d0, d1) -> (0, 0)>
#map1 = affine_map<(d0, d1) -> (0)>
module attributes {stable_mosaic.version = 14 : i64} {
  func.func @_sc_edge_body(%arg0: i32, %arg1: i32, %arg2: memref<200000x16xf32, #tpu.memory_space<hbm>>, %arg3: memref<3244032x16xf32, #tpu.memory_space<hbm>>, %arg4: memref<811008xi32, #tpu.memory_space<hbm>>, %arg5: memref<811008xi32, #tpu.memory_space<hbm>>, %arg6: memref<1024xi32, #tpu.memory_space<hbm>>, %arg7: memref<200832x16xf32, #tpu.memory_space<hbm>>, %arg8: memref<128xi32, #tpu.memory_space<vmem>>, %arg9: memref<128xi32, #tpu.memory_space<vmem>>, %arg10: memref<128x16xf32, #tpu.memory_space<vmem>>, %arg11: memref<128x16xf32, #tpu.memory_space<vmem>>, %arg12: memref<3138x16xf32, #tpu.memory_space<vmem>>, %arg13: memref<16xi32, #tpu.memory_space<vmem>>, %arg14: memref<50208x16xf32, #tpu.memory_space<vmem_shared>>, %arg15: memref<!tpu.dma_semaphore, #tpu.memory_space<semaphore_mem>>) attributes {dimension_semantics = [#tpu.dimension_semantics<core_parallel>, #tpu.dimension_semantics<subcore_parallel>], iteration_bounds = array<i64: 2, 16>, scalar_prefetch = 0 : i64, scratch_operands = 8 : i64, tpu.core_type = #tpu.core_type<sc_vector_subcore>, window_params = [{transform_indices = #map}, {transform_indices = #map}, {transform_indices = #map1}, {transform_indices = #map1}, {transform_indices = #map1}, {transform_indices = #map}]} {
    %broadcast_in_dim3A = arith.constant 0.000000e+00 : f32
    %broadcast_in_dim3A_0 = vector.broadcast %broadcast_in_dim3A : f32 to vector<16xf32>
    %mul3A = arith.constant 3138 : i32
    %mul3A_1 = arith.muli %arg1, %mul3A : i32
    %mul3A_2 = arith.constant 16 : i32
    %mul3A_3 = arith.muli %arg1, %mul3A_2 : i32
    "tpu.region"() ({
      %run_scoped3A = tpu.sem_alloc : memref<!tpu.dma_semaphore, #tpu.memory_space<semaphore_mem>>
      %dma_start3A = tpu.memref_slice %arg6[%mul3A_3] : memref<1024xi32, #tpu.memory_space<hbm>> -> memref<16xi32, #tpu.memory_space<hbm>>
      %dma_start3A_44 = tpu.memref_slice %arg6[%mul3A_3] : memref<1024xi32, #tpu.memory_space<hbm>> -> memref<16xi32, #tpu.memory_space<hbm>>
      tpu.enqueue_dma source(%dma_start3A_44 : memref<16xi32, #tpu.memory_space<hbm>>) target(%arg13 : memref<16xi32, #tpu.memory_space<vmem>>) target_semaphore(%run_scoped3A : memref<!tpu.dma_semaphore, #tpu.memory_space<semaphore_mem>>)
      %dma_wait3A = tpu.memref_slice %arg6[%mul3A_3] : memref<1024xi32, #tpu.memory_space<hbm>> -> memref<16xi32, #tpu.memory_space<hbm>>
      %dma_wait3A_45 = tpu.memref_slice %arg6[%mul3A_3] : memref<1024xi32, #tpu.memory_space<hbm>> -> memref<16xi32, #tpu.memory_space<hbm>>
      tpu.wait_dma2 semaphore(%run_scoped3A : memref<!tpu.dma_semaphore, #tpu.memory_space<semaphore_mem>>) src(%dma_wait3A_45 : memref<16xi32, #tpu.memory_space<hbm>>) dst(%arg13 : memref<16xi32, #tpu.memory_space<vmem>>)
      tpu.yield
    }) : () -> ()
    %get3A = arith.constant 0 : index
    %get3A_4 = tpu.vector_load %arg13[%get3A] {strides = array<i32>} : memref<16xi32, #tpu.memory_space<vmem>>, vector<16xi32>,
    %get3A_5 = vector.shape_cast %get3A_4 : vector<16xi32> to vector<16xi32>
    %slice3A = vector.extract_strided_slice %get3A_5 {offsets = [0], sizes = [1], strides = [1]} : vector<16xi32> to vector<1xi32>
    %squeeze3A = vector.extract %slice3A[0] : i32 from vector<1xi32>
    %mul3A_6 = arith.constant 16 : i32
    %mul3A_7 = arith.muli %arg1, %mul3A_6 : i32
    %add3A = arith.constant 512 : i32
    %add3A_8 = arith.addi %add3A, %mul3A_7 : i32
    "tpu.region"() ({
      %run_scoped3A = tpu.sem_alloc : memref<!tpu.dma_semaphore, #tpu.memory_space<semaphore_mem>>
      %dma_start3A = tpu.memref_slice %arg6[%add3A_8] : memref<1024xi32, #tpu.memory_space<hbm>> -> memref<16xi32, #tpu.memory_space<hbm>>
      %dma_start3A_44 = tpu.memref_slice %arg6[%add3A_8] : memref<1024xi32, #tpu.memory_space<hbm>> -> memref<16xi32, #tpu.memory_space<hbm>>
      tpu.enqueue_dma source(%dma_start3A_44 : memref<16xi32, #tpu.memory_space<hbm>>) target(%arg13 : memref<16xi32, #tpu.memory_space<vmem>>) target_semaphore(%run_scoped3A : memref<!tpu.dma_semaphore, #tpu.memory_space<semaphore_mem>>)
      %dma_wait3A = tpu.memref_slice %arg6[%add3A_8] : memref<1024xi32, #tpu.memory_space<hbm>> -> memref<16xi32, #tpu.memory_space<hbm>>
      %dma_wait3A_45 = tpu.memref_slice %arg6[%add3A_8] : memref<1024xi32, #tpu.memory_space<hbm>> -> memref<16xi32, #tpu.memory_space<hbm>>
      tpu.wait_dma2 semaphore(%run_scoped3A : memref<!tpu.dma_semaphore, #tpu.memory_space<semaphore_mem>>) src(%dma_wait3A_45 : memref<16xi32, #tpu.memory_space<hbm>>) dst(%arg13 : memref<16xi32, #tpu.memory_space<vmem>>)
      tpu.yield
    }) : () -> ()
    %get3A_9 = arith.constant 0 : index
    %get3A_10 = tpu.vector_load %arg13[%get3A_9] {strides = array<i32>} : memref<16xi32, #tpu.memory_space<vmem>>, vector<16xi32>,
    %get3A_11 = vector.shape_cast %get3A_10 : vector<16xi32> to vector<16xi32>
    %slice3A_12 = vector.extract_strided_slice %get3A_11 {offsets = [0], sizes = [1], strides = [1]} : vector<16xi32> to vector<1xi32>
    %squeeze3A_13 = vector.extract %slice3A_12[0] : i32 from vector<1xi32>
    %multiple_of3A = tpu.assume_multiple %squeeze3A_13, 128 : i32
    %add3A_14 = arith.constant 16 : i32
    %add3A_15 = arith.addi %arg1, %add3A_14 : i32
    %mul3A_16 = arith.constant 16 : i32
    %mul3A_17 = arith.muli %add3A_15, %mul3A_16 : i32
    "tpu.region"() ({
      %run_scoped3A = tpu.sem_alloc : memref<!tpu.dma_semaphore, #tpu.memory_space<semaphore_mem>>
      %dma_start3A = tpu.memref_slice %arg6[%mul3A_17] : memref<1024xi32, #tpu.memory_space<hbm>> -> memref<16xi32, #tpu.memory_space<hbm>>
      %dma_start3A_44 = tpu.memref_slice %arg6[%mul3A_17] : memref<1024xi32, #tpu.memory_space<hbm>> -> memref<16xi32, #tpu.memory_space<hbm>>
      tpu.enqueue_dma source(%dma_start3A_44 : memref<16xi32, #tpu.memory_space<hbm>>) target(%arg13 : memref<16xi32, #tpu.memory_space<vmem>>) target_semaphore(%run_scoped3A : memref<!tpu.dma_semaphore, #tpu.memory_space<semaphore_mem>>)
      %dma_wait3A = tpu.memref_slice %arg6[%mul3A_17] : memref<1024xi32, #tpu.memory_space<hbm>> -> memref<16xi32, #tpu.memory_space<hbm>>
      %dma_wait3A_45 = tpu.memref_slice %arg6[%mul3A_17] : memref<1024xi32, #tpu.memory_space<hbm>> -> memref<16xi32, #tpu.memory_space<hbm>>
      tpu.wait_dma2 semaphore(%run_scoped3A : memref<!tpu.dma_semaphore, #tpu.memory_space<semaphore_mem>>) src(%dma_wait3A_45 : memref<16xi32, #tpu.memory_space<hbm>>) dst(%arg13 : memref<16xi32, #tpu.memory_space<vmem>>)
      tpu.yield
    }) : () -> ()
    %get3A_18 = arith.constant 0 : index
    %get3A_19 = tpu.vector_load %arg13[%get3A_18] {strides = array<i32>} : memref<16xi32, #tpu.memory_space<vmem>>, vector<16xi32>,
    %get3A_20 = vector.shape_cast %get3A_19 : vector<16xi32> to vector<16xi32>
    %slice3A_21 = vector.extract_strided_slice %get3A_20 {offsets = [0], sizes = [1], strides = [1]} : vector<16xi32> to vector<1xi32>
    %squeeze3A_22 = vector.extract %slice3A_21[0] : i32 from vector<1xi32>
    %add3A_23 = arith.constant 16 : i32
    %add3A_24 = arith.addi %arg1, %add3A_23 : i32
    %mul3A_25 = arith.constant 16 : i32
    %mul3A_26 = arith.muli %add3A_24, %mul3A_25 : i32
    %add3A_27 = arith.constant 512 : i32
    %add3A_28 = arith.addi %add3A_27, %mul3A_26 : i32
    "tpu.region"() ({
      %run_scoped3A = tpu.sem_alloc : memref<!tpu.dma_semaphore, #tpu.memory_space<semaphore_mem>>
      %dma_start3A = tpu.memref_slice %arg6[%add3A_28] : memref<1024xi32, #tpu.memory_space<hbm>> -> memref<16xi32, #tpu.memory_space<hbm>>
      %dma_start3A_44 = tpu.memref_slice %arg6[%add3A_28] : memref<1024xi32, #tpu.memory_space<hbm>> -> memref<16xi32, #tpu.memory_space<hbm>>
      tpu.enqueue_dma source(%dma_start3A_44 : memref<16xi32, #tpu.memory_space<hbm>>) target(%arg13 : memref<16xi32, #tpu.memory_space<vmem>>) target_semaphore(%run_scoped3A : memref<!tpu.dma_semaphore, #tpu.memory_space<semaphore_mem>>)
      %dma_wait3A = tpu.memref_slice %arg6[%add3A_28] : memref<1024xi32, #tpu.memory_space<hbm>> -> memref<16xi32, #tpu.memory_space<hbm>>
      %dma_wait3A_45 = tpu.memref_slice %arg6[%add3A_28] : memref<1024xi32, #tpu.memory_space<hbm>> -> memref<16xi32, #tpu.memory_space<hbm>>
      tpu.wait_dma2 semaphore(%run_scoped3A : memref<!tpu.dma_semaphore, #tpu.memory_space<semaphore_mem>>) src(%dma_wait3A_45 : memref<16xi32, #tpu.memory_space<hbm>>) dst(%arg13 : memref<16xi32, #tpu.memory_space<vmem>>)
      tpu.yield
    }) : () -> ()
    %get3A_29 = arith.constant 0 : index
    %get3A_30 = tpu.vector_load %arg13[%get3A_29] {strides = array<i32>} : memref<16xi32, #tpu.memory_space<vmem>>, vector<16xi32>,
    %get3A_31 = vector.shape_cast %get3A_30 : vector<16xi32> to vector<16xi32>
    %slice3A_32 = vector.extract_strided_slice %get3A_31 {offsets = [0], sizes = [1], strides = [1]} : vector<16xi32> to vector<1xi32>
    %squeeze3A_33 = vector.extract %slice3A_32[0] : i32 from vector<1xi32>
    %multiple_of3A_34 = tpu.assume_multiple %squeeze3A_33, 128 : i32
    %scan3A = arith.constant 0 : i32
    %scan3A_35 = arith.constant 3138 : i32
    %scan3A_36 = arith.addi %scan3A, %scan3A_35 : i32
    %scan3A_37 = arith.constant 1 : i32
    scf.for %scan3A_44 = %scan3A to %scan3A_36 step %scan3A_37  : i32 {
      %mul3A_45 = arith.constant 1 : i32
      %mul3A_46 = arith.muli %scan3A_44, %mul3A_45 : i32
      %add3A_47 = arith.constant 0 : i32
      %add3A_48 = arith.addi %add3A_47, %mul3A_46 : i32
      %swap3A = arith.index_cast %add3A_48 : i32 to index
      %swap3A_49 = arith.constant 0 : index
      %swap3A_50 = tpu.vector_load %arg12[%swap3A, %swap3A_49] {strides = array<i32>} : memref<3138x16xf32, #tpu.memory_space<vmem>>, vector<1x16xf32>,
      %swap3A_51 = vector.shape_cast %swap3A_50 : vector<1x16xf32> to vector<16xf32>
      %swap3A_52 = vector.shape_cast %broadcast_in_dim3A_0 : vector<16xf32> to vector<1x16xf32>
      tpu.vector_store %arg12[%swap3A, %swap3A_49], %swap3A_52 {strides = array<i32>} : memref<3138x16xf32, #tpu.memory_space<vmem>>, vector<1x16xf32>,
    }
    %scan3A_38 = arith.constant 3138 : i32
    %scan3A_39 = arith.constant 0 : i32
    %scan3A_40 = arith.constant 2 : i32
    %scan3A_41 = arith.addi %scan3A_39, %scan3A_40 : i32
    %scan3A_42 = arith.constant 1 : i32
    scf.for %scan3A_44 = %scan3A_39 to %scan3A_41 step %scan3A_42  : i32 {
      %mul3A_45 = arith.constant 1 : i32
      %mul3A_46 = arith.muli %scan3A_44, %mul3A_45 : i32
      %add3A_47 = arith.constant 0 : i32
      %add3A_48 = arith.addi %add3A_47, %mul3A_46 : i32
      %mul3A_49 = arith.constant 2 : i32
      %mul3A_50 = arith.muli %arg0, %mul3A_49 : i32
      %add3A_51 = arith.addi %mul3A_50, %add3A_48 : i32
      %mul3A_52 = arith.constant 50000 : i32
      %mul3A_53 = arith.muli %add3A_51, %mul3A_52 : i32
      "tpu.region"() ({
        %run_scoped3A = tpu.sem_alloc : memref<!tpu.dma_semaphore, #tpu.memory_space<semaphore_mem>>
        %dma_start3A = arith.constant 0 : i32
        %dma_start3A_76 = tpu.memref_slice %arg14[%mul3A_1, %dma_start3A] : memref<50208x16xf32, #tpu.memory_space<vmem_shared>> -> memref<3138x16xf32, #tpu.memory_space<vmem_shared>>
        %dma_start3A_77 = arith.constant 0 : i32
        %dma_start3A_78 = tpu.memref_slice %arg14[%mul3A_1, %dma_start3A_77] : memref<50208x16xf32, #tpu.memory_space<vmem_shared>> -> memref<3138x16xf32, #tpu.memory_space<vmem_shared>>
        tpu.enqueue_dma source(%arg12 : memref<3138x16xf32, #tpu.memory_space<vmem>>) target(%dma_start3A_78 : memref<3138x16xf32, #tpu.memory_space<vmem_shared>>) target_semaphore(%run_scoped3A : memref<!tpu.dma_semaphore, #tpu.memory_space<semaphore_mem>>)
        %dma_wait3A = arith.constant 0 : i32
        %dma_wait3A_79 = tpu.memref_slice %arg14[%mul3A_1, %dma_wait3A] : memref<50208x16xf32, #tpu.memory_space<vmem_shared>> -> memref<3138x16xf32, #tpu.memory_space<vmem_shared>>
        %dma_wait3A_80 = arith.constant 0 : i32
        %dma_wait3A_81 = tpu.memref_slice %arg14[%mul3A_1, %dma_wait3A_80] : memref<50208x16xf32, #tpu.memory_space<vmem_shared>> -> memref<3138x16xf32, #tpu.memory_space<vmem_shared>>
        tpu.wait_dma2 semaphore(%run_scoped3A : memref<!tpu.dma_semaphore, #tpu.memory_space<semaphore_mem>>) src(%arg12 : memref<3138x16xf32, #tpu.memory_space<vmem>>) dst(%dma_wait3A_81 : memref<3138x16xf32, #tpu.memory_space<vmem_shared>>)
        tpu.yield
      }) : () -> ()
      %barrier3A = arith.constant 0 : index
      tpu.barrier barrier_id(%barrier3A)
      %add3A_54 = arith.addi %squeeze3A, %squeeze3A_22 : i32
      %sub3A = arith.constant 0 : i32
      %sub3A_55 = arith.subi %add3A_54, %sub3A : i32
      %sub3A_56 = arith.constant 1 : i32
      %sub3A_57 = arith.constant 1 : i32
      %sub3A_58 = arith.subi %sub3A_56, %sub3A_57 : i32
      %add3A_59 = arith.addi %sub3A_55, %sub3A_58 : i32
      %div3A = arith.constant 1 : i32
      %div3A_60 = arith.divsi %add3A_59, %div3A : i32
      %while3A = arith.constant 1 : i32
      %while3A_61 = arith.constant 0 : i32
      %while3A_62 = arith.constant 0 : i32
      %while3A_63 = arith.subi %div3A_60, %while3A_62 : i32
      %while3A_64 = arith.addi %while3A_62, %while3A_63 : i32
      %while3A_65 = arith.constant 1 : i32
      %while3A_66 = arith.divsi %while3A_63, %while3A_65 : i32
      %while3A_67 = arith.muli %while3A_66, %while3A_65 : i32
      %while3A_68 = arith.addi %while3A_62, %while3A_67 : i32
      %while3A_69 = arith.constant 1 : i32
      scf.for %while3A_76 = %while3A_62 to %while3A_68 step %while3A_69  : i32 {
        %mul3A_77 = arith.muli %while3A_76, %while3A : i32
        %add3A_78 = arith.addi %while3A_61, %mul3A_77 : i32
        %ge3A = arith.cmpi sge, %add3A_78, %squeeze3A : i32
        %sub3A_79 = arith.subi %add3A_78, %squeeze3A : i32
        %mul3A_80 = arith.constant 128 : i32
        %mul3A_81 = arith.muli %sub3A_79, %mul3A_80 : i32
        %add3A_82 = arith.addi %multiple_of3A_34, %mul3A_81 : i32
        %mul3A_83 = arith.constant 128 : i32
        %mul3A_84 = arith.muli %add3A_78, %mul3A_83 : i32
        %add3A_85 = arith.addi %multiple_of3A, %mul3A_84 : i32
        %select_n3A = arith.select %ge3A, %add3A_82, %add3A_85 : i32
        %multiple_of3A_86 = tpu.assume_multiple %select_n3A, 128 : i32
        "tpu.region"() ({
          %run_scoped3A = tpu.sem_alloc : memref<!tpu.dma_semaphore, #tpu.memory_space<semaphore_mem>>
          %dma_start3A_104 = tpu.memref_slice %arg4[%multiple_of3A_86] : memref<811008xi32, #tpu.memory_space<hbm>> -> memref<128xi32, #tpu.memory_space<hbm>>
          %dma_start3A_105 = tpu.memref_slice %arg4[%multiple_of3A_86] : memref<811008xi32, #tpu.memory_space<hbm>> -> memref<128xi32, #tpu.memory_space<hbm>>
          tpu.enqueue_dma source(%dma_start3A_105 : memref<128xi32, #tpu.memory_space<hbm>>) target(%arg8 : memref<128xi32, #tpu.memory_space<vmem>>) target_semaphore(%run_scoped3A : memref<!tpu.dma_semaphore, #tpu.memory_space<semaphore_mem>>)
          %dma_wait3A_106 = tpu.memref_slice %arg4[%multiple_of3A_86] : memref<811008xi32, #tpu.memory_space<hbm>> -> memref<128xi32, #tpu.memory_space<hbm>>
          %dma_wait3A_107 = tpu.memref_slice %arg4[%multiple_of3A_86] : memref<811008xi32, #tpu.memory_space<hbm>> -> memref<128xi32, #tpu.memory_space<hbm>>
          tpu.wait_dma2 semaphore(%run_scoped3A : memref<!tpu.dma_semaphore, #tpu.memory_space<semaphore_mem>>) src(%dma_wait3A_107 : memref<128xi32, #tpu.memory_space<hbm>>) dst(%arg8 : memref<128xi32, #tpu.memory_space<vmem>>)
          tpu.yield
        }) : () -> ()
        "tpu.region"() ({
          %run_scoped3A = tpu.sem_alloc : memref<!tpu.dma_semaphore, #tpu.memory_space<semaphore_mem>>
          %dma_start3A_104 = tpu.memref_slice %arg5[%multiple_of3A_86] : memref<811008xi32, #tpu.memory_space<hbm>> -> memref<128xi32, #tpu.memory_space<hbm>>
          %dma_start3A_105 = tpu.memref_slice %arg5[%multiple_of3A_86] : memref<811008xi32, #tpu.memory_space<hbm>> -> memref<128xi32, #tpu.memory_space<hbm>>
          tpu.enqueue_dma source(%dma_start3A_105 : memref<128xi32, #tpu.memory_space<hbm>>) target(%arg9 : memref<128xi32, #tpu.memory_space<vmem>>) target_semaphore(%run_scoped3A : memref<!tpu.dma_semaphore, #tpu.memory_space<semaphore_mem>>)
          %dma_wait3A_106 = tpu.memref_slice %arg5[%multiple_of3A_86] : memref<811008xi32, #tpu.memory_space<hbm>> -> memref<128xi32, #tpu.memory_space<hbm>>
          %dma_wait3A_107 = tpu.memref_slice %arg5[%multiple_of3A_86] : memref<811008xi32, #tpu.memory_space<hbm>> -> memref<128xi32, #tpu.memory_space<hbm>>
          tpu.wait_dma2 semaphore(%run_scoped3A : memref<!tpu.dma_semaphore, #tpu.memory_space<semaphore_mem>>) src(%dma_wait3A_107 : memref<128xi32, #tpu.memory_space<hbm>>) dst(%arg9 : memref<128xi32, #tpu.memory_space<vmem>>)
          tpu.yield
        }) : () -> ()
        %mul3A_87 = arith.constant 811008 : i32
        %mul3A_88 = arith.muli %add3A_51, %mul3A_87 : i32
        %add3A_89 = arith.addi %mul3A_88, %multiple_of3A_86 : i32
        "tpu.region"() ({
          %run_scoped3A = tpu.sem_alloc : memref<!tpu.dma_semaphore, #tpu.memory_space<semaphore_mem>>
          %dma_start3A_104 = arith.constant 0 : i32
          %dma_start3A_105 = tpu.memref_slice %arg3[%add3A_89, %dma_start3A_104] : memref<3244032x16xf32, #tpu.memory_space<hbm>> -> memref<128x16xf32, #tpu.memory_space<hbm>>
          %dma_start3A_106 = arith.constant 0 : i32
          %dma_start3A_107 = tpu.memref_slice %arg3[%add3A_89, %dma_start3A_106] : memref<3244032x16xf32, #tpu.memory_space<hbm>> -> memref<128x16xf32, #tpu.memory_space<hbm>>
          tpu.enqueue_dma source(%dma_start3A_107 : memref<128x16xf32, #tpu.memory_space<hbm>>) target(%arg10 : memref<128x16xf32, #tpu.memory_space<vmem>>) target_semaphore(%run_scoped3A : memref<!tpu.dma_semaphore, #tpu.memory_space<semaphore_mem>>)
          %dma_wait3A_108 = arith.constant 0 : i32
          %dma_wait3A_109 = tpu.memref_slice %arg3[%add3A_89, %dma_wait3A_108] : memref<3244032x16xf32, #tpu.memory_space<hbm>> -> memref<128x16xf32, #tpu.memory_space<hbm>>
          %dma_wait3A_110 = arith.constant 0 : i32
          %dma_wait3A_111 = tpu.memref_slice %arg3[%add3A_89, %dma_wait3A_110] : memref<3244032x16xf32, #tpu.memory_space<hbm>> -> memref<128x16xf32, #tpu.memory_space<hbm>>
          tpu.wait_dma2 semaphore(%run_scoped3A : memref<!tpu.dma_semaphore, #tpu.memory_space<semaphore_mem>>) src(%dma_wait3A_111 : memref<128x16xf32, #tpu.memory_space<hbm>>) dst(%arg10 : memref<128x16xf32, #tpu.memory_space<vmem>>)
          tpu.yield
        }) : () -> ()
        %scan3A_90 = arith.constant 0 : i32
        %scan3A_91 = arith.constant 8 : i32
        %scan3A_92 = arith.addi %scan3A_90, %scan3A_91 : i32
        %scan3A_93 = arith.constant 1 : i32
        scf.for %scan3A_104 = %scan3A_90 to %scan3A_92 step %scan3A_93  : i32 {
          %mul3A_105 = arith.constant 1 : i32
          %mul3A_106 = arith.muli %scan3A_104, %mul3A_105 : i32
          %add3A_107 = arith.constant 0 : i32
          %add3A_108 = arith.addi %add3A_107, %mul3A_106 : i32
          %mul3A_109 = arith.constant 16 : i32
          %mul3A_110 = arith.muli %add3A_108, %mul3A_109 : i32
          %get3A_111 = arith.index_cast %mul3A_110 : i32 to index
          %get3A_112 = tpu.vector_load %arg8[%get3A_111] {strides = array<i32>} : memref<128xi32, #tpu.memory_space<vmem>>, vector<16xi32>,
          %get3A_113 = vector.shape_cast %get3A_112 : vector<16xi32> to vector<16xi32>
          %add3A_114 = vector.broadcast %mul3A_53 : i32 to vector<16xi32>
          %add3A_115 = arith.addi %get3A_113, %add3A_114 : vector<16xi32>
          %mul3A_116 = arith.constant 16 : i32
          %mul3A_117 = arith.muli %add3A_108, %mul3A_116 : i32
          %swap3A = arith.index_cast %mul3A_117 : i32 to index
          %swap3A_118 = tpu.vector_load %arg8[%swap3A] {strides = array<i32>} : memref<128xi32, #tpu.memory_space<vmem>>, vector<16xi32>,
          %swap3A_119 = vector.shape_cast %swap3A_118 : vector<16xi32> to vector<16xi32>
          %swap3A_120 = vector.shape_cast %add3A_115 : vector<16xi32> to vector<16xi32>
          tpu.vector_store %arg8[%swap3A], %swap3A_120 {strides = array<i32>} : memref<128xi32, #tpu.memory_space<vmem>>, vector<16xi32>,
        }
        %scan3A_94 = arith.constant 8 : i32
        %dma_start3A = arith.constant 0 : i32
        %dma_start3A_95 = arith.constant 0 : i32
        %dma_start3A_96 = tpu.memref_slice %arg2[%dma_start3A, %dma_start3A_95] : memref<200000x16xf32, #tpu.memory_space<hbm>> -> memref<200000x16xf32, #tpu.memory_space<hbm>>
        tpu.enqueue_indirect_dma source(%dma_start3A_96 : memref<200000x16xf32, #tpu.memory_space<hbm>>) target(%arg11 : memref<128x16xf32, #tpu.memory_space<vmem>>) offsets(%arg8 : memref<128xi32, #tpu.memory_space<vmem>>) semaphore(%arg15 : memref<!tpu.dma_semaphore, #tpu.memory_space<semaphore_mem>>)
        %dma_wait3A = arith.constant 0 : i32
        %dma_wait3A_97 = arith.constant 0 : i32
        %dma_wait3A_98 = tpu.memref_slice %arg2[%dma_wait3A, %dma_wait3A_97] : memref<200000x16xf32, #tpu.memory_space<hbm>> -> memref<200000x16xf32, #tpu.memory_space<hbm>>
        tpu.wait_indirect_dma semaphore(%arg15 : memref<!tpu.dma_semaphore, #tpu.memory_space<semaphore_mem>>) src(%dma_wait3A_98 : memref<200000x16xf32, #tpu.memory_space<hbm>>) dst(%arg11 : memref<128x16xf32, #tpu.memory_space<vmem>>)
        %scan3A_99 = arith.constant 0 : i32
        %scan3A_100 = arith.constant 128 : i32
        %scan3A_101 = arith.addi %scan3A_99, %scan3A_100 : i32
        %scan3A_102 = arith.constant 1 : i32
        scf.for %scan3A_104 = %scan3A_99 to %scan3A_101 step %scan3A_102  : i32 {
          %mul3A_105 = arith.constant 1 : i32
          %mul3A_106 = arith.muli %scan3A_104, %mul3A_105 : i32
          %add3A_107 = arith.constant 0 : i32
          %add3A_108 = arith.addi %add3A_107, %mul3A_106 : i32
          %get3A_109 = arith.index_cast %add3A_108 : i32 to index
          %get3A_110 = arith.constant 0 : index
          %get3A_111 = tpu.vector_load %arg11[%get3A_109, %get3A_110] {strides = array<i32>} : memref<128x16xf32, #tpu.memory_space<vmem>>, vector<1x16xf32>,
          %get3A_112 = vector.shape_cast %get3A_111 : vector<1x16xf32> to vector<16xf32>
          %get3A_113 = arith.index_cast %add3A_108 : i32 to index
          %get3A_114 = arith.constant 0 : index
          %get3A_115 = tpu.vector_load %arg10[%get3A_113, %get3A_114] {strides = array<i32>} : memref<128x16xf32, #tpu.memory_space<vmem>>, vector<1x16xf32>,
          %get3A_116 = vector.shape_cast %get3A_115 : vector<1x16xf32> to vector<16xf32>
          %add3A_117 = arith.addf %get3A_112, %get3A_116 : vector<16xf32>
          %max3A = arith.constant 0.000000e+00 : f32
          %max3A_118 = vector.broadcast %max3A : f32 to vector<16xf32>
          %max3A_119 = arith.maximumf %add3A_117, %max3A_118 : vector<16xf32>
          %swap3A = arith.index_cast %add3A_108 : i32 to index
          %swap3A_120 = arith.constant 0 : index
          %swap3A_121 = tpu.vector_load %arg11[%swap3A, %swap3A_120] {strides = array<i32>} : memref<128x16xf32, #tpu.memory_space<vmem>>, vector<1x16xf32>,
          %swap3A_122 = vector.shape_cast %swap3A_121 : vector<1x16xf32> to vector<16xf32>
          %swap3A_123 = vector.shape_cast %max3A_119 : vector<16xf32> to vector<1x16xf32>
          tpu.vector_store %arg11[%swap3A, %swap3A_120], %swap3A_123 {strides = array<i32>} : memref<128x16xf32, #tpu.memory_space<vmem>>, vector<1x16xf32>,
        }
        %scan3A_103 = arith.constant 128 : i32
        "tpu.region"() ({
          %run_scoped3A = tpu.sem_alloc : memref<!tpu.dma_semaphore, #tpu.memory_space<semaphore_mem>>
          %dma_start3A_104 = arith.constant 0 : i32
          %dma_start3A_105 = arith.constant 0 : i32
          %dma_start3A_106 = tpu.memref_slice %arg14[%dma_start3A_104, %dma_start3A_105] : memref<50208x16xf32, #tpu.memory_space<vmem_shared>> -> memref<50208x16xf32, #tpu.memory_space<vmem_shared>>
          tpu.enqueue_indirect_dma source(%arg11 : memref<128x16xf32, #tpu.memory_space<vmem>>) target(%dma_start3A_106 : memref<50208x16xf32, #tpu.memory_space<vmem_shared>>) offsets(%arg9 : memref<128xi32, #tpu.memory_space<vmem>>) semaphore(%run_scoped3A : memref<!tpu.dma_semaphore, #tpu.memory_space<semaphore_mem>>) {add = true}
          %dma_wait3A_107 = arith.constant 0 : i32
          %dma_wait3A_108 = arith.constant 0 : i32
          %dma_wait3A_109 = tpu.memref_slice %arg14[%dma_wait3A_107, %dma_wait3A_108] : memref<50208x16xf32, #tpu.memory_space<vmem_shared>> -> memref<50208x16xf32, #tpu.memory_space<vmem_shared>>
          tpu.wait_indirect_dma semaphore(%run_scoped3A : memref<!tpu.dma_semaphore, #tpu.memory_space<semaphore_mem>>) src(%arg11 : memref<128x16xf32, #tpu.memory_space<vmem>>) dst(%dma_wait3A_109 : memref<50208x16xf32, #tpu.memory_space<vmem_shared>>)
          tpu.yield
        }) : () -> ()
      }
      %while3A_70 = arith.constant 1 : i32
      scf.for %while3A_76 = %while3A_68 to %while3A_64 step %while3A_70  : i32 {
        %mul3A_77 = arith.muli %while3A_76, %while3A : i32
        %add3A_78 = arith.addi %while3A_61, %mul3A_77 : i32
        %ge3A = arith.cmpi sge, %add3A_78, %squeeze3A : i32
        %sub3A_79 = arith.subi %add3A_78, %squeeze3A : i32
        %mul3A_80 = arith.constant 128 : i32
        %mul3A_81 = arith.muli %sub3A_79, %mul3A_80 : i32
        %add3A_82 = arith.addi %multiple_of3A_34, %mul3A_81 : i32
        %mul3A_83 = arith.constant 128 : i32
        %mul3A_84 = arith.muli %add3A_78, %mul3A_83 : i32
        %add3A_85 = arith.addi %multiple_of3A, %mul3A_84 : i32
        %select_n3A = arith.select %ge3A, %add3A_82, %add3A_85 : i32
        %multiple_of3A_86 = tpu.assume_multiple %select_n3A, 128 : i32
        "tpu.region"() ({
          %run_scoped3A = tpu.sem_alloc : memref<!tpu.dma_semaphore, #tpu.memory_space<semaphore_mem>>
          %dma_start3A_104 = tpu.memref_slice %arg4[%multiple_of3A_86] : memref<811008xi32, #tpu.memory_space<hbm>> -> memref<128xi32, #tpu.memory_space<hbm>>
          %dma_start3A_105 = tpu.memref_slice %arg4[%multiple_of3A_86] : memref<811008xi32, #tpu.memory_space<hbm>> -> memref<128xi32, #tpu.memory_space<hbm>>
          tpu.enqueue_dma source(%dma_start3A_105 : memref<128xi32, #tpu.memory_space<hbm>>) target(%arg8 : memref<128xi32, #tpu.memory_space<vmem>>) target_semaphore(%run_scoped3A : memref<!tpu.dma_semaphore, #tpu.memory_space<semaphore_mem>>)
          %dma_wait3A_106 = tpu.memref_slice %arg4[%multiple_of3A_86] : memref<811008xi32, #tpu.memory_space<hbm>> -> memref<128xi32, #tpu.memory_space<hbm>>
          %dma_wait3A_107 = tpu.memref_slice %arg4[%multiple_of3A_86] : memref<811008xi32, #tpu.memory_space<hbm>> -> memref<128xi32, #tpu.memory_space<hbm>>
          tpu.wait_dma2 semaphore(%run_scoped3A : memref<!tpu.dma_semaphore, #tpu.memory_space<semaphore_mem>>) src(%dma_wait3A_107 : memref<128xi32, #tpu.memory_space<hbm>>) dst(%arg8 : memref<128xi32, #tpu.memory_space<vmem>>)
          tpu.yield
        }) : () -> ()
        "tpu.region"() ({
          %run_scoped3A = tpu.sem_alloc : memref<!tpu.dma_semaphore, #tpu.memory_space<semaphore_mem>>
          %dma_start3A_104 = tpu.memref_slice %arg5[%multiple_of3A_86] : memref<811008xi32, #tpu.memory_space<hbm>> -> memref<128xi32, #tpu.memory_space<hbm>>
          %dma_start3A_105 = tpu.memref_slice %arg5[%multiple_of3A_86] : memref<811008xi32, #tpu.memory_space<hbm>> -> memref<128xi32, #tpu.memory_space<hbm>>
          tpu.enqueue_dma source(%dma_start3A_105 : memref<128xi32, #tpu.memory_space<hbm>>) target(%arg9 : memref<128xi32, #tpu.memory_space<vmem>>) target_semaphore(%run_scoped3A : memref<!tpu.dma_semaphore, #tpu.memory_space<semaphore_mem>>)
          %dma_wait3A_106 = tpu.memref_slice %arg5[%multiple_of3A_86] : memref<811008xi32, #tpu.memory_space<hbm>> -> memref<128xi32, #tpu.memory_space<hbm>>
          %dma_wait3A_107 = tpu.memref_slice %arg5[%multiple_of3A_86] : memref<811008xi32, #tpu.memory_space<hbm>> -> memref<128xi32, #tpu.memory_space<hbm>>
          tpu.wait_dma2 semaphore(%run_scoped3A : memref<!tpu.dma_semaphore, #tpu.memory_space<semaphore_mem>>) src(%dma_wait3A_107 : memref<128xi32, #tpu.memory_space<hbm>>) dst(%arg9 : memref<128xi32, #tpu.memory_space<vmem>>)
          tpu.yield
        }) : () -> ()
        %mul3A_87 = arith.constant 811008 : i32
        %mul3A_88 = arith.muli %add3A_51, %mul3A_87 : i32
        %add3A_89 = arith.addi %mul3A_88, %multiple_of3A_86 : i32
        "tpu.region"() ({
          %run_scoped3A = tpu.sem_alloc : memref<!tpu.dma_semaphore, #tpu.memory_space<semaphore_mem>>
          %dma_start3A_104 = arith.constant 0 : i32
          %dma_start3A_105 = tpu.memref_slice %arg3[%add3A_89, %dma_start3A_104] : memref<3244032x16xf32, #tpu.memory_space<hbm>> -> memref<128x16xf32, #tpu.memory_space<hbm>>
          %dma_start3A_106 = arith.constant 0 : i32
          %dma_start3A_107 = tpu.memref_slice %arg3[%add3A_89, %dma_start3A_106] : memref<3244032x16xf32, #tpu.memory_space<hbm>> -> memref<128x16xf32, #tpu.memory_space<hbm>>
          tpu.enqueue_dma source(%dma_start3A_107 : memref<128x16xf32, #tpu.memory_space<hbm>>) target(%arg10 : memref<128x16xf32, #tpu.memory_space<vmem>>) target_semaphore(%run_scoped3A : memref<!tpu.dma_semaphore, #tpu.memory_space<semaphore_mem>>)
          %dma_wait3A_108 = arith.constant 0 : i32
          %dma_wait3A_109 = tpu.memref_slice %arg3[%add3A_89, %dma_wait3A_108] : memref<3244032x16xf32, #tpu.memory_space<hbm>> -> memref<128x16xf32, #tpu.memory_space<hbm>>
          %dma_wait3A_110 = arith.constant 0 : i32
          %dma_wait3A_111 = tpu.memref_slice %arg3[%add3A_89, %dma_wait3A_110] : memref<3244032x16xf32, #tpu.memory_space<hbm>> -> memref<128x16xf32, #tpu.memory_space<hbm>>
          tpu.wait_dma2 semaphore(%run_scoped3A : memref<!tpu.dma_semaphore, #tpu.memory_space<semaphore_mem>>) src(%dma_wait3A_111 : memref<128x16xf32, #tpu.memory_space<hbm>>) dst(%arg10 : memref<128x16xf32, #tpu.memory_space<vmem>>)
          tpu.yield
        }) : () -> ()
        %scan3A_90 = arith.constant 0 : i32
        %scan3A_91 = arith.constant 8 : i32
        %scan3A_92 = arith.addi %scan3A_90, %scan3A_91 : i32
        %scan3A_93 = arith.constant 1 : i32
        scf.for %scan3A_104 = %scan3A_90 to %scan3A_92 step %scan3A_93  : i32 {
          %mul3A_105 = arith.constant 1 : i32
          %mul3A_106 = arith.muli %scan3A_104, %mul3A_105 : i32
          %add3A_107 = arith.constant 0 : i32
          %add3A_108 = arith.addi %add3A_107, %mul3A_106 : i32
          %mul3A_109 = arith.constant 16 : i32
          %mul3A_110 = arith.muli %add3A_108, %mul3A_109 : i32
          %get3A_111 = arith.index_cast %mul3A_110 : i32 to index
          %get3A_112 = tpu.vector_load %arg8[%get3A_111] {strides = array<i32>} : memref<128xi32, #tpu.memory_space<vmem>>, vector<16xi32>,
          %get3A_113 = vector.shape_cast %get3A_112 : vector<16xi32> to vector<16xi32>
          %add3A_114 = vector.broadcast %mul3A_53 : i32 to vector<16xi32>
          %add3A_115 = arith.addi %get3A_113, %add3A_114 : vector<16xi32>
          %mul3A_116 = arith.constant 16 : i32
          %mul3A_117 = arith.muli %add3A_108, %mul3A_116 : i32
          %swap3A = arith.index_cast %mul3A_117 : i32 to index
          %swap3A_118 = tpu.vector_load %arg8[%swap3A] {strides = array<i32>} : memref<128xi32, #tpu.memory_space<vmem>>, vector<16xi32>,
          %swap3A_119 = vector.shape_cast %swap3A_118 : vector<16xi32> to vector<16xi32>
          %swap3A_120 = vector.shape_cast %add3A_115 : vector<16xi32> to vector<16xi32>
          tpu.vector_store %arg8[%swap3A], %swap3A_120 {strides = array<i32>} : memref<128xi32, #tpu.memory_space<vmem>>, vector<16xi32>,
        }
        %scan3A_94 = arith.constant 8 : i32
        %dma_start3A = arith.constant 0 : i32
        %dma_start3A_95 = arith.constant 0 : i32
        %dma_start3A_96 = tpu.memref_slice %arg2[%dma_start3A, %dma_start3A_95] : memref<200000x16xf32, #tpu.memory_space<hbm>> -> memref<200000x16xf32, #tpu.memory_space<hbm>>
        tpu.enqueue_indirect_dma source(%dma_start3A_96 : memref<200000x16xf32, #tpu.memory_space<hbm>>) target(%arg11 : memref<128x16xf32, #tpu.memory_space<vmem>>) offsets(%arg8 : memref<128xi32, #tpu.memory_space<vmem>>) semaphore(%arg15 : memref<!tpu.dma_semaphore, #tpu.memory_space<semaphore_mem>>)
        %dma_wait3A = arith.constant 0 : i32
        %dma_wait3A_97 = arith.constant 0 : i32
        %dma_wait3A_98 = tpu.memref_slice %arg2[%dma_wait3A, %dma_wait3A_97] : memref<200000x16xf32, #tpu.memory_space<hbm>> -> memref<200000x16xf32, #tpu.memory_space<hbm>>
        tpu.wait_indirect_dma semaphore(%arg15 : memref<!tpu.dma_semaphore, #tpu.memory_space<semaphore_mem>>) src(%dma_wait3A_98 : memref<200000x16xf32, #tpu.memory_space<hbm>>) dst(%arg11 : memref<128x16xf32, #tpu.memory_space<vmem>>)
        %scan3A_99 = arith.constant 0 : i32
        %scan3A_100 = arith.constant 128 : i32
        %scan3A_101 = arith.addi %scan3A_99, %scan3A_100 : i32
        %scan3A_102 = arith.constant 1 : i32
        scf.for %scan3A_104 = %scan3A_99 to %scan3A_101 step %scan3A_102  : i32 {
          %mul3A_105 = arith.constant 1 : i32
          %mul3A_106 = arith.muli %scan3A_104, %mul3A_105 : i32
          %add3A_107 = arith.constant 0 : i32
          %add3A_108 = arith.addi %add3A_107, %mul3A_106 : i32
          %get3A_109 = arith.index_cast %add3A_108 : i32 to index
          %get3A_110 = arith.constant 0 : index
          %get3A_111 = tpu.vector_load %arg11[%get3A_109, %get3A_110] {strides = array<i32>} : memref<128x16xf32, #tpu.memory_space<vmem>>, vector<1x16xf32>,
          %get3A_112 = vector.shape_cast %get3A_111 : vector<1x16xf32> to vector<16xf32>
          %get3A_113 = arith.index_cast %add3A_108 : i32 to index
          %get3A_114 = arith.constant 0 : index
          %get3A_115 = tpu.vector_load %arg10[%get3A_113, %get3A_114] {strides = array<i32>} : memref<128x16xf32, #tpu.memory_space<vmem>>, vector<1x16xf32>,
          %get3A_116 = vector.shape_cast %get3A_115 : vector<1x16xf32> to vector<16xf32>
          %add3A_117 = arith.addf %get3A_112, %get3A_116 : vector<16xf32>
          %max3A = arith.constant 0.000000e+00 : f32
          %max3A_118 = vector.broadcast %max3A : f32 to vector<16xf32>
          %max3A_119 = arith.maximumf %add3A_117, %max3A_118 : vector<16xf32>
          %swap3A = arith.index_cast %add3A_108 : i32 to index
          %swap3A_120 = arith.constant 0 : index
          %swap3A_121 = tpu.vector_load %arg11[%swap3A, %swap3A_120] {strides = array<i32>} : memref<128x16xf32, #tpu.memory_space<vmem>>, vector<1x16xf32>,
          %swap3A_122 = vector.shape_cast %swap3A_121 : vector<1x16xf32> to vector<16xf32>
          %swap3A_123 = vector.shape_cast %max3A_119 : vector<16xf32> to vector<1x16xf32>
          tpu.vector_store %arg11[%swap3A, %swap3A_120], %swap3A_123 {strides = array<i32>} : memref<128x16xf32, #tpu.memory_space<vmem>>, vector<1x16xf32>,
        }
        %scan3A_103 = arith.constant 128 : i32
        "tpu.region"() ({
          %run_scoped3A = tpu.sem_alloc : memref<!tpu.dma_semaphore, #tpu.memory_space<semaphore_mem>>
          %dma_start3A_104 = arith.constant 0 : i32
          %dma_start3A_105 = arith.constant 0 : i32
          %dma_start3A_106 = tpu.memref_slice %arg14[%dma_start3A_104, %dma_start3A_105] : memref<50208x16xf32, #tpu.memory_space<vmem_shared>> -> memref<50208x16xf32, #tpu.memory_space<vmem_shared>>
          tpu.enqueue_indirect_dma source(%arg11 : memref<128x16xf32, #tpu.memory_space<vmem>>) target(%dma_start3A_106 : memref<50208x16xf32, #tpu.memory_space<vmem_shared>>) offsets(%arg9 : memref<128xi32, #tpu.memory_space<vmem>>) semaphore(%run_scoped3A : memref<!tpu.dma_semaphore, #tpu.memory_space<semaphore_mem>>) {add = true}
          %dma_wait3A_107 = arith.constant 0 : i32
          %dma_wait3A_108 = arith.constant 0 : i32
          %dma_wait3A_109 = tpu.memref_slice %arg14[%dma_wait3A_107, %dma_wait3A_108] : memref<50208x16xf32, #tpu.memory_space<vmem_shared>> -> memref<50208x16xf32, #tpu.memory_space<vmem_shared>>
          tpu.wait_indirect_dma semaphore(%run_scoped3A : memref<!tpu.dma_semaphore, #tpu.memory_space<semaphore_mem>>) src(%arg11 : memref<128x16xf32, #tpu.memory_space<vmem>>) dst(%dma_wait3A_109 : memref<50208x16xf32, #tpu.memory_space<vmem_shared>>)
          tpu.yield
        }) : () -> ()
      }
      %barrier3A_71 = arith.constant 0 : index
      tpu.barrier barrier_id(%barrier3A_71)
      %mul3A_72 = arith.constant 50208 : i32
      %mul3A_73 = arith.muli %add3A_51, %mul3A_72 : i32
      %add3A_74 = arith.addi %mul3A_73, %mul3A_1 : i32
      "tpu.region"() ({
        %run_scoped3A = tpu.sem_alloc : memref<!tpu.dma_semaphore, #tpu.memory_space<semaphore_mem>>
        %dma_start3A = arith.constant 0 : i32
        %dma_start3A_76 = tpu.memref_slice %arg7[%add3A_74, %dma_start3A] : memref<200832x16xf32, #tpu.memory_space<hbm>> -> memref<3138x16xf32, #tpu.memory_space<hbm>>
        %dma_start3A_77 = arith.constant 0 : i32
        %dma_start3A_78 = tpu.memref_slice %arg14[%mul3A_1, %dma_start3A_77] : memref<50208x16xf32, #tpu.memory_space<vmem_shared>> -> memref<3138x16xf32, #tpu.memory_space<vmem_shared>>
        tpu.enqueue_dma source(%dma_start3A_78 : memref<3138x16xf32, #tpu.memory_space<vmem_shared>>) target(%dma_start3A_76 : memref<3138x16xf32, #tpu.memory_space<hbm>>) target_semaphore(%run_scoped3A : memref<!tpu.dma_semaphore, #tpu.memory_space<semaphore_mem>>)
        %dma_wait3A = arith.constant 0 : i32
        %dma_wait3A_79 = tpu.memref_slice %arg7[%add3A_74, %dma_wait3A] : memref<200832x16xf32, #tpu.memory_space<hbm>> -> memref<3138x16xf32, #tpu.memory_space<hbm>>
        %dma_wait3A_80 = arith.constant 0 : i32
        %dma_wait3A_81 = tpu.memref_slice %arg14[%mul3A_1, %dma_wait3A_80] : memref<50208x16xf32, #tpu.memory_space<vmem_shared>> -> memref<3138x16xf32, #tpu.memory_space<vmem_shared>>
        tpu.wait_dma2 semaphore(%run_scoped3A : memref<!tpu.dma_semaphore, #tpu.memory_space<semaphore_mem>>) src(%dma_wait3A_81 : memref<3138x16xf32, #tpu.memory_space<vmem_shared>>) dst(%dma_wait3A_79 : memref<3138x16xf32, #tpu.memory_space<hbm>>)
        tpu.yield
      }) : () -> ()
      %barrier3A_75 = arith.constant 0 : index
      tpu.barrier barrier_id(%barrier3A_75)
    }
    %scan3A_43 = arith.constant 2 : i32
    return
  }
}

#map = affine_map<(d0, d1) -> (0, 0)>
#map1 = affine_map<(d0, d1) -> (0)>
module attributes {stable_mosaic.version = 14 : i64} {
  func.func @_sc_edge_body(%arg0: i32, %arg1: i32, %arg2: memref<200000x16xf32, #tpu.memory_space<hbm>>, %arg3: memref<3244032x16xf32, #tpu.memory_space<hbm>>, %arg4: memref<811008xi32, #tpu.memory_space<hbm>>, %arg5: memref<811008xi32, #tpu.memory_space<hbm>>, %arg6: memref<1024xi32, #tpu.memory_space<hbm>>, %arg7: memref<200832x16xf32, #tpu.memory_space<hbm>>, %arg8: memref<128xi32, #tpu.memory_space<vmem>>, %arg9: memref<128xi32, #tpu.memory_space<vmem>>, %arg10: memref<128x16xf32, #tpu.memory_space<vmem>>, %arg11: memref<128x16xf32, #tpu.memory_space<vmem>>, %arg12: memref<3138x16xf32, #tpu.memory_space<vmem>>, %arg13: memref<16xi32, #tpu.memory_space<vmem>>, %arg14: memref<50208x16xf32, #tpu.memory_space<vmem_shared>>, %arg15: memref<!tpu.dma_semaphore, #tpu.memory_space<semaphore_mem>>) attributes {dimension_semantics = [#tpu.dimension_semantics<core_parallel>, #tpu.dimension_semantics<subcore_parallel>], iteration_bounds = array<i64: 2, 16>, scalar_prefetch = 0 : i64, scratch_operands = 8 : i64, tpu.core_type = #tpu.core_type<sc_vector_subcore>, window_params = [{transform_indices = #map}, {transform_indices = #map}, {transform_indices = #map1}, {transform_indices = #map1}, {transform_indices = #map1}, {transform_indices = #map}]} {
    %broadcast_in_dim3A = arith.constant 0.000000e+00 : f32
    %broadcast_in_dim3A_0 = vector.broadcast %broadcast_in_dim3A : f32 to vector<16xf32>
    %mul3A = arith.constant 3138 : i32
    %mul3A_1 = arith.muli %arg1, %mul3A : i32
    %mul3A_2 = arith.constant 16 : i32
    %mul3A_3 = arith.muli %arg1, %mul3A_2 : i32
    "tpu.region"() ({
      %run_scoped3A = tpu.sem_alloc : memref<!tpu.dma_semaphore, #tpu.memory_space<semaphore_mem>>
      %dma_start3A = tpu.memref_slice %arg6[%mul3A_3] : memref<1024xi32, #tpu.memory_space<hbm>> -> memref<16xi32, #tpu.memory_space<hbm>>
      %dma_start3A_44 = tpu.memref_slice %arg6[%mul3A_3] : memref<1024xi32, #tpu.memory_space<hbm>> -> memref<16xi32, #tpu.memory_space<hbm>>
      tpu.enqueue_dma source(%dma_start3A_44 : memref<16xi32, #tpu.memory_space<hbm>>) target(%arg13 : memref<16xi32, #tpu.memory_space<vmem>>) target_semaphore(%run_scoped3A : memref<!tpu.dma_semaphore, #tpu.memory_space<semaphore_mem>>)
      %dma_wait3A = tpu.memref_slice %arg6[%mul3A_3] : memref<1024xi32, #tpu.memory_space<hbm>> -> memref<16xi32, #tpu.memory_space<hbm>>
      %dma_wait3A_45 = tpu.memref_slice %arg6[%mul3A_3] : memref<1024xi32, #tpu.memory_space<hbm>> -> memref<16xi32, #tpu.memory_space<hbm>>
      tpu.wait_dma2 semaphore(%run_scoped3A : memref<!tpu.dma_semaphore, #tpu.memory_space<semaphore_mem>>) src(%dma_wait3A_45 : memref<16xi32, #tpu.memory_space<hbm>>) dst(%arg13 : memref<16xi32, #tpu.memory_space<vmem>>)
      tpu.yield
    }) : () -> ()
    %get3A = arith.constant 0 : index
    %get3A_4 = tpu.vector_load %arg13[%get3A] {strides = array<i32>} : memref<16xi32, #tpu.memory_space<vmem>>, vector<16xi32>,
    %get3A_5 = vector.shape_cast %get3A_4 : vector<16xi32> to vector<16xi32>
    %slice3A = vector.extract_strided_slice %get3A_5 {offsets = [0], sizes = [1], strides = [1]} : vector<16xi32> to vector<1xi32>
    %squeeze3A = vector.extract %slice3A[0] : i32 from vector<1xi32>
    %mul3A_6 = arith.constant 16 : i32
    %mul3A_7 = arith.muli %arg1, %mul3A_6 : i32
    %add3A = arith.constant 512 : i32
    %add3A_8 = arith.addi %add3A, %mul3A_7 : i32
    "tpu.region"() ({
      %run_scoped3A = tpu.sem_alloc : memref<!tpu.dma_semaphore, #tpu.memory_space<semaphore_mem>>
      %dma_start3A = tpu.memref_slice %arg6[%add3A_8] : memref<1024xi32, #tpu.memory_space<hbm>> -> memref<16xi32, #tpu.memory_space<hbm>>
      %dma_start3A_44 = tpu.memref_slice %arg6[%add3A_8] : memref<1024xi32, #tpu.memory_space<hbm>> -> memref<16xi32, #tpu.memory_space<hbm>>
      tpu.enqueue_dma source(%dma_start3A_44 : memref<16xi32, #tpu.memory_space<hbm>>) target(%arg13 : memref<16xi32, #tpu.memory_space<vmem>>) target_semaphore(%run_scoped3A : memref<!tpu.dma_semaphore, #tpu.memory_space<semaphore_mem>>)
      %dma_wait3A = tpu.memref_slice %arg6[%add3A_8] : memref<1024xi32, #tpu.memory_space<hbm>> -> memref<16xi32, #tpu.memory_space<hbm>>
      %dma_wait3A_45 = tpu.memref_slice %arg6[%add3A_8] : memref<1024xi32, #tpu.memory_space<hbm>> -> memref<16xi32, #tpu.memory_space<hbm>>
      tpu.wait_dma2 semaphore(%run_scoped3A : memref<!tpu.dma_semaphore, #tpu.memory_space<semaphore_mem>>) src(%dma_wait3A_45 : memref<16xi32, #tpu.memory_space<hbm>>) dst(%arg13 : memref<16xi32, #tpu.memory_space<vmem>>)
      tpu.yield
    }) : () -> ()
    %get3A_9 = arith.constant 0 : index
    %get3A_10 = tpu.vector_load %arg13[%get3A_9] {strides = array<i32>} : memref<16xi32, #tpu.memory_space<vmem>>, vector<16xi32>,
    %get3A_11 = vector.shape_cast %get3A_10 : vector<16xi32> to vector<16xi32>
    %slice3A_12 = vector.extract_strided_slice %get3A_11 {offsets = [0], sizes = [1], strides = [1]} : vector<16xi32> to vector<1xi32>
    %squeeze3A_13 = vector.extract %slice3A_12[0] : i32 from vector<1xi32>
    %multiple_of3A = tpu.assume_multiple %squeeze3A_13, 128 : i32
    %add3A_14 = arith.constant 16 : i32
    %add3A_15 = arith.addi %arg1, %add3A_14 : i32
    %mul3A_16 = arith.constant 16 : i32
    %mul3A_17 = arith.muli %add3A_15, %mul3A_16 : i32
    "tpu.region"() ({
      %run_scoped3A = tpu.sem_alloc : memref<!tpu.dma_semaphore, #tpu.memory_space<semaphore_mem>>
      %dma_start3A = tpu.memref_slice %arg6[%mul3A_17] : memref<1024xi32, #tpu.memory_space<hbm>> -> memref<16xi32, #tpu.memory_space<hbm>>
      %dma_start3A_44 = tpu.memref_slice %arg6[%mul3A_17] : memref<1024xi32, #tpu.memory_space<hbm>> -> memref<16xi32, #tpu.memory_space<hbm>>
      tpu.enqueue_dma source(%dma_start3A_44 : memref<16xi32, #tpu.memory_space<hbm>>) target(%arg13 : memref<16xi32, #tpu.memory_space<vmem>>) target_semaphore(%run_scoped3A : memref<!tpu.dma_semaphore, #tpu.memory_space<semaphore_mem>>)
      %dma_wait3A = tpu.memref_slice %arg6[%mul3A_17] : memref<1024xi32, #tpu.memory_space<hbm>> -> memref<16xi32, #tpu.memory_space<hbm>>
      %dma_wait3A_45 = tpu.memref_slice %arg6[%mul3A_17] : memref<1024xi32, #tpu.memory_space<hbm>> -> memref<16xi32, #tpu.memory_space<hbm>>
      tpu.wait_dma2 semaphore(%run_scoped3A : memref<!tpu.dma_semaphore, #tpu.memory_space<semaphore_mem>>) src(%dma_wait3A_45 : memref<16xi32, #tpu.memory_space<hbm>>) dst(%arg13 : memref<16xi32, #tpu.memory_space<vmem>>)
      tpu.yield
    }) : () -> ()
    %get3A_18 = arith.constant 0 : index
    %get3A_19 = tpu.vector_load %arg13[%get3A_18] {strides = array<i32>} : memref<16xi32, #tpu.memory_space<vmem>>, vector<16xi32>,
    %get3A_20 = vector.shape_cast %get3A_19 : vector<16xi32> to vector<16xi32>
    %slice3A_21 = vector.extract_strided_slice %get3A_20 {offsets = [0], sizes = [1], strides = [1]} : vector<16xi32> to vector<1xi32>
    %squeeze3A_22 = vector.extract %slice3A_21[0] : i32 from vector<1xi32>
    %add3A_23 = arith.constant 16 : i32
    %add3A_24 = arith.addi %arg1, %add3A_23 : i32
    %mul3A_25 = arith.constant 16 : i32
    %mul3A_26 = arith.muli %add3A_24, %mul3A_25 : i32
    %add3A_27 = arith.constant 512 : i32
    %add3A_28 = arith.addi %add3A_27, %mul3A_26 : i32
    "tpu.region"() ({
      %run_scoped3A = tpu.sem_alloc : memref<!tpu.dma_semaphore, #tpu.memory_space<semaphore_mem>>
      %dma_start3A = tpu.memref_slice %arg6[%add3A_28] : memref<1024xi32, #tpu.memory_space<hbm>> -> memref<16xi32, #tpu.memory_space<hbm>>
      %dma_start3A_44 = tpu.memref_slice %arg6[%add3A_28] : memref<1024xi32, #tpu.memory_space<hbm>> -> memref<16xi32, #tpu.memory_space<hbm>>
      tpu.enqueue_dma source(%dma_start3A_44 : memref<16xi32, #tpu.memory_space<hbm>>) target(%arg13 : memref<16xi32, #tpu.memory_space<vmem>>) target_semaphore(%run_scoped3A : memref<!tpu.dma_semaphore, #tpu.memory_space<semaphore_mem>>)
      %dma_wait3A = tpu.memref_slice %arg6[%add3A_28] : memref<1024xi32, #tpu.memory_space<hbm>> -> memref<16xi32, #tpu.memory_space<hbm>>
      %dma_wait3A_45 = tpu.memref_slice %arg6[%add3A_28] : memref<1024xi32, #tpu.memory_space<hbm>> -> memref<16xi32, #tpu.memory_space<hbm>>
      tpu.wait_dma2 semaphore(%run_scoped3A : memref<!tpu.dma_semaphore, #tpu.memory_space<semaphore_mem>>) src(%dma_wait3A_45 : memref<16xi32, #tpu.memory_space<hbm>>) dst(%arg13 : memref<16xi32, #tpu.memory_space<vmem>>)
      tpu.yield
    }) : () -> ()
    %get3A_29 = arith.constant 0 : index
    %get3A_30 = tpu.vector_load %arg13[%get3A_29] {strides = array<i32>} : memref<16xi32, #tpu.memory_space<vmem>>, vector<16xi32>,
    %get3A_31 = vector.shape_cast %get3A_30 : vector<16xi32> to vector<16xi32>
    %slice3A_32 = vector.extract_strided_slice %get3A_31 {offsets = [0], sizes = [1], strides = [1]} : vector<16xi32> to vector<1xi32>
    %squeeze3A_33 = vector.extract %slice3A_32[0] : i32 from vector<1xi32>
    %multiple_of3A_34 = tpu.assume_multiple %squeeze3A_33, 128 : i32
    %scan3A = arith.constant 0 : i32
    %scan3A_35 = arith.constant 3138 : i32
    %scan3A_36 = arith.addi %scan3A, %scan3A_35 : i32
    %scan3A_37 = arith.constant 1 : i32
    scf.for %scan3A_44 = %scan3A to %scan3A_36 step %scan3A_37  : i32 {
      %mul3A_45 = arith.constant 1 : i32
      %mul3A_46 = arith.muli %scan3A_44, %mul3A_45 : i32
      %add3A_47 = arith.constant 0 : i32
      %add3A_48 = arith.addi %add3A_47, %mul3A_46 : i32
      %swap3A = arith.index_cast %add3A_48 : i32 to index
      %swap3A_49 = arith.constant 0 : index
      %swap3A_50 = tpu.vector_load %arg12[%swap3A, %swap3A_49] {strides = array<i32>} : memref<3138x16xf32, #tpu.memory_space<vmem>>, vector<1x16xf32>,
      %swap3A_51 = vector.shape_cast %swap3A_50 : vector<1x16xf32> to vector<16xf32>
      %swap3A_52 = vector.shape_cast %broadcast_in_dim3A_0 : vector<16xf32> to vector<1x16xf32>
      tpu.vector_store %arg12[%swap3A, %swap3A_49], %swap3A_52 {strides = array<i32>} : memref<3138x16xf32, #tpu.memory_space<vmem>>, vector<1x16xf32>,
    }
    %scan3A_38 = arith.constant 3138 : i32
    %scan3A_39 = arith.constant 0 : i32
    %scan3A_40 = arith.constant 2 : i32
    %scan3A_41 = arith.addi %scan3A_39, %scan3A_40 : i32
    %scan3A_42 = arith.constant 1 : i32
    scf.for %scan3A_44 = %scan3A_39 to %scan3A_41 step %scan3A_42  : i32 {
      %mul3A_45 = arith.constant 1 : i32
      %mul3A_46 = arith.muli %scan3A_44, %mul3A_45 : i32
      %add3A_47 = arith.constant 0 : i32
      %add3A_48 = arith.addi %add3A_47, %mul3A_46 : i32
      %mul3A_49 = arith.constant 2 : i32
      %mul3A_50 = arith.muli %arg0, %mul3A_49 : i32
      %add3A_51 = arith.addi %mul3A_50, %add3A_48 : i32
      %mul3A_52 = arith.constant 50000 : i32
      %mul3A_53 = arith.muli %add3A_51, %mul3A_52 : i32
      "tpu.region"() ({
        %run_scoped3A = tpu.sem_alloc : memref<!tpu.dma_semaphore, #tpu.memory_space<semaphore_mem>>
        %dma_start3A = arith.constant 0 : i32
        %dma_start3A_76 = tpu.memref_slice %arg14[%mul3A_1, %dma_start3A] : memref<50208x16xf32, #tpu.memory_space<vmem_shared>> -> memref<3138x16xf32, #tpu.memory_space<vmem_shared>>
        %dma_start3A_77 = arith.constant 0 : i32
        %dma_start3A_78 = tpu.memref_slice %arg14[%mul3A_1, %dma_start3A_77] : memref<50208x16xf32, #tpu.memory_space<vmem_shared>> -> memref<3138x16xf32, #tpu.memory_space<vmem_shared>>
        tpu.enqueue_dma source(%arg12 : memref<3138x16xf32, #tpu.memory_space<vmem>>) target(%dma_start3A_78 : memref<3138x16xf32, #tpu.memory_space<vmem_shared>>) target_semaphore(%run_scoped3A : memref<!tpu.dma_semaphore, #tpu.memory_space<semaphore_mem>>)
        %dma_wait3A = arith.constant 0 : i32
        %dma_wait3A_79 = tpu.memref_slice %arg14[%mul3A_1, %dma_wait3A] : memref<50208x16xf32, #tpu.memory_space<vmem_shared>> -> memref<3138x16xf32, #tpu.memory_space<vmem_shared>>
        %dma_wait3A_80 = arith.constant 0 : i32
        %dma_wait3A_81 = tpu.memref_slice %arg14[%mul3A_1, %dma_wait3A_80] : memref<50208x16xf32, #tpu.memory_space<vmem_shared>> -> memref<3138x16xf32, #tpu.memory_space<vmem_shared>>
        tpu.wait_dma2 semaphore(%run_scoped3A : memref<!tpu.dma_semaphore, #tpu.memory_space<semaphore_mem>>) src(%arg12 : memref<3138x16xf32, #tpu.memory_space<vmem>>) dst(%dma_wait3A_81 : memref<3138x16xf32, #tpu.memory_space<vmem_shared>>)
        tpu.yield
      }) : () -> ()
      %barrier3A = arith.constant 0 : index
      tpu.barrier barrier_id(%barrier3A)
      %add3A_54 = arith.addi %squeeze3A, %squeeze3A_22 : i32
      %sub3A = arith.constant 0 : i32
      %sub3A_55 = arith.subi %add3A_54, %sub3A : i32
      %sub3A_56 = arith.constant 1 : i32
      %sub3A_57 = arith.constant 1 : i32
      %sub3A_58 = arith.subi %sub3A_56, %sub3A_57 : i32
      %add3A_59 = arith.addi %sub3A_55, %sub3A_58 : i32
      %div3A = arith.constant 1 : i32
      %div3A_60 = arith.divsi %add3A_59, %div3A : i32
      %while3A = arith.constant 1 : i32
      %while3A_61 = arith.constant 0 : i32
      %while3A_62 = arith.constant 0 : i32
      %while3A_63 = arith.subi %div3A_60, %while3A_62 : i32
      %while3A_64 = arith.addi %while3A_62, %while3A_63 : i32
      %while3A_65 = arith.constant 1 : i32
      %while3A_66 = arith.divsi %while3A_63, %while3A_65 : i32
      %while3A_67 = arith.muli %while3A_66, %while3A_65 : i32
      %while3A_68 = arith.addi %while3A_62, %while3A_67 : i32
      %while3A_69 = arith.constant 1 : i32
      scf.for %while3A_76 = %while3A_62 to %while3A_68 step %while3A_69  : i32 {
        %mul3A_77 = arith.muli %while3A_76, %while3A : i32
        %add3A_78 = arith.addi %while3A_61, %mul3A_77 : i32
        %ge3A = arith.cmpi sge, %add3A_78, %squeeze3A : i32
        %sub3A_79 = arith.subi %add3A_78, %squeeze3A : i32
        %mul3A_80 = arith.constant 128 : i32
        %mul3A_81 = arith.muli %sub3A_79, %mul3A_80 : i32
        %add3A_82 = arith.addi %multiple_of3A_34, %mul3A_81 : i32
        %mul3A_83 = arith.constant 128 : i32
        %mul3A_84 = arith.muli %add3A_78, %mul3A_83 : i32
        %add3A_85 = arith.addi %multiple_of3A, %mul3A_84 : i32
        %select_n3A = arith.select %ge3A, %add3A_82, %add3A_85 : i32
        %multiple_of3A_86 = tpu.assume_multiple %select_n3A, 128 : i32
        "tpu.region"() ({
          %run_scoped3A = tpu.sem_alloc : memref<!tpu.dma_semaphore, #tpu.memory_space<semaphore_mem>>
          %dma_start3A_104 = tpu.memref_slice %arg4[%multiple_of3A_86] : memref<811008xi32, #tpu.memory_space<hbm>> -> memref<128xi32, #tpu.memory_space<hbm>>
          %dma_start3A_105 = tpu.memref_slice %arg4[%multiple_of3A_86] : memref<811008xi32, #tpu.memory_space<hbm>> -> memref<128xi32, #tpu.memory_space<hbm>>
          tpu.enqueue_dma source(%dma_start3A_105 : memref<128xi32, #tpu.memory_space<hbm>>) target(%arg8 : memref<128xi32, #tpu.memory_space<vmem>>) target_semaphore(%run_scoped3A : memref<!tpu.dma_semaphore, #tpu.memory_space<semaphore_mem>>)
          %dma_wait3A_106 = tpu.memref_slice %arg4[%multiple_of3A_86] : memref<811008xi32, #tpu.memory_space<hbm>> -> memref<128xi32, #tpu.memory_space<hbm>>
          %dma_wait3A_107 = tpu.memref_slice %arg4[%multiple_of3A_86] : memref<811008xi32, #tpu.memory_space<hbm>> -> memref<128xi32, #tpu.memory_space<hbm>>
          tpu.wait_dma2 semaphore(%run_scoped3A : memref<!tpu.dma_semaphore, #tpu.memory_space<semaphore_mem>>) src(%dma_wait3A_107 : memref<128xi32, #tpu.memory_space<hbm>>) dst(%arg8 : memref<128xi32, #tpu.memory_space<vmem>>)
          tpu.yield
        }) : () -> ()
        "tpu.region"() ({
          %run_scoped3A = tpu.sem_alloc : memref<!tpu.dma_semaphore, #tpu.memory_space<semaphore_mem>>
          %dma_start3A_104 = tpu.memref_slice %arg5[%multiple_of3A_86] : memref<811008xi32, #tpu.memory_space<hbm>> -> memref<128xi32, #tpu.memory_space<hbm>>
          %dma_start3A_105 = tpu.memref_slice %arg5[%multiple_of3A_86] : memref<811008xi32, #tpu.memory_space<hbm>> -> memref<128xi32, #tpu.memory_space<hbm>>
          tpu.enqueue_dma source(%dma_start3A_105 : memref<128xi32, #tpu.memory_space<hbm>>) target(%arg9 : memref<128xi32, #tpu.memory_space<vmem>>) target_semaphore(%run_scoped3A : memref<!tpu.dma_semaphore, #tpu.memory_space<semaphore_mem>>)
          %dma_wait3A_106 = tpu.memref_slice %arg5[%multiple_of3A_86] : memref<811008xi32, #tpu.memory_space<hbm>> -> memref<128xi32, #tpu.memory_space<hbm>>
          %dma_wait3A_107 = tpu.memref_slice %arg5[%multiple_of3A_86] : memref<811008xi32, #tpu.memory_space<hbm>> -> memref<128xi32, #tpu.memory_space<hbm>>
          tpu.wait_dma2 semaphore(%run_scoped3A : memref<!tpu.dma_semaphore, #tpu.memory_space<semaphore_mem>>) src(%dma_wait3A_107 : memref<128xi32, #tpu.memory_space<hbm>>) dst(%arg9 : memref<128xi32, #tpu.memory_space<vmem>>)
          tpu.yield
        }) : () -> ()
        %mul3A_87 = arith.constant 811008 : i32
        %mul3A_88 = arith.muli %add3A_51, %mul3A_87 : i32
        %add3A_89 = arith.addi %mul3A_88, %multiple_of3A_86 : i32
        "tpu.region"() ({
          %run_scoped3A = tpu.sem_alloc : memref<!tpu.dma_semaphore, #tpu.memory_space<semaphore_mem>>
          %dma_start3A_104 = arith.constant 0 : i32
          %dma_start3A_105 = tpu.memref_slice %arg3[%add3A_89, %dma_start3A_104] : memref<3244032x16xf32, #tpu.memory_space<hbm>> -> memref<128x16xf32, #tpu.memory_space<hbm>>
          %dma_start3A_106 = arith.constant 0 : i32
          %dma_start3A_107 = tpu.memref_slice %arg3[%add3A_89, %dma_start3A_106] : memref<3244032x16xf32, #tpu.memory_space<hbm>> -> memref<128x16xf32, #tpu.memory_space<hbm>>
          tpu.enqueue_dma source(%dma_start3A_107 : memref<128x16xf32, #tpu.memory_space<hbm>>) target(%arg10 : memref<128x16xf32, #tpu.memory_space<vmem>>) target_semaphore(%run_scoped3A : memref<!tpu.dma_semaphore, #tpu.memory_space<semaphore_mem>>)
          %dma_wait3A_108 = arith.constant 0 : i32
          %dma_wait3A_109 = tpu.memref_slice %arg3[%add3A_89, %dma_wait3A_108] : memref<3244032x16xf32, #tpu.memory_space<hbm>> -> memref<128x16xf32, #tpu.memory_space<hbm>>
          %dma_wait3A_110 = arith.constant 0 : i32
          %dma_wait3A_111 = tpu.memref_slice %arg3[%add3A_89, %dma_wait3A_110] : memref<3244032x16xf32, #tpu.memory_space<hbm>> -> memref<128x16xf32, #tpu.memory_space<hbm>>
          tpu.wait_dma2 semaphore(%run_scoped3A : memref<!tpu.dma_semaphore, #tpu.memory_space<semaphore_mem>>) src(%dma_wait3A_111 : memref<128x16xf32, #tpu.memory_space<hbm>>) dst(%arg10 : memref<128x16xf32, #tpu.memory_space<vmem>>)
          tpu.yield
        }) : () -> ()
        %scan3A_90 = arith.constant 0 : i32
        %scan3A_91 = arith.constant 8 : i32
        %scan3A_92 = arith.addi %scan3A_90, %scan3A_91 : i32
        %scan3A_93 = arith.constant 1 : i32
        scf.for %scan3A_104 = %scan3A_90 to %scan3A_92 step %scan3A_93  : i32 {
          %mul3A_105 = arith.constant 1 : i32
          %mul3A_106 = arith.muli %scan3A_104, %mul3A_105 : i32
          %add3A_107 = arith.constant 0 : i32
          %add3A_108 = arith.addi %add3A_107, %mul3A_106 : i32
          %mul3A_109 = arith.constant 16 : i32
          %mul3A_110 = arith.muli %add3A_108, %mul3A_109 : i32
          %get3A_111 = arith.index_cast %mul3A_110 : i32 to index
          %get3A_112 = tpu.vector_load %arg8[%get3A_111] {strides = array<i32>} : memref<128xi32, #tpu.memory_space<vmem>>, vector<16xi32>,
          %get3A_113 = vector.shape_cast %get3A_112 : vector<16xi32> to vector<16xi32>
          %add3A_114 = vector.broadcast %mul3A_53 : i32 to vector<16xi32>
          %add3A_115 = arith.addi %get3A_113, %add3A_114 : vector<16xi32>
          %mul3A_116 = arith.constant 16 : i32
          %mul3A_117 = arith.muli %add3A_108, %mul3A_116 : i32
          %swap3A = arith.index_cast %mul3A_117 : i32 to index
          %swap3A_118 = tpu.vector_load %arg8[%swap3A] {strides = array<i32>} : memref<128xi32, #tpu.memory_space<vmem>>, vector<16xi32>,
          %swap3A_119 = vector.shape_cast %swap3A_118 : vector<16xi32> to vector<16xi32>
          %swap3A_120 = vector.shape_cast %add3A_115 : vector<16xi32> to vector<16xi32>
          tpu.vector_store %arg8[%swap3A], %swap3A_120 {strides = array<i32>} : memref<128xi32, #tpu.memory_space<vmem>>, vector<16xi32>,
        }
        %scan3A_94 = arith.constant 8 : i32
        %dma_start3A = arith.constant 0 : i32
        %dma_start3A_95 = arith.constant 0 : i32
        %dma_start3A_96 = tpu.memref_slice %arg2[%dma_start3A, %dma_start3A_95] : memref<200000x16xf32, #tpu.memory_space<hbm>> -> memref<200000x16xf32, #tpu.memory_space<hbm>>
        tpu.enqueue_indirect_dma source(%dma_start3A_96 : memref<200000x16xf32, #tpu.memory_space<hbm>>) target(%arg11 : memref<128x16xf32, #tpu.memory_space<vmem>>) offsets(%arg8 : memref<128xi32, #tpu.memory_space<vmem>>) semaphore(%arg15 : memref<!tpu.dma_semaphore, #tpu.memory_space<semaphore_mem>>)
        %dma_wait3A = arith.constant 0 : i32
        %dma_wait3A_97 = arith.constant 0 : i32
        %dma_wait3A_98 = tpu.memref_slice %arg2[%dma_wait3A, %dma_wait3A_97] : memref<200000x16xf32, #tpu.memory_space<hbm>> -> memref<200000x16xf32, #tpu.memory_space<hbm>>
        tpu.wait_indirect_dma semaphore(%arg15 : memref<!tpu.dma_semaphore, #tpu.memory_space<semaphore_mem>>) src(%dma_wait3A_98 : memref<200000x16xf32, #tpu.memory_space<hbm>>) dst(%arg11 : memref<128x16xf32, #tpu.memory_space<vmem>>)
        %scan3A_99 = arith.constant 0 : i32
        %scan3A_100 = arith.constant 128 : i32
        %scan3A_101 = arith.addi %scan3A_99, %scan3A_100 : i32
        %scan3A_102 = arith.constant 1 : i32
        scf.for %scan3A_104 = %scan3A_99 to %scan3A_101 step %scan3A_102  : i32 {
          %mul3A_105 = arith.constant 1 : i32
          %mul3A_106 = arith.muli %scan3A_104, %mul3A_105 : i32
          %add3A_107 = arith.constant 0 : i32
          %add3A_108 = arith.addi %add3A_107, %mul3A_106 : i32
          %get3A_109 = arith.index_cast %add3A_108 : i32 to index
          %get3A_110 = arith.constant 0 : index
          %get3A_111 = tpu.vector_load %arg11[%get3A_109, %get3A_110] {strides = array<i32>} : memref<128x16xf32, #tpu.memory_space<vmem>>, vector<1x16xf32>,
          %get3A_112 = vector.shape_cast %get3A_111 : vector<1x16xf32> to vector<16xf32>
          %get3A_113 = arith.index_cast %add3A_108 : i32 to index
          %get3A_114 = arith.constant 0 : index
          %get3A_115 = tpu.vector_load %arg10[%get3A_113, %get3A_114] {strides = array<i32>} : memref<128x16xf32, #tpu.memory_space<vmem>>, vector<1x16xf32>,
          %get3A_116 = vector.shape_cast %get3A_115 : vector<1x16xf32> to vector<16xf32>
          %add3A_117 = arith.addf %get3A_112, %get3A_116 : vector<16xf32>
          %max3A = arith.constant 0.000000e+00 : f32
          %max3A_118 = vector.broadcast %max3A : f32 to vector<16xf32>
          %max3A_119 = arith.maximumf %add3A_117, %max3A_118 : vector<16xf32>
          %swap3A = arith.index_cast %add3A_108 : i32 to index
          %swap3A_120 = arith.constant 0 : index
          %swap3A_121 = tpu.vector_load %arg11[%swap3A, %swap3A_120] {strides = array<i32>} : memref<128x16xf32, #tpu.memory_space<vmem>>, vector<1x16xf32>,
          %swap3A_122 = vector.shape_cast %swap3A_121 : vector<1x16xf32> to vector<16xf32>
          %swap3A_123 = vector.shape_cast %max3A_119 : vector<16xf32> to vector<1x16xf32>
          tpu.vector_store %arg11[%swap3A, %swap3A_120], %swap3A_123 {strides = array<i32>} : memref<128x16xf32, #tpu.memory_space<vmem>>, vector<1x16xf32>,
        }
        %scan3A_103 = arith.constant 128 : i32
        "tpu.region"() ({
          %run_scoped3A = tpu.sem_alloc : memref<!tpu.dma_semaphore, #tpu.memory_space<semaphore_mem>>
          %dma_start3A_104 = arith.constant 0 : i32
          %dma_start3A_105 = arith.constant 0 : i32
          %dma_start3A_106 = tpu.memref_slice %arg14[%dma_start3A_104, %dma_start3A_105] : memref<50208x16xf32, #tpu.memory_space<vmem_shared>> -> memref<50208x16xf32, #tpu.memory_space<vmem_shared>>
          tpu.enqueue_indirect_dma source(%arg11 : memref<128x16xf32, #tpu.memory_space<vmem>>) target(%dma_start3A_106 : memref<50208x16xf32, #tpu.memory_space<vmem_shared>>) offsets(%arg9 : memref<128xi32, #tpu.memory_space<vmem>>) semaphore(%run_scoped3A : memref<!tpu.dma_semaphore, #tpu.memory_space<semaphore_mem>>) {add = true}
          %dma_wait3A_107 = arith.constant 0 : i32
          %dma_wait3A_108 = arith.constant 0 : i32
          %dma_wait3A_109 = tpu.memref_slice %arg14[%dma_wait3A_107, %dma_wait3A_108] : memref<50208x16xf32, #tpu.memory_space<vmem_shared>> -> memref<50208x16xf32, #tpu.memory_space<vmem_shared>>
          tpu.wait_indirect_dma semaphore(%run_scoped3A : memref<!tpu.dma_semaphore, #tpu.memory_space<semaphore_mem>>) src(%arg11 : memref<128x16xf32, #tpu.memory_space<vmem>>) dst(%dma_wait3A_109 : memref<50208x16xf32, #tpu.memory_space<vmem_shared>>)
          tpu.yield
        }) : () -> ()
      }
      %while3A_70 = arith.constant 1 : i32
      scf.for %while3A_76 = %while3A_68 to %while3A_64 step %while3A_70  : i32 {
        %mul3A_77 = arith.muli %while3A_76, %while3A : i32
        %add3A_78 = arith.addi %while3A_61, %mul3A_77 : i32
        %ge3A = arith.cmpi sge, %add3A_78, %squeeze3A : i32
        %sub3A_79 = arith.subi %add3A_78, %squeeze3A : i32
        %mul3A_80 = arith.constant 128 : i32
        %mul3A_81 = arith.muli %sub3A_79, %mul3A_80 : i32
        %add3A_82 = arith.addi %multiple_of3A_34, %mul3A_81 : i32
        %mul3A_83 = arith.constant 128 : i32
        %mul3A_84 = arith.muli %add3A_78, %mul3A_83 : i32
        %add3A_85 = arith.addi %multiple_of3A, %mul3A_84 : i32
        %select_n3A = arith.select %ge3A, %add3A_82, %add3A_85 : i32
        %multiple_of3A_86 = tpu.assume_multiple %select_n3A, 128 : i32
        "tpu.region"() ({
          %run_scoped3A = tpu.sem_alloc : memref<!tpu.dma_semaphore, #tpu.memory_space<semaphore_mem>>
          %dma_start3A_104 = tpu.memref_slice %arg4[%multiple_of3A_86] : memref<811008xi32, #tpu.memory_space<hbm>> -> memref<128xi32, #tpu.memory_space<hbm>>
          %dma_start3A_105 = tpu.memref_slice %arg4[%multiple_of3A_86] : memref<811008xi32, #tpu.memory_space<hbm>> -> memref<128xi32, #tpu.memory_space<hbm>>
          tpu.enqueue_dma source(%dma_start3A_105 : memref<128xi32, #tpu.memory_space<hbm>>) target(%arg8 : memref<128xi32, #tpu.memory_space<vmem>>) target_semaphore(%run_scoped3A : memref<!tpu.dma_semaphore, #tpu.memory_space<semaphore_mem>>)
          %dma_wait3A_106 = tpu.memref_slice %arg4[%multiple_of3A_86] : memref<811008xi32, #tpu.memory_space<hbm>> -> memref<128xi32, #tpu.memory_space<hbm>>
          %dma_wait3A_107 = tpu.memref_slice %arg4[%multiple_of3A_86] : memref<811008xi32, #tpu.memory_space<hbm>> -> memref<128xi32, #tpu.memory_space<hbm>>
          tpu.wait_dma2 semaphore(%run_scoped3A : memref<!tpu.dma_semaphore, #tpu.memory_space<semaphore_mem>>) src(%dma_wait3A_107 : memref<128xi32, #tpu.memory_space<hbm>>) dst(%arg8 : memref<128xi32, #tpu.memory_space<vmem>>)
          tpu.yield
        }) : () -> ()
        "tpu.region"() ({
          %run_scoped3A = tpu.sem_alloc : memref<!tpu.dma_semaphore, #tpu.memory_space<semaphore_mem>>
          %dma_start3A_104 = tpu.memref_slice %arg5[%multiple_of3A_86] : memref<811008xi32, #tpu.memory_space<hbm>> -> memref<128xi32, #tpu.memory_space<hbm>>
          %dma_start3A_105 = tpu.memref_slice %arg5[%multiple_of3A_86] : memref<811008xi32, #tpu.memory_space<hbm>> -> memref<128xi32, #tpu.memory_space<hbm>>
          tpu.enqueue_dma source(%dma_start3A_105 : memref<128xi32, #tpu.memory_space<hbm>>) target(%arg9 : memref<128xi32, #tpu.memory_space<vmem>>) target_semaphore(%run_scoped3A : memref<!tpu.dma_semaphore, #tpu.memory_space<semaphore_mem>>)
          %dma_wait3A_106 = tpu.memref_slice %arg5[%multiple_of3A_86] : memref<811008xi32, #tpu.memory_space<hbm>> -> memref<128xi32, #tpu.memory_space<hbm>>
          %dma_wait3A_107 = tpu.memref_slice %arg5[%multiple_of3A_86] : memref<811008xi32, #tpu.memory_space<hbm>> -> memref<128xi32, #tpu.memory_space<hbm>>
          tpu.wait_dma2 semaphore(%run_scoped3A : memref<!tpu.dma_semaphore, #tpu.memory_space<semaphore_mem>>) src(%dma_wait3A_107 : memref<128xi32, #tpu.memory_space<hbm>>) dst(%arg9 : memref<128xi32, #tpu.memory_space<vmem>>)
          tpu.yield
        }) : () -> ()
        %mul3A_87 = arith.constant 811008 : i32
        %mul3A_88 = arith.muli %add3A_51, %mul3A_87 : i32
        %add3A_89 = arith.addi %mul3A_88, %multiple_of3A_86 : i32
        "tpu.region"() ({
          %run_scoped3A = tpu.sem_alloc : memref<!tpu.dma_semaphore, #tpu.memory_space<semaphore_mem>>
          %dma_start3A_104 = arith.constant 0 : i32
          %dma_start3A_105 = tpu.memref_slice %arg3[%add3A_89, %dma_start3A_104] : memref<3244032x16xf32, #tpu.memory_space<hbm>> -> memref<128x16xf32, #tpu.memory_space<hbm>>
          %dma_start3A_106 = arith.constant 0 : i32
          %dma_start3A_107 = tpu.memref_slice %arg3[%add3A_89, %dma_start3A_106] : memref<3244032x16xf32, #tpu.memory_space<hbm>> -> memref<128x16xf32, #tpu.memory_space<hbm>>
          tpu.enqueue_dma source(%dma_start3A_107 : memref<128x16xf32, #tpu.memory_space<hbm>>) target(%arg10 : memref<128x16xf32, #tpu.memory_space<vmem>>) target_semaphore(%run_scoped3A : memref<!tpu.dma_semaphore, #tpu.memory_space<semaphore_mem>>)
          %dma_wait3A_108 = arith.constant 0 : i32
          %dma_wait3A_109 = tpu.memref_slice %arg3[%add3A_89, %dma_wait3A_108] : memref<3244032x16xf32, #tpu.memory_space<hbm>> -> memref<128x16xf32, #tpu.memory_space<hbm>>
          %dma_wait3A_110 = arith.constant 0 : i32
          %dma_wait3A_111 = tpu.memref_slice %arg3[%add3A_89, %dma_wait3A_110] : memref<3244032x16xf32, #tpu.memory_space<hbm>> -> memref<128x16xf32, #tpu.memory_space<hbm>>
          tpu.wait_dma2 semaphore(%run_scoped3A : memref<!tpu.dma_semaphore, #tpu.memory_space<semaphore_mem>>) src(%dma_wait3A_111 : memref<128x16xf32, #tpu.memory_space<hbm>>) dst(%arg10 : memref<128x16xf32, #tpu.memory_space<vmem>>)
          tpu.yield
        }) : () -> ()
        %scan3A_90 = arith.constant 0 : i32
        %scan3A_91 = arith.constant 8 : i32
        %scan3A_92 = arith.addi %scan3A_90, %scan3A_91 : i32
        %scan3A_93 = arith.constant 1 : i32
        scf.for %scan3A_104 = %scan3A_90 to %scan3A_92 step %scan3A_93  : i32 {
          %mul3A_105 = arith.constant 1 : i32
          %mul3A_106 = arith.muli %scan3A_104, %mul3A_105 : i32
          %add3A_107 = arith.constant 0 : i32
          %add3A_108 = arith.addi %add3A_107, %mul3A_106 : i32
          %mul3A_109 = arith.constant 16 : i32
          %mul3A_110 = arith.muli %add3A_108, %mul3A_109 : i32
          %get3A_111 = arith.index_cast %mul3A_110 : i32 to index
          %get3A_112 = tpu.vector_load %arg8[%get3A_111] {strides = array<i32>} : memref<128xi32, #tpu.memory_space<vmem>>, vector<16xi32>,
          %get3A_113 = vector.shape_cast %get3A_112 : vector<16xi32> to vector<16xi32>
          %add3A_114 = vector.broadcast %mul3A_53 : i32 to vector<16xi32>
          %add3A_115 = arith.addi %get3A_113, %add3A_114 : vector<16xi32>
          %mul3A_116 = arith.constant 16 : i32
          %mul3A_117 = arith.muli %add3A_108, %mul3A_116 : i32
          %swap3A = arith.index_cast %mul3A_117 : i32 to index
          %swap3A_118 = tpu.vector_load %arg8[%swap3A] {strides = array<i32>} : memref<128xi32, #tpu.memory_space<vmem>>, vector<16xi32>,
          %swap3A_119 = vector.shape_cast %swap3A_118 : vector<16xi32> to vector<16xi32>
          %swap3A_120 = vector.shape_cast %add3A_115 : vector<16xi32> to vector<16xi32>
          tpu.vector_store %arg8[%swap3A], %swap3A_120 {strides = array<i32>} : memref<128xi32, #tpu.memory_space<vmem>>, vector<16xi32>,
        }
        %scan3A_94 = arith.constant 8 : i32
        %dma_start3A = arith.constant 0 : i32
        %dma_start3A_95 = arith.constant 0 : i32
        %dma_start3A_96 = tpu.memref_slice %arg2[%dma_start3A, %dma_start3A_95] : memref<200000x16xf32, #tpu.memory_space<hbm>> -> memref<200000x16xf32, #tpu.memory_space<hbm>>
        tpu.enqueue_indirect_dma source(%dma_start3A_96 : memref<200000x16xf32, #tpu.memory_space<hbm>>) target(%arg11 : memref<128x16xf32, #tpu.memory_space<vmem>>) offsets(%arg8 : memref<128xi32, #tpu.memory_space<vmem>>) semaphore(%arg15 : memref<!tpu.dma_semaphore, #tpu.memory_space<semaphore_mem>>)
        %dma_wait3A = arith.constant 0 : i32
        %dma_wait3A_97 = arith.constant 0 : i32
        %dma_wait3A_98 = tpu.memref_slice %arg2[%dma_wait3A, %dma_wait3A_97] : memref<200000x16xf32, #tpu.memory_space<hbm>> -> memref<200000x16xf32, #tpu.memory_space<hbm>>
        tpu.wait_indirect_dma semaphore(%arg15 : memref<!tpu.dma_semaphore, #tpu.memory_space<semaphore_mem>>) src(%dma_wait3A_98 : memref<200000x16xf32, #tpu.memory_space<hbm>>) dst(%arg11 : memref<128x16xf32, #tpu.memory_space<vmem>>)
        %scan3A_99 = arith.constant 0 : i32
        %scan3A_100 = arith.constant 128 : i32
        %scan3A_101 = arith.addi %scan3A_99, %scan3A_100 : i32
        %scan3A_102 = arith.constant 1 : i32
        scf.for %scan3A_104 = %scan3A_99 to %scan3A_101 step %scan3A_102  : i32 {
          %mul3A_105 = arith.constant 1 : i32
          %mul3A_106 = arith.muli %scan3A_104, %mul3A_105 : i32
          %add3A_107 = arith.constant 0 : i32
          %add3A_108 = arith.addi %add3A_107, %mul3A_106 : i32
          %get3A_109 = arith.index_cast %add3A_108 : i32 to index
          %get3A_110 = arith.constant 0 : index
          %get3A_111 = tpu.vector_load %arg11[%get3A_109, %get3A_110] {strides = array<i32>} : memref<128x16xf32, #tpu.memory_space<vmem>>, vector<1x16xf32>,
          %get3A_112 = vector.shape_cast %get3A_111 : vector<1x16xf32> to vector<16xf32>
          %get3A_113 = arith.index_cast %add3A_108 : i32 to index
          %get3A_114 = arith.constant 0 : index
          %get3A_115 = tpu.vector_load %arg10[%get3A_113, %get3A_114] {strides = array<i32>} : memref<128x16xf32, #tpu.memory_space<vmem>>, vector<1x16xf32>,
          %get3A_116 = vector.shape_cast %get3A_115 : vector<1x16xf32> to vector<16xf32>
          %add3A_117 = arith.addf %get3A_112, %get3A_116 : vector<16xf32>
          %max3A = arith.constant 0.000000e+00 : f32
          %max3A_118 = vector.broadcast %max3A : f32 to vector<16xf32>
          %max3A_119 = arith.maximumf %add3A_117, %max3A_118 : vector<16xf32>
          %swap3A = arith.index_cast %add3A_108 : i32 to index
          %swap3A_120 = arith.constant 0 : index
          %swap3A_121 = tpu.vector_load %arg11[%swap3A, %swap3A_120] {strides = array<i32>} : memref<128x16xf32, #tpu.memory_space<vmem>>, vector<1x16xf32>,
          %swap3A_122 = vector.shape_cast %swap3A_121 : vector<1x16xf32> to vector<16xf32>
          %swap3A_123 = vector.shape_cast %max3A_119 : vector<16xf32> to vector<1x16xf32>
          tpu.vector_store %arg11[%swap3A, %swap3A_120], %swap3A_123 {strides = array<i32>} : memref<128x16xf32, #tpu.memory_space<vmem>>, vector<1x16xf32>,
        }
        %scan3A_103 = arith.constant 128 : i32
        "tpu.region"() ({
          %run_scoped3A = tpu.sem_alloc : memref<!tpu.dma_semaphore, #tpu.memory_space<semaphore_mem>>
          %dma_start3A_104 = arith.constant 0 : i32
          %dma_start3A_105 = arith.constant 0 : i32
          %dma_start3A_106 = tpu.memref_slice %arg14[%dma_start3A_104, %dma_start3A_105] : memref<50208x16xf32, #tpu.memory_space<vmem_shared>> -> memref<50208x16xf32, #tpu.memory_space<vmem_shared>>
          tpu.enqueue_indirect_dma source(%arg11 : memref<128x16xf32, #tpu.memory_space<vmem>>) target(%dma_start3A_106 : memref<50208x16xf32, #tpu.memory_space<vmem_shared>>) offsets(%arg9 : memref<128xi32, #tpu.memory_space<vmem>>) semaphore(%run_scoped3A : memref<!tpu.dma_semaphore, #tpu.memory_space<semaphore_mem>>) {add = true}
          %dma_wait3A_107 = arith.constant 0 : i32
          %dma_wait3A_108 = arith.constant 0 : i32
          %dma_wait3A_109 = tpu.memref_slice %arg14[%dma_wait3A_107, %dma_wait3A_108] : memref<50208x16xf32, #tpu.memory_space<vmem_shared>> -> memref<50208x16xf32, #tpu.memory_space<vmem_shared>>
          tpu.wait_indirect_dma semaphore(%run_scoped3A : memref<!tpu.dma_semaphore, #tpu.memory_space<semaphore_mem>>) src(%arg11 : memref<128x16xf32, #tpu.memory_space<vmem>>) dst(%dma_wait3A_109 : memref<50208x16xf32, #tpu.memory_space<vmem_shared>>)
          tpu.yield
        }) : () -> ()
      }
      %barrier3A_71 = arith.constant 0 : index
      tpu.barrier barrier_id(%barrier3A_71)
      %mul3A_72 = arith.constant 50208 : i32
      %mul3A_73 = arith.muli %add3A_51, %mul3A_72 : i32
      %add3A_74 = arith.addi %mul3A_73, %mul3A_1 : i32
      "tpu.region"() ({
        %run_scoped3A = tpu.sem_alloc : memref<!tpu.dma_semaphore, #tpu.memory_space<semaphore_mem>>
        %dma_start3A = arith.constant 0 : i32
        %dma_start3A_76 = tpu.memref_slice %arg7[%add3A_74, %dma_start3A] : memref<200832x16xf32, #tpu.memory_space<hbm>> -> memref<3138x16xf32, #tpu.memory_space<hbm>>
        %dma_start3A_77 = arith.constant 0 : i32
        %dma_start3A_78 = tpu.memref_slice %arg14[%mul3A_1, %dma_start3A_77] : memref<50208x16xf32, #tpu.memory_space<vmem_shared>> -> memref<3138x16xf32, #tpu.memory_space<vmem_shared>>
        tpu.enqueue_dma source(%dma_start3A_78 : memref<3138x16xf32, #tpu.memory_space<vmem_shared>>) target(%dma_start3A_76 : memref<3138x16xf32, #tpu.memory_space<hbm>>) target_semaphore(%run_scoped3A : memref<!tpu.dma_semaphore, #tpu.memory_space<semaphore_mem>>)
        %dma_wait3A = arith.constant 0 : i32
        %dma_wait3A_79 = tpu.memref_slice %arg7[%add3A_74, %dma_wait3A] : memref<200832x16xf32, #tpu.memory_space<hbm>> -> memref<3138x16xf32, #tpu.memory_space<hbm>>
        %dma_wait3A_80 = arith.constant 0 : i32
        %dma_wait3A_81 = tpu.memref_slice %arg14[%mul3A_1, %dma_wait3A_80] : memref<50208x16xf32, #tpu.memory_space<vmem_shared>> -> memref<3138x16xf32, #tpu.memory_space<vmem_shared>>
        tpu.wait_dma2 semaphore(%run_scoped3A : memref<!tpu.dma_semaphore, #tpu.memory_space<semaphore_mem>>) src(%dma_wait3A_81 : memref<3138x16xf32, #tpu.memory_space<vmem_shared>>) dst(%dma_wait3A_79 : memref<3138x16xf32, #tpu.memory_space<hbm>>)
        tpu.yield
      }) : () -> ()
      %barrier3A_75 = arith.constant 0 : index
      tpu.barrier barrier_id(%barrier3A_75)
    }
    %scan3A_43 = arith.constant 2 : i32
    return
  }
}

#map = affine_map<(d0, d1) -> (0, 0)>
#map1 = affine_map<(d0, d1) -> (0)>
module attributes {stable_mosaic.version = 14 : i64} {
  func.func @_sc_edge_body(%arg0: i32, %arg1: i32, %arg2: memref<200000x16xf32, #tpu.memory_space<hbm>>, %arg3: memref<3244032x16xf32, #tpu.memory_space<hbm>>, %arg4: memref<811008xi32, #tpu.memory_space<hbm>>, %arg5: memref<811008xi32, #tpu.memory_space<hbm>>, %arg6: memref<1024xi32, #tpu.memory_space<hbm>>, %arg7: memref<200832x16xf32, #tpu.memory_space<hbm>>, %arg8: memref<128xi32, #tpu.memory_space<vmem>>, %arg9: memref<128xi32, #tpu.memory_space<vmem>>, %arg10: memref<128x16xf32, #tpu.memory_space<vmem>>, %arg11: memref<128x16xf32, #tpu.memory_space<vmem>>, %arg12: memref<3138x16xf32, #tpu.memory_space<vmem>>, %arg13: memref<16xi32, #tpu.memory_space<vmem>>, %arg14: memref<50208x16xf32, #tpu.memory_space<vmem_shared>>, %arg15: memref<!tpu.dma_semaphore, #tpu.memory_space<semaphore_mem>>) attributes {dimension_semantics = [#tpu.dimension_semantics<core_parallel>, #tpu.dimension_semantics<subcore_parallel>], iteration_bounds = array<i64: 2, 16>, scalar_prefetch = 0 : i64, scratch_operands = 8 : i64, tpu.core_type = #tpu.core_type<sc_vector_subcore>, window_params = [{transform_indices = #map}, {transform_indices = #map}, {transform_indices = #map1}, {transform_indices = #map1}, {transform_indices = #map1}, {transform_indices = #map}]} {
    %broadcast_in_dim3A = arith.constant 0.000000e+00 : f32
    %broadcast_in_dim3A_0 = vector.broadcast %broadcast_in_dim3A : f32 to vector<16xf32>
    %mul3A = arith.constant 3138 : i32
    %mul3A_1 = arith.muli %arg1, %mul3A : i32
    %mul3A_2 = arith.constant 16 : i32
    %mul3A_3 = arith.muli %arg1, %mul3A_2 : i32
    "tpu.region"() ({
      %run_scoped3A = tpu.sem_alloc : memref<!tpu.dma_semaphore, #tpu.memory_space<semaphore_mem>>
      %dma_start3A = tpu.memref_slice %arg6[%mul3A_3] : memref<1024xi32, #tpu.memory_space<hbm>> -> memref<16xi32, #tpu.memory_space<hbm>>
      %dma_start3A_44 = tpu.memref_slice %arg6[%mul3A_3] : memref<1024xi32, #tpu.memory_space<hbm>> -> memref<16xi32, #tpu.memory_space<hbm>>
      tpu.enqueue_dma source(%dma_start3A_44 : memref<16xi32, #tpu.memory_space<hbm>>) target(%arg13 : memref<16xi32, #tpu.memory_space<vmem>>) target_semaphore(%run_scoped3A : memref<!tpu.dma_semaphore, #tpu.memory_space<semaphore_mem>>)
      %dma_wait3A = tpu.memref_slice %arg6[%mul3A_3] : memref<1024xi32, #tpu.memory_space<hbm>> -> memref<16xi32, #tpu.memory_space<hbm>>
      %dma_wait3A_45 = tpu.memref_slice %arg6[%mul3A_3] : memref<1024xi32, #tpu.memory_space<hbm>> -> memref<16xi32, #tpu.memory_space<hbm>>
      tpu.wait_dma2 semaphore(%run_scoped3A : memref<!tpu.dma_semaphore, #tpu.memory_space<semaphore_mem>>) src(%dma_wait3A_45 : memref<16xi32, #tpu.memory_space<hbm>>) dst(%arg13 : memref<16xi32, #tpu.memory_space<vmem>>)
      tpu.yield
    }) : () -> ()
    %get3A = arith.constant 0 : index
    %get3A_4 = tpu.vector_load %arg13[%get3A] {strides = array<i32>} : memref<16xi32, #tpu.memory_space<vmem>>, vector<16xi32>,
    %get3A_5 = vector.shape_cast %get3A_4 : vector<16xi32> to vector<16xi32>
    %slice3A = vector.extract_strided_slice %get3A_5 {offsets = [0], sizes = [1], strides = [1]} : vector<16xi32> to vector<1xi32>
    %squeeze3A = vector.extract %slice3A[0] : i32 from vector<1xi32>
    %mul3A_6 = arith.constant 16 : i32
    %mul3A_7 = arith.muli %arg1, %mul3A_6 : i32
    %add3A = arith.constant 512 : i32
    %add3A_8 = arith.addi %add3A, %mul3A_7 : i32
    "tpu.region"() ({
      %run_scoped3A = tpu.sem_alloc : memref<!tpu.dma_semaphore, #tpu.memory_space<semaphore_mem>>
      %dma_start3A = tpu.memref_slice %arg6[%add3A_8] : memref<1024xi32, #tpu.memory_space<hbm>> -> memref<16xi32, #tpu.memory_space<hbm>>
      %dma_start3A_44 = tpu.memref_slice %arg6[%add3A_8] : memref<1024xi32, #tpu.memory_space<hbm>> -> memref<16xi32, #tpu.memory_space<hbm>>
      tpu.enqueue_dma source(%dma_start3A_44 : memref<16xi32, #tpu.memory_space<hbm>>) target(%arg13 : memref<16xi32, #tpu.memory_space<vmem>>) target_semaphore(%run_scoped3A : memref<!tpu.dma_semaphore, #tpu.memory_space<semaphore_mem>>)
      %dma_wait3A = tpu.memref_slice %arg6[%add3A_8] : memref<1024xi32, #tpu.memory_space<hbm>> -> memref<16xi32, #tpu.memory_space<hbm>>
      %dma_wait3A_45 = tpu.memref_slice %arg6[%add3A_8] : memref<1024xi32, #tpu.memory_space<hbm>> -> memref<16xi32, #tpu.memory_space<hbm>>
      tpu.wait_dma2 semaphore(%run_scoped3A : memref<!tpu.dma_semaphore, #tpu.memory_space<semaphore_mem>>) src(%dma_wait3A_45 : memref<16xi32, #tpu.memory_space<hbm>>) dst(%arg13 : memref<16xi32, #tpu.memory_space<vmem>>)
      tpu.yield
    }) : () -> ()
    %get3A_9 = arith.constant 0 : index
    %get3A_10 = tpu.vector_load %arg13[%get3A_9] {strides = array<i32>} : memref<16xi32, #tpu.memory_space<vmem>>, vector<16xi32>,
    %get3A_11 = vector.shape_cast %get3A_10 : vector<16xi32> to vector<16xi32>
    %slice3A_12 = vector.extract_strided_slice %get3A_11 {offsets = [0], sizes = [1], strides = [1]} : vector<16xi32> to vector<1xi32>
    %squeeze3A_13 = vector.extract %slice3A_12[0] : i32 from vector<1xi32>
    %multiple_of3A = tpu.assume_multiple %squeeze3A_13, 128 : i32
    %add3A_14 = arith.constant 16 : i32
    %add3A_15 = arith.addi %arg1, %add3A_14 : i32
    %mul3A_16 = arith.constant 16 : i32
    %mul3A_17 = arith.muli %add3A_15, %mul3A_16 : i32
    "tpu.region"() ({
      %run_scoped3A = tpu.sem_alloc : memref<!tpu.dma_semaphore, #tpu.memory_space<semaphore_mem>>
      %dma_start3A = tpu.memref_slice %arg6[%mul3A_17] : memref<1024xi32, #tpu.memory_space<hbm>> -> memref<16xi32, #tpu.memory_space<hbm>>
      %dma_start3A_44 = tpu.memref_slice %arg6[%mul3A_17] : memref<1024xi32, #tpu.memory_space<hbm>> -> memref<16xi32, #tpu.memory_space<hbm>>
      tpu.enqueue_dma source(%dma_start3A_44 : memref<16xi32, #tpu.memory_space<hbm>>) target(%arg13 : memref<16xi32, #tpu.memory_space<vmem>>) target_semaphore(%run_scoped3A : memref<!tpu.dma_semaphore, #tpu.memory_space<semaphore_mem>>)
      %dma_wait3A = tpu.memref_slice %arg6[%mul3A_17] : memref<1024xi32, #tpu.memory_space<hbm>> -> memref<16xi32, #tpu.memory_space<hbm>>
      %dma_wait3A_45 = tpu.memref_slice %arg6[%mul3A_17] : memref<1024xi32, #tpu.memory_space<hbm>> -> memref<16xi32, #tpu.memory_space<hbm>>
      tpu.wait_dma2 semaphore(%run_scoped3A : memref<!tpu.dma_semaphore, #tpu.memory_space<semaphore_mem>>) src(%dma_wait3A_45 : memref<16xi32, #tpu.memory_space<hbm>>) dst(%arg13 : memref<16xi32, #tpu.memory_space<vmem>>)
      tpu.yield
    }) : () -> ()
    %get3A_18 = arith.constant 0 : index
    %get3A_19 = tpu.vector_load %arg13[%get3A_18] {strides = array<i32>} : memref<16xi32, #tpu.memory_space<vmem>>, vector<16xi32>,
    %get3A_20 = vector.shape_cast %get3A_19 : vector<16xi32> to vector<16xi32>
    %slice3A_21 = vector.extract_strided_slice %get3A_20 {offsets = [0], sizes = [1], strides = [1]} : vector<16xi32> to vector<1xi32>
    %squeeze3A_22 = vector.extract %slice3A_21[0] : i32 from vector<1xi32>
    %add3A_23 = arith.constant 16 : i32
    %add3A_24 = arith.addi %arg1, %add3A_23 : i32
    %mul3A_25 = arith.constant 16 : i32
    %mul3A_26 = arith.muli %add3A_24, %mul3A_25 : i32
    %add3A_27 = arith.constant 512 : i32
    %add3A_28 = arith.addi %add3A_27, %mul3A_26 : i32
    "tpu.region"() ({
      %run_scoped3A = tpu.sem_alloc : memref<!tpu.dma_semaphore, #tpu.memory_space<semaphore_mem>>
      %dma_start3A = tpu.memref_slice %arg6[%add3A_28] : memref<1024xi32, #tpu.memory_space<hbm>> -> memref<16xi32, #tpu.memory_space<hbm>>
      %dma_start3A_44 = tpu.memref_slice %arg6[%add3A_28] : memref<1024xi32, #tpu.memory_space<hbm>> -> memref<16xi32, #tpu.memory_space<hbm>>
      tpu.enqueue_dma source(%dma_start3A_44 : memref<16xi32, #tpu.memory_space<hbm>>) target(%arg13 : memref<16xi32, #tpu.memory_space<vmem>>) target_semaphore(%run_scoped3A : memref<!tpu.dma_semaphore, #tpu.memory_space<semaphore_mem>>)
      %dma_wait3A = tpu.memref_slice %arg6[%add3A_28] : memref<1024xi32, #tpu.memory_space<hbm>> -> memref<16xi32, #tpu.memory_space<hbm>>
      %dma_wait3A_45 = tpu.memref_slice %arg6[%add3A_28] : memref<1024xi32, #tpu.memory_space<hbm>> -> memref<16xi32, #tpu.memory_space<hbm>>
      tpu.wait_dma2 semaphore(%run_scoped3A : memref<!tpu.dma_semaphore, #tpu.memory_space<semaphore_mem>>) src(%dma_wait3A_45 : memref<16xi32, #tpu.memory_space<hbm>>) dst(%arg13 : memref<16xi32, #tpu.memory_space<vmem>>)
      tpu.yield
    }) : () -> ()
    %get3A_29 = arith.constant 0 : index
    %get3A_30 = tpu.vector_load %arg13[%get3A_29] {strides = array<i32>} : memref<16xi32, #tpu.memory_space<vmem>>, vector<16xi32>,
    %get3A_31 = vector.shape_cast %get3A_30 : vector<16xi32> to vector<16xi32>
    %slice3A_32 = vector.extract_strided_slice %get3A_31 {offsets = [0], sizes = [1], strides = [1]} : vector<16xi32> to vector<1xi32>
    %squeeze3A_33 = vector.extract %slice3A_32[0] : i32 from vector<1xi32>
    %multiple_of3A_34 = tpu.assume_multiple %squeeze3A_33, 128 : i32
    %scan3A = arith.constant 0 : i32
    %scan3A_35 = arith.constant 3138 : i32
    %scan3A_36 = arith.addi %scan3A, %scan3A_35 : i32
    %scan3A_37 = arith.constant 1 : i32
    scf.for %scan3A_44 = %scan3A to %scan3A_36 step %scan3A_37  : i32 {
      %mul3A_45 = arith.constant 1 : i32
      %mul3A_46 = arith.muli %scan3A_44, %mul3A_45 : i32
      %add3A_47 = arith.constant 0 : i32
      %add3A_48 = arith.addi %add3A_47, %mul3A_46 : i32
      %swap3A = arith.index_cast %add3A_48 : i32 to index
      %swap3A_49 = arith.constant 0 : index
      %swap3A_50 = tpu.vector_load %arg12[%swap3A, %swap3A_49] {strides = array<i32>} : memref<3138x16xf32, #tpu.memory_space<vmem>>, vector<1x16xf32>,
      %swap3A_51 = vector.shape_cast %swap3A_50 : vector<1x16xf32> to vector<16xf32>
      %swap3A_52 = vector.shape_cast %broadcast_in_dim3A_0 : vector<16xf32> to vector<1x16xf32>
      tpu.vector_store %arg12[%swap3A, %swap3A_49], %swap3A_52 {strides = array<i32>} : memref<3138x16xf32, #tpu.memory_space<vmem>>, vector<1x16xf32>,
    }
    %scan3A_38 = arith.constant 3138 : i32
    %scan3A_39 = arith.constant 0 : i32
    %scan3A_40 = arith.constant 2 : i32
    %scan3A_41 = arith.addi %scan3A_39, %scan3A_40 : i32
    %scan3A_42 = arith.constant 1 : i32
    scf.for %scan3A_44 = %scan3A_39 to %scan3A_41 step %scan3A_42  : i32 {
      %mul3A_45 = arith.constant 1 : i32
      %mul3A_46 = arith.muli %scan3A_44, %mul3A_45 : i32
      %add3A_47 = arith.constant 0 : i32
      %add3A_48 = arith.addi %add3A_47, %mul3A_46 : i32
      %mul3A_49 = arith.constant 2 : i32
      %mul3A_50 = arith.muli %arg0, %mul3A_49 : i32
      %add3A_51 = arith.addi %mul3A_50, %add3A_48 : i32
      %mul3A_52 = arith.constant 50000 : i32
      %mul3A_53 = arith.muli %add3A_51, %mul3A_52 : i32
      "tpu.region"() ({
        %run_scoped3A = tpu.sem_alloc : memref<!tpu.dma_semaphore, #tpu.memory_space<semaphore_mem>>
        %dma_start3A = arith.constant 0 : i32
        %dma_start3A_76 = tpu.memref_slice %arg14[%mul3A_1, %dma_start3A] : memref<50208x16xf32, #tpu.memory_space<vmem_shared>> -> memref<3138x16xf32, #tpu.memory_space<vmem_shared>>
        %dma_start3A_77 = arith.constant 0 : i32
        %dma_start3A_78 = tpu.memref_slice %arg14[%mul3A_1, %dma_start3A_77] : memref<50208x16xf32, #tpu.memory_space<vmem_shared>> -> memref<3138x16xf32, #tpu.memory_space<vmem_shared>>
        tpu.enqueue_dma source(%arg12 : memref<3138x16xf32, #tpu.memory_space<vmem>>) target(%dma_start3A_78 : memref<3138x16xf32, #tpu.memory_space<vmem_shared>>) target_semaphore(%run_scoped3A : memref<!tpu.dma_semaphore, #tpu.memory_space<semaphore_mem>>)
        %dma_wait3A = arith.constant 0 : i32
        %dma_wait3A_79 = tpu.memref_slice %arg14[%mul3A_1, %dma_wait3A] : memref<50208x16xf32, #tpu.memory_space<vmem_shared>> -> memref<3138x16xf32, #tpu.memory_space<vmem_shared>>
        %dma_wait3A_80 = arith.constant 0 : i32
        %dma_wait3A_81 = tpu.memref_slice %arg14[%mul3A_1, %dma_wait3A_80] : memref<50208x16xf32, #tpu.memory_space<vmem_shared>> -> memref<3138x16xf32, #tpu.memory_space<vmem_shared>>
        tpu.wait_dma2 semaphore(%run_scoped3A : memref<!tpu.dma_semaphore, #tpu.memory_space<semaphore_mem>>) src(%arg12 : memref<3138x16xf32, #tpu.memory_space<vmem>>) dst(%dma_wait3A_81 : memref<3138x16xf32, #tpu.memory_space<vmem_shared>>)
        tpu.yield
      }) : () -> ()
      %barrier3A = arith.constant 0 : index
      tpu.barrier barrier_id(%barrier3A)
      %add3A_54 = arith.addi %squeeze3A, %squeeze3A_22 : i32
      %sub3A = arith.constant 0 : i32
      %sub3A_55 = arith.subi %add3A_54, %sub3A : i32
      %sub3A_56 = arith.constant 1 : i32
      %sub3A_57 = arith.constant 1 : i32
      %sub3A_58 = arith.subi %sub3A_56, %sub3A_57 : i32
      %add3A_59 = arith.addi %sub3A_55, %sub3A_58 : i32
      %div3A = arith.constant 1 : i32
      %div3A_60 = arith.divsi %add3A_59, %div3A : i32
      %while3A = arith.constant 1 : i32
      %while3A_61 = arith.constant 0 : i32
      %while3A_62 = arith.constant 0 : i32
      %while3A_63 = arith.subi %div3A_60, %while3A_62 : i32
      %while3A_64 = arith.addi %while3A_62, %while3A_63 : i32
      %while3A_65 = arith.constant 1 : i32
      %while3A_66 = arith.divsi %while3A_63, %while3A_65 : i32
      %while3A_67 = arith.muli %while3A_66, %while3A_65 : i32
      %while3A_68 = arith.addi %while3A_62, %while3A_67 : i32
      %while3A_69 = arith.constant 1 : i32
      scf.for %while3A_76 = %while3A_62 to %while3A_68 step %while3A_69  : i32 {
        %mul3A_77 = arith.muli %while3A_76, %while3A : i32
        %add3A_78 = arith.addi %while3A_61, %mul3A_77 : i32
        %ge3A = arith.cmpi sge, %add3A_78, %squeeze3A : i32
        %sub3A_79 = arith.subi %add3A_78, %squeeze3A : i32
        %mul3A_80 = arith.constant 128 : i32
        %mul3A_81 = arith.muli %sub3A_79, %mul3A_80 : i32
        %add3A_82 = arith.addi %multiple_of3A_34, %mul3A_81 : i32
        %mul3A_83 = arith.constant 128 : i32
        %mul3A_84 = arith.muli %add3A_78, %mul3A_83 : i32
        %add3A_85 = arith.addi %multiple_of3A, %mul3A_84 : i32
        %select_n3A = arith.select %ge3A, %add3A_82, %add3A_85 : i32
        %multiple_of3A_86 = tpu.assume_multiple %select_n3A, 128 : i32
        "tpu.region"() ({
          %run_scoped3A = tpu.sem_alloc : memref<!tpu.dma_semaphore, #tpu.memory_space<semaphore_mem>>
          %dma_start3A_104 = tpu.memref_slice %arg4[%multiple_of3A_86] : memref<811008xi32, #tpu.memory_space<hbm>> -> memref<128xi32, #tpu.memory_space<hbm>>
          %dma_start3A_105 = tpu.memref_slice %arg4[%multiple_of3A_86] : memref<811008xi32, #tpu.memory_space<hbm>> -> memref<128xi32, #tpu.memory_space<hbm>>
          tpu.enqueue_dma source(%dma_start3A_105 : memref<128xi32, #tpu.memory_space<hbm>>) target(%arg8 : memref<128xi32, #tpu.memory_space<vmem>>) target_semaphore(%run_scoped3A : memref<!tpu.dma_semaphore, #tpu.memory_space<semaphore_mem>>)
          %dma_wait3A_106 = tpu.memref_slice %arg4[%multiple_of3A_86] : memref<811008xi32, #tpu.memory_space<hbm>> -> memref<128xi32, #tpu.memory_space<hbm>>
          %dma_wait3A_107 = tpu.memref_slice %arg4[%multiple_of3A_86] : memref<811008xi32, #tpu.memory_space<hbm>> -> memref<128xi32, #tpu.memory_space<hbm>>
          tpu.wait_dma2 semaphore(%run_scoped3A : memref<!tpu.dma_semaphore, #tpu.memory_space<semaphore_mem>>) src(%dma_wait3A_107 : memref<128xi32, #tpu.memory_space<hbm>>) dst(%arg8 : memref<128xi32, #tpu.memory_space<vmem>>)
          tpu.yield
        }) : () -> ()
        "tpu.region"() ({
          %run_scoped3A = tpu.sem_alloc : memref<!tpu.dma_semaphore, #tpu.memory_space<semaphore_mem>>
          %dma_start3A_104 = tpu.memref_slice %arg5[%multiple_of3A_86] : memref<811008xi32, #tpu.memory_space<hbm>> -> memref<128xi32, #tpu.memory_space<hbm>>
          %dma_start3A_105 = tpu.memref_slice %arg5[%multiple_of3A_86] : memref<811008xi32, #tpu.memory_space<hbm>> -> memref<128xi32, #tpu.memory_space<hbm>>
          tpu.enqueue_dma source(%dma_start3A_105 : memref<128xi32, #tpu.memory_space<hbm>>) target(%arg9 : memref<128xi32, #tpu.memory_space<vmem>>) target_semaphore(%run_scoped3A : memref<!tpu.dma_semaphore, #tpu.memory_space<semaphore_mem>>)
          %dma_wait3A_106 = tpu.memref_slice %arg5[%multiple_of3A_86] : memref<811008xi32, #tpu.memory_space<hbm>> -> memref<128xi32, #tpu.memory_space<hbm>>
          %dma_wait3A_107 = tpu.memref_slice %arg5[%multiple_of3A_86] : memref<811008xi32, #tpu.memory_space<hbm>> -> memref<128xi32, #tpu.memory_space<hbm>>
          tpu.wait_dma2 semaphore(%run_scoped3A : memref<!tpu.dma_semaphore, #tpu.memory_space<semaphore_mem>>) src(%dma_wait3A_107 : memref<128xi32, #tpu.memory_space<hbm>>) dst(%arg9 : memref<128xi32, #tpu.memory_space<vmem>>)
          tpu.yield
        }) : () -> ()
        %mul3A_87 = arith.constant 811008 : i32
        %mul3A_88 = arith.muli %add3A_51, %mul3A_87 : i32
        %add3A_89 = arith.addi %mul3A_88, %multiple_of3A_86 : i32
        "tpu.region"() ({
          %run_scoped3A = tpu.sem_alloc : memref<!tpu.dma_semaphore, #tpu.memory_space<semaphore_mem>>
          %dma_start3A_104 = arith.constant 0 : i32
          %dma_start3A_105 = tpu.memref_slice %arg3[%add3A_89, %dma_start3A_104] : memref<3244032x16xf32, #tpu.memory_space<hbm>> -> memref<128x16xf32, #tpu.memory_space<hbm>>
          %dma_start3A_106 = arith.constant 0 : i32
          %dma_start3A_107 = tpu.memref_slice %arg3[%add3A_89, %dma_start3A_106] : memref<3244032x16xf32, #tpu.memory_space<hbm>> -> memref<128x16xf32, #tpu.memory_space<hbm>>
          tpu.enqueue_dma source(%dma_start3A_107 : memref<128x16xf32, #tpu.memory_space<hbm>>) target(%arg10 : memref<128x16xf32, #tpu.memory_space<vmem>>) target_semaphore(%run_scoped3A : memref<!tpu.dma_semaphore, #tpu.memory_space<semaphore_mem>>)
          %dma_wait3A_108 = arith.constant 0 : i32
          %dma_wait3A_109 = tpu.memref_slice %arg3[%add3A_89, %dma_wait3A_108] : memref<3244032x16xf32, #tpu.memory_space<hbm>> -> memref<128x16xf32, #tpu.memory_space<hbm>>
          %dma_wait3A_110 = arith.constant 0 : i32
          %dma_wait3A_111 = tpu.memref_slice %arg3[%add3A_89, %dma_wait3A_110] : memref<3244032x16xf32, #tpu.memory_space<hbm>> -> memref<128x16xf32, #tpu.memory_space<hbm>>
          tpu.wait_dma2 semaphore(%run_scoped3A : memref<!tpu.dma_semaphore, #tpu.memory_space<semaphore_mem>>) src(%dma_wait3A_111 : memref<128x16xf32, #tpu.memory_space<hbm>>) dst(%arg10 : memref<128x16xf32, #tpu.memory_space<vmem>>)
          tpu.yield
        }) : () -> ()
        %scan3A_90 = arith.constant 0 : i32
        %scan3A_91 = arith.constant 8 : i32
        %scan3A_92 = arith.addi %scan3A_90, %scan3A_91 : i32
        %scan3A_93 = arith.constant 1 : i32
        scf.for %scan3A_104 = %scan3A_90 to %scan3A_92 step %scan3A_93  : i32 {
          %mul3A_105 = arith.constant 1 : i32
          %mul3A_106 = arith.muli %scan3A_104, %mul3A_105 : i32
          %add3A_107 = arith.constant 0 : i32
          %add3A_108 = arith.addi %add3A_107, %mul3A_106 : i32
          %mul3A_109 = arith.constant 16 : i32
          %mul3A_110 = arith.muli %add3A_108, %mul3A_109 : i32
          %get3A_111 = arith.index_cast %mul3A_110 : i32 to index
          %get3A_112 = tpu.vector_load %arg8[%get3A_111] {strides = array<i32>} : memref<128xi32, #tpu.memory_space<vmem>>, vector<16xi32>,
          %get3A_113 = vector.shape_cast %get3A_112 : vector<16xi32> to vector<16xi32>
          %add3A_114 = vector.broadcast %mul3A_53 : i32 to vector<16xi32>
          %add3A_115 = arith.addi %get3A_113, %add3A_114 : vector<16xi32>
          %mul3A_116 = arith.constant 16 : i32
          %mul3A_117 = arith.muli %add3A_108, %mul3A_116 : i32
          %swap3A = arith.index_cast %mul3A_117 : i32 to index
          %swap3A_118 = tpu.vector_load %arg8[%swap3A] {strides = array<i32>} : memref<128xi32, #tpu.memory_space<vmem>>, vector<16xi32>,
          %swap3A_119 = vector.shape_cast %swap3A_118 : vector<16xi32> to vector<16xi32>
          %swap3A_120 = vector.shape_cast %add3A_115 : vector<16xi32> to vector<16xi32>
          tpu.vector_store %arg8[%swap3A], %swap3A_120 {strides = array<i32>} : memref<128xi32, #tpu.memory_space<vmem>>, vector<16xi32>,
        }
        %scan3A_94 = arith.constant 8 : i32
        %dma_start3A = arith.constant 0 : i32
        %dma_start3A_95 = arith.constant 0 : i32
        %dma_start3A_96 = tpu.memref_slice %arg2[%dma_start3A, %dma_start3A_95] : memref<200000x16xf32, #tpu.memory_space<hbm>> -> memref<200000x16xf32, #tpu.memory_space<hbm>>
        tpu.enqueue_indirect_dma source(%dma_start3A_96 : memref<200000x16xf32, #tpu.memory_space<hbm>>) target(%arg11 : memref<128x16xf32, #tpu.memory_space<vmem>>) offsets(%arg8 : memref<128xi32, #tpu.memory_space<vmem>>) semaphore(%arg15 : memref<!tpu.dma_semaphore, #tpu.memory_space<semaphore_mem>>)
        %dma_wait3A = arith.constant 0 : i32
        %dma_wait3A_97 = arith.constant 0 : i32
        %dma_wait3A_98 = tpu.memref_slice %arg2[%dma_wait3A, %dma_wait3A_97] : memref<200000x16xf32, #tpu.memory_space<hbm>> -> memref<200000x16xf32, #tpu.memory_space<hbm>>
        tpu.wait_indirect_dma semaphore(%arg15 : memref<!tpu.dma_semaphore, #tpu.memory_space<semaphore_mem>>) src(%dma_wait3A_98 : memref<200000x16xf32, #tpu.memory_space<hbm>>) dst(%arg11 : memref<128x16xf32, #tpu.memory_space<vmem>>)
        %scan3A_99 = arith.constant 0 : i32
        %scan3A_100 = arith.constant 128 : i32
        %scan3A_101 = arith.addi %scan3A_99, %scan3A_100 : i32
        %scan3A_102 = arith.constant 1 : i32
        scf.for %scan3A_104 = %scan3A_99 to %scan3A_101 step %scan3A_102  : i32 {
          %mul3A_105 = arith.constant 1 : i32
          %mul3A_106 = arith.muli %scan3A_104, %mul3A_105 : i32
          %add3A_107 = arith.constant 0 : i32
          %add3A_108 = arith.addi %add3A_107, %mul3A_106 : i32
          %get3A_109 = arith.index_cast %add3A_108 : i32 to index
          %get3A_110 = arith.constant 0 : index
          %get3A_111 = tpu.vector_load %arg11[%get3A_109, %get3A_110] {strides = array<i32>} : memref<128x16xf32, #tpu.memory_space<vmem>>, vector<1x16xf32>,
          %get3A_112 = vector.shape_cast %get3A_111 : vector<1x16xf32> to vector<16xf32>
          %get3A_113 = arith.index_cast %add3A_108 : i32 to index
          %get3A_114 = arith.constant 0 : index
          %get3A_115 = tpu.vector_load %arg10[%get3A_113, %get3A_114] {strides = array<i32>} : memref<128x16xf32, #tpu.memory_space<vmem>>, vector<1x16xf32>,
          %get3A_116 = vector.shape_cast %get3A_115 : vector<1x16xf32> to vector<16xf32>
          %add3A_117 = arith.addf %get3A_112, %get3A_116 : vector<16xf32>
          %max3A = arith.constant 0.000000e+00 : f32
          %max3A_118 = vector.broadcast %max3A : f32 to vector<16xf32>
          %max3A_119 = arith.maximumf %add3A_117, %max3A_118 : vector<16xf32>
          %swap3A = arith.index_cast %add3A_108 : i32 to index
          %swap3A_120 = arith.constant 0 : index
          %swap3A_121 = tpu.vector_load %arg11[%swap3A, %swap3A_120] {strides = array<i32>} : memref<128x16xf32, #tpu.memory_space<vmem>>, vector<1x16xf32>,
          %swap3A_122 = vector.shape_cast %swap3A_121 : vector<1x16xf32> to vector<16xf32>
          %swap3A_123 = vector.shape_cast %max3A_119 : vector<16xf32> to vector<1x16xf32>
          tpu.vector_store %arg11[%swap3A, %swap3A_120], %swap3A_123 {strides = array<i32>} : memref<128x16xf32, #tpu.memory_space<vmem>>, vector<1x16xf32>,
        }
        %scan3A_103 = arith.constant 128 : i32
        "tpu.region"() ({
          %run_scoped3A = tpu.sem_alloc : memref<!tpu.dma_semaphore, #tpu.memory_space<semaphore_mem>>
          %dma_start3A_104 = arith.constant 0 : i32
          %dma_start3A_105 = arith.constant 0 : i32
          %dma_start3A_106 = tpu.memref_slice %arg14[%dma_start3A_104, %dma_start3A_105] : memref<50208x16xf32, #tpu.memory_space<vmem_shared>> -> memref<50208x16xf32, #tpu.memory_space<vmem_shared>>
          tpu.enqueue_indirect_dma source(%arg11 : memref<128x16xf32, #tpu.memory_space<vmem>>) target(%dma_start3A_106 : memref<50208x16xf32, #tpu.memory_space<vmem_shared>>) offsets(%arg9 : memref<128xi32, #tpu.memory_space<vmem>>) semaphore(%run_scoped3A : memref<!tpu.dma_semaphore, #tpu.memory_space<semaphore_mem>>) {add = true}
          %dma_wait3A_107 = arith.constant 0 : i32
          %dma_wait3A_108 = arith.constant 0 : i32
          %dma_wait3A_109 = tpu.memref_slice %arg14[%dma_wait3A_107, %dma_wait3A_108] : memref<50208x16xf32, #tpu.memory_space<vmem_shared>> -> memref<50208x16xf32, #tpu.memory_space<vmem_shared>>
          tpu.wait_indirect_dma semaphore(%run_scoped3A : memref<!tpu.dma_semaphore, #tpu.memory_space<semaphore_mem>>) src(%arg11 : memref<128x16xf32, #tpu.memory_space<vmem>>) dst(%dma_wait3A_109 : memref<50208x16xf32, #tpu.memory_space<vmem_shared>>)
          tpu.yield
        }) : () -> ()
      }
      %while3A_70 = arith.constant 1 : i32
      scf.for %while3A_76 = %while3A_68 to %while3A_64 step %while3A_70  : i32 {
        %mul3A_77 = arith.muli %while3A_76, %while3A : i32
        %add3A_78 = arith.addi %while3A_61, %mul3A_77 : i32
        %ge3A = arith.cmpi sge, %add3A_78, %squeeze3A : i32
        %sub3A_79 = arith.subi %add3A_78, %squeeze3A : i32
        %mul3A_80 = arith.constant 128 : i32
        %mul3A_81 = arith.muli %sub3A_79, %mul3A_80 : i32
        %add3A_82 = arith.addi %multiple_of3A_34, %mul3A_81 : i32
        %mul3A_83 = arith.constant 128 : i32
        %mul3A_84 = arith.muli %add3A_78, %mul3A_83 : i32
        %add3A_85 = arith.addi %multiple_of3A, %mul3A_84 : i32
        %select_n3A = arith.select %ge3A, %add3A_82, %add3A_85 : i32
        %multiple_of3A_86 = tpu.assume_multiple %select_n3A, 128 : i32
        "tpu.region"() ({
          %run_scoped3A = tpu.sem_alloc : memref<!tpu.dma_semaphore, #tpu.memory_space<semaphore_mem>>
          %dma_start3A_104 = tpu.memref_slice %arg4[%multiple_of3A_86] : memref<811008xi32, #tpu.memory_space<hbm>> -> memref<128xi32, #tpu.memory_space<hbm>>
          %dma_start3A_105 = tpu.memref_slice %arg4[%multiple_of3A_86] : memref<811008xi32, #tpu.memory_space<hbm>> -> memref<128xi32, #tpu.memory_space<hbm>>
          tpu.enqueue_dma source(%dma_start3A_105 : memref<128xi32, #tpu.memory_space<hbm>>) target(%arg8 : memref<128xi32, #tpu.memory_space<vmem>>) target_semaphore(%run_scoped3A : memref<!tpu.dma_semaphore, #tpu.memory_space<semaphore_mem>>)
          %dma_wait3A_106 = tpu.memref_slice %arg4[%multiple_of3A_86] : memref<811008xi32, #tpu.memory_space<hbm>> -> memref<128xi32, #tpu.memory_space<hbm>>
          %dma_wait3A_107 = tpu.memref_slice %arg4[%multiple_of3A_86] : memref<811008xi32, #tpu.memory_space<hbm>> -> memref<128xi32, #tpu.memory_space<hbm>>
          tpu.wait_dma2 semaphore(%run_scoped3A : memref<!tpu.dma_semaphore, #tpu.memory_space<semaphore_mem>>) src(%dma_wait3A_107 : memref<128xi32, #tpu.memory_space<hbm>>) dst(%arg8 : memref<128xi32, #tpu.memory_space<vmem>>)
          tpu.yield
        }) : () -> ()
        "tpu.region"() ({
          %run_scoped3A = tpu.sem_alloc : memref<!tpu.dma_semaphore, #tpu.memory_space<semaphore_mem>>
          %dma_start3A_104 = tpu.memref_slice %arg5[%multiple_of3A_86] : memref<811008xi32, #tpu.memory_space<hbm>> -> memref<128xi32, #tpu.memory_space<hbm>>
          %dma_start3A_105 = tpu.memref_slice %arg5[%multiple_of3A_86] : memref<811008xi32, #tpu.memory_space<hbm>> -> memref<128xi32, #tpu.memory_space<hbm>>
          tpu.enqueue_dma source(%dma_start3A_105 : memref<128xi32, #tpu.memory_space<hbm>>) target(%arg9 : memref<128xi32, #tpu.memory_space<vmem>>) target_semaphore(%run_scoped3A : memref<!tpu.dma_semaphore, #tpu.memory_space<semaphore_mem>>)
          %dma_wait3A_106 = tpu.memref_slice %arg5[%multiple_of3A_86] : memref<811008xi32, #tpu.memory_space<hbm>> -> memref<128xi32, #tpu.memory_space<hbm>>
          %dma_wait3A_107 = tpu.memref_slice %arg5[%multiple_of3A_86] : memref<811008xi32, #tpu.memory_space<hbm>> -> memref<128xi32, #tpu.memory_space<hbm>>
          tpu.wait_dma2 semaphore(%run_scoped3A : memref<!tpu.dma_semaphore, #tpu.memory_space<semaphore_mem>>) src(%dma_wait3A_107 : memref<128xi32, #tpu.memory_space<hbm>>) dst(%arg9 : memref<128xi32, #tpu.memory_space<vmem>>)
          tpu.yield
        }) : () -> ()
        %mul3A_87 = arith.constant 811008 : i32
        %mul3A_88 = arith.muli %add3A_51, %mul3A_87 : i32
        %add3A_89 = arith.addi %mul3A_88, %multiple_of3A_86 : i32
        "tpu.region"() ({
          %run_scoped3A = tpu.sem_alloc : memref<!tpu.dma_semaphore, #tpu.memory_space<semaphore_mem>>
          %dma_start3A_104 = arith.constant 0 : i32
          %dma_start3A_105 = tpu.memref_slice %arg3[%add3A_89, %dma_start3A_104] : memref<3244032x16xf32, #tpu.memory_space<hbm>> -> memref<128x16xf32, #tpu.memory_space<hbm>>
          %dma_start3A_106 = arith.constant 0 : i32
          %dma_start3A_107 = tpu.memref_slice %arg3[%add3A_89, %dma_start3A_106] : memref<3244032x16xf32, #tpu.memory_space<hbm>> -> memref<128x16xf32, #tpu.memory_space<hbm>>
          tpu.enqueue_dma source(%dma_start3A_107 : memref<128x16xf32, #tpu.memory_space<hbm>>) target(%arg10 : memref<128x16xf32, #tpu.memory_space<vmem>>) target_semaphore(%run_scoped3A : memref<!tpu.dma_semaphore, #tpu.memory_space<semaphore_mem>>)
          %dma_wait3A_108 = arith.constant 0 : i32
          %dma_wait3A_109 = tpu.memref_slice %arg3[%add3A_89, %dma_wait3A_108] : memref<3244032x16xf32, #tpu.memory_space<hbm>> -> memref<128x16xf32, #tpu.memory_space<hbm>>
          %dma_wait3A_110 = arith.constant 0 : i32
          %dma_wait3A_111 = tpu.memref_slice %arg3[%add3A_89, %dma_wait3A_110] : memref<3244032x16xf32, #tpu.memory_space<hbm>> -> memref<128x16xf32, #tpu.memory_space<hbm>>
          tpu.wait_dma2 semaphore(%run_scoped3A : memref<!tpu.dma_semaphore, #tpu.memory_space<semaphore_mem>>) src(%dma_wait3A_111 : memref<128x16xf32, #tpu.memory_space<hbm>>) dst(%arg10 : memref<128x16xf32, #tpu.memory_space<vmem>>)
          tpu.yield
        }) : () -> ()
        %scan3A_90 = arith.constant 0 : i32
        %scan3A_91 = arith.constant 8 : i32
        %scan3A_92 = arith.addi %scan3A_90, %scan3A_91 : i32
        %scan3A_93 = arith.constant 1 : i32
        scf.for %scan3A_104 = %scan3A_90 to %scan3A_92 step %scan3A_93  : i32 {
          %mul3A_105 = arith.constant 1 : i32
          %mul3A_106 = arith.muli %scan3A_104, %mul3A_105 : i32
          %add3A_107 = arith.constant 0 : i32
          %add3A_108 = arith.addi %add3A_107, %mul3A_106 : i32
          %mul3A_109 = arith.constant 16 : i32
          %mul3A_110 = arith.muli %add3A_108, %mul3A_109 : i32
          %get3A_111 = arith.index_cast %mul3A_110 : i32 to index
          %get3A_112 = tpu.vector_load %arg8[%get3A_111] {strides = array<i32>} : memref<128xi32, #tpu.memory_space<vmem>>, vector<16xi32>,
          %get3A_113 = vector.shape_cast %get3A_112 : vector<16xi32> to vector<16xi32>
          %add3A_114 = vector.broadcast %mul3A_53 : i32 to vector<16xi32>
          %add3A_115 = arith.addi %get3A_113, %add3A_114 : vector<16xi32>
          %mul3A_116 = arith.constant 16 : i32
          %mul3A_117 = arith.muli %add3A_108, %mul3A_116 : i32
          %swap3A = arith.index_cast %mul3A_117 : i32 to index
          %swap3A_118 = tpu.vector_load %arg8[%swap3A] {strides = array<i32>} : memref<128xi32, #tpu.memory_space<vmem>>, vector<16xi32>,
          %swap3A_119 = vector.shape_cast %swap3A_118 : vector<16xi32> to vector<16xi32>
          %swap3A_120 = vector.shape_cast %add3A_115 : vector<16xi32> to vector<16xi32>
          tpu.vector_store %arg8[%swap3A], %swap3A_120 {strides = array<i32>} : memref<128xi32, #tpu.memory_space<vmem>>, vector<16xi32>,
        }
        %scan3A_94 = arith.constant 8 : i32
        %dma_start3A = arith.constant 0 : i32
        %dma_start3A_95 = arith.constant 0 : i32
        %dma_start3A_96 = tpu.memref_slice %arg2[%dma_start3A, %dma_start3A_95] : memref<200000x16xf32, #tpu.memory_space<hbm>> -> memref<200000x16xf32, #tpu.memory_space<hbm>>
        tpu.enqueue_indirect_dma source(%dma_start3A_96 : memref<200000x16xf32, #tpu.memory_space<hbm>>) target(%arg11 : memref<128x16xf32, #tpu.memory_space<vmem>>) offsets(%arg8 : memref<128xi32, #tpu.memory_space<vmem>>) semaphore(%arg15 : memref<!tpu.dma_semaphore, #tpu.memory_space<semaphore_mem>>)
        %dma_wait3A = arith.constant 0 : i32
        %dma_wait3A_97 = arith.constant 0 : i32
        %dma_wait3A_98 = tpu.memref_slice %arg2[%dma_wait3A, %dma_wait3A_97] : memref<200000x16xf32, #tpu.memory_space<hbm>> -> memref<200000x16xf32, #tpu.memory_space<hbm>>
        tpu.wait_indirect_dma semaphore(%arg15 : memref<!tpu.dma_semaphore, #tpu.memory_space<semaphore_mem>>) src(%dma_wait3A_98 : memref<200000x16xf32, #tpu.memory_space<hbm>>) dst(%arg11 : memref<128x16xf32, #tpu.memory_space<vmem>>)
        %scan3A_99 = arith.constant 0 : i32
        %scan3A_100 = arith.constant 128 : i32
        %scan3A_101 = arith.addi %scan3A_99, %scan3A_100 : i32
        %scan3A_102 = arith.constant 1 : i32
        scf.for %scan3A_104 = %scan3A_99 to %scan3A_101 step %scan3A_102  : i32 {
          %mul3A_105 = arith.constant 1 : i32
          %mul3A_106 = arith.muli %scan3A_104, %mul3A_105 : i32
          %add3A_107 = arith.constant 0 : i32
          %add3A_108 = arith.addi %add3A_107, %mul3A_106 : i32
          %get3A_109 = arith.index_cast %add3A_108 : i32 to index
          %get3A_110 = arith.constant 0 : index
          %get3A_111 = tpu.vector_load %arg11[%get3A_109, %get3A_110] {strides = array<i32>} : memref<128x16xf32, #tpu.memory_space<vmem>>, vector<1x16xf32>,
          %get3A_112 = vector.shape_cast %get3A_111 : vector<1x16xf32> to vector<16xf32>
          %get3A_113 = arith.index_cast %add3A_108 : i32 to index
          %get3A_114 = arith.constant 0 : index
          %get3A_115 = tpu.vector_load %arg10[%get3A_113, %get3A_114] {strides = array<i32>} : memref<128x16xf32, #tpu.memory_space<vmem>>, vector<1x16xf32>,
          %get3A_116 = vector.shape_cast %get3A_115 : vector<1x16xf32> to vector<16xf32>
          %add3A_117 = arith.addf %get3A_112, %get3A_116 : vector<16xf32>
          %max3A = arith.constant 0.000000e+00 : f32
          %max3A_118 = vector.broadcast %max3A : f32 to vector<16xf32>
          %max3A_119 = arith.maximumf %add3A_117, %max3A_118 : vector<16xf32>
          %swap3A = arith.index_cast %add3A_108 : i32 to index
          %swap3A_120 = arith.constant 0 : index
          %swap3A_121 = tpu.vector_load %arg11[%swap3A, %swap3A_120] {strides = array<i32>} : memref<128x16xf32, #tpu.memory_space<vmem>>, vector<1x16xf32>,
          %swap3A_122 = vector.shape_cast %swap3A_121 : vector<1x16xf32> to vector<16xf32>
          %swap3A_123 = vector.shape_cast %max3A_119 : vector<16xf32> to vector<1x16xf32>
          tpu.vector_store %arg11[%swap3A, %swap3A_120], %swap3A_123 {strides = array<i32>} : memref<128x16xf32, #tpu.memory_space<vmem>>, vector<1x16xf32>,
        }
        %scan3A_103 = arith.constant 128 : i32
        "tpu.region"() ({
          %run_scoped3A = tpu.sem_alloc : memref<!tpu.dma_semaphore, #tpu.memory_space<semaphore_mem>>
          %dma_start3A_104 = arith.constant 0 : i32
          %dma_start3A_105 = arith.constant 0 : i32
          %dma_start3A_106 = tpu.memref_slice %arg14[%dma_start3A_104, %dma_start3A_105] : memref<50208x16xf32, #tpu.memory_space<vmem_shared>> -> memref<50208x16xf32, #tpu.memory_space<vmem_shared>>
          tpu.enqueue_indirect_dma source(%arg11 : memref<128x16xf32, #tpu.memory_space<vmem>>) target(%dma_start3A_106 : memref<50208x16xf32, #tpu.memory_space<vmem_shared>>) offsets(%arg9 : memref<128xi32, #tpu.memory_space<vmem>>) semaphore(%run_scoped3A : memref<!tpu.dma_semaphore, #tpu.memory_space<semaphore_mem>>) {add = true}
          %dma_wait3A_107 = arith.constant 0 : i32
          %dma_wait3A_108 = arith.constant 0 : i32
          %dma_wait3A_109 = tpu.memref_slice %arg14[%dma_wait3A_107, %dma_wait3A_108] : memref<50208x16xf32, #tpu.memory_space<vmem_shared>> -> memref<50208x16xf32, #tpu.memory_space<vmem_shared>>
          tpu.wait_indirect_dma semaphore(%run_scoped3A : memref<!tpu.dma_semaphore, #tpu.memory_space<semaphore_mem>>) src(%arg11 : memref<128x16xf32, #tpu.memory_space<vmem>>) dst(%dma_wait3A_109 : memref<50208x16xf32, #tpu.memory_space<vmem_shared>>)
          tpu.yield
        }) : () -> ()
      }
      %barrier3A_71 = arith.constant 0 : index
      tpu.barrier barrier_id(%barrier3A_71)
      %mul3A_72 = arith.constant 50208 : i32
      %mul3A_73 = arith.muli %add3A_51, %mul3A_72 : i32
      %add3A_74 = arith.addi %mul3A_73, %mul3A_1 : i32
      "tpu.region"() ({
        %run_scoped3A = tpu.sem_alloc : memref<!tpu.dma_semaphore, #tpu.memory_space<semaphore_mem>>
        %dma_start3A = arith.constant 0 : i32
        %dma_start3A_76 = tpu.memref_slice %arg7[%add3A_74, %dma_start3A] : memref<200832x16xf32, #tpu.memory_space<hbm>> -> memref<3138x16xf32, #tpu.memory_space<hbm>>
        %dma_start3A_77 = arith.constant 0 : i32
        %dma_start3A_78 = tpu.memref_slice %arg14[%mul3A_1, %dma_start3A_77] : memref<50208x16xf32, #tpu.memory_space<vmem_shared>> -> memref<3138x16xf32, #tpu.memory_space<vmem_shared>>
        tpu.enqueue_dma source(%dma_start3A_78 : memref<3138x16xf32, #tpu.memory_space<vmem_shared>>) target(%dma_start3A_76 : memref<3138x16xf32, #tpu.memory_space<hbm>>) target_semaphore(%run_scoped3A : memref<!tpu.dma_semaphore, #tpu.memory_space<semaphore_mem>>)
        %dma_wait3A = arith.constant 0 : i32
        %dma_wait3A_79 = tpu.memref_slice %arg7[%add3A_74, %dma_wait3A] : memref<200832x16xf32, #tpu.memory_space<hbm>> -> memref<3138x16xf32, #tpu.memory_space<hbm>>
        %dma_wait3A_80 = arith.constant 0 : i32
        %dma_wait3A_81 = tpu.memref_slice %arg14[%mul3A_1, %dma_wait3A_80] : memref<50208x16xf32, #tpu.memory_space<vmem_shared>> -> memref<3138x16xf32, #tpu.memory_space<vmem_shared>>
        tpu.wait_dma2 semaphore(%run_scoped3A : memref<!tpu.dma_semaphore, #tpu.memory_space<semaphore_mem>>) src(%dma_wait3A_81 : memref<3138x16xf32, #tpu.memory_space<vmem_shared>>) dst(%dma_wait3A_79 : memref<3138x16xf32, #tpu.memory_space<hbm>>)
        tpu.yield
      }) : () -> ()
      %barrier3A_75 = arith.constant 0 : index
      tpu.barrier barrier_id(%barrier3A_75)
    }
    %scan3A_43 = arith.constant 2 : i32
    return
  }
}

#map = affine_map<(d0, d1) -> (0, 0)>
#map1 = affine_map<(d0, d1) -> (0)>
module attributes {stable_mosaic.version = 14 : i64} {
  func.func @_sc_edge_body(%arg0: i32, %arg1: i32, %arg2: memref<200000x16xf32, #tpu.memory_space<hbm>>, %arg3: memref<3244032x16xf32, #tpu.memory_space<hbm>>, %arg4: memref<811008xi32, #tpu.memory_space<hbm>>, %arg5: memref<811008xi32, #tpu.memory_space<hbm>>, %arg6: memref<1024xi32, #tpu.memory_space<hbm>>, %arg7: memref<200832x16xf32, #tpu.memory_space<hbm>>, %arg8: memref<128xi32, #tpu.memory_space<vmem>>, %arg9: memref<128xi32, #tpu.memory_space<vmem>>, %arg10: memref<128x16xf32, #tpu.memory_space<vmem>>, %arg11: memref<128x16xf32, #tpu.memory_space<vmem>>, %arg12: memref<3138x16xf32, #tpu.memory_space<vmem>>, %arg13: memref<16xi32, #tpu.memory_space<vmem>>, %arg14: memref<50208x16xf32, #tpu.memory_space<vmem_shared>>, %arg15: memref<!tpu.dma_semaphore, #tpu.memory_space<semaphore_mem>>) attributes {dimension_semantics = [#tpu.dimension_semantics<core_parallel>, #tpu.dimension_semantics<subcore_parallel>], iteration_bounds = array<i64: 2, 16>, scalar_prefetch = 0 : i64, scratch_operands = 8 : i64, tpu.core_type = #tpu.core_type<sc_vector_subcore>, window_params = [{transform_indices = #map}, {transform_indices = #map}, {transform_indices = #map1}, {transform_indices = #map1}, {transform_indices = #map1}, {transform_indices = #map}]} {
    %broadcast_in_dim3A = arith.constant 0.000000e+00 : f32
    %broadcast_in_dim3A_0 = vector.broadcast %broadcast_in_dim3A : f32 to vector<16xf32>
    %mul3A = arith.constant 3138 : i32
    %mul3A_1 = arith.muli %arg1, %mul3A : i32
    %mul3A_2 = arith.constant 16 : i32
    %mul3A_3 = arith.muli %arg1, %mul3A_2 : i32
    "tpu.region"() ({
      %run_scoped3A = tpu.sem_alloc : memref<!tpu.dma_semaphore, #tpu.memory_space<semaphore_mem>>
      %dma_start3A = tpu.memref_slice %arg6[%mul3A_3] : memref<1024xi32, #tpu.memory_space<hbm>> -> memref<16xi32, #tpu.memory_space<hbm>>
      %dma_start3A_44 = tpu.memref_slice %arg6[%mul3A_3] : memref<1024xi32, #tpu.memory_space<hbm>> -> memref<16xi32, #tpu.memory_space<hbm>>
      tpu.enqueue_dma source(%dma_start3A_44 : memref<16xi32, #tpu.memory_space<hbm>>) target(%arg13 : memref<16xi32, #tpu.memory_space<vmem>>) target_semaphore(%run_scoped3A : memref<!tpu.dma_semaphore, #tpu.memory_space<semaphore_mem>>)
      %dma_wait3A = tpu.memref_slice %arg6[%mul3A_3] : memref<1024xi32, #tpu.memory_space<hbm>> -> memref<16xi32, #tpu.memory_space<hbm>>
      %dma_wait3A_45 = tpu.memref_slice %arg6[%mul3A_3] : memref<1024xi32, #tpu.memory_space<hbm>> -> memref<16xi32, #tpu.memory_space<hbm>>
      tpu.wait_dma2 semaphore(%run_scoped3A : memref<!tpu.dma_semaphore, #tpu.memory_space<semaphore_mem>>) src(%dma_wait3A_45 : memref<16xi32, #tpu.memory_space<hbm>>) dst(%arg13 : memref<16xi32, #tpu.memory_space<vmem>>)
      tpu.yield
    }) : () -> ()
    %get3A = arith.constant 0 : index
    %get3A_4 = tpu.vector_load %arg13[%get3A] {strides = array<i32>} : memref<16xi32, #tpu.memory_space<vmem>>, vector<16xi32>,
    %get3A_5 = vector.shape_cast %get3A_4 : vector<16xi32> to vector<16xi32>
    %slice3A = vector.extract_strided_slice %get3A_5 {offsets = [0], sizes = [1], strides = [1]} : vector<16xi32> to vector<1xi32>
    %squeeze3A = vector.extract %slice3A[0] : i32 from vector<1xi32>
    %mul3A_6 = arith.constant 16 : i32
    %mul3A_7 = arith.muli %arg1, %mul3A_6 : i32
    %add3A = arith.constant 512 : i32
    %add3A_8 = arith.addi %add3A, %mul3A_7 : i32
    "tpu.region"() ({
      %run_scoped3A = tpu.sem_alloc : memref<!tpu.dma_semaphore, #tpu.memory_space<semaphore_mem>>
      %dma_start3A = tpu.memref_slice %arg6[%add3A_8] : memref<1024xi32, #tpu.memory_space<hbm>> -> memref<16xi32, #tpu.memory_space<hbm>>
      %dma_start3A_44 = tpu.memref_slice %arg6[%add3A_8] : memref<1024xi32, #tpu.memory_space<hbm>> -> memref<16xi32, #tpu.memory_space<hbm>>
      tpu.enqueue_dma source(%dma_start3A_44 : memref<16xi32, #tpu.memory_space<hbm>>) target(%arg13 : memref<16xi32, #tpu.memory_space<vmem>>) target_semaphore(%run_scoped3A : memref<!tpu.dma_semaphore, #tpu.memory_space<semaphore_mem>>)
      %dma_wait3A = tpu.memref_slice %arg6[%add3A_8] : memref<1024xi32, #tpu.memory_space<hbm>> -> memref<16xi32, #tpu.memory_space<hbm>>
      %dma_wait3A_45 = tpu.memref_slice %arg6[%add3A_8] : memref<1024xi32, #tpu.memory_space<hbm>> -> memref<16xi32, #tpu.memory_space<hbm>>
      tpu.wait_dma2 semaphore(%run_scoped3A : memref<!tpu.dma_semaphore, #tpu.memory_space<semaphore_mem>>) src(%dma_wait3A_45 : memref<16xi32, #tpu.memory_space<hbm>>) dst(%arg13 : memref<16xi32, #tpu.memory_space<vmem>>)
      tpu.yield
    }) : () -> ()
    %get3A_9 = arith.constant 0 : index
    %get3A_10 = tpu.vector_load %arg13[%get3A_9] {strides = array<i32>} : memref<16xi32, #tpu.memory_space<vmem>>, vector<16xi32>,
    %get3A_11 = vector.shape_cast %get3A_10 : vector<16xi32> to vector<16xi32>
    %slice3A_12 = vector.extract_strided_slice %get3A_11 {offsets = [0], sizes = [1], strides = [1]} : vector<16xi32> to vector<1xi32>
    %squeeze3A_13 = vector.extract %slice3A_12[0] : i32 from vector<1xi32>
    %multiple_of3A = tpu.assume_multiple %squeeze3A_13, 128 : i32
    %add3A_14 = arith.constant 16 : i32
    %add3A_15 = arith.addi %arg1, %add3A_14 : i32
    %mul3A_16 = arith.constant 16 : i32
    %mul3A_17 = arith.muli %add3A_15, %mul3A_16 : i32
    "tpu.region"() ({
      %run_scoped3A = tpu.sem_alloc : memref<!tpu.dma_semaphore, #tpu.memory_space<semaphore_mem>>
      %dma_start3A = tpu.memref_slice %arg6[%mul3A_17] : memref<1024xi32, #tpu.memory_space<hbm>> -> memref<16xi32, #tpu.memory_space<hbm>>
      %dma_start3A_44 = tpu.memref_slice %arg6[%mul3A_17] : memref<1024xi32, #tpu.memory_space<hbm>> -> memref<16xi32, #tpu.memory_space<hbm>>
      tpu.enqueue_dma source(%dma_start3A_44 : memref<16xi32, #tpu.memory_space<hbm>>) target(%arg13 : memref<16xi32, #tpu.memory_space<vmem>>) target_semaphore(%run_scoped3A : memref<!tpu.dma_semaphore, #tpu.memory_space<semaphore_mem>>)
      %dma_wait3A = tpu.memref_slice %arg6[%mul3A_17] : memref<1024xi32, #tpu.memory_space<hbm>> -> memref<16xi32, #tpu.memory_space<hbm>>
      %dma_wait3A_45 = tpu.memref_slice %arg6[%mul3A_17] : memref<1024xi32, #tpu.memory_space<hbm>> -> memref<16xi32, #tpu.memory_space<hbm>>
      tpu.wait_dma2 semaphore(%run_scoped3A : memref<!tpu.dma_semaphore, #tpu.memory_space<semaphore_mem>>) src(%dma_wait3A_45 : memref<16xi32, #tpu.memory_space<hbm>>) dst(%arg13 : memref<16xi32, #tpu.memory_space<vmem>>)
      tpu.yield
    }) : () -> ()
    %get3A_18 = arith.constant 0 : index
    %get3A_19 = tpu.vector_load %arg13[%get3A_18] {strides = array<i32>} : memref<16xi32, #tpu.memory_space<vmem>>, vector<16xi32>,
    %get3A_20 = vector.shape_cast %get3A_19 : vector<16xi32> to vector<16xi32>
    %slice3A_21 = vector.extract_strided_slice %get3A_20 {offsets = [0], sizes = [1], strides = [1]} : vector<16xi32> to vector<1xi32>
    %squeeze3A_22 = vector.extract %slice3A_21[0] : i32 from vector<1xi32>
    %add3A_23 = arith.constant 16 : i32
    %add3A_24 = arith.addi %arg1, %add3A_23 : i32
    %mul3A_25 = arith.constant 16 : i32
    %mul3A_26 = arith.muli %add3A_24, %mul3A_25 : i32
    %add3A_27 = arith.constant 512 : i32
    %add3A_28 = arith.addi %add3A_27, %mul3A_26 : i32
    "tpu.region"() ({
      %run_scoped3A = tpu.sem_alloc : memref<!tpu.dma_semaphore, #tpu.memory_space<semaphore_mem>>
      %dma_start3A = tpu.memref_slice %arg6[%add3A_28] : memref<1024xi32, #tpu.memory_space<hbm>> -> memref<16xi32, #tpu.memory_space<hbm>>
      %dma_start3A_44 = tpu.memref_slice %arg6[%add3A_28] : memref<1024xi32, #tpu.memory_space<hbm>> -> memref<16xi32, #tpu.memory_space<hbm>>
      tpu.enqueue_dma source(%dma_start3A_44 : memref<16xi32, #tpu.memory_space<hbm>>) target(%arg13 : memref<16xi32, #tpu.memory_space<vmem>>) target_semaphore(%run_scoped3A : memref<!tpu.dma_semaphore, #tpu.memory_space<semaphore_mem>>)
      %dma_wait3A = tpu.memref_slice %arg6[%add3A_28] : memref<1024xi32, #tpu.memory_space<hbm>> -> memref<16xi32, #tpu.memory_space<hbm>>
      %dma_wait3A_45 = tpu.memref_slice %arg6[%add3A_28] : memref<1024xi32, #tpu.memory_space<hbm>> -> memref<16xi32, #tpu.memory_space<hbm>>
      tpu.wait_dma2 semaphore(%run_scoped3A : memref<!tpu.dma_semaphore, #tpu.memory_space<semaphore_mem>>) src(%dma_wait3A_45 : memref<16xi32, #tpu.memory_space<hbm>>) dst(%arg13 : memref<16xi32, #tpu.memory_space<vmem>>)
      tpu.yield
    }) : () -> ()
    %get3A_29 = arith.constant 0 : index
    %get3A_30 = tpu.vector_load %arg13[%get3A_29] {strides = array<i32>} : memref<16xi32, #tpu.memory_space<vmem>>, vector<16xi32>,
    %get3A_31 = vector.shape_cast %get3A_30 : vector<16xi32> to vector<16xi32>
    %slice3A_32 = vector.extract_strided_slice %get3A_31 {offsets = [0], sizes = [1], strides = [1]} : vector<16xi32> to vector<1xi32>
    %squeeze3A_33 = vector.extract %slice3A_32[0] : i32 from vector<1xi32>
    %multiple_of3A_34 = tpu.assume_multiple %squeeze3A_33, 128 : i32
    %scan3A = arith.constant 0 : i32
    %scan3A_35 = arith.constant 3138 : i32
    %scan3A_36 = arith.addi %scan3A, %scan3A_35 : i32
    %scan3A_37 = arith.constant 1 : i32
    scf.for %scan3A_44 = %scan3A to %scan3A_36 step %scan3A_37  : i32 {
      %mul3A_45 = arith.constant 1 : i32
      %mul3A_46 = arith.muli %scan3A_44, %mul3A_45 : i32
      %add3A_47 = arith.constant 0 : i32
      %add3A_48 = arith.addi %add3A_47, %mul3A_46 : i32
      %swap3A = arith.index_cast %add3A_48 : i32 to index
      %swap3A_49 = arith.constant 0 : index
      %swap3A_50 = tpu.vector_load %arg12[%swap3A, %swap3A_49] {strides = array<i32>} : memref<3138x16xf32, #tpu.memory_space<vmem>>, vector<1x16xf32>,
      %swap3A_51 = vector.shape_cast %swap3A_50 : vector<1x16xf32> to vector<16xf32>
      %swap3A_52 = vector.shape_cast %broadcast_in_dim3A_0 : vector<16xf32> to vector<1x16xf32>
      tpu.vector_store %arg12[%swap3A, %swap3A_49], %swap3A_52 {strides = array<i32>} : memref<3138x16xf32, #tpu.memory_space<vmem>>, vector<1x16xf32>,
    }
    %scan3A_38 = arith.constant 3138 : i32
    %scan3A_39 = arith.constant 0 : i32
    %scan3A_40 = arith.constant 2 : i32
    %scan3A_41 = arith.addi %scan3A_39, %scan3A_40 : i32
    %scan3A_42 = arith.constant 1 : i32
    scf.for %scan3A_44 = %scan3A_39 to %scan3A_41 step %scan3A_42  : i32 {
      %mul3A_45 = arith.constant 1 : i32
      %mul3A_46 = arith.muli %scan3A_44, %mul3A_45 : i32
      %add3A_47 = arith.constant 0 : i32
      %add3A_48 = arith.addi %add3A_47, %mul3A_46 : i32
      %mul3A_49 = arith.constant 2 : i32
      %mul3A_50 = arith.muli %arg0, %mul3A_49 : i32
      %add3A_51 = arith.addi %mul3A_50, %add3A_48 : i32
      %mul3A_52 = arith.constant 50000 : i32
      %mul3A_53 = arith.muli %add3A_51, %mul3A_52 : i32
      "tpu.region"() ({
        %run_scoped3A = tpu.sem_alloc : memref<!tpu.dma_semaphore, #tpu.memory_space<semaphore_mem>>
        %dma_start3A = arith.constant 0 : i32
        %dma_start3A_76 = tpu.memref_slice %arg14[%mul3A_1, %dma_start3A] : memref<50208x16xf32, #tpu.memory_space<vmem_shared>> -> memref<3138x16xf32, #tpu.memory_space<vmem_shared>>
        %dma_start3A_77 = arith.constant 0 : i32
        %dma_start3A_78 = tpu.memref_slice %arg14[%mul3A_1, %dma_start3A_77] : memref<50208x16xf32, #tpu.memory_space<vmem_shared>> -> memref<3138x16xf32, #tpu.memory_space<vmem_shared>>
        tpu.enqueue_dma source(%arg12 : memref<3138x16xf32, #tpu.memory_space<vmem>>) target(%dma_start3A_78 : memref<3138x16xf32, #tpu.memory_space<vmem_shared>>) target_semaphore(%run_scoped3A : memref<!tpu.dma_semaphore, #tpu.memory_space<semaphore_mem>>)
        %dma_wait3A = arith.constant 0 : i32
        %dma_wait3A_79 = tpu.memref_slice %arg14[%mul3A_1, %dma_wait3A] : memref<50208x16xf32, #tpu.memory_space<vmem_shared>> -> memref<3138x16xf32, #tpu.memory_space<vmem_shared>>
        %dma_wait3A_80 = arith.constant 0 : i32
        %dma_wait3A_81 = tpu.memref_slice %arg14[%mul3A_1, %dma_wait3A_80] : memref<50208x16xf32, #tpu.memory_space<vmem_shared>> -> memref<3138x16xf32, #tpu.memory_space<vmem_shared>>
        tpu.wait_dma2 semaphore(%run_scoped3A : memref<!tpu.dma_semaphore, #tpu.memory_space<semaphore_mem>>) src(%arg12 : memref<3138x16xf32, #tpu.memory_space<vmem>>) dst(%dma_wait3A_81 : memref<3138x16xf32, #tpu.memory_space<vmem_shared>>)
        tpu.yield
      }) : () -> ()
      %barrier3A = arith.constant 0 : index
      tpu.barrier barrier_id(%barrier3A)
      %add3A_54 = arith.addi %squeeze3A, %squeeze3A_22 : i32
      %sub3A = arith.constant 0 : i32
      %sub3A_55 = arith.subi %add3A_54, %sub3A : i32
      %sub3A_56 = arith.constant 1 : i32
      %sub3A_57 = arith.constant 1 : i32
      %sub3A_58 = arith.subi %sub3A_56, %sub3A_57 : i32
      %add3A_59 = arith.addi %sub3A_55, %sub3A_58 : i32
      %div3A = arith.constant 1 : i32
      %div3A_60 = arith.divsi %add3A_59, %div3A : i32
      %while3A = arith.constant 1 : i32
      %while3A_61 = arith.constant 0 : i32
      %while3A_62 = arith.constant 0 : i32
      %while3A_63 = arith.subi %div3A_60, %while3A_62 : i32
      %while3A_64 = arith.addi %while3A_62, %while3A_63 : i32
      %while3A_65 = arith.constant 1 : i32
      %while3A_66 = arith.divsi %while3A_63, %while3A_65 : i32
      %while3A_67 = arith.muli %while3A_66, %while3A_65 : i32
      %while3A_68 = arith.addi %while3A_62, %while3A_67 : i32
      %while3A_69 = arith.constant 1 : i32
      scf.for %while3A_76 = %while3A_62 to %while3A_68 step %while3A_69  : i32 {
        %mul3A_77 = arith.muli %while3A_76, %while3A : i32
        %add3A_78 = arith.addi %while3A_61, %mul3A_77 : i32
        %ge3A = arith.cmpi sge, %add3A_78, %squeeze3A : i32
        %sub3A_79 = arith.subi %add3A_78, %squeeze3A : i32
        %mul3A_80 = arith.constant 128 : i32
        %mul3A_81 = arith.muli %sub3A_79, %mul3A_80 : i32
        %add3A_82 = arith.addi %multiple_of3A_34, %mul3A_81 : i32
        %mul3A_83 = arith.constant 128 : i32
        %mul3A_84 = arith.muli %add3A_78, %mul3A_83 : i32
        %add3A_85 = arith.addi %multiple_of3A, %mul3A_84 : i32
        %select_n3A = arith.select %ge3A, %add3A_82, %add3A_85 : i32
        %multiple_of3A_86 = tpu.assume_multiple %select_n3A, 128 : i32
        "tpu.region"() ({
          %run_scoped3A = tpu.sem_alloc : memref<!tpu.dma_semaphore, #tpu.memory_space<semaphore_mem>>
          %dma_start3A_104 = tpu.memref_slice %arg4[%multiple_of3A_86] : memref<811008xi32, #tpu.memory_space<hbm>> -> memref<128xi32, #tpu.memory_space<hbm>>
          %dma_start3A_105 = tpu.memref_slice %arg4[%multiple_of3A_86] : memref<811008xi32, #tpu.memory_space<hbm>> -> memref<128xi32, #tpu.memory_space<hbm>>
          tpu.enqueue_dma source(%dma_start3A_105 : memref<128xi32, #tpu.memory_space<hbm>>) target(%arg8 : memref<128xi32, #tpu.memory_space<vmem>>) target_semaphore(%run_scoped3A : memref<!tpu.dma_semaphore, #tpu.memory_space<semaphore_mem>>)
          %dma_wait3A_106 = tpu.memref_slice %arg4[%multiple_of3A_86] : memref<811008xi32, #tpu.memory_space<hbm>> -> memref<128xi32, #tpu.memory_space<hbm>>
          %dma_wait3A_107 = tpu.memref_slice %arg4[%multiple_of3A_86] : memref<811008xi32, #tpu.memory_space<hbm>> -> memref<128xi32, #tpu.memory_space<hbm>>
          tpu.wait_dma2 semaphore(%run_scoped3A : memref<!tpu.dma_semaphore, #tpu.memory_space<semaphore_mem>>) src(%dma_wait3A_107 : memref<128xi32, #tpu.memory_space<hbm>>) dst(%arg8 : memref<128xi32, #tpu.memory_space<vmem>>)
          tpu.yield
        }) : () -> ()
        "tpu.region"() ({
          %run_scoped3A = tpu.sem_alloc : memref<!tpu.dma_semaphore, #tpu.memory_space<semaphore_mem>>
          %dma_start3A_104 = tpu.memref_slice %arg5[%multiple_of3A_86] : memref<811008xi32, #tpu.memory_space<hbm>> -> memref<128xi32, #tpu.memory_space<hbm>>
          %dma_start3A_105 = tpu.memref_slice %arg5[%multiple_of3A_86] : memref<811008xi32, #tpu.memory_space<hbm>> -> memref<128xi32, #tpu.memory_space<hbm>>
          tpu.enqueue_dma source(%dma_start3A_105 : memref<128xi32, #tpu.memory_space<hbm>>) target(%arg9 : memref<128xi32, #tpu.memory_space<vmem>>) target_semaphore(%run_scoped3A : memref<!tpu.dma_semaphore, #tpu.memory_space<semaphore_mem>>)
          %dma_wait3A_106 = tpu.memref_slice %arg5[%multiple_of3A_86] : memref<811008xi32, #tpu.memory_space<hbm>> -> memref<128xi32, #tpu.memory_space<hbm>>
          %dma_wait3A_107 = tpu.memref_slice %arg5[%multiple_of3A_86] : memref<811008xi32, #tpu.memory_space<hbm>> -> memref<128xi32, #tpu.memory_space<hbm>>
          tpu.wait_dma2 semaphore(%run_scoped3A : memref<!tpu.dma_semaphore, #tpu.memory_space<semaphore_mem>>) src(%dma_wait3A_107 : memref<128xi32, #tpu.memory_space<hbm>>) dst(%arg9 : memref<128xi32, #tpu.memory_space<vmem>>)
          tpu.yield
        }) : () -> ()
        %mul3A_87 = arith.constant 811008 : i32
        %mul3A_88 = arith.muli %add3A_51, %mul3A_87 : i32
        %add3A_89 = arith.addi %mul3A_88, %multiple_of3A_86 : i32
        "tpu.region"() ({
          %run_scoped3A = tpu.sem_alloc : memref<!tpu.dma_semaphore, #tpu.memory_space<semaphore_mem>>
          %dma_start3A_104 = arith.constant 0 : i32
          %dma_start3A_105 = tpu.memref_slice %arg3[%add3A_89, %dma_start3A_104] : memref<3244032x16xf32, #tpu.memory_space<hbm>> -> memref<128x16xf32, #tpu.memory_space<hbm>>
          %dma_start3A_106 = arith.constant 0 : i32
          %dma_start3A_107 = tpu.memref_slice %arg3[%add3A_89, %dma_start3A_106] : memref<3244032x16xf32, #tpu.memory_space<hbm>> -> memref<128x16xf32, #tpu.memory_space<hbm>>
          tpu.enqueue_dma source(%dma_start3A_107 : memref<128x16xf32, #tpu.memory_space<hbm>>) target(%arg10 : memref<128x16xf32, #tpu.memory_space<vmem>>) target_semaphore(%run_scoped3A : memref<!tpu.dma_semaphore, #tpu.memory_space<semaphore_mem>>)
          %dma_wait3A_108 = arith.constant 0 : i32
          %dma_wait3A_109 = tpu.memref_slice %arg3[%add3A_89, %dma_wait3A_108] : memref<3244032x16xf32, #tpu.memory_space<hbm>> -> memref<128x16xf32, #tpu.memory_space<hbm>>
          %dma_wait3A_110 = arith.constant 0 : i32
          %dma_wait3A_111 = tpu.memref_slice %arg3[%add3A_89, %dma_wait3A_110] : memref<3244032x16xf32, #tpu.memory_space<hbm>> -> memref<128x16xf32, #tpu.memory_space<hbm>>
          tpu.wait_dma2 semaphore(%run_scoped3A : memref<!tpu.dma_semaphore, #tpu.memory_space<semaphore_mem>>) src(%dma_wait3A_111 : memref<128x16xf32, #tpu.memory_space<hbm>>) dst(%arg10 : memref<128x16xf32, #tpu.memory_space<vmem>>)
          tpu.yield
        }) : () -> ()
        %scan3A_90 = arith.constant 0 : i32
        %scan3A_91 = arith.constant 8 : i32
        %scan3A_92 = arith.addi %scan3A_90, %scan3A_91 : i32
        %scan3A_93 = arith.constant 1 : i32
        scf.for %scan3A_104 = %scan3A_90 to %scan3A_92 step %scan3A_93  : i32 {
          %mul3A_105 = arith.constant 1 : i32
          %mul3A_106 = arith.muli %scan3A_104, %mul3A_105 : i32
          %add3A_107 = arith.constant 0 : i32
          %add3A_108 = arith.addi %add3A_107, %mul3A_106 : i32
          %mul3A_109 = arith.constant 16 : i32
          %mul3A_110 = arith.muli %add3A_108, %mul3A_109 : i32
          %get3A_111 = arith.index_cast %mul3A_110 : i32 to index
          %get3A_112 = tpu.vector_load %arg8[%get3A_111] {strides = array<i32>} : memref<128xi32, #tpu.memory_space<vmem>>, vector<16xi32>,
          %get3A_113 = vector.shape_cast %get3A_112 : vector<16xi32> to vector<16xi32>
          %add3A_114 = vector.broadcast %mul3A_53 : i32 to vector<16xi32>
          %add3A_115 = arith.addi %get3A_113, %add3A_114 : vector<16xi32>
          %mul3A_116 = arith.constant 16 : i32
          %mul3A_117 = arith.muli %add3A_108, %mul3A_116 : i32
          %swap3A = arith.index_cast %mul3A_117 : i32 to index
          %swap3A_118 = tpu.vector_load %arg8[%swap3A] {strides = array<i32>} : memref<128xi32, #tpu.memory_space<vmem>>, vector<16xi32>,
          %swap3A_119 = vector.shape_cast %swap3A_118 : vector<16xi32> to vector<16xi32>
          %swap3A_120 = vector.shape_cast %add3A_115 : vector<16xi32> to vector<16xi32>
          tpu.vector_store %arg8[%swap3A], %swap3A_120 {strides = array<i32>} : memref<128xi32, #tpu.memory_space<vmem>>, vector<16xi32>,
        }
        %scan3A_94 = arith.constant 8 : i32
        %dma_start3A = arith.constant 0 : i32
        %dma_start3A_95 = arith.constant 0 : i32
        %dma_start3A_96 = tpu.memref_slice %arg2[%dma_start3A, %dma_start3A_95] : memref<200000x16xf32, #tpu.memory_space<hbm>> -> memref<200000x16xf32, #tpu.memory_space<hbm>>
        tpu.enqueue_indirect_dma source(%dma_start3A_96 : memref<200000x16xf32, #tpu.memory_space<hbm>>) target(%arg11 : memref<128x16xf32, #tpu.memory_space<vmem>>) offsets(%arg8 : memref<128xi32, #tpu.memory_space<vmem>>) semaphore(%arg15 : memref<!tpu.dma_semaphore, #tpu.memory_space<semaphore_mem>>)
        %dma_wait3A = arith.constant 0 : i32
        %dma_wait3A_97 = arith.constant 0 : i32
        %dma_wait3A_98 = tpu.memref_slice %arg2[%dma_wait3A, %dma_wait3A_97] : memref<200000x16xf32, #tpu.memory_space<hbm>> -> memref<200000x16xf32, #tpu.memory_space<hbm>>
        tpu.wait_indirect_dma semaphore(%arg15 : memref<!tpu.dma_semaphore, #tpu.memory_space<semaphore_mem>>) src(%dma_wait3A_98 : memref<200000x16xf32, #tpu.memory_space<hbm>>) dst(%arg11 : memref<128x16xf32, #tpu.memory_space<vmem>>)
        %scan3A_99 = arith.constant 0 : i32
        %scan3A_100 = arith.constant 128 : i32
        %scan3A_101 = arith.addi %scan3A_99, %scan3A_100 : i32
        %scan3A_102 = arith.constant 1 : i32
        scf.for %scan3A_104 = %scan3A_99 to %scan3A_101 step %scan3A_102  : i32 {
          %mul3A_105 = arith.constant 1 : i32
          %mul3A_106 = arith.muli %scan3A_104, %mul3A_105 : i32
          %add3A_107 = arith.constant 0 : i32
          %add3A_108 = arith.addi %add3A_107, %mul3A_106 : i32
          %get3A_109 = arith.index_cast %add3A_108 : i32 to index
          %get3A_110 = arith.constant 0 : index
          %get3A_111 = tpu.vector_load %arg11[%get3A_109, %get3A_110] {strides = array<i32>} : memref<128x16xf32, #tpu.memory_space<vmem>>, vector<1x16xf32>,
          %get3A_112 = vector.shape_cast %get3A_111 : vector<1x16xf32> to vector<16xf32>
          %get3A_113 = arith.index_cast %add3A_108 : i32 to index
          %get3A_114 = arith.constant 0 : index
          %get3A_115 = tpu.vector_load %arg10[%get3A_113, %get3A_114] {strides = array<i32>} : memref<128x16xf32, #tpu.memory_space<vmem>>, vector<1x16xf32>,
          %get3A_116 = vector.shape_cast %get3A_115 : vector<1x16xf32> to vector<16xf32>
          %add3A_117 = arith.addf %get3A_112, %get3A_116 : vector<16xf32>
          %max3A = arith.constant 0.000000e+00 : f32
          %max3A_118 = vector.broadcast %max3A : f32 to vector<16xf32>
          %max3A_119 = arith.maximumf %add3A_117, %max3A_118 : vector<16xf32>
          %swap3A = arith.index_cast %add3A_108 : i32 to index
          %swap3A_120 = arith.constant 0 : index
          %swap3A_121 = tpu.vector_load %arg11[%swap3A, %swap3A_120] {strides = array<i32>} : memref<128x16xf32, #tpu.memory_space<vmem>>, vector<1x16xf32>,
          %swap3A_122 = vector.shape_cast %swap3A_121 : vector<1x16xf32> to vector<16xf32>
          %swap3A_123 = vector.shape_cast %max3A_119 : vector<16xf32> to vector<1x16xf32>
          tpu.vector_store %arg11[%swap3A, %swap3A_120], %swap3A_123 {strides = array<i32>} : memref<128x16xf32, #tpu.memory_space<vmem>>, vector<1x16xf32>,
        }
        %scan3A_103 = arith.constant 128 : i32
        "tpu.region"() ({
          %run_scoped3A = tpu.sem_alloc : memref<!tpu.dma_semaphore, #tpu.memory_space<semaphore_mem>>
          %dma_start3A_104 = arith.constant 0 : i32
          %dma_start3A_105 = arith.constant 0 : i32
          %dma_start3A_106 = tpu.memref_slice %arg14[%dma_start3A_104, %dma_start3A_105] : memref<50208x16xf32, #tpu.memory_space<vmem_shared>> -> memref<50208x16xf32, #tpu.memory_space<vmem_shared>>
          tpu.enqueue_indirect_dma source(%arg11 : memref<128x16xf32, #tpu.memory_space<vmem>>) target(%dma_start3A_106 : memref<50208x16xf32, #tpu.memory_space<vmem_shared>>) offsets(%arg9 : memref<128xi32, #tpu.memory_space<vmem>>) semaphore(%run_scoped3A : memref<!tpu.dma_semaphore, #tpu.memory_space<semaphore_mem>>) {add = true}
          %dma_wait3A_107 = arith.constant 0 : i32
          %dma_wait3A_108 = arith.constant 0 : i32
          %dma_wait3A_109 = tpu.memref_slice %arg14[%dma_wait3A_107, %dma_wait3A_108] : memref<50208x16xf32, #tpu.memory_space<vmem_shared>> -> memref<50208x16xf32, #tpu.memory_space<vmem_shared>>
          tpu.wait_indirect_dma semaphore(%run_scoped3A : memref<!tpu.dma_semaphore, #tpu.memory_space<semaphore_mem>>) src(%arg11 : memref<128x16xf32, #tpu.memory_space<vmem>>) dst(%dma_wait3A_109 : memref<50208x16xf32, #tpu.memory_space<vmem_shared>>)
          tpu.yield
        }) : () -> ()
      }
      %while3A_70 = arith.constant 1 : i32
      scf.for %while3A_76 = %while3A_68 to %while3A_64 step %while3A_70  : i32 {
        %mul3A_77 = arith.muli %while3A_76, %while3A : i32
        %add3A_78 = arith.addi %while3A_61, %mul3A_77 : i32
        %ge3A = arith.cmpi sge, %add3A_78, %squeeze3A : i32
        %sub3A_79 = arith.subi %add3A_78, %squeeze3A : i32
        %mul3A_80 = arith.constant 128 : i32
        %mul3A_81 = arith.muli %sub3A_79, %mul3A_80 : i32
        %add3A_82 = arith.addi %multiple_of3A_34, %mul3A_81 : i32
        %mul3A_83 = arith.constant 128 : i32
        %mul3A_84 = arith.muli %add3A_78, %mul3A_83 : i32
        %add3A_85 = arith.addi %multiple_of3A, %mul3A_84 : i32
        %select_n3A = arith.select %ge3A, %add3A_82, %add3A_85 : i32
        %multiple_of3A_86 = tpu.assume_multiple %select_n3A, 128 : i32
        "tpu.region"() ({
          %run_scoped3A = tpu.sem_alloc : memref<!tpu.dma_semaphore, #tpu.memory_space<semaphore_mem>>
          %dma_start3A_104 = tpu.memref_slice %arg4[%multiple_of3A_86] : memref<811008xi32, #tpu.memory_space<hbm>> -> memref<128xi32, #tpu.memory_space<hbm>>
          %dma_start3A_105 = tpu.memref_slice %arg4[%multiple_of3A_86] : memref<811008xi32, #tpu.memory_space<hbm>> -> memref<128xi32, #tpu.memory_space<hbm>>
          tpu.enqueue_dma source(%dma_start3A_105 : memref<128xi32, #tpu.memory_space<hbm>>) target(%arg8 : memref<128xi32, #tpu.memory_space<vmem>>) target_semaphore(%run_scoped3A : memref<!tpu.dma_semaphore, #tpu.memory_space<semaphore_mem>>)
          %dma_wait3A_106 = tpu.memref_slice %arg4[%multiple_of3A_86] : memref<811008xi32, #tpu.memory_space<hbm>> -> memref<128xi32, #tpu.memory_space<hbm>>
          %dma_wait3A_107 = tpu.memref_slice %arg4[%multiple_of3A_86] : memref<811008xi32, #tpu.memory_space<hbm>> -> memref<128xi32, #tpu.memory_space<hbm>>
          tpu.wait_dma2 semaphore(%run_scoped3A : memref<!tpu.dma_semaphore, #tpu.memory_space<semaphore_mem>>) src(%dma_wait3A_107 : memref<128xi32, #tpu.memory_space<hbm>>) dst(%arg8 : memref<128xi32, #tpu.memory_space<vmem>>)
          tpu.yield
        }) : () -> ()
        "tpu.region"() ({
          %run_scoped3A = tpu.sem_alloc : memref<!tpu.dma_semaphore, #tpu.memory_space<semaphore_mem>>
          %dma_start3A_104 = tpu.memref_slice %arg5[%multiple_of3A_86] : memref<811008xi32, #tpu.memory_space<hbm>> -> memref<128xi32, #tpu.memory_space<hbm>>
          %dma_start3A_105 = tpu.memref_slice %arg5[%multiple_of3A_86] : memref<811008xi32, #tpu.memory_space<hbm>> -> memref<128xi32, #tpu.memory_space<hbm>>
          tpu.enqueue_dma source(%dma_start3A_105 : memref<128xi32, #tpu.memory_space<hbm>>) target(%arg9 : memref<128xi32, #tpu.memory_space<vmem>>) target_semaphore(%run_scoped3A : memref<!tpu.dma_semaphore, #tpu.memory_space<semaphore_mem>>)
          %dma_wait3A_106 = tpu.memref_slice %arg5[%multiple_of3A_86] : memref<811008xi32, #tpu.memory_space<hbm>> -> memref<128xi32, #tpu.memory_space<hbm>>
          %dma_wait3A_107 = tpu.memref_slice %arg5[%multiple_of3A_86] : memref<811008xi32, #tpu.memory_space<hbm>> -> memref<128xi32, #tpu.memory_space<hbm>>
          tpu.wait_dma2 semaphore(%run_scoped3A : memref<!tpu.dma_semaphore, #tpu.memory_space<semaphore_mem>>) src(%dma_wait3A_107 : memref<128xi32, #tpu.memory_space<hbm>>) dst(%arg9 : memref<128xi32, #tpu.memory_space<vmem>>)
          tpu.yield
        }) : () -> ()
        %mul3A_87 = arith.constant 811008 : i32
        %mul3A_88 = arith.muli %add3A_51, %mul3A_87 : i32
        %add3A_89 = arith.addi %mul3A_88, %multiple_of3A_86 : i32
        "tpu.region"() ({
          %run_scoped3A = tpu.sem_alloc : memref<!tpu.dma_semaphore, #tpu.memory_space<semaphore_mem>>
          %dma_start3A_104 = arith.constant 0 : i32
          %dma_start3A_105 = tpu.memref_slice %arg3[%add3A_89, %dma_start3A_104] : memref<3244032x16xf32, #tpu.memory_space<hbm>> -> memref<128x16xf32, #tpu.memory_space<hbm>>
          %dma_start3A_106 = arith.constant 0 : i32
          %dma_start3A_107 = tpu.memref_slice %arg3[%add3A_89, %dma_start3A_106] : memref<3244032x16xf32, #tpu.memory_space<hbm>> -> memref<128x16xf32, #tpu.memory_space<hbm>>
          tpu.enqueue_dma source(%dma_start3A_107 : memref<128x16xf32, #tpu.memory_space<hbm>>) target(%arg10 : memref<128x16xf32, #tpu.memory_space<vmem>>) target_semaphore(%run_scoped3A : memref<!tpu.dma_semaphore, #tpu.memory_space<semaphore_mem>>)
          %dma_wait3A_108 = arith.constant 0 : i32
          %dma_wait3A_109 = tpu.memref_slice %arg3[%add3A_89, %dma_wait3A_108] : memref<3244032x16xf32, #tpu.memory_space<hbm>> -> memref<128x16xf32, #tpu.memory_space<hbm>>
          %dma_wait3A_110 = arith.constant 0 : i32
          %dma_wait3A_111 = tpu.memref_slice %arg3[%add3A_89, %dma_wait3A_110] : memref<3244032x16xf32, #tpu.memory_space<hbm>> -> memref<128x16xf32, #tpu.memory_space<hbm>>
          tpu.wait_dma2 semaphore(%run_scoped3A : memref<!tpu.dma_semaphore, #tpu.memory_space<semaphore_mem>>) src(%dma_wait3A_111 : memref<128x16xf32, #tpu.memory_space<hbm>>) dst(%arg10 : memref<128x16xf32, #tpu.memory_space<vmem>>)
          tpu.yield
        }) : () -> ()
        %scan3A_90 = arith.constant 0 : i32
        %scan3A_91 = arith.constant 8 : i32
        %scan3A_92 = arith.addi %scan3A_90, %scan3A_91 : i32
        %scan3A_93 = arith.constant 1 : i32
        scf.for %scan3A_104 = %scan3A_90 to %scan3A_92 step %scan3A_93  : i32 {
          %mul3A_105 = arith.constant 1 : i32
          %mul3A_106 = arith.muli %scan3A_104, %mul3A_105 : i32
          %add3A_107 = arith.constant 0 : i32
          %add3A_108 = arith.addi %add3A_107, %mul3A_106 : i32
          %mul3A_109 = arith.constant 16 : i32
          %mul3A_110 = arith.muli %add3A_108, %mul3A_109 : i32
          %get3A_111 = arith.index_cast %mul3A_110 : i32 to index
          %get3A_112 = tpu.vector_load %arg8[%get3A_111] {strides = array<i32>} : memref<128xi32, #tpu.memory_space<vmem>>, vector<16xi32>,
          %get3A_113 = vector.shape_cast %get3A_112 : vector<16xi32> to vector<16xi32>
          %add3A_114 = vector.broadcast %mul3A_53 : i32 to vector<16xi32>
          %add3A_115 = arith.addi %get3A_113, %add3A_114 : vector<16xi32>
          %mul3A_116 = arith.constant 16 : i32
          %mul3A_117 = arith.muli %add3A_108, %mul3A_116 : i32
          %swap3A = arith.index_cast %mul3A_117 : i32 to index
          %swap3A_118 = tpu.vector_load %arg8[%swap3A] {strides = array<i32>} : memref<128xi32, #tpu.memory_space<vmem>>, vector<16xi32>,
          %swap3A_119 = vector.shape_cast %swap3A_118 : vector<16xi32> to vector<16xi32>
          %swap3A_120 = vector.shape_cast %add3A_115 : vector<16xi32> to vector<16xi32>
          tpu.vector_store %arg8[%swap3A], %swap3A_120 {strides = array<i32>} : memref<128xi32, #tpu.memory_space<vmem>>, vector<16xi32>,
        }
        %scan3A_94 = arith.constant 8 : i32
        %dma_start3A = arith.constant 0 : i32
        %dma_start3A_95 = arith.constant 0 : i32
        %dma_start3A_96 = tpu.memref_slice %arg2[%dma_start3A, %dma_start3A_95] : memref<200000x16xf32, #tpu.memory_space<hbm>> -> memref<200000x16xf32, #tpu.memory_space<hbm>>
        tpu.enqueue_indirect_dma source(%dma_start3A_96 : memref<200000x16xf32, #tpu.memory_space<hbm>>) target(%arg11 : memref<128x16xf32, #tpu.memory_space<vmem>>) offsets(%arg8 : memref<128xi32, #tpu.memory_space<vmem>>) semaphore(%arg15 : memref<!tpu.dma_semaphore, #tpu.memory_space<semaphore_mem>>)
        %dma_wait3A = arith.constant 0 : i32
        %dma_wait3A_97 = arith.constant 0 : i32
        %dma_wait3A_98 = tpu.memref_slice %arg2[%dma_wait3A, %dma_wait3A_97] : memref<200000x16xf32, #tpu.memory_space<hbm>> -> memref<200000x16xf32, #tpu.memory_space<hbm>>
        tpu.wait_indirect_dma semaphore(%arg15 : memref<!tpu.dma_semaphore, #tpu.memory_space<semaphore_mem>>) src(%dma_wait3A_98 : memref<200000x16xf32, #tpu.memory_space<hbm>>) dst(%arg11 : memref<128x16xf32, #tpu.memory_space<vmem>>)
        %scan3A_99 = arith.constant 0 : i32
        %scan3A_100 = arith.constant 128 : i32
        %scan3A_101 = arith.addi %scan3A_99, %scan3A_100 : i32
        %scan3A_102 = arith.constant 1 : i32
        scf.for %scan3A_104 = %scan3A_99 to %scan3A_101 step %scan3A_102  : i32 {
          %mul3A_105 = arith.constant 1 : i32
          %mul3A_106 = arith.muli %scan3A_104, %mul3A_105 : i32
          %add3A_107 = arith.constant 0 : i32
          %add3A_108 = arith.addi %add3A_107, %mul3A_106 : i32
          %get3A_109 = arith.index_cast %add3A_108 : i32 to index
          %get3A_110 = arith.constant 0 : index
          %get3A_111 = tpu.vector_load %arg11[%get3A_109, %get3A_110] {strides = array<i32>} : memref<128x16xf32, #tpu.memory_space<vmem>>, vector<1x16xf32>,
          %get3A_112 = vector.shape_cast %get3A_111 : vector<1x16xf32> to vector<16xf32>
          %get3A_113 = arith.index_cast %add3A_108 : i32 to index
          %get3A_114 = arith.constant 0 : index
          %get3A_115 = tpu.vector_load %arg10[%get3A_113, %get3A_114] {strides = array<i32>} : memref<128x16xf32, #tpu.memory_space<vmem>>, vector<1x16xf32>,
          %get3A_116 = vector.shape_cast %get3A_115 : vector<1x16xf32> to vector<16xf32>
          %add3A_117 = arith.addf %get3A_112, %get3A_116 : vector<16xf32>
          %max3A = arith.constant 0.000000e+00 : f32
          %max3A_118 = vector.broadcast %max3A : f32 to vector<16xf32>
          %max3A_119 = arith.maximumf %add3A_117, %max3A_118 : vector<16xf32>
          %swap3A = arith.index_cast %add3A_108 : i32 to index
          %swap3A_120 = arith.constant 0 : index
          %swap3A_121 = tpu.vector_load %arg11[%swap3A, %swap3A_120] {strides = array<i32>} : memref<128x16xf32, #tpu.memory_space<vmem>>, vector<1x16xf32>,
          %swap3A_122 = vector.shape_cast %swap3A_121 : vector<1x16xf32> to vector<16xf32>
          %swap3A_123 = vector.shape_cast %max3A_119 : vector<16xf32> to vector<1x16xf32>
          tpu.vector_store %arg11[%swap3A, %swap3A_120], %swap3A_123 {strides = array<i32>} : memref<128x16xf32, #tpu.memory_space<vmem>>, vector<1x16xf32>,
        }
        %scan3A_103 = arith.constant 128 : i32
        "tpu.region"() ({
          %run_scoped3A = tpu.sem_alloc : memref<!tpu.dma_semaphore, #tpu.memory_space<semaphore_mem>>
          %dma_start3A_104 = arith.constant 0 : i32
          %dma_start3A_105 = arith.constant 0 : i32
          %dma_start3A_106 = tpu.memref_slice %arg14[%dma_start3A_104, %dma_start3A_105] : memref<50208x16xf32, #tpu.memory_space<vmem_shared>> -> memref<50208x16xf32, #tpu.memory_space<vmem_shared>>
          tpu.enqueue_indirect_dma source(%arg11 : memref<128x16xf32, #tpu.memory_space<vmem>>) target(%dma_start3A_106 : memref<50208x16xf32, #tpu.memory_space<vmem_shared>>) offsets(%arg9 : memref<128xi32, #tpu.memory_space<vmem>>) semaphore(%run_scoped3A : memref<!tpu.dma_semaphore, #tpu.memory_space<semaphore_mem>>) {add = true}
          %dma_wait3A_107 = arith.constant 0 : i32
          %dma_wait3A_108 = arith.constant 0 : i32
          %dma_wait3A_109 = tpu.memref_slice %arg14[%dma_wait3A_107, %dma_wait3A_108] : memref<50208x16xf32, #tpu.memory_space<vmem_shared>> -> memref<50208x16xf32, #tpu.memory_space<vmem_shared>>
          tpu.wait_indirect_dma semaphore(%run_scoped3A : memref<!tpu.dma_semaphore, #tpu.memory_space<semaphore_mem>>) src(%arg11 : memref<128x16xf32, #tpu.memory_space<vmem>>) dst(%dma_wait3A_109 : memref<50208x16xf32, #tpu.memory_space<vmem_shared>>)
          tpu.yield
        }) : () -> ()
      }
      %barrier3A_71 = arith.constant 0 : index
      tpu.barrier barrier_id(%barrier3A_71)
      %mul3A_72 = arith.constant 50208 : i32
      %mul3A_73 = arith.muli %add3A_51, %mul3A_72 : i32
      %add3A_74 = arith.addi %mul3A_73, %mul3A_1 : i32
      "tpu.region"() ({
        %run_scoped3A = tpu.sem_alloc : memref<!tpu.dma_semaphore, #tpu.memory_space<semaphore_mem>>
        %dma_start3A = arith.constant 0 : i32
        %dma_start3A_76 = tpu.memref_slice %arg7[%add3A_74, %dma_start3A] : memref<200832x16xf32, #tpu.memory_space<hbm>> -> memref<3138x16xf32, #tpu.memory_space<hbm>>
        %dma_start3A_77 = arith.constant 0 : i32
        %dma_start3A_78 = tpu.memref_slice %arg14[%mul3A_1, %dma_start3A_77] : memref<50208x16xf32, #tpu.memory_space<vmem_shared>> -> memref<3138x16xf32, #tpu.memory_space<vmem_shared>>
        tpu.enqueue_dma source(%dma_start3A_78 : memref<3138x16xf32, #tpu.memory_space<vmem_shared>>) target(%dma_start3A_76 : memref<3138x16xf32, #tpu.memory_space<hbm>>) target_semaphore(%run_scoped3A : memref<!tpu.dma_semaphore, #tpu.memory_space<semaphore_mem>>)
        %dma_wait3A = arith.constant 0 : i32
        %dma_wait3A_79 = tpu.memref_slice %arg7[%add3A_74, %dma_wait3A] : memref<200832x16xf32, #tpu.memory_space<hbm>> -> memref<3138x16xf32, #tpu.memory_space<hbm>>
        %dma_wait3A_80 = arith.constant 0 : i32
        %dma_wait3A_81 = tpu.memref_slice %arg14[%mul3A_1, %dma_wait3A_80] : memref<50208x16xf32, #tpu.memory_space<vmem_shared>> -> memref<3138x16xf32, #tpu.memory_space<vmem_shared>>
        tpu.wait_dma2 semaphore(%run_scoped3A : memref<!tpu.dma_semaphore, #tpu.memory_space<semaphore_mem>>) src(%dma_wait3A_81 : memref<3138x16xf32, #tpu.memory_space<vmem_shared>>) dst(%dma_wait3A_79 : memref<3138x16xf32, #tpu.memory_space<hbm>>)
        tpu.yield
      }) : () -> ()
      %barrier3A_75 = arith.constant 0 : index
      tpu.barrier barrier_id(%barrier3A_75)
    }
    %scan3A_43 = arith.constant 2 : i32
    return
  }
}

module attributes {stable_mosaic.version = 14 : i64} {
  func.func @_embed_body(%arg0: i32, %arg1: memref<1000x40xf32, #tpu.memory_space<vmem>>, %arg2: memref<40x64xf32, #tpu.memory_space<vmem>>, %arg3: memref<1x64xf32, #tpu.memory_space<vmem>>, %arg4: memref<4x1000x16xf32, #tpu.memory_space<vmem>>) attributes {dimension_semantics = [#tpu.dimension_semantics<arbitrary>], iteration_bounds = array<i64: 50>, scalar_prefetch = 0 : i64, scratch_operands = 0 : i64, tpu.core_type = #tpu.core_type<tc>, window_params = [{transform_indices = @transform_0, window_bounds = array<i64: 1000, 40>}, {pipeline_mode = #tpu.pipeline_mode<synchronous>, transform_indices = @transform_1, window_bounds = array<i64: 40, 64>}, {pipeline_mode = #tpu.pipeline_mode<synchronous>, transform_indices = @transform_2, window_bounds = array<i64: 1, 64>}, {transform_indices = @transform_3, window_bounds = array<i64: 4, 1000, 16>}]} {
    %get3A = arith.constant 0 : index
    %get3A_0 = arith.constant 0 : index
    %get3A_1 = vector.load %arg1[%get3A, %get3A_0] : memref<1000x40xf32, #tpu.memory_space<vmem>>, vector<1000x40xf32>
    %get3A_2 = arith.constant 0 : index
    %get3A_3 = arith.constant 0 : index
    %get3A_4 = vector.load %arg2[%get3A_2, %get3A_3] : memref<40x64xf32, #tpu.memory_space<vmem>>, vector<40x64xf32>
    %convert_element_type3A = arith.truncf %get3A_1 : vector<1000x40xf32> to vector<1000x40xbf16>
    %convert_element_type3A_5 = arith.truncf %get3A_4 : vector<40x64xf32> to vector<40x64xbf16>
    %dot_general3A = arith.constant dense<0.000000e+00> : vector<1000x64xf32>
    %dot_general3A_6 = tpu.matmul %convert_element_type3A, %convert_element_type3A_5, %dot_general3A {dimension_numbers = #tpu.dot_dimension_numbers<[1], [0], [0], [1], [0, 0, 1, 1], [], []>, transpose_lhs_hint = false} : vector<1000x40xbf16>, vector<40x64xbf16>, vector<1000x64xf32> -> vector<1000x64xf32>
    %get3A_7 = arith.constant 0 : index
    %get3A_8 = arith.constant 0 : index
    %get3A_9 = vector.load %arg3[%get3A_7, %get3A_8] : memref<1x64xf32, #tpu.memory_space<vmem>>, vector<1x64xf32>
    %add3A = vector.broadcast %get3A_9 : vector<1x64xf32> to vector<1000x64xf32>
    %add3A_10 = arith.addf %dot_general3A_6, %add3A : vector<1000x64xf32>
    %max3A = arith.constant 0.000000e+00 : f32
    %max3A_11 = vector.broadcast %max3A : f32 to vector<1000x64xf32>
    %max3A_12 = arith.maximumf %add3A_10, %max3A_11 : vector<1000x64xf32>
    %slice3A = vector.extract_strided_slice %max3A_12 {offsets = [0, 0], sizes = [1000, 16], strides = [1, 1]} : vector<1000x64xf32> to vector<1000x16xf32>
    %swap3A = arith.constant 0 : index
    %swap3A_13 = arith.constant 0 : index
    %swap3A_14 = arith.constant 0 : index
    %swap3A_15 = vector.load %arg4[%swap3A, %swap3A_13, %swap3A_14] : memref<4x1000x16xf32, #tpu.memory_space<vmem>>, vector<1x1000x16xf32>
    %swap3A_16 = vector.shape_cast %swap3A_15 : vector<1x1000x16xf32> to vector<1000x16xf32>
    %swap3A_17 = vector.shape_cast %slice3A : vector<1000x16xf32> to vector<1x1000x16xf32>
    tpu.vector_store %arg4[%swap3A, %swap3A_13, %swap3A_14], %swap3A_17 {strides = array<i32>} : memref<4x1000x16xf32, #tpu.memory_space<vmem>>, vector<1x1000x16xf32>,
    %slice3A_18 = vector.extract_strided_slice %max3A_12 {offsets = [0, 16], sizes = [1000, 16], strides = [1, 1]} : vector<1000x64xf32> to vector<1000x16xf32>
    %swap3A_19 = arith.constant 1 : index
    %swap3A_20 = arith.constant 0 : index
    %swap3A_21 = arith.constant 0 : index
    %swap3A_22 = vector.load %arg4[%swap3A_19, %swap3A_20, %swap3A_21] : memref<4x1000x16xf32, #tpu.memory_space<vmem>>, vector<1x1000x16xf32>
    %swap3A_23 = vector.shape_cast %swap3A_22 : vector<1x1000x16xf32> to vector<1000x16xf32>
    %swap3A_24 = vector.shape_cast %slice3A_18 : vector<1000x16xf32> to vector<1x1000x16xf32>
    tpu.vector_store %arg4[%swap3A_19, %swap3A_20, %swap3A_21], %swap3A_24 {strides = array<i32>} : memref<4x1000x16xf32, #tpu.memory_space<vmem>>, vector<1x1000x16xf32>,
    %slice3A_25 = vector.extract_strided_slice %max3A_12 {offsets = [0, 32], sizes = [1000, 16], strides = [1, 1]} : vector<1000x64xf32> to vector<1000x16xf32>
    %swap3A_26 = arith.constant 2 : index
    %swap3A_27 = arith.constant 0 : index
    %swap3A_28 = arith.constant 0 : index
    %swap3A_29 = vector.load %arg4[%swap3A_26, %swap3A_27, %swap3A_28] : memref<4x1000x16xf32, #tpu.memory_space<vmem>>, vector<1x1000x16xf32>
    %swap3A_30 = vector.shape_cast %swap3A_29 : vector<1x1000x16xf32> to vector<1000x16xf32>
    %swap3A_31 = vector.shape_cast %slice3A_25 : vector<1000x16xf32> to vector<1x1000x16xf32>
    tpu.vector_store %arg4[%swap3A_26, %swap3A_27, %swap3A_28], %swap3A_31 {strides = array<i32>} : memref<4x1000x16xf32, #tpu.memory_space<vmem>>, vector<1x1000x16xf32>,
    %slice3A_32 = vector.extract_strided_slice %max3A_12 {offsets = [0, 48], sizes = [1000, 16], strides = [1, 1]} : vector<1000x64xf32> to vector<1000x16xf32>
    %swap3A_33 = arith.constant 3 : index
    %swap3A_34 = arith.constant 0 : index
    %swap3A_35 = arith.constant 0 : index
    %swap3A_36 = vector.load %arg4[%swap3A_33, %swap3A_34, %swap3A_35] : memref<4x1000x16xf32, #tpu.memory_space<vmem>>, vector<1x1000x16xf32>
    %swap3A_37 = vector.shape_cast %swap3A_36 : vector<1x1000x16xf32> to vector<1000x16xf32>
    %swap3A_38 = vector.shape_cast %slice3A_32 : vector<1000x16xf32> to vector<1x1000x16xf32>
    tpu.vector_store %arg4[%swap3A_33, %swap3A_34, %swap3A_35], %swap3A_38 {strides = array<i32>} : memref<4x1000x16xf32, #tpu.memory_space<vmem>>, vector<1x1000x16xf32>,
    return
  }
  func.func @transform_0(%arg0: i32) -> (i32, i32) {
    %c0_i32 = arith.constant 0 : i32
    %c0_i32_0 = arith.constant 0 : i32
    return %arg0, %c0_i32 : i32, i32
  }
  func.func @transform_1(%arg0: i32) -> (i32, i32) {
    %c0_i32 = arith.constant 0 : i32
    %c0_i32_0 = arith.constant 0 : i32
    %c0_i32_1 = arith.constant 0 : i32
    return %c0_i32, %c0_i32_0 : i32, i32
  }
  func.func @transform_2(%arg0: i32) -> (i32, i32) {
    %c0_i32 = arith.constant 0 : i32
    %c0_i32_0 = arith.constant 0 : i32
    %c0_i32_1 = arith.constant 0 : i32
    return %c0_i32, %c0_i32_0 : i32, i32
  }
  func.func @transform_3(%arg0: i32) -> (i32, i32, i32) {
    %c0_i32 = arith.constant 0 : i32
    %c0_i32_0 = arith.constant 0 : i32
    %c0_i32_1 = arith.constant 0 : i32
    return %c0_i32, %arg0, %c0_i32_0 : i32, i32, i32
  }
}

module attributes {stable_mosaic.version = 14 : i64} {
  func.func @_edge_mlp_body(%arg0: i32, %arg1: memref<3168x32xf32, #tpu.memory_space<vmem>>, %arg2: memref<4x32x128xf32, #tpu.memory_space<vmem>>, %arg3: memref<4x1x128xf32, #tpu.memory_space<vmem>>, %arg4: memref<4x3168x128xf32, #tpu.memory_space<vmem>>) attributes {dimension_semantics = [#tpu.dimension_semantics<arbitrary>], iteration_bounds = array<i64: 32>, scalar_prefetch = 0 : i64, scratch_operands = 0 : i64, tpu.core_type = #tpu.core_type<tc>, window_params = [{transform_indices = @transform_0, window_bounds = array<i64: 3168, 32>}, {pipeline_mode = #tpu.pipeline_mode<synchronous>, transform_indices = @transform_1, window_bounds = array<i64: 4, 32, 128>}, {pipeline_mode = #tpu.pipeline_mode<synchronous>, transform_indices = @transform_2, window_bounds = array<i64: 4, 1, 128>}, {transform_indices = @transform_3, window_bounds = array<i64: 4, 3168, 128>}]} {
    %get3A = arith.constant 0 : index
    %get3A_0 = arith.constant 0 : index
    %get3A_1 = vector.load %arg1[%get3A, %get3A_0] : memref<3168x32xf32, #tpu.memory_space<vmem>>, vector<3168x32xf32>
    %get3A_2 = arith.constant 0 : index
    %get3A_3 = arith.constant 0 : index
    %get3A_4 = arith.constant 0 : index
    %get3A_5 = vector.load %arg2[%get3A_2, %get3A_3, %get3A_4] : memref<4x32x128xf32, #tpu.memory_space<vmem>>, vector<1x32x128xf32>
    %get3A_6 = vector.shape_cast %get3A_5 : vector<1x32x128xf32> to vector<32x128xf32>
    %convert_element_type3A = arith.truncf %get3A_1 : vector<3168x32xf32> to vector<3168x32xbf16>
    %convert_element_type3A_7 = arith.truncf %get3A_6 : vector<32x128xf32> to vector<32x128xbf16>
    %dot_general3A = arith.constant dense<0.000000e+00> : vector<3168x128xf32>
    %dot_general3A_8 = tpu.matmul %convert_element_type3A, %convert_element_type3A_7, %dot_general3A {dimension_numbers = #tpu.dot_dimension_numbers<[1], [0], [0], [1], [0, 0, 1, 1], [], []>, transpose_lhs_hint = false} : vector<3168x32xbf16>, vector<32x128xbf16>, vector<3168x128xf32> -> vector<3168x128xf32>
    %get3A_9 = arith.constant 0 : index
    %get3A_10 = arith.constant 0 : index
    %get3A_11 = arith.constant 0 : index
    %get3A_12 = vector.load %arg3[%get3A_9, %get3A_10, %get3A_11] : memref<4x1x128xf32, #tpu.memory_space<vmem>>, vector<1x1x128xf32>
    %get3A_13 = vector.shape_cast %get3A_12 : vector<1x1x128xf32> to vector<1x128xf32>
    %add3A = vector.broadcast %get3A_13 : vector<1x128xf32> to vector<3168x128xf32>
    %add3A_14 = arith.addf %dot_general3A_8, %add3A : vector<3168x128xf32>
    %max3A = arith.constant 0.000000e+00 : f32
    %max3A_15 = vector.broadcast %max3A : f32 to vector<3168x128xf32>
    %max3A_16 = arith.maximumf %add3A_14, %max3A_15 : vector<3168x128xf32>
    %swap3A = arith.constant 0 : index
    %swap3A_17 = arith.constant 0 : index
    %swap3A_18 = arith.constant 0 : index
    %swap3A_19 = vector.load %arg4[%swap3A, %swap3A_17, %swap3A_18] : memref<4x3168x128xf32, #tpu.memory_space<vmem>>, vector<1x3168x128xf32>
    %swap3A_20 = vector.shape_cast %swap3A_19 : vector<1x3168x128xf32> to vector<3168x128xf32>
    %swap3A_21 = vector.shape_cast %max3A_16 : vector<3168x128xf32> to vector<1x3168x128xf32>
    tpu.vector_store %arg4[%swap3A, %swap3A_17, %swap3A_18], %swap3A_21 {strides = array<i32>} : memref<4x3168x128xf32, #tpu.memory_space<vmem>>, vector<1x3168x128xf32>,
    %get3A_22 = arith.constant 1 : index
    %get3A_23 = arith.constant 0 : index
    %get3A_24 = arith.constant 0 : index
    %get3A_25 = vector.load %arg2[%get3A_22, %get3A_23, %get3A_24] : memref<4x32x128xf32, #tpu.memory_space<vmem>>, vector<1x32x128xf32>
    %get3A_26 = vector.shape_cast %get3A_25 : vector<1x32x128xf32> to vector<32x128xf32>
    %convert_element_type3A_27 = arith.truncf %get3A_1 : vector<3168x32xf32> to vector<3168x32xbf16>
    %convert_element_type3A_28 = arith.truncf %get3A_26 : vector<32x128xf32> to vector<32x128xbf16>
    %dot_general3A_29 = arith.constant dense<0.000000e+00> : vector<3168x128xf32>
    %dot_general3A_30 = tpu.matmul %convert_element_type3A_27, %convert_element_type3A_28, %dot_general3A_29 {dimension_numbers = #tpu.dot_dimension_numbers<[1], [0], [0], [1], [0, 0, 1, 1], [], []>, transpose_lhs_hint = false} : vector<3168x32xbf16>, vector<32x128xbf16>, vector<3168x128xf32> -> vector<3168x128xf32>
    %get3A_31 = arith.constant 1 : index
    %get3A_32 = arith.constant 0 : index
    %get3A_33 = arith.constant 0 : index
    %get3A_34 = vector.load %arg3[%get3A_31, %get3A_32, %get3A_33] : memref<4x1x128xf32, #tpu.memory_space<vmem>>, vector<1x1x128xf32>
    %get3A_35 = vector.shape_cast %get3A_34 : vector<1x1x128xf32> to vector<1x128xf32>
    %add3A_36 = vector.broadcast %get3A_35 : vector<1x128xf32> to vector<3168x128xf32>
    %add3A_37 = arith.addf %dot_general3A_30, %add3A_36 : vector<3168x128xf32>
    %max3A_38 = arith.constant 0.000000e+00 : f32
    %max3A_39 = vector.broadcast %max3A_38 : f32 to vector<3168x128xf32>
    %max3A_40 = arith.maximumf %add3A_37, %max3A_39 : vector<3168x128xf32>
    %swap3A_41 = arith.constant 1 : index
    %swap3A_42 = arith.constant 0 : index
    %swap3A_43 = arith.constant 0 : index
    %swap3A_44 = vector.load %arg4[%swap3A_41, %swap3A_42, %swap3A_43] : memref<4x3168x128xf32, #tpu.memory_space<vmem>>, vector<1x3168x128xf32>
    %swap3A_45 = vector.shape_cast %swap3A_44 : vector<1x3168x128xf32> to vector<3168x128xf32>
    %swap3A_46 = vector.shape_cast %max3A_40 : vector<3168x128xf32> to vector<1x3168x128xf32>
    tpu.vector_store %arg4[%swap3A_41, %swap3A_42, %swap3A_43], %swap3A_46 {strides = array<i32>} : memref<4x3168x128xf32, #tpu.memory_space<vmem>>, vector<1x3168x128xf32>,
    %get3A_47 = arith.constant 2 : index
    %get3A_48 = arith.constant 0 : index
    %get3A_49 = arith.constant 0 : index
    %get3A_50 = vector.load %arg2[%get3A_47, %get3A_48, %get3A_49] : memref<4x32x128xf32, #tpu.memory_space<vmem>>, vector<1x32x128xf32>
    %get3A_51 = vector.shape_cast %get3A_50 : vector<1x32x128xf32> to vector<32x128xf32>
    %convert_element_type3A_52 = arith.truncf %get3A_1 : vector<3168x32xf32> to vector<3168x32xbf16>
    %convert_element_type3A_53 = arith.truncf %get3A_51 : vector<32x128xf32> to vector<32x128xbf16>
    %dot_general3A_54 = arith.constant dense<0.000000e+00> : vector<3168x128xf32>
    %dot_general3A_55 = tpu.matmul %convert_element_type3A_52, %convert_element_type3A_53, %dot_general3A_54 {dimension_numbers = #tpu.dot_dimension_numbers<[1], [0], [0], [1], [0, 0, 1, 1], [], []>, transpose_lhs_hint = false} : vector<3168x32xbf16>, vector<32x128xbf16>, vector<3168x128xf32> -> vector<3168x128xf32>
    %get3A_56 = arith.constant 2 : index
    %get3A_57 = arith.constant 0 : index
    %get3A_58 = arith.constant 0 : index
    %get3A_59 = vector.load %arg3[%get3A_56, %get3A_57, %get3A_58] : memref<4x1x128xf32, #tpu.memory_space<vmem>>, vector<1x1x128xf32>
    %get3A_60 = vector.shape_cast %get3A_59 : vector<1x1x128xf32> to vector<1x128xf32>
    %add3A_61 = vector.broadcast %get3A_60 : vector<1x128xf32> to vector<3168x128xf32>
    %add3A_62 = arith.addf %dot_general3A_55, %add3A_61 : vector<3168x128xf32>
    %max3A_63 = arith.constant 0.000000e+00 : f32
    %max3A_64 = vector.broadcast %max3A_63 : f32 to vector<3168x128xf32>
    %max3A_65 = arith.maximumf %add3A_62, %max3A_64 : vector<3168x128xf32>
    %swap3A_66 = arith.constant 2 : index
    %swap3A_67 = arith.constant 0 : index
    %swap3A_68 = arith.constant 0 : index
    %swap3A_69 = vector.load %arg4[%swap3A_66, %swap3A_67, %swap3A_68] : memref<4x3168x128xf32, #tpu.memory_space<vmem>>, vector<1x3168x128xf32>
    %swap3A_70 = vector.shape_cast %swap3A_69 : vector<1x3168x128xf32> to vector<3168x128xf32>
    %swap3A_71 = vector.shape_cast %max3A_65 : vector<3168x128xf32> to vector<1x3168x128xf32>
    tpu.vector_store %arg4[%swap3A_66, %swap3A_67, %swap3A_68], %swap3A_71 {strides = array<i32>} : memref<4x3168x128xf32, #tpu.memory_space<vmem>>, vector<1x3168x128xf32>,
    %get3A_72 = arith.constant 3 : index
    %get3A_73 = arith.constant 0 : index
    %get3A_74 = arith.constant 0 : index
    %get3A_75 = vector.load %arg2[%get3A_72, %get3A_73, %get3A_74] : memref<4x32x128xf32, #tpu.memory_space<vmem>>, vector<1x32x128xf32>
    %get3A_76 = vector.shape_cast %get3A_75 : vector<1x32x128xf32> to vector<32x128xf32>
    %convert_element_type3A_77 = arith.truncf %get3A_1 : vector<3168x32xf32> to vector<3168x32xbf16>
    %convert_element_type3A_78 = arith.truncf %get3A_76 : vector<32x128xf32> to vector<32x128xbf16>
    %dot_general3A_79 = arith.constant dense<0.000000e+00> : vector<3168x128xf32>
    %dot_general3A_80 = tpu.matmul %convert_element_type3A_77, %convert_element_type3A_78, %dot_general3A_79 {dimension_numbers = #tpu.dot_dimension_numbers<[1], [0], [0], [1], [0, 0, 1, 1], [], []>, transpose_lhs_hint = false} : vector<3168x32xbf16>, vector<32x128xbf16>, vector<3168x128xf32> -> vector<3168x128xf32>
    %get3A_81 = arith.constant 3 : index
    %get3A_82 = arith.constant 0 : index
    %get3A_83 = arith.constant 0 : index
    %get3A_84 = vector.load %arg3[%get3A_81, %get3A_82, %get3A_83] : memref<4x1x128xf32, #tpu.memory_space<vmem>>, vector<1x1x128xf32>
    %get3A_85 = vector.shape_cast %get3A_84 : vector<1x1x128xf32> to vector<1x128xf32>
    %add3A_86 = vector.broadcast %get3A_85 : vector<1x128xf32> to vector<3168x128xf32>
    %add3A_87 = arith.addf %dot_general3A_80, %add3A_86 : vector<3168x128xf32>
    %max3A_88 = arith.constant 0.000000e+00 : f32
    %max3A_89 = vector.broadcast %max3A_88 : f32 to vector<3168x128xf32>
    %max3A_90 = arith.maximumf %add3A_87, %max3A_89 : vector<3168x128xf32>
    %swap3A_91 = arith.constant 3 : index
    %swap3A_92 = arith.constant 0 : index
    %swap3A_93 = arith.constant 0 : index
    %swap3A_94 = vector.load %arg4[%swap3A_91, %swap3A_92, %swap3A_93] : memref<4x3168x128xf32, #tpu.memory_space<vmem>>, vector<1x3168x128xf32>
    %swap3A_95 = vector.shape_cast %swap3A_94 : vector<1x3168x128xf32> to vector<3168x128xf32>
    %swap3A_96 = vector.shape_cast %max3A_90 : vector<3168x128xf32> to vector<1x3168x128xf32>
    tpu.vector_store %arg4[%swap3A_91, %swap3A_92, %swap3A_93], %swap3A_96 {strides = array<i32>} : memref<4x3168x128xf32, #tpu.memory_space<vmem>>, vector<1x3168x128xf32>,
    return
  }
  func.func @transform_0(%arg0: i32) -> (i32, i32) {
    %c0_i32 = arith.constant 0 : i32
    %c0_i32_0 = arith.constant 0 : i32
    return %arg0, %c0_i32 : i32, i32
  }
  func.func @transform_1(%arg0: i32) -> (i32, i32, i32) {
    %c0_i32 = arith.constant 0 : i32
    %c0_i32_0 = arith.constant 0 : i32
    %c0_i32_1 = arith.constant 0 : i32
    %c0_i32_2 = arith.constant 0 : i32
    return %c0_i32, %c0_i32_0, %c0_i32_1 : i32, i32, i32
  }
  func.func @transform_2(%arg0: i32) -> (i32, i32, i32) {
    %c0_i32 = arith.constant 0 : i32
    %c0_i32_0 = arith.constant 0 : i32
    %c0_i32_1 = arith.constant 0 : i32
    %c0_i32_2 = arith.constant 0 : i32
    return %c0_i32, %c0_i32_0, %c0_i32_1 : i32, i32, i32
  }
  func.func @transform_3(%arg0: i32) -> (i32, i32, i32) {
    %c0_i32 = arith.constant 0 : i32
    %c0_i32_0 = arith.constant 0 : i32
    %c0_i32_1 = arith.constant 0 : i32
    return %c0_i32, %arg0, %c0_i32_0 : i32, i32, i32
  }
}

module attributes {stable_mosaic.version = 14 : i64} {
  func.func @_mlp_body(%arg0: i32, %arg1: memref<4x1000x16xf32, #tpu.memory_space<vmem>>, %arg2: memref<4x1000x16xf32, #tpu.memory_space<vmem>>, %arg3: memref<64x128xf32, #tpu.memory_space<vmem>>, %arg4: memref<1x128xf32, #tpu.memory_space<vmem>>, %arg5: memref<128x64xf32, #tpu.memory_space<vmem>>, %arg6: memref<1x64xf32, #tpu.memory_space<vmem>>, %arg7: memref<1x1xf32, #tpu.memory_space<vmem>>, %arg8: memref<1000x64xf32, #tpu.memory_space<vmem>>, %arg9: memref<2x64xf32, #tpu.memory_space<vmem>>, %arg10: memref<2x64xf32, #tpu.memory_space<vmem>>) attributes {dimension_semantics = [#tpu.dimension_semantics<arbitrary>], iteration_bounds = array<i64: 50>, scalar_prefetch = 0 : i64, scratch_operands = 1 : i64, tpu.core_type = #tpu.core_type<tc>, window_params = [{transform_indices = @transform_0, window_bounds = array<i64: 4, 1000, 16>}, {transform_indices = @transform_1, window_bounds = array<i64: 4, 1000, 16>}, {pipeline_mode = #tpu.pipeline_mode<synchronous>, transform_indices = @transform_2, window_bounds = array<i64: 64, 128>}, {pipeline_mode = #tpu.pipeline_mode<synchronous>, transform_indices = @transform_3, window_bounds = array<i64: 1, 128>}, {pipeline_mode = #tpu.pipeline_mode<synchronous>, transform_indices = @transform_4, window_bounds = array<i64: 128, 64>}, {pipeline_mode = #tpu.pipeline_mode<synchronous>, transform_indices = @transform_5, window_bounds = array<i64: 1, 64>}, {pipeline_mode = #tpu.pipeline_mode<synchronous>, transform_indices = @transform_6, window_bounds = array<i64: 1, 1>}, {transform_indices = @transform_7, window_bounds = array<i64: 1000, 64>}, {pipeline_mode = #tpu.pipeline_mode<synchronous>, transform_indices = @transform_8, window_bounds = array<i64: 2, 64>}]} {
    %get3A = arith.constant 0 : index
    %get3A_0 = arith.constant 0 : index
    %get3A_1 = arith.constant 0 : index
    %get3A_2 = vector.load %arg1[%get3A, %get3A_0, %get3A_1] : memref<4x1000x16xf32, #tpu.memory_space<vmem>>, vector<1x1000x16xf32>
    %get3A_3 = vector.shape_cast %get3A_2 : vector<1x1000x16xf32> to vector<1000x16xf32>
    %get3A_4 = arith.constant 1 : index
    %get3A_5 = arith.constant 0 : index
    %get3A_6 = arith.constant 0 : index
    %get3A_7 = vector.load %arg1[%get3A_4, %get3A_5, %get3A_6] : memref<4x1000x16xf32, #tpu.memory_space<vmem>>, vector<1x1000x16xf32>
    %get3A_8 = vector.shape_cast %get3A_7 : vector<1x1000x16xf32> to vector<1000x16xf32>
    %get3A_9 = arith.constant 2 : index
    %get3A_10 = arith.constant 0 : index
    %get3A_11 = arith.constant 0 : index
    %get3A_12 = vector.load %arg1[%get3A_9, %get3A_10, %get3A_11] : memref<4x1000x16xf32, #tpu.memory_space<vmem>>, vector<1x1000x16xf32>
    %get3A_13 = vector.shape_cast %get3A_12 : vector<1x1000x16xf32> to vector<1000x16xf32>
    %get3A_14 = arith.constant 3 : index
    %get3A_15 = arith.constant 0 : index
    %get3A_16 = arith.constant 0 : index
    %get3A_17 = vector.load %arg1[%get3A_14, %get3A_15, %get3A_16] : memref<4x1000x16xf32, #tpu.memory_space<vmem>>, vector<1x1000x16xf32>
    %get3A_18 = vector.shape_cast %get3A_17 : vector<1x1000x16xf32> to vector<1000x16xf32>
    %concatenate3A = tpu.concatenate %get3A_3, %get3A_8, %get3A_13, %get3A_18 in 1 : vector<1000x16xf32>, vector<1000x16xf32>, vector<1000x16xf32>, vector<1000x16xf32> -> vector<1000x64xf32>
    %get3A_19 = arith.constant 0 : index
    %get3A_20 = arith.constant 0 : index
    %get3A_21 = arith.constant 0 : index
    %get3A_22 = vector.load %arg2[%get3A_19, %get3A_20, %get3A_21] : memref<4x1000x16xf32, #tpu.memory_space<vmem>>, vector<1x1000x16xf32>
    %get3A_23 = vector.shape_cast %get3A_22 : vector<1x1000x16xf32> to vector<1000x16xf32>
    %get3A_24 = arith.constant 1 : index
    %get3A_25 = arith.constant 0 : index
    %get3A_26 = arith.constant 0 : index
    %get3A_27 = vector.load %arg2[%get3A_24, %get3A_25, %get3A_26] : memref<4x1000x16xf32, #tpu.memory_space<vmem>>, vector<1x1000x16xf32>
    %get3A_28 = vector.shape_cast %get3A_27 : vector<1x1000x16xf32> to vector<1000x16xf32>
    %get3A_29 = arith.constant 2 : index
    %get3A_30 = arith.constant 0 : index
    %get3A_31 = arith.constant 0 : index
    %get3A_32 = vector.load %arg2[%get3A_29, %get3A_30, %get3A_31] : memref<4x1000x16xf32, #tpu.memory_space<vmem>>, vector<1x1000x16xf32>
    %get3A_33 = vector.shape_cast %get3A_32 : vector<1x1000x16xf32> to vector<1000x16xf32>
    %get3A_34 = arith.constant 3 : index
    %get3A_35 = arith.constant 0 : index
    %get3A_36 = arith.constant 0 : index
    %get3A_37 = vector.load %arg2[%get3A_34, %get3A_35, %get3A_36] : memref<4x1000x16xf32, #tpu.memory_space<vmem>>, vector<1x1000x16xf32>
    %get3A_38 = vector.shape_cast %get3A_37 : vector<1x1000x16xf32> to vector<1000x16xf32>
    %concatenate3A_39 = tpu.concatenate %get3A_23, %get3A_28, %get3A_33, %get3A_38 in 1 : vector<1000x16xf32>, vector<1000x16xf32>, vector<1000x16xf32>, vector<1000x16xf32> -> vector<1000x64xf32>
    %get3A_40 = arith.constant 0 : index
    %get3A_41 = arith.constant 0 : index
    %get3A_42 = vector.load %arg7[%get3A_40, %get3A_41] : memref<1x1xf32, #tpu.memory_space<vmem>>, vector<1x1xf32>
    %get3A_43 = vector.extract %get3A_42[0, 0] : f32 from vector<1x1xf32>
    %add3A = arith.constant 1.000000e+00 : f32
    %add3A_44 = arith.addf %add3A, %get3A_43 : f32
    %mul3A = vector.broadcast %add3A_44 : f32 to vector<1000x64xf32>
    %mul3A_45 = arith.mulf %mul3A, %concatenate3A : vector<1000x64xf32>
    %add3A_46 = arith.addf %mul3A_45, %concatenate3A_39 : vector<1000x64xf32>
    %get3A_47 = arith.constant 0 : index
    %get3A_48 = arith.constant 0 : index
    %get3A_49 = vector.load %arg3[%get3A_47, %get3A_48] : memref<64x128xf32, #tpu.memory_space<vmem>>, vector<64x128xf32>
    %convert_element_type3A = arith.truncf %add3A_46 : vector<1000x64xf32> to vector<1000x64xbf16>
    %convert_element_type3A_50 = arith.truncf %get3A_49 : vector<64x128xf32> to vector<64x128xbf16>
    %dot_general3A = arith.constant dense<0.000000e+00> : vector<1000x128xf32>
    %dot_general3A_51 = tpu.matmul %convert_element_type3A, %convert_element_type3A_50, %dot_general3A {dimension_numbers = #tpu.dot_dimension_numbers<[1], [0], [0], [1], [0, 0, 1, 1], [], []>, transpose_lhs_hint = false} : vector<1000x64xbf16>, vector<64x128xbf16>, vector<1000x128xf32> -> vector<1000x128xf32>
    %get3A_52 = arith.constant 0 : index
    %get3A_53 = arith.constant 0 : index
    %get3A_54 = vector.load %arg4[%get3A_52, %get3A_53] : memref<1x128xf32, #tpu.memory_space<vmem>>, vector<1x128xf32>
    %add3A_55 = vector.broadcast %get3A_54 : vector<1x128xf32> to vector<1000x128xf32>
    %add3A_56 = arith.addf %dot_general3A_51, %add3A_55 : vector<1000x128xf32>
    %max3A = arith.constant 0.000000e+00 : f32
    %max3A_57 = vector.broadcast %max3A : f32 to vector<1000x128xf32>
    %max3A_58 = arith.maximumf %add3A_56, %max3A_57 : vector<1000x128xf32>
    %get3A_59 = arith.constant 0 : index
    %get3A_60 = arith.constant 0 : index
    %get3A_61 = vector.load %arg5[%get3A_59, %get3A_60] : memref<128x64xf32, #tpu.memory_space<vmem>>, vector<128x64xf32>
    %convert_element_type3A_62 = arith.truncf %max3A_58 : vector<1000x128xf32> to vector<1000x128xbf16>
    %convert_element_type3A_63 = arith.truncf %get3A_61 : vector<128x64xf32> to vector<128x64xbf16>
    %dot_general3A_64 = arith.constant dense<0.000000e+00> : vector<1000x64xf32>
    %dot_general3A_65 = tpu.matmul %convert_element_type3A_62, %convert_element_type3A_63, %dot_general3A_64 {dimension_numbers = #tpu.dot_dimension_numbers<[1], [0], [0], [1], [0, 0, 1, 1], [], []>, transpose_lhs_hint = false} : vector<1000x128xbf16>, vector<128x64xbf16>, vector<1000x64xf32> -> vector<1000x64xf32>
    %get3A_66 = arith.constant 0 : index
    %get3A_67 = arith.constant 0 : index
    %get3A_68 = vector.load %arg6[%get3A_66, %get3A_67] : memref<1x64xf32, #tpu.memory_space<vmem>>, vector<1x64xf32>
    %add3A_69 = vector.broadcast %get3A_68 : vector<1x64xf32> to vector<1000x64xf32>
    %add3A_70 = arith.addf %dot_general3A_65, %add3A_69 : vector<1000x64xf32>
    %swap3A = arith.constant 0 : index
    %swap3A_71 = arith.constant 0 : index
    %swap3A_72 = vector.load %arg8[%swap3A, %swap3A_71] : memref<1000x64xf32, #tpu.memory_space<vmem>>, vector<1000x64xf32>
    tpu.vector_store %arg8[%swap3A, %swap3A_71], %add3A_70 {strides = array<i32>} : memref<1000x64xf32, #tpu.memory_space<vmem>>, vector<1000x64xf32>,
    %eq3A = arith.constant 0 : i32
    %eq3A_73 = arith.cmpi eq, %arg0, %eq3A : i32
    %convert_element_type3A_74 = arith.extui %eq3A_73 : i1 to i32
    %cond3A = arith.constant 0 : i32
    %cond3A_75 = arith.cmpi ne, %convert_element_type3A_74, %cond3A : i32
    scf.if %cond3A_75 {
      %broadcast_in_dim3A_100 = arith.constant 0.000000e+00 : f32
      %broadcast_in_dim3A_101 = vector.broadcast %broadcast_in_dim3A_100 : f32 to vector<2x64xf32>
      %swap3A_102 = arith.constant 0 : index
      %swap3A_103 = arith.constant 0 : index
      %swap3A_104 = vector.load %arg10[%swap3A_102, %swap3A_103] : memref<2x64xf32, #tpu.memory_space<vmem>>, vector<2x64xf32>
      tpu.vector_store %arg10[%swap3A_102, %swap3A_103], %broadcast_in_dim3A_101 {strides = array<i32>} : memref<2x64xf32, #tpu.memory_space<vmem>>, vector<2x64xf32>,
    } else {
    }
    %get3A_76 = arith.constant 0 : index
    %get3A_77 = arith.constant 0 : index
    %get3A_78 = vector.load %arg10[%get3A_76, %get3A_77] : memref<2x64xf32, #tpu.memory_space<vmem>>, vector<1x64xf32>
    %reduce_sum3A = arith.constant dense<0.000000e+00> : vector<64xf32>
    %reduce_sum3A_79 = vector.multi_reduction <add>, %add3A_70, %reduce_sum3A [0] : vector<1000x64xf32> to vector<64xf32>
    %broadcast_in_dim3A = vector.shape_cast %reduce_sum3A_79 : vector<64xf32> to vector<1x64xf32>
    %add3A_80 = arith.addf %get3A_78, %broadcast_in_dim3A : vector<1x64xf32>
    %swap3A_81 = arith.constant 0 : index
    %swap3A_82 = arith.constant 0 : index
    %swap3A_83 = vector.load %arg10[%swap3A_81, %swap3A_82] : memref<2x64xf32, #tpu.memory_space<vmem>>, vector<1x64xf32>
    tpu.vector_store %arg10[%swap3A_81, %swap3A_82], %add3A_80 {strides = array<i32>} : memref<2x64xf32, #tpu.memory_space<vmem>>, vector<1x64xf32>,
    %get3A_84 = arith.constant 1 : index
    %get3A_85 = arith.constant 0 : index
    %get3A_86 = vector.load %arg10[%get3A_84, %get3A_85] : memref<2x64xf32, #tpu.memory_space<vmem>>, vector<1x64xf32>
    %mul3A_87 = arith.mulf %add3A_70, %add3A_70 : vector<1000x64xf32>
    %reduce_sum3A_88 = arith.constant dense<0.000000e+00> : vector<64xf32>
    %reduce_sum3A_89 = vector.multi_reduction <add>, %mul3A_87, %reduce_sum3A_88 [0] : vector<1000x64xf32> to vector<64xf32>
    %broadcast_in_dim3A_90 = vector.shape_cast %reduce_sum3A_89 : vector<64xf32> to vector<1x64xf32>
    %add3A_91 = arith.addf %get3A_86, %broadcast_in_dim3A_90 : vector<1x64xf32>
    %swap3A_92 = arith.constant 1 : index
    %swap3A_93 = arith.constant 0 : index
    %swap3A_94 = vector.load %arg10[%swap3A_92, %swap3A_93] : memref<2x64xf32, #tpu.memory_space<vmem>>, vector<1x64xf32>
    tpu.vector_store %arg10[%swap3A_92, %swap3A_93], %add3A_91 {strides = array<i32>} : memref<2x64xf32, #tpu.memory_space<vmem>>, vector<1x64xf32>,
    %eq3A_95 = arith.constant 49 : i32
    %eq3A_96 = arith.cmpi eq, %arg0, %eq3A_95 : i32
    %convert_element_type3A_97 = arith.extui %eq3A_96 : i1 to i32
    %cond3A_98 = arith.constant 0 : i32
    %cond3A_99 = arith.cmpi ne, %convert_element_type3A_97, %cond3A_98 : i32
    scf.if %cond3A_99 {
      %get3A_100 = arith.constant 0 : index
      %get3A_101 = arith.constant 0 : index
      %get3A_102 = vector.load %arg10[%get3A_100, %get3A_101] : memref<2x64xf32, #tpu.memory_space<vmem>>, vector<2x64xf32>
      %swap3A_103 = arith.constant 0 : index
      %swap3A_104 = arith.constant 0 : index
      %swap3A_105 = vector.load %arg9[%swap3A_103, %swap3A_104] : memref<2x64xf32, #tpu.memory_space<vmem>>, vector<2x64xf32>
      tpu.vector_store %arg9[%swap3A_103, %swap3A_104], %get3A_102 {strides = array<i32>} : memref<2x64xf32, #tpu.memory_space<vmem>>, vector<2x64xf32>,
    } else {
    }
    return
  }
  func.func @transform_0(%arg0: i32) -> (i32, i32, i32) {
    %c0_i32 = arith.constant 0 : i32
    %c0_i32_0 = arith.constant 0 : i32
    %c0_i32_1 = arith.constant 0 : i32
    return %c0_i32, %arg0, %c0_i32_0 : i32, i32, i32
  }
  func.func @transform_1(%arg0: i32) -> (i32, i32, i32) {
    %c0_i32 = arith.constant 0 : i32
    %c0_i32_0 = arith.constant 0 : i32
    %c0_i32_1 = arith.constant 0 : i32
    return %c0_i32, %arg0, %c0_i32_0 : i32, i32, i32
  }
  func.func @transform_2(%arg0: i32) -> (i32, i32) {
    %c0_i32 = arith.constant 0 : i32
    %c0_i32_0 = arith.constant 0 : i32
    %c0_i32_1 = arith.constant 0 : i32
    return %c0_i32, %c0_i32_0 : i32, i32
  }
  func.func @transform_3(%arg0: i32) -> (i32, i32) {
    %c0_i32 = arith.constant 0 : i32
    %c0_i32_0 = arith.constant 0 : i32
    %c0_i32_1 = arith.constant 0 : i32
    return %c0_i32, %c0_i32_0 : i32, i32
  }
  func.func @transform_4(%arg0: i32) -> (i32, i32) {
    %c0_i32 = arith.constant 0 : i32
    %c0_i32_0 = arith.constant 0 : i32
    %c0_i32_1 = arith.constant 0 : i32
    return %c0_i32, %c0_i32_0 : i32, i32
  }
  func.func @transform_5(%arg0: i32) -> (i32, i32) {
    %c0_i32 = arith.constant 0 : i32
    %c0_i32_0 = arith.constant 0 : i32
    %c0_i32_1 = arith.constant 0 : i32
    return %c0_i32, %c0_i32_0 : i32, i32
  }
  func.func @transform_6(%arg0: i32) -> (i32, i32) {
    %c0_i32 = arith.constant 0 : i32
    %c0_i32_0 = arith.constant 0 : i32
    %c0_i32_1 = arith.constant 0 : i32
    return %c0_i32, %c0_i32_0 : i32, i32
  }
  func.func @transform_7(%arg0: i32) -> (i32, i32) {
    %c0_i32 = arith.constant 0 : i32
    %c0_i32_0 = arith.constant 0 : i32
    return %arg0, %c0_i32 : i32, i32
  }
  func.func @transform_8(%arg0: i32) -> (i32, i32) {
    %c0_i32 = arith.constant 0 : i32
    %c0_i32_0 = arith.constant 0 : i32
    %c0_i32_1 = arith.constant 0 : i32
    return %c0_i32, %c0_i32_0 : i32, i32
  }
}

module attributes {stable_mosaic.version = 14 : i64} {
  func.func @_bn_body(%arg0: i32, %arg1: memref<1000x64xf32, #tpu.memory_space<vmem>>, %arg2: memref<2x64xf32, #tpu.memory_space<vmem>>, %arg3: memref<1x64xf32, #tpu.memory_space<vmem>>, %arg4: memref<1x64xf32, #tpu.memory_space<vmem>>, %arg5: memref<4x1000x16xf32, #tpu.memory_space<vmem>>) attributes {dimension_semantics = [#tpu.dimension_semantics<arbitrary>], iteration_bounds = array<i64: 50>, scalar_prefetch = 0 : i64, scratch_operands = 0 : i64, tpu.core_type = #tpu.core_type<tc>, window_params = [{transform_indices = @transform_0, window_bounds = array<i64: 1000, 64>}, {pipeline_mode = #tpu.pipeline_mode<synchronous>, transform_indices = @transform_1, window_bounds = array<i64: 2, 64>}, {pipeline_mode = #tpu.pipeline_mode<synchronous>, transform_indices = @transform_2, window_bounds = array<i64: 1, 64>}, {pipeline_mode = #tpu.pipeline_mode<synchronous>, transform_indices = @transform_3, window_bounds = array<i64: 1, 64>}, {transform_indices = @transform_4, window_bounds = array<i64: 4, 1000, 16>}]} {
    %get3A = arith.constant 0 : index
    %get3A_0 = arith.constant 0 : index
    %get3A_1 = vector.load %arg2[%get3A, %get3A_0] : memref<2x64xf32, #tpu.memory_space<vmem>>, vector<1x64xf32>
    %div3A = arith.constant 5.000000e+04 : f32
    %div3A_2 = vector.broadcast %div3A : f32 to vector<1x64xf32>
    %div3A_3 = arith.divf %get3A_1, %div3A_2 : vector<1x64xf32>
    %get3A_4 = arith.constant 1 : index
    %get3A_5 = arith.constant 0 : index
    %get3A_6 = vector.load %arg2[%get3A_4, %get3A_5] : memref<2x64xf32, #tpu.memory_space<vmem>>, vector<1x64xf32>
    %div3A_7 = arith.constant 5.000000e+04 : f32
    %div3A_8 = vector.broadcast %div3A_7 : f32 to vector<1x64xf32>
    %div3A_9 = arith.divf %get3A_6, %div3A_8 : vector<1x64xf32>
    %mul3A = arith.mulf %div3A_3, %div3A_3 : vector<1x64xf32>
    %sub3A = arith.subf %div3A_9, %mul3A : vector<1x64xf32>
    %get3A_10 = arith.constant 0 : index
    %get3A_11 = arith.constant 0 : index
    %get3A_12 = vector.load %arg1[%get3A_10, %get3A_11] : memref<1000x64xf32, #tpu.memory_space<vmem>>, vector<1000x64xf32>
    %sub3A_13 = vector.broadcast %div3A_3 : vector<1x64xf32> to vector<1000x64xf32>
    %sub3A_14 = arith.subf %get3A_12, %sub3A_13 : vector<1000x64xf32>
    %add3A = arith.constant 9.99999974E-6 : f32
    %add3A_15 = vector.broadcast %add3A : f32 to vector<1x64xf32>
    %add3A_16 = arith.addf %sub3A, %add3A_15 : vector<1x64xf32>
    %sqrt3A = math.sqrt %add3A_16 : vector<1x64xf32>
    %div3A_17 = vector.broadcast %sqrt3A : vector<1x64xf32> to vector<1000x64xf32>
    %div3A_18 = arith.divf %sub3A_14, %div3A_17 : vector<1000x64xf32>
    %get3A_19 = arith.constant 0 : index
    %get3A_20 = arith.constant 0 : index
    %get3A_21 = vector.load %arg3[%get3A_19, %get3A_20] : memref<1x64xf32, #tpu.memory_space<vmem>>, vector<1x64xf32>
    %mul3A_22 = vector.broadcast %get3A_21 : vector<1x64xf32> to vector<1000x64xf32>
    %mul3A_23 = arith.mulf %div3A_18, %mul3A_22 : vector<1000x64xf32>
    %get3A_24 = arith.constant 0 : index
    %get3A_25 = arith.constant 0 : index
    %get3A_26 = vector.load %arg4[%get3A_24, %get3A_25] : memref<1x64xf32, #tpu.memory_space<vmem>>, vector<1x64xf32>
    %add3A_27 = vector.broadcast %get3A_26 : vector<1x64xf32> to vector<1000x64xf32>
    %add3A_28 = arith.addf %mul3A_23, %add3A_27 : vector<1000x64xf32>
    %max3A = arith.constant 0.000000e+00 : f32
    %max3A_29 = vector.broadcast %max3A : f32 to vector<1000x64xf32>
    %max3A_30 = arith.maximumf %add3A_28, %max3A_29 : vector<1000x64xf32>
    %slice3A = vector.extract_strided_slice %max3A_30 {offsets = [0, 0], sizes = [1000, 16], strides = [1, 1]} : vector<1000x64xf32> to vector<1000x16xf32>
    %swap3A = arith.constant 0 : index
    %swap3A_31 = arith.constant 0 : index
    %swap3A_32 = arith.constant 0 : index
    %swap3A_33 = vector.load %arg5[%swap3A, %swap3A_31, %swap3A_32] : memref<4x1000x16xf32, #tpu.memory_space<vmem>>, vector<1x1000x16xf32>
    %swap3A_34 = vector.shape_cast %swap3A_33 : vector<1x1000x16xf32> to vector<1000x16xf32>
    %swap3A_35 = vector.shape_cast %slice3A : vector<1000x16xf32> to vector<1x1000x16xf32>
    tpu.vector_store %arg5[%swap3A, %swap3A_31, %swap3A_32], %swap3A_35 {strides = array<i32>} : memref<4x1000x16xf32, #tpu.memory_space<vmem>>, vector<1x1000x16xf32>,
    %slice3A_36 = vector.extract_strided_slice %max3A_30 {offsets = [0, 16], sizes = [1000, 16], strides = [1, 1]} : vector<1000x64xf32> to vector<1000x16xf32>
    %swap3A_37 = arith.constant 1 : index
    %swap3A_38 = arith.constant 0 : index
    %swap3A_39 = arith.constant 0 : index
    %swap3A_40 = vector.load %arg5[%swap3A_37, %swap3A_38, %swap3A_39] : memref<4x1000x16xf32, #tpu.memory_space<vmem>>, vector<1x1000x16xf32>
    %swap3A_41 = vector.shape_cast %swap3A_40 : vector<1x1000x16xf32> to vector<1000x16xf32>
    %swap3A_42 = vector.shape_cast %slice3A_36 : vector<1000x16xf32> to vector<1x1000x16xf32>
    tpu.vector_store %arg5[%swap3A_37, %swap3A_38, %swap3A_39], %swap3A_42 {strides = array<i32>} : memref<4x1000x16xf32, #tpu.memory_space<vmem>>, vector<1x1000x16xf32>,
    %slice3A_43 = vector.extract_strided_slice %max3A_30 {offsets = [0, 32], sizes = [1000, 16], strides = [1, 1]} : vector<1000x64xf32> to vector<1000x16xf32>
    %swap3A_44 = arith.constant 2 : index
    %swap3A_45 = arith.constant 0 : index
    %swap3A_46 = arith.constant 0 : index
    %swap3A_47 = vector.load %arg5[%swap3A_44, %swap3A_45, %swap3A_46] : memref<4x1000x16xf32, #tpu.memory_space<vmem>>, vector<1x1000x16xf32>
    %swap3A_48 = vector.shape_cast %swap3A_47 : vector<1x1000x16xf32> to vector<1000x16xf32>
    %swap3A_49 = vector.shape_cast %slice3A_43 : vector<1000x16xf32> to vector<1x1000x16xf32>
    tpu.vector_store %arg5[%swap3A_44, %swap3A_45, %swap3A_46], %swap3A_49 {strides = array<i32>} : memref<4x1000x16xf32, #tpu.memory_space<vmem>>, vector<1x1000x16xf32>,
    %slice3A_50 = vector.extract_strided_slice %max3A_30 {offsets = [0, 48], sizes = [1000, 16], strides = [1, 1]} : vector<1000x64xf32> to vector<1000x16xf32>
    %swap3A_51 = arith.constant 3 : index
    %swap3A_52 = arith.constant 0 : index
    %swap3A_53 = arith.constant 0 : index
    %swap3A_54 = vector.load %arg5[%swap3A_51, %swap3A_52, %swap3A_53] : memref<4x1000x16xf32, #tpu.memory_space<vmem>>, vector<1x1000x16xf32>
    %swap3A_55 = vector.shape_cast %swap3A_54 : vector<1x1000x16xf32> to vector<1000x16xf32>
    %swap3A_56 = vector.shape_cast %slice3A_50 : vector<1000x16xf32> to vector<1x1000x16xf32>
    tpu.vector_store %arg5[%swap3A_51, %swap3A_52, %swap3A_53], %swap3A_56 {strides = array<i32>} : memref<4x1000x16xf32, #tpu.memory_space<vmem>>, vector<1x1000x16xf32>,
    return
  }
  func.func @transform_0(%arg0: i32) -> (i32, i32) {
    %c0_i32 = arith.constant 0 : i32
    %c0_i32_0 = arith.constant 0 : i32
    return %arg0, %c0_i32 : i32, i32
  }
  func.func @transform_1(%arg0: i32) -> (i32, i32) {
    %c0_i32 = arith.constant 0 : i32
    %c0_i32_0 = arith.constant 0 : i32
    %c0_i32_1 = arith.constant 0 : i32
    return %c0_i32, %c0_i32_0 : i32, i32
  }
  func.func @transform_2(%arg0: i32) -> (i32, i32) {
    %c0_i32 = arith.constant 0 : i32
    %c0_i32_0 = arith.constant 0 : i32
    %c0_i32_1 = arith.constant 0 : i32
    return %c0_i32, %c0_i32_0 : i32, i32
  }
  func.func @transform_3(%arg0: i32) -> (i32, i32) {
    %c0_i32 = arith.constant 0 : i32
    %c0_i32_0 = arith.constant 0 : i32
    %c0_i32_1 = arith.constant 0 : i32
    return %c0_i32, %c0_i32_0 : i32, i32
  }
  func.func @transform_4(%arg0: i32) -> (i32, i32, i32) {
    %c0_i32 = arith.constant 0 : i32
    %c0_i32_0 = arith.constant 0 : i32
    %c0_i32_1 = arith.constant 0 : i32
    return %c0_i32, %arg0, %c0_i32_0 : i32, i32, i32
  }
}

module attributes {stable_mosaic.version = 14 : i64} {
  func.func @_bn_body(%arg0: i32, %arg1: memref<1000x64xf32, #tpu.memory_space<vmem>>, %arg2: memref<2x64xf32, #tpu.memory_space<vmem>>, %arg3: memref<1x64xf32, #tpu.memory_space<vmem>>, %arg4: memref<1x64xf32, #tpu.memory_space<vmem>>, %arg5: memref<1000x64xf32, #tpu.memory_space<vmem>>) attributes {dimension_semantics = [#tpu.dimension_semantics<arbitrary>], iteration_bounds = array<i64: 50>, scalar_prefetch = 0 : i64, scratch_operands = 0 : i64, tpu.core_type = #tpu.core_type<tc>, window_params = [{transform_indices = @transform_0, window_bounds = array<i64: 1000, 64>}, {pipeline_mode = #tpu.pipeline_mode<synchronous>, transform_indices = @transform_1, window_bounds = array<i64: 2, 64>}, {pipeline_mode = #tpu.pipeline_mode<synchronous>, transform_indices = @transform_2, window_bounds = array<i64: 1, 64>}, {pipeline_mode = #tpu.pipeline_mode<synchronous>, transform_indices = @transform_3, window_bounds = array<i64: 1, 64>}, {transform_indices = @transform_4, window_bounds = array<i64: 1000, 64>}]} {
    %get3A = arith.constant 0 : index
    %get3A_0 = arith.constant 0 : index
    %get3A_1 = vector.load %arg2[%get3A, %get3A_0] : memref<2x64xf32, #tpu.memory_space<vmem>>, vector<1x64xf32>
    %div3A = arith.constant 5.000000e+04 : f32
    %div3A_2 = vector.broadcast %div3A : f32 to vector<1x64xf32>
    %div3A_3 = arith.divf %get3A_1, %div3A_2 : vector<1x64xf32>
    %get3A_4 = arith.constant 1 : index
    %get3A_5 = arith.constant 0 : index
    %get3A_6 = vector.load %arg2[%get3A_4, %get3A_5] : memref<2x64xf32, #tpu.memory_space<vmem>>, vector<1x64xf32>
    %div3A_7 = arith.constant 5.000000e+04 : f32
    %div3A_8 = vector.broadcast %div3A_7 : f32 to vector<1x64xf32>
    %div3A_9 = arith.divf %get3A_6, %div3A_8 : vector<1x64xf32>
    %mul3A = arith.mulf %div3A_3, %div3A_3 : vector<1x64xf32>
    %sub3A = arith.subf %div3A_9, %mul3A : vector<1x64xf32>
    %get3A_10 = arith.constant 0 : index
    %get3A_11 = arith.constant 0 : index
    %get3A_12 = vector.load %arg1[%get3A_10, %get3A_11] : memref<1000x64xf32, #tpu.memory_space<vmem>>, vector<1000x64xf32>
    %sub3A_13 = vector.broadcast %div3A_3 : vector<1x64xf32> to vector<1000x64xf32>
    %sub3A_14 = arith.subf %get3A_12, %sub3A_13 : vector<1000x64xf32>
    %add3A = arith.constant 9.99999974E-6 : f32
    %add3A_15 = vector.broadcast %add3A : f32 to vector<1x64xf32>
    %add3A_16 = arith.addf %sub3A, %add3A_15 : vector<1x64xf32>
    %sqrt3A = math.sqrt %add3A_16 : vector<1x64xf32>
    %div3A_17 = vector.broadcast %sqrt3A : vector<1x64xf32> to vector<1000x64xf32>
    %div3A_18 = arith.divf %sub3A_14, %div3A_17 : vector<1000x64xf32>
    %get3A_19 = arith.constant 0 : index
    %get3A_20 = arith.constant 0 : index
    %get3A_21 = vector.load %arg3[%get3A_19, %get3A_20] : memref<1x64xf32, #tpu.memory_space<vmem>>, vector<1x64xf32>
    %mul3A_22 = vector.broadcast %get3A_21 : vector<1x64xf32> to vector<1000x64xf32>
    %mul3A_23 = arith.mulf %div3A_18, %mul3A_22 : vector<1000x64xf32>
    %get3A_24 = arith.constant 0 : index
    %get3A_25 = arith.constant 0 : index
    %get3A_26 = vector.load %arg4[%get3A_24, %get3A_25] : memref<1x64xf32, #tpu.memory_space<vmem>>, vector<1x64xf32>
    %add3A_27 = vector.broadcast %get3A_26 : vector<1x64xf32> to vector<1000x64xf32>
    %add3A_28 = arith.addf %mul3A_23, %add3A_27 : vector<1000x64xf32>
    %swap3A = arith.constant 0 : index
    %swap3A_29 = arith.constant 0 : index
    %swap3A_30 = vector.load %arg5[%swap3A, %swap3A_29] : memref<1000x64xf32, #tpu.memory_space<vmem>>, vector<1000x64xf32>
    tpu.vector_store %arg5[%swap3A, %swap3A_29], %add3A_28 {strides = array<i32>} : memref<1000x64xf32, #tpu.memory_space<vmem>>, vector<1000x64xf32>,
    return
  }
  func.func @transform_0(%arg0: i32) -> (i32, i32) {
    %c0_i32 = arith.constant 0 : i32
    %c0_i32_0 = arith.constant 0 : i32
    return %arg0, %c0_i32 : i32, i32
  }
  func.func @transform_1(%arg0: i32) -> (i32, i32) {
    %c0_i32 = arith.constant 0 : i32
    %c0_i32_0 = arith.constant 0 : i32
    %c0_i32_1 = arith.constant 0 : i32
    return %c0_i32, %c0_i32_0 : i32, i32
  }
  func.func @transform_2(%arg0: i32) -> (i32, i32) {
    %c0_i32 = arith.constant 0 : i32
    %c0_i32_0 = arith.constant 0 : i32
    %c0_i32_1 = arith.constant 0 : i32
    return %c0_i32, %c0_i32_0 : i32, i32
  }
  func.func @transform_3(%arg0: i32) -> (i32, i32) {
    %c0_i32 = arith.constant 0 : i32
    %c0_i32_0 = arith.constant 0 : i32
    %c0_i32_1 = arith.constant 0 : i32
    return %c0_i32, %c0_i32_0 : i32, i32
  }
  func.func @transform_4(%arg0: i32) -> (i32, i32) {
    %c0_i32 = arith.constant 0 : i32
    %c0_i32_0 = arith.constant 0 : i32
    return %arg0, %c0_i32 : i32, i32
  }
}

</mosaic_0001>

<sc_bundles>
// kernel: gather_offload_async_start
scs
__scs_entry_jumppad:
0x0: {  	(pc) =	sbr.rel $0x88, $3  }
0x1: {  	(tag) =	ssettag $0x0;
	lr =	simm.s32 $0x1  }
0x2: {  	[smem:$0x3F6F] =	sst lr;
	_ =	strace $0xD0000000  }
0x3: {  	_ = 	snop  }
0x4: {  	_ = 	snop  }
0x5: {  	_ = 	snop  }
0x6: {  	_ = 	snop  }
0x7: {  	_ = 	snop  }
__scs_overlays_trampoline_lowered:
0x8: {  	[smem:$0x3F7E] =	sst s0  }
0x9: {  	[smem:$0x3F7F] =	sst s1  }
0xa: {  	[smem:$0x3F80] =	sst s2  }
0xb: {  	[smem:$0x3F81] =	sst s3  }
0xc: {  	[smem:$0x3F82] =	sst s4  }
0xd: {  	[smem:$0x3F83] =	sst s5  }
0xe: {  	[smem:$0x3F84] =	sst s6  }
0xf: {  	[smem:$0x3F85] =	sst s7  }
0x10: {  	[smem:$0x3F86] =	sst s8  }
0x11: {  	[smem:$0x3F87] =	sst s9;
	s0 =	simm.s32 @!p0 $0x0  }
0x12: {  	s1 =	sld [smem:$0x3F6D];
	s0 =	simm.s32 @p0 $0x1  }
0x13: {  	[smem:$0x3F88] =	sst s0;
	s0 =	simm.s32 @!p1 $0x0  }
0x14: {  	s2 =	sld [smem:$0x3F6C];
	s0 =	simm.s32 @p1 $0x1  }
0x15: {  	[smem:$0x3F89] =	sst s0;
	s0 =	simm.s32 @!p2 $0x0  }
0x16: {  	s3 =	sld [smem:$0x3FDB];
	s0 =	simm.s32 @p2 $0x1  }
0x17: {  	s4 =	simm.s32 $0x1BF5;
	[smem:$0x3F8B] =	sst s0  }
0x18: {  	s0 =	sld [smem:$0x3F6E];
	_ =	swait.ge [sflag:s4], $0x0  }
0x19: {  	s7 =	sld [smem:$0x3F6F]  }
0x1a: {  	s8 =	sadd.s32 $0xFFFFE003, lr  }
0x1b: {  	s9 =	sadd.s32 $0xFFFFFEF7, lr;
	s5 =	simm.s32 $0xFFFFFFFF;
	p2 =	slt.u32 s8, $0xFFFFF086  }
0x1c: {  	p1 =	slt.u32 s9, $0xF7A;
	s5 =	simm.s32 @!p2 $0x0  }
0x1d: {  	s5 =	simm.s32 @p1 $0x1;
	p0 =	seq.s32 s7, s2  }
0x1e: {  	s7 =	smul.u32 @!p0 $0xF7A, s2;
	p2 =	seq.s32 @!p0 s5, $0x0  }
0x1f: {  	s9 =	smul.u32 $0xF7A, s1;
	s8 =	simm.s32 @!p0 $0x1BF5;
	p2 =	por !p2, p0  }
0x20: {  	[sflag:s8] =	ssyncset.s32 @!p0 $0xFFFFF086;
	s6 =	sadd.s32 @!p0 s3, s7;
	s7 =	simm.s32 @!p0 $0x108  }
0x21: {  	s3 =	sadd.s32 s3, s9;
	s6 =	sadd.s32 @!p0 $0x88, s6;
	s7 =	simm.s32 @p2 $0x1082  }
0x22: {  	[simem:s7], [sflag:s8] =	dma.local @!p0 [hbm:s6], $0xF7A  }
0x23: {  	s9 =	sor.u32 $0xD0000000, s2;
	s6 =	simm.s32 $0x108;
	_ =	swait.ge @!p0 [sflag:s8], $0x0  }
0x24: {  	s3 =	sadd.s32 $0x88, s3;
	s6 =	simm.s32 @!p1 $0x1082;
	[sflag:s4] =	ssyncset.s32 $0xFFFFF086  }
0x25: {  	[simem:s6], [sflag:s4] =	dma.local [hbm:s3], $0xF7A  }
0x26: {  	[smem:$0x3F6F] =	sst s1;
	(tag) =	ssettag s2;
	_ =	strace s9  }
0x27: {  	s1 =	sld [smem:$0x3F7F]  }
0x28: {  	s2 =	sld [smem:$0x3F80]  }
0x29: {  	s4 =	sld [smem:$0x3F82]  }
0x2a: {  	p0 =	seq.s32 s5, $0x0;
	s5 =	sld [smem:$0x3F83]  }
0x2b: {  	s6 =	sld [smem:$0x3F84]  }
0x2c: {  	s7 =	sld [smem:$0x3F85]  }
0x2d: {  	s3 =	simm.s32 $0x108;
	s8 =	sld [smem:$0x3F86]  }
0x2e: {  	s3 =	simm.s32 @!p0 $0x1082;
	s9 =	sld [smem:$0x3F87]  }
0x2f: {  	lr =	sadd.s32 s0, s3;
	s0 =	sld [smem:$0x3F7E]  }
0x30: {  	s3 =	sld [smem:$0x3F81]  }
0x31: {  	[smem:$0x3F8A] =	sst s10  }
0x32: {  	s10 =	sld [smem:$0x3F88];
	_ =	sdelay $0x3  }
0x33: {  	p0 =	seq.s32 s10, $0x1;
	s10 =	sld [smem:$0x3F8A];
	_ =	sdelay $0x3  }
0x34: {  	[smem:$0x3F8A] =	sst s10  }
0x35: {  	s10 =	sld [smem:$0x3F89];
	_ =	sdelay $0x3  }
0x36: {  	p1 =	seq.s32 s10, $0x1;
	s10 =	sld [smem:$0x3F8A];
	_ =	sdelay $0x3  }
0x37: {  	[smem:$0x3F8A] =	sst s10  }
0x38: {  	s10 =	sld [smem:$0x3F8B]  }
0x39: {  	_ = 	snop;
	(pc) =	sbr.ind lr, $3  }
0x3a: {  	_ = 	snop  }
0x3b: {  	_ = 	snop  }
0x3c: {  	p2 =	seq.s32 s10, $0x1;
	s10 =	sld [smem:$0x3F8A]  }
0x3d: {  	_ =	shalt  }
0x3e: {  	_ =	shalt  }
0x3f: {  	_ =	shalt  }
0x40: {  	_ =	shalt  }
0x41: {  	_ =	shalt  }
0x42: {  	_ =	shalt  }
0x43: {  	_ =	shalt  }
0x44: {  	_ =	shalt  }
0x45: {  	_ =	shalt  }
0x46: {  	_ =	shalt  }
0x47: {  	_ =	shalt  }
0x48: {  	_ =	shalt  }
0x49: {  	_ =	shalt  }
0x4a: {  	_ =	shalt  }
0x4b: {  	_ =	shalt  }
0x4c: {  	_ =	shalt  }
0x4d: {  	_ =	shalt  }
0x4e: {  	_ =	shalt  }
0x4f: {  	_ =	shalt  }
0x50: {  	_ =	shalt  }
0x51: {  	_ =	shalt  }
0x52: {  	_ =	shalt  }
0x53: {  	_ =	shalt  }
0x54: {  	_ =	shalt  }
0x55: {  	_ =	shalt  }
0x56: {  	_ =	shalt  }
0x57: {  	_ =	shalt  }
0x58: {  	_ =	shalt  }
0x59: {  	_ =	shalt  }
0x5a: {  	_ =	shalt  }
0x5b: {  	_ =	shalt  }
0x5c: {  	_ =	shalt  }
0x5d: {  	_ =	shalt  }
0x5e: {  	_ =	shalt  }
0x5f: {  	_ =	shalt  }
0x60: {  	_ =	shalt  }
0x61: {  	_ =	shalt  }
0x62: {  	_ =	shalt  }
0x63: {  	_ =	shalt  }
0x64: {  	_ =	shalt  }
0x65: {  	_ =	shalt  }
0x66: {  	_ =	shalt  }
0x67: {  	_ =	shalt  }
0x68: {  	_ =	shalt  }
0x69: {  	_ =	shalt  }
0x6a: {  	_ =	shalt  }
0x6b: {  	_ =	shalt  }
0x6c: {  	_ =	shalt  }
0x6d: {  	_ =	shalt  }
0x6e: {  	_ =	shalt  }
0x6f: {  	_ =	shalt  }
0x70: {  	_ =	shalt  }
0x71: {  	_ =	shalt  }
0x72: {  	_ =	shalt  }
0x73: {  	_ =	shalt  }
0x74: {  	_ =	shalt  }
0x75: {  	_ =	shalt  }
0x76: {  	_ =	shalt  }
0x77: {  	_ =	shalt  }
0x78: {  	_ =	shalt  }
0x79: {  	_ =	shalt  }
0x7a: {  	_ =	shalt  }
0x7b: {  	_ =	shalt  }
0x7c: {  	_ =	shalt  }
0x7d: {  	_ =	shalt  }
0x7e: {  	_ =	shalt  }
0x7f: {  	_ =	shalt  }
0x80: {  	_ =	shalt  }
0x81: {  	_ =	shalt  }
0x82: {  	_ =	shalt  }
0x83: {  	_ =	shalt  }
0x84: {  	_ =	shalt  }
0x85: {  	_ =	shalt  }
0x86: {  	_ =	shalt  }
0x87: {  	_ =	shalt  }
.Lfunc_end0:
.L_simem_size_0:
called_computation.2_lowered:
.L_overlay_start_0:
0x88: {  	s2 =	sld [smem:$0x3FD9]  }
0x89: {  	s3 =	sld [smem:$0x3FFE];
	_ =	sdelay $0x1  }
0x8a: {  	s1 =	srdreg.scid  }
0x8b: {  	s0 =	sand.u32 $0x1, s1  }
0x8c: {  	s16 =	sshll.u32 s0, $0xA;
	s2 =	sadd.s32 s3, s2  }
0x8d: {  	s2 =	sadd.s32 s2, s16  }
0x8e: {  	[smem:$0x3F96] =	sst s2  }
0x8f: {  	_ = 	snop  }
0x90: {  	(tm) =	ssettm $0x1  }
0x91: {  	s17 =	sld [smem:$0x3FFB];
	_ =	sdelay $0x3  }
0x92: {  	_ =	strace s17  }
0x93: {  	s2 =	sld [smem:$0x3FFC];
	_ =	sdelay $0x3  }
0x94: {  	_ =	strace s2  }
0x95: {  	s2 =	sld [smem:$0x3FFD];
	_ =	sdelay $0x3  }
0x96: {  	_ =	strace s2  }
0x97: {  	_ =	strace $0x8FFFFFFF  }
0x98: {  	s18 =	sld [smem:$0x3FDB];
	_ =	sdelay $0x1  }
0x99: {  	s19 =	simm.s32 $_scs_section_size  }
0x9a: {  	s4 =	simm.s32 $_size__tile_overlayer_lowered;
	s5 =	simm.s32 $_tile_overlayer_lowered  }
0x9b: {  	s22 =	simm.s32 $0x1BFF;
	s21 =	sshll.u32 s5, $0x1;
	s2 =	sadd.s32 s19, s18  }
0x9c: {  	s6 =	simm.s32 $0x0;
	s20 =	sshll.u32 s4, $0x1;
	s4 =	sadd.s32 s21, s2  }
0x9d: {  	[timem:s6], [sflag:s22] =	dma.local [hbm:s4], s20  }
0x9e: {  	_ =	swait.ge [sflag:s22], s20  }
0x9f: {  	s3 =	ssub.s32 $0x0, s20;
	[sflag:s22] =	ssyncset.done $0x0  }
0xa0: {  	[sflag:s22] =	ssyncadd.s32 s3;
	_ =	sdelay $0x1  }
0xa1: {  	s23 =	simm.s32 $0x1B8B  }
0xa2: {  	_ =	swait.ge [sflag:s23], $0x1  }
0xa3: {  	[sflag:s23] =	ssyncset.done $0x0  }
0xa4: {  	s25 =	simm.s32 $0x1B8E;
	s24 =	sld [smem:$0x3FFE];
	[sflag:s23] =	ssyncadd.s32 $0xFFFFFFFF  }
0xa5: {  	s26 =	simm.s32 $execute0_lowered;
	[smem:$0x3FD2] =	sst s25  }
0xa6: {  	s4 =	sshll.u32 s26, $0x1;
	_ =	strace $0x8000004C;
	[dreg:$0x1] =	wrdreg $0xFFFFFFFF  }
0xa7: {  	s28 =	simm.s32 $_size_execute0_lowered;
	s2 =	sadd.s32 s2, s4;
	[dreg:$0x0] =	wrdreg $0x0  }
0xa8: {  	s4 =	sshll.u32 s28, $0x1;
	[dreg:$0x2] =	wrdreg s2  }
0xa9: {  	[dreg:$0x3] =	wrdreg s4  }
0xaa: {  	[dreg:$0x4] =	wrdreg $0xC0  }
0xab: {  	_ =	task [dreg:s6], $0x5FFFF  }
0xac: {  	[dreg:$0x1] =	wrdreg $0xFFFFFFFF  }
0xad: {  	[dreg:$0x0] =	wrdreg $0x60  }
0xae: {  	[dreg:$0x2] =	wrdreg s24  }
0xaf: {  	[dreg:$0x3] =	wrdreg $0x9  }
0xb0: {  	_ =	task.clear_ibuf [dreg:s6], $0x4FFFF;
	_ =	strace $0x9000004C  }
0xb1: {  	s29 =	simm.s32 $0x9;
	_ =	strace $0x8000004E  }
0xb2: {  	_ =	swait.ge [sflag:s29], $0x1  }
0xb3: {  	[sflag:s29] =	ssyncadd.s32 $0xFFFFFFFF  }
0xb4: {  	_ =	strace $0x9000004E  }
0xb5: {  	_ =	sfence  }
0xb6: {  	s30 =	sld [smem:$0x0];
	_ =	sdelay $0x2  }
0xb7: {  	s31 =	sshll.u32 s1, $0xD;
	s1 =	sshrl.u32 s1, $0x2  }
0xb8: {  	s3 =	sand.u32 $0x4000, s31;
	s1 =	sadd.s32 s1, s30  }
0xb9: {  	s0 =	sor.u32 s3, s0;
	s1 =	sshll.u32 s1, $0x11  }
0xba: {  	s0 =	sor.u32 s1, s0  }
0xbb: {  	s0 =	sadd.s32 $0x8F2B, s0  }
0xbc: {  	[sflag:s0] =	ssyncadd.remote.s32 $0x1  }
0xbd: {  	_ =	sfence.sel $0xFFFF  }
0xbe: {  	[dreg:$0x0] =	wrdreg $0xFFFFFFFF;
	(pc) =	sbr.abs _section_cstart, $3  }
0xbf: {  	[dreg:$0x1] =	wrdreg $0xFFFFFFFF  }
0xc0: {  	_ =	task.clear_ibuf [dreg:s6], $0x2FFFF;
	_ =	strace $0x9FFFFFFF  }
0xc1: {  	(tm) =	ssettm $0x7FFFFFFF  }
tec
execute0_lowered:
.L_overlay_start_1:
0x0: {  	(tag) =	ssettag $0x1  }
0x1: {  	s8 =	rddreg [dreg:$0x0];
	s1 =	stileid.u32  }
0x2: {  	s2 =	srdreg.scid;
	s0 =	rddreg [dreg:$0x1]  }
0x3: {  	_ =	strace $0x8000004D;
	s5 =	simm.s32 $0x1;
	s9 =	simm.s32 $0x1  }
0x4: {  	s10 =	simm.s32 $0x3;
	s2 =	sand.u32 $0x1, s2;
	s3 =	sshll.u32 s1, $0x1  }
0x5: {  	s13 =	simm.s32 $0x0;
	s12 =	simm.s32 $0x0;
	s6 =	sor.u32 s3, s2  }
0x6: {  	[sflag:s5] =	ssyncpa.u1 $0x0;
	s2 =	sadd.s32 $0x1B800, s8;
	s4 =	smul.u32 $0x4E20, s6  }
0x7: {  	s3 =	sadd.s32 $0x6C9C00, s8;
	p0 =	slt.u32 s6, $0x9;
	s6 =	simm.s32 $0x9C400  }
.Ltmp0:
0x8: {  	s6 =	simm.s32 @!p0 $0x0;
	s7 =	ssub.s32 $0xC3500, s4;
	(pc) =	sbr.rel .LBB2_1-.Ltmp0, $4  }
0x9: {  	s9 =	simm.s32 @!p0 $0x0;
	p0 =	sne.s32 s7, s6;
	s7 =	simm.s32 $0x1  }
0xa: {  	s8 =	sadd.s32 $0x6B1400, s8;
	s6 =	simm.s32 $0x2;
	s7 =	simm.s32 @!p0 $0x0  }
0xb: {  	s11 =	smov.u32 s4;
	[sflag:s6] =	ssyncpa.u1 $0x0;
	s7 =	sadd.s32 s9, s7  }
0xc: {  	vm0 =	vmmov $0xffff;
	[sflag:s10] =	ssyncpa.u1 $0x0;
	s10 =	simm.s32 $0x0;
	s9 =	sadd.s32 $0x1, s7  }
.LBB2_4:
0xd: {  	vm2 =	veq.s32 v2, $0x80000000;
	v4 =	vand.u32 $0x1F, v4;
	v5 =	vor.u32 v6, v5  }
0xe: {  	v1 =	vand.u32 $0xFFFFF, v1;
	v7 =	vshrl.u32 v2, $0x14;
	v56 =	vand.u32 $0xFFFFF, v2  }
0xf: {  	v4 =	vsel vm1, $0xFFFFFFFF, v4;
	v3 =	vor.u32 v3, v5;
	v1 =	vsel vm1, $0xFFFFFFFF, v1  }
0x10: {  	vm1 =	vmmov vm2;
	v7 =	vand.u32 $0x1F, v7;
	v54 =	vshrl.u32 v4, $0x3  }
0x11: {  	v4 =	vshll.u32 v4, $0x7;
	v55 =	vshll.u32 v1, $0x3;
	v57 =	vsel vm1, $0xFFFFFFFF, v7  }
0x12: {  	v2 =	vsel vm1, $0xFFFFFFFF, v56;
	v1 =	vand.u32 $0x7F, v1;
	v5 =	vmul.u32 $0x61A800, v54  }
0x13: {  	v6 =	vand.u32 $0xFFFFFC00, v55;
	v4 =	vand.u32 $0x380, v4;
	v7 =	vshrl.u32 v57, $0x3  }
0x14: {  	v59 =	vshll.u32 v2, $0x3;
	v58 =	vmul.u32 $0x61A800, v7;
	v5 =	vadd.s32 v6, v5  }
0x15: {  	v7 =	vand.u32 $0xFFFFFC00, v59;
	v6 =	vshll.u32 v57, $0x7;
	v4 =	vor.u32 v4, v5  }
0x16: {  	v60 =	vadd.s32 v7, v58;
	v61 =	vand.u32 $0x380, v6;
	v1 =	vor.u32 v1, v4  }
0x17: {  	[tilespmem:s16], [sflag:$0x1] =	stream.indirect_vreg.gather [hbm4b:s2+s10], $0x1, v0, vm0, $0x4038;
	v62 =	vand.u32 $0x7F, v2;
	v63 =	vor.u32 v61, v60;
	[tilespmem:$0x13880] =	vst v63  }
0x18: {  	(ifvalue) =	ssetifvalue $0x7FFFFFFF;
	v0 =	vor.u32 v62, v63  }
0x19: {  	[tilespmem:s15], [sflag:$0x1] =	stream.indirect_vreg.gather [hbm4b:s2+s10], $0x1, v3, vm0, $0x4038;
	[tilespmem:$0x13880] =	vst v63  }
0x1a: {  	s29 =	sadd.s32 $0x10, s15;
	(ifvalue) =	ssetifvalue $0x7FFFFFFF  }
0x1b: {  	[tilespmem:s29], [sflag:$0x1] =	stream.indirect_vreg.gather [hbm4b:s2+s10], $0x1, v1, vm0, $0x4038;
	[tilespmem:$0x13880] =	vst v63  }
0x1c: {  	s15 =	sadd.s32 $0x10, s29;
	(ifvalue) =	ssetifvalue $0x7FFFFFFF  }
0x1d: {  	[tilespmem:s15], [sflag:$0x1] =	stream.indirect_vreg.gather [hbm4b:s2+s10], $0x1, v0, vm0, $0x4038;
	[tilespmem:$0x13880] =	vst v63  }
0x1e: {  	_ =	swait.ge [sflag:s5], $0x4E20  }
0x1f: {  	s30 =	sshrl.u32 s13, $0x3;
	[sflag:s5] =	ssyncset.done $0x0  }
0x20: {  	s31 =	sand.u32 $0x7, s13;
	s15 =	sadd.s32 s8, s30;
	[sflag:s5] =	ssyncadd.s32 $0xFFFFB1E0  }
0x21: {  	[hbm4b:s15+s31] =	stream.linear.scatter [tilespmem:s14], [sflag:$0x3], $0x4E20, $0x38;
	[tilespmem:$0x13880] =	vst v63  }
.LBB2_5:
0x22: {  	s15 =	sadd.s32 $0x9C400, s11  }
0x23: {  	p1 =	sgt.s32 s15, $0xC34FF  }
0x24: {  	s15 =	smov.u32 @p1 s4;
	p1 =	sne.s32 s12, s9  }
.Ltmp1:
0x25: {  	p0 =	slt.u32 s12, $0x2;
	(pc) =	sbr.rel @!p1 .LBB2_6-.Ltmp1, $4  }
0x26: {  	s14 =	simm.s32 @!p0 $0x3  }
0x27: {  	_ =	swait.ge @!p0 [sflag:s14], $0x4E20  }
0x28: {  	s16 =	sadd.s32 $0x1, s12;
	s13 =	smov.u32 s11;
	[sflag:s14] =	ssyncset.done @!p0 $0x0  }
0x29: {  	s12 =	smov.u32 s16;
	s11 =	smov.u32 s15;
	[sflag:s14] =	ssyncadd.s32 @!p0 $0xFFFFB1E0  }
.LBB2_1:
0x2a: {  	p0 =	sge.u32 s12, s7  }
0x2b: {  	s14 =	sxor.u32 @!p0 $0x1, s12  }
0x2c: {  	s14 =	smul.u32 @!p0 $0x13880, s14  }
0x2d: {  	s31 =	sadd.s32 $0xFFFFFFFF, s12;
	s15 =	sshrl.u32 @!p0 s11, $0x3  }
0x2e: {  	s16 =	sand.u32 @!p0 $0x7, s11;
	s15 =	sadd.s32 @!p0 s3, s15;
	s14 =	sshra.s32 @!p0 s14, $0x2  }
0x2f: {  	[tilespmem:s14], [sflag:$0x2] =	stream.linear.gather @!p0 [hbm4b:s15+s16], $0x4E20, $0x38;
	[tilespmem:$0x13880] =	vst v63  }
0x30: {  	p0 =	sge.u32 s31, s7  }
.Ltmp2:
0x31: {  	_ = 	snop;
	(pc) =	sbr.rel @p0 .LBB2_5-.Ltmp2, $1  }
0x32: {  	_ =	sdelay $0x3  }
0x33: {  	s14 =	sand.u32 $0x1, s12  }
0x34: {  	_ =	swait.ge [sflag:s6], $0x4E20;
	p0 =	seq.s32 s14, $0x1;
	s14 =	simm.s32 $0x4E20  }
0x35: {  	[sflag:s6] =	ssyncset.done $0x0;
	s14 =	simm.s32 @!p0 $0x0  }
0x36: {  	[sflag:s6] =	ssyncadd.s32 $0xFFFFB1E0;
	(ifvalue) =	ssetifvalue $0x7FFFFFFF;
	v0 =	vld.msk [tilespmem:s14+$0x0 ss:$0x1], $0xffff;
	_ =	sdelay $0x2  }
0x37: {  	s15 =	sadd.s32 $0x10, s14  }
0x38: {  	v2 =	vld.msk [tilespmem:s15+$0x0 ss:$0x1], $0xffff  }
0x39: {  	vm1 =	veq.s32 v0, $0x80000000;
	v1 =	vshrl.u32 v0, $0x14  }
0x3a: {  	vm1 =	vmmov vm1;
	v3 =	vand.u32 $0x1F, v1  }
0x3b: {  	v0 =	vand.u32 $0xFFFFF, v0;
	v3 =	vsel vm1, $0xFFFFFFFF, v3  }
0x3c: {  	s15 =	sadd.s32 $0x10, s15;
	v0 =	vsel vm1, $0xFFFFFFFF, v0;
	v4 =	vshrl.u32 v3, $0x3  }
0x3d: {  	v1 =	vld.msk [tilespmem:s15+$0x0 ss:$0x1], $0xffff;
	v6 =	vshrl.u32 v2, $0x14;
	v5 =	vshll.u32 v0, $0x3;
	v4 =	vmul.u32 $0x61A800, v4  }
0x3e: {  	vm1 =	veq.s32 v2, $0x80000000;
	v3 =	vshll.u32 v3, $0x7;
	v5 =	vand.u32 $0xFFFFFC00, v5  }
0x3f: {  	v0 =	vand.u32 $0x7F, v0;
	v3 =	vand.u32 $0x380, v3;
	v4 =	vadd.s32 v5, v4  }
0x40: {  	vm1 =	vmmov vm1;
	v5 =	vand.u32 $0x1F, v6;
	v3 =	vor.u32 v3, v4  }
0x41: {  	v2 =	vand.u32 $0xFFFFF, v2;
	v4 =	vsel vm1, $0xFFFFFFFF, v5;
	v0 =	vor.u32 v0, v3  }
0x42: {  	s15 =	sadd.s32 $0x10, s15;
	vm2 =	veq.s32 v1, $0x80000000;
	v3 =	vsel vm1, $0xFFFFFFFF, v2;
	v2 =	vshrl.u32 v4, $0x3  }
0x43: {  	s14 =	sadd.s32 $0x9C40, s14;
	v6 =	vshll.u32 v4, $0x7;
	v5 =	vmul.u32 $0x61A800, v2;
	v4 =	vshll.u32 v3, $0x3;
	v2 =	vld.msk [tilespmem:s15+$0x0 ss:$0x1], $0xffff  }
0x44: {  	s17 =	simm.s32 $0x30;
	s16 =	smov.u32 s14;
	vm1 =	vmmov vm2;
	v3 =	vand.u32 $0x7F, v3;
	v7 =	vand.u32 $0xFFFFFC00, v4  }
0x45: {  	s18 =	sadd.s32 $0x10, s15;
	v6 =	vand.u32 $0x380, v6;
	(ifvalue) =	ssetifvalue $0x7FFFFFFF;
	s15 =	sadd.s32 $0x10, s14;
	v4 =	vshrl.u32 v1, $0x14;
	v5 =	vadd.s32 v7, v5  }
.LBB2_3:
0x46: {  	[tilespmem:s16], [sflag:$0x1] =	stream.indirect_vreg.gather [hbm4b:s2+s10], $0x1, v0, vm0, $0x4038;
	[tilespmem:$0x13880] =	vst v63  }
0x47: {  	s17 =	sadd.s32 $0x10, s17  }
0x48: {  	vm2 =	veq.s32 v2, $0x80000000;
	v4 =	vand.u32 $0x1F, v4;
	v5 =	vor.u32 v6, v5;
	v6 =	vmovc v2;
	v2 =	vld.msk [tilespmem:s18+$0x0 ss:$0x1], $0xffff;
	p0 =	slt.u32 s17, $0x4E10  }
.Ltmp3:
0x49: {  	v7 =	vand.u32 $0xFFFFF, v1;
	s16 =	smov.u32 s15;
	v4 =	vsel vm1, $0xFFFFFFFF, v4;
	v0 =	vor.u32 v3, v5;
	v1 =	vmovc v6;
	(pc) =	sbr.rel @p0 .LBB2_3-.Ltmp3, $4  }
0x4a: {  	v5 =	vsel vm1, $0xFFFFFFFF, v7;
	v6 =	vshrl.u32 v4, $0x3;
	v7 =	vshll.u32 v4, $0x7  }
0x4b: {  	v3 =	vand.u32 $0x7F, v5;
	v4 =	vshll.u32 v5, $0x3;
	v6 =	vmul.u32 $0x61A800, v6  }
0x4c: {  	vm1 =	vmmov vm2;
	v5 =	vand.u32 $0xFFFFFC00, v4  }
0x4d: {  	s18 =	sadd.s32 $0x10, s18;
	s15 =	sadd.s32 $0x10, s15;
	v4 =	vshrl.u32 v1, $0x14;
	v5 =	vadd.s32 v5, v6;
	v6 =	vand.u32 $0x380, v7;
	(ifvalue) =	ssetifvalue $0x7FFFFFFF  }
.Ltmp4:
0x4e: {  	_ = 	snop;
	(pc) =	sbr.rel .LBB2_4-.Ltmp4, $1  }
0x4f: {  	_ =	sdelay $0x3  }
.LBB2_6:
0x50: {  	_ =	sfence.sel $0x180000  }
0x51: {  	s2 =	simm.s32 $0x2;
	[bflag:$0x0] =	sbarrier.arrive $0xFFFF  }
0x52: {  	s30 =	simm.s32 $0x3;
	[sflag:s2] =	ssyncpa.u1 $0x1  }
0x53: {  	s31 =	simm.s32 $0x1;
	[sflag:s30] =	ssyncpa.u1 $0x1  }
0x54: {  	[sflag:s31] =	ssyncpa.u1 $0x1  }
0x55: {  	p0 =	sne.s32 s1, $0x0;
	_ =	strace $0x9000004D  }
0x56: {  	s0 =	sadd.s32 @!p0 $0x100000, s0;
	[bflag:$0x2] =	sbarrier.arrive $0xFFFF  }
0x57: {  	[sflag:s0] =	ssyncadd.tile.s32 @!p0 $0x1;
	_ =	shalt  }
.Lfunc_end2:
_tile_overlayer_lowered:
.L_overlay_start_2:
0x58: {  	(tag) =	ssettag $0x2  }
0x59: {  	s0 =	rddreg [dreg:$0x0];
	s2 =	stileid.u32  }
0x5a: {  	s1 =	rddreg [dreg:$0x1];
	p0 =	sne.s32 s2, $0x0  }
0x5b: {  	s3 =	rddreg [dreg:$0x2];
	[bflag:$0x3] =	sbarrier.arrive $0xFFFF;
	s2 =	simm.s32 @!p0 $0x1C01  }
0x5c: {  	[timem:s3], [sflag:s2] =	dma.local @!p0 [hbm:s0], s1  }
0x5d: {  	s0 =	simm.s32 @!p0 $0x1  }
0x5e: {  	_ =	swait.ge @!p0 [sflag:s0], s1  }
0x5f: {  	s1 =	ssub.s32 @!p0 $0x0, s1;
	[sflag:s0] =	ssyncset.done @!p0 $0x0  }
0x60: {  	[sflag:s0] =	ssyncadd.s32 @!p0 s1  }
0x61: {  	[bflag:$0x3] =	sbarrier.arrive $0xFFFF  }
0x62: {  	_ =	shalt  }

// kernel: kernel.23.cloned.1.call-start
scs
__scs_entry_jumppad:
0x0: {  	(pc) =	sbr.rel $0x88, $3  }
0x1: {  	(tag) =	ssettag $0x0;
	lr =	simm.s32 $0x1  }
0x2: {  	[smem:$0x3F6F] =	sst lr;
	_ =	strace $0xD0000000  }
0x3: {  	_ = 	snop  }
0x4: {  	_ = 	snop  }
0x5: {  	_ = 	snop  }
0x6: {  	_ = 	snop  }
0x7: {  	_ = 	snop  }
__scs_overlays_trampoline_lowered:
0x8: {  	[smem:$0x3F7E] =	sst s0  }
0x9: {  	[smem:$0x3F7F] =	sst s1  }
0xa: {  	[smem:$0x3F80] =	sst s2  }
0xb: {  	[smem:$0x3F81] =	sst s3  }
0xc: {  	[smem:$0x3F82] =	sst s4  }
0xd: {  	[smem:$0x3F83] =	sst s5  }
0xe: {  	[smem:$0x3F84] =	sst s6  }
0xf: {  	[smem:$0x3F85] =	sst s7  }
0x10: {  	[smem:$0x3F86] =	sst s8  }
0x11: {  	[smem:$0x3F87] =	sst s9;
	s0 =	simm.s32 @!p0 $0x0  }
0x12: {  	s1 =	sld [smem:$0x3F6D];
	s0 =	simm.s32 @p0 $0x1  }
0x13: {  	[smem:$0x3F88] =	sst s0;
	s0 =	simm.s32 @!p1 $0x0  }
0x14: {  	s2 =	sld [smem:$0x3F6C];
	s0 =	simm.s32 @p1 $0x1  }
0x15: {  	[smem:$0x3F89] =	sst s0;
	s0 =	simm.s32 @!p2 $0x0  }
0x16: {  	s3 =	sld [smem:$0x3FDB];
	s0 =	simm.s32 @p2 $0x1  }
0x17: {  	s4 =	simm.s32 $0x1BF5;
	[smem:$0x3F8B] =	sst s0  }
0x18: {  	s0 =	sld [smem:$0x3F6E];
	_ =	swait.ge [sflag:s4], $0x0  }
0x19: {  	s7 =	sld [smem:$0x3F6F]  }
0x1a: {  	s8 =	sadd.s32 $0xFFFFE003, lr  }
0x1b: {  	s9 =	sadd.s32 $0xFFFFFEF7, lr;
	s5 =	simm.s32 $0xFFFFFFFF;
	p2 =	slt.u32 s8, $0xFFFFF086  }
0x1c: {  	p1 =	slt.u32 s9, $0xF7A;
	s5 =	simm.s32 @!p2 $0x0  }
0x1d: {  	s5 =	simm.s32 @p1 $0x1;
	p0 =	seq.s32 s7, s2  }
0x1e: {  	s7 =	smul.u32 @!p0 $0xF7A, s2;
	p2 =	seq.s32 @!p0 s5, $0x0  }
0x1f: {  	s9 =	smul.u32 $0xF7A, s1;
	s8 =	simm.s32 @!p0 $0x1BF5;
	p2 =	por !p2, p0  }
0x20: {  	[sflag:s8] =	ssyncset.s32 @!p0 $0xFFFFF086;
	s6 =	sadd.s32 @!p0 s3, s7;
	s7 =	simm.s32 @!p0 $0x108  }
0x21: {  	s3 =	sadd.s32 s3, s9;
	s6 =	sadd.s32 @!p0 $0x88, s6;
	s7 =	simm.s32 @p2 $0x1082  }
0x22: {  	[simem:s7], [sflag:s8] =	dma.local @!p0 [hbm:s6], $0xF7A  }
0x23: {  	s9 =	sor.u32 $0xD0000000, s2;
	s6 =	simm.s32 $0x108;
	_ =	swait.ge @!p0 [sflag:s8], $0x0  }
0x24: {  	s3 =	sadd.s32 $0x88, s3;
	s6 =	simm.s32 @!p1 $0x1082;
	[sflag:s4] =	ssyncset.s32 $0xFFFFF086  }
0x25: {  	[simem:s6], [sflag:s4] =	dma.local [hbm:s3], $0xF7A  }
0x26: {  	[smem:$0x3F6F] =	sst s1;
	(tag) =	ssettag s2;
	_ =	strace s9  }
0x27: {  	s1 =	sld [smem:$0x3F7F]  }
0x28: {  	s2 =	sld [smem:$0x3F80]  }
0x29: {  	s4 =	sld [smem:$0x3F82]  }
0x2a: {  	p0 =	seq.s32 s5, $0x0;
	s5 =	sld [smem:$0x3F83]  }
0x2b: {  	s6 =	sld [smem:$0x3F84]  }
0x2c: {  	s7 =	sld [smem:$0x3F85]  }
0x2d: {  	s3 =	simm.s32 $0x108;
	s8 =	sld [smem:$0x3F86]  }
0x2e: {  	s3 =	simm.s32 @!p0 $0x1082;
	s9 =	sld [smem:$0x3F87]  }
0x2f: {  	lr =	sadd.s32 s0, s3;
	s0 =	sld [smem:$0x3F7E]  }
0x30: {  	s3 =	sld [smem:$0x3F81]  }
0x31: {  	[smem:$0x3F8A] =	sst s10  }
0x32: {  	s10 =	sld [smem:$0x3F88];
	_ =	sdelay $0x3  }
0x33: {  	p0 =	seq.s32 s10, $0x1;
	s10 =	sld [smem:$0x3F8A];
	_ =	sdelay $0x3  }
0x34: {  	[smem:$0x3F8A] =	sst s10  }
0x35: {  	s10 =	sld [smem:$0x3F89];
	_ =	sdelay $0x3  }
0x36: {  	p1 =	seq.s32 s10, $0x1;
	s10 =	sld [smem:$0x3F8A];
	_ =	sdelay $0x3  }
0x37: {  	[smem:$0x3F8A] =	sst s10  }
0x38: {  	s10 =	sld [smem:$0x3F8B]  }
0x39: {  	_ = 	snop;
	(pc) =	sbr.ind lr, $3  }
0x3a: {  	_ = 	snop  }
0x3b: {  	_ = 	snop  }
0x3c: {  	p2 =	seq.s32 s10, $0x1;
	s10 =	sld [smem:$0x3F8A]  }
0x3d: {  	_ =	shalt  }
0x3e: {  	_ =	shalt  }
0x3f: {  	_ =	shalt  }
0x40: {  	_ =	shalt  }
0x41: {  	_ =	shalt  }
0x42: {  	_ =	shalt  }
0x43: {  	_ =	shalt  }
0x44: {  	_ =	shalt  }
0x45: {  	_ =	shalt  }
0x46: {  	_ =	shalt  }
0x47: {  	_ =	shalt  }
0x48: {  	_ =	shalt  }
0x49: {  	_ =	shalt  }
0x4a: {  	_ =	shalt  }
0x4b: {  	_ =	shalt  }
0x4c: {  	_ =	shalt  }
0x4d: {  	_ =	shalt  }
0x4e: {  	_ =	shalt  }
0x4f: {  	_ =	shalt  }
0x50: {  	_ =	shalt  }
0x51: {  	_ =	shalt  }
0x52: {  	_ =	shalt  }
0x53: {  	_ =	shalt  }
0x54: {  	_ =	shalt  }
0x55: {  	_ =	shalt  }
0x56: {  	_ =	shalt  }
0x57: {  	_ =	shalt  }
0x58: {  	_ =	shalt  }
0x59: {  	_ =	shalt  }
0x5a: {  	_ =	shalt  }
0x5b: {  	_ =	shalt  }
0x5c: {  	_ =	shalt  }
0x5d: {  	_ =	shalt  }
0x5e: {  	_ =	shalt  }
0x5f: {  	_ =	shalt  }
0x60: {  	_ =	shalt  }
0x61: {  	_ =	shalt  }
0x62: {  	_ =	shalt  }
0x63: {  	_ =	shalt  }
0x64: {  	_ =	shalt  }
0x65: {  	_ =	shalt  }
0x66: {  	_ =	shalt  }
0x67: {  	_ =	shalt  }
0x68: {  	_ =	shalt  }
0x69: {  	_ =	shalt  }
0x6a: {  	_ =	shalt  }
0x6b: {  	_ =	shalt  }
0x6c: {  	_ =	shalt  }
0x6d: {  	_ =	shalt  }
0x6e: {  	_ =	shalt  }
0x6f: {  	_ =	shalt  }
0x70: {  	_ =	shalt  }
0x71: {  	_ =	shalt  }
0x72: {  	_ =	shalt  }
0x73: {  	_ =	shalt  }
0x74: {  	_ =	shalt  }
0x75: {  	_ =	shalt  }
0x76: {  	_ =	shalt  }
0x77: {  	_ =	shalt  }
0x78: {  	_ =	shalt  }
0x79: {  	_ =	shalt  }
0x7a: {  	_ =	shalt  }
0x7b: {  	_ =	shalt  }
0x7c: {  	_ =	shalt  }
0x7d: {  	_ =	shalt  }
0x7e: {  	_ =	shalt  }
0x7f: {  	_ =	shalt  }
0x80: {  	_ =	shalt  }
0x81: {  	_ =	shalt  }
0x82: {  	_ =	shalt  }
0x83: {  	_ =	shalt  }
0x84: {  	_ =	shalt  }
0x85: {  	_ =	shalt  }
0x86: {  	_ =	shalt  }
0x87: {  	_ =	shalt  }
.Lfunc_end0:
.L_simem_size_0:
called_computation.3_lowered:
.L_overlay_start_0:
0x88: {  	s2 =	sld [smem:$0x3FD9]  }
0x89: {  	s3 =	sld [smem:$0x3FFE];
	_ =	sdelay $0x1  }
0x8a: {  	s1 =	srdreg.scid  }
0x8b: {  	s0 =	sand.u32 $0x1, s1  }
0x8c: {  	s17 =	sshll.u32 s0, $0xA;
	s2 =	sadd.s32 s3, s2  }
0x8d: {  	s2 =	sadd.s32 s2, s17  }
0x8e: {  	[smem:$0x3F96] =	sst s2  }
0x8f: {  	_ = 	snop  }
0x90: {  	s2 =	sld [smem:$0x3FD0];
	(tm) =	ssettm $0x1  }
0x91: {  	s18 =	sld [smem:$0x3FFB];
	_ =	sdelay $0x3  }
0x92: {  	_ =	strace s18  }
0x93: {  	s3 =	sld [smem:$0x3FFC];
	_ =	sdelay $0x3  }
0x94: {  	_ =	strace s3  }
0x95: {  	s3 =	sld [smem:$0x3FFD];
	_ =	sdelay $0x3  }
0x96: {  	_ =	strace s3  }
0x97: {  	_ =	strace $0x8FFFFFFF  }
0x98: {  	s19 =	sld [smem:$0x3FDB];
	_ =	sdelay $0x1  }
0x99: {  	s4 =	simm.s32 $_scs_section_size  }
0x9a: {  	s5 =	simm.s32 $_size__tile_overlayer_lowered;
	s6 =	simm.s32 $_tile_overlayer_lowered  }
0x9b: {  	s22 =	simm.s32 $0x1BFF;
	s21 =	sshll.u32 s6, $0x1;
	s3 =	sadd.s32 s4, s19  }
0x9c: {  	s7 =	simm.s32 $0x0;
	s20 =	sshll.u32 s5, $0x1;
	s5 =	sadd.s32 s21, s3  }
0x9d: {  	[timem:s7], [sflag:s22] =	dma.local [hbm:s5], s20  }
0x9e: {  	_ =	swait.ge [sflag:s22], s20  }
0x9f: {  	s4 =	ssub.s32 $0x0, s20;
	[sflag:s22] =	ssyncset.done $0x0  }
0xa0: {  	[sflag:s22] =	ssyncadd.s32 s4;
	_ =	sdelay $0x1  }
0xa1: {  	s23 =	simm.s32 $0x1B8B  }
0xa2: {  	_ =	swait.ge [sflag:s23], $0x1  }
0xa3: {  	[sflag:s23] =	ssyncset.done $0x0  }
0xa4: {  	s25 =	simm.s32 $0x1B8E;
	s24 =	sld [smem:$0x3FFE];
	[sflag:s23] =	ssyncadd.s32 $0xFFFFFFFF  }
0xa5: {  	s26 =	simm.s32 $execute0_lowered;
	[smem:$0x3FD2] =	sst s25  }
0xa6: {  	s5 =	sshll.u32 s26, $0x1;
	_ =	strace $0x8000004F;
	[dreg:$0x1] =	wrdreg $0xFFFFFFFF  }
0xa7: {  	s28 =	simm.s32 $_size_execute0_lowered;
	s3 =	sadd.s32 s3, s5;
	[dreg:$0x0] =	wrdreg $0x0  }
0xa8: {  	s5 =	sshll.u32 s28, $0x1;
	[dreg:$0x2] =	wrdreg s3  }
0xa9: {  	[dreg:$0x3] =	wrdreg s5  }
0xaa: {  	[dreg:$0x4] =	wrdreg $0xC0  }
0xab: {  	_ =	task [dreg:s7], $0x5FFFF  }
0xac: {  	[dreg:$0x1] =	wrdreg $0xFFFFFFFF  }
0xad: {  	[dreg:$0x0] =	wrdreg $0x60  }
0xae: {  	[dreg:$0x2] =	wrdreg s2  }
0xaf: {  	[dreg:$0x3] =	wrdreg s24  }
0xb0: {  	[dreg:$0x4] =	wrdreg $0xD5300  }
0xb1: {  	[dreg:$0x5] =	wrdreg $0x9  }
0xb2: {  	_ =	task.clear_ibuf [dreg:s7], $0x6FFFF;
	_ =	strace $0x9000004F  }
0xb3: {  	s29 =	simm.s32 $0x9;
	_ =	strace $0x80000051  }
0xb4: {  	_ =	swait.ge [sflag:s29], $0x1  }
0xb5: {  	[sflag:s29] =	ssyncadd.s32 $0xFFFFFFFF  }
0xb6: {  	_ =	strace $0x90000051  }
0xb7: {  	_ =	sfence  }
0xb8: {  	s30 =	sld [smem:$0x0];
	_ =	sdelay $0x2  }
0xb9: {  	s31 =	sshll.u32 s1, $0xD;
	s1 =	sshrl.u32 s1, $0x2  }
0xba: {  	s3 =	sand.u32 $0x4000, s31;
	s1 =	sadd.s32 s1, s30  }
0xbb: {  	s0 =	sor.u32 s3, s0;
	s1 =	sshll.u32 s1, $0x11  }
0xbc: {  	s0 =	sor.u32 s1, s0  }
0xbd: {  	s0 =	sadd.s32 $0x8F2B, s0  }
0xbe: {  	[sflag:s0] =	ssyncadd.remote.s32 $0x1  }
0xbf: {  	_ =	sfence.sel $0xFFFF  }
0xc0: {  	[dreg:$0x0] =	wrdreg $0xFFFFFFFF;
	(pc) =	sbr.abs _section_cstart, $3  }
0xc1: {  	[dreg:$0x1] =	wrdreg $0xFFFFFFFF  }
0xc2: {  	_ =	task.clear_ibuf [dreg:s7], $0x2FFFF;
	_ =	strace $0x9FFFFFFF  }
0xc3: {  	(tm) =	ssettm $0x7FFFFFFF  }
tec
execute0_lowered:
.L_overlay_start_1:
0x0: {  	(tag) =	ssettag $0x1  }
0x1: {  	s1 =	rddreg [dreg:$0x0]  }
0x2: {  	s0 =	rddreg [dreg:$0x1]  }
0x3: {  	s2 =	rddreg [dreg:$0x2];
	s3 =	simm.s32 $0x0  }
0x4: {  	s5 =	srdreg.scid;
	s17 =	simm.s32 $0xD520;
	s18 =	simm.s32 $0x2  }
0x5: {  	s19 =	simm.s32 $0x1100;
	s20 =	simm.s32 $0x80;
	s21 =	simm.s32 $0x100  }
0x6: {  	s22 =	simm.s32 $0x900;
	s23 =	simm.s32 $0x1;
	s24 =	simm.s32 $0x0  }
0x7: {  	[smem:$0x7FF] =	sst s3;
	s4 =	sadd.s32 $0x6B1400, s0;
	s11 =	sand.u32 $0x1, s5  }
0x8: {  	s6 =	sadd.s32 $0x133EE00, s0;
	s5 =	stileid.u32;
	s9 =	ssub.s32 $0x2, s11  }
0x9: {  	s7 =	sadd.s32 $0x1326200, s0;
	s12 =	sshll.u32 s5, $0x1;
	s10 =	sshrl.u32 s9, $0x1  }
0xa: {  	s8 =	sadd.s32 $0x1357A00, s0;
	s16 =	ssub.s32 s9, s10;
	s10 =	sadd.s32 s0, s12  }
.Ltmp0:
0xb: {  	_ =	strace $0x80000050;
	s0 =	sadd.s32 $0x40, s10;
	(pc) =	sbr.rel .LBB2_1-.Ltmp0, $4  }
0xc: {  	s13 =	smul.u32 $0x31080, s5;
	s29 =	sadd.s32 $0x20, s10;
	[dreg:$0x4] =	wrdreg s0  }
0xd: {  	s14 =	sshll.u32 s11, $0x1;
	s12 =	sadd.s32 $0x60, s10;
	[dreg:$0x5] =	wrdreg s29  }
0xe: {  	s30 =	sshrl.u32 s13, $0x2;
	s31 =	smax.u32 s16, $0x1;
	[dreg:$0x6] =	wrdreg s12  }
0xf: {  	v0 =	vimm.f32 $0.0e+00;
	s9 =	smul.u32 $0xC42, s5;
	s15 =	sadd.s32 s30, s2;
	[dreg:$0x7] =	wrdreg s31  }
.LBB2_10:
0x10: {  	s24 =	sadd.s32 $0x1, s24;
	s0 =	rddreg [dreg:$0x7]  }
0x11: {  	p0 =	sne.s32 s24, s0  }
.Ltmp1:
0x12: {  	_ = 	snop;
	(pc) =	sbr.rel @!p0 .LBB2_11-.Ltmp1, $1  }
0x13: {  	_ =	sdelay $0x3  }
.LBB2_1:
0x14: {  	[tilespmem:s17], [sflag:$0x2] =	stream.linear.gather [hbm4b:s10+s3], $0x10, $0x38;
	[tilespmem:$0x19950] =	vst v63  }
0x15: {  	_ =	swait.ge [sflag:s18], $0x10  }
0x16: {  	[sflag:s18] =	ssyncset.done $0x0  }
0x17: {  	s0 =	rddreg [dreg:$0x4];
	[sflag:s18] =	ssyncadd.s32 $0xFFFFFFF0  }
0x18: {  	v1 =	vld [tilespmem:$0xD520];
	[tilespmem:s17], [sflag:$0x2] =	stream.linear.gather [hbm4b:s0+s3], $0x10, $0x38  }
0x19: {  	_ =	swait.ge [sflag:s18], $0x10  }
0x1a: {  	[sflag:s18] =	ssyncset.done $0x0  }
0x1b: {  	[sflag:s18] =	ssyncadd.s32 $0xFFFFFFF0  }
0x1c: {  	v2 =	vld [tilespmem:$0xD520];
	_ =	sdelay $0x4  }
0x1d: {  	(v2sf) =	vpush v2, $0x0;
	_ =	sdelay $0xc  }
0x1e: {  	s30 =	rddreg [dreg:$0x5]  }
0x1f: {  	[tilespmem:s17], [sflag:$0x2] =	stream.linear.gather [hbm4b:s30+s3], $0x10, $0x38;
	[tilespmem:$0x19950] =	vst v63  }
0x20: {  	s25 =	spop (v2sf)  }
0x21: {  	_ =	swait.ge [sflag:s18], $0x10  }
0x22: {  	[sflag:s18] =	ssyncset.done $0x0  }
0x23: {  	s31 =	rddreg [dreg:$0x6];
	[sflag:s18] =	ssyncadd.s32 $0xFFFFFFF0  }
0x24: {  	v2 =	vld [tilespmem:$0xD520];
	[tilespmem:s17], [sflag:$0x2] =	stream.linear.gather [hbm4b:s31+s3], $0x10, $0x38  }
0x25: {  	_ =	swait.ge [sflag:s18], $0x10  }
0x26: {  	[sflag:s18] =	ssyncset.done $0x0  }
0x27: {  	[sflag:s18] =	ssyncadd.s32 $0xFFFFFFF0  }
0x28: {  	v3 =	vld [tilespmem:$0xD520];
	_ =	sdelay $0x4  }
0x29: {  	(v2sf) =	vpush v3, $0x0;
	_ =	sdelay $0xe  }
0x2a: {  	s11 =	simm.s32 $0x0;
	s0 =	simm.s32 $0x40;
	s26 =	spop (v2sf)  }
.LBB2_2:
0x2b: {  	p0 =	seq.s32 s0, $0x31040;
	[tilespmem:s11+$0x1100] =	vst v0;
	s11 =	smov.u32 s0;
	s0 =	sadd.s32 $0x40, s0  }
.Ltmp2:
0x2c: {  	(pc) =	sbr.rel @!p0 .LBB2_2-.Ltmp2, $2  }
0x2d: {  	_ =	sdelay $0x2  }
0x2e: {  	s11 =	sshra.s32 s11, $0x2  }
0x2f: {  	(v2sf) =	vpush v1, $0x0  }
0x30: {  	(v2sf) =	vpush v2, $0x0;
	_ =	sdelay $0xc  }
.Ltmp3:
0x31: {  	_ = 	snop;
	(pc) =	sbr.rel .LBB2_4-.Ltmp3, $4  }
0x32: {  	s28 =	spop (v2sf)  }
0x33: {  	s0 =	spop (v2sf)  }
0x34: {  	s29 =	sadd.s32 s28, s0  }
0x35: {  	[tilespmem:s11+$0x1100] =	vst v0;
	p2 =	por $0x1, $0x1;
	s0 =	simm.s32 $0x0;
	p0 =	slt.s32 s29, $0x1  }
.LBB2_9:
0x36: {  	s0 =	smul.u32 $0xC420, s30;
	_ =	sdelay $0x1  }
0x37: {  	s0 =	sadd.s32 s9, s0  }
0x38: {  	[bflag:$0x0] =	sbarrier.arrive $0xFFFF;
	s11 =	sshll.u32 s5, $0x6;
	s0 =	sshll.u32 s0, $0x1  }
0x39: {  	s12 =	sshrl.u32 s15, $0x3;
	s11 =	sor.u32 $0x1C02, s11;
	s0 =	sadd.s32 s8, s0  }
0x3a: {  	[hbm:s0], [sflag:s11] =	dma.local [spmem:s12], $0x1884  }
.Ltmp4:
0x3b: {  	_ =	swait.ge [sflag:s18], $0x1884;
	(pc) =	sbr.rel @!p1 .LBB2_10-.Ltmp4, $4  }
0x3c: {  	[sflag:s18] =	ssyncset.done $0x0  }
0x3d: {  	[sflag:s18] =	ssyncadd.s32 $0xFFFFE77C  }
0x3e: {  	[bflag:$0x0] =	sbarrier.arrive $0xFFFF  }
0x3f: {  	p2 =	por $0x0, $0x0;
	s0 =	simm.s32 $0x1  }
.LBB2_4:
0x40: {  	[spmem:s15] =	stream.linear.scatter [tilespmem:s19], [sflag:$0x2], $0xC420, $0x38;
	[tilespmem:$0x19950] =	vst v63  }
.Ltmp5:
0x41: {  	_ =	swait.ge [sflag:s18], $0xC420;
	(pc) =	sbr.rel @p0 .LBB2_9-.Ltmp5, $4  }
0x42: {  	[sflag:s18] =	ssyncset.done $0x0  }
0x43: {  	[sflag:s18] =	ssyncadd.s32 $0xFFFF3BE0  }
0x44: {  	[bflag:$0x0] =	sbarrier.arrive $0xFFFF  }
0x45: {  	p1 =	por p2, p2;
	s30 =	sor.u32 s14, s0  }
0x46: {  	s0 =	smul.u32 $0xC350, s30;
	_ =	sdelay $0x1  }
0x47: {  	s31 =	smul.u32 $0xC6000, s30;
	s11 =	simm.s32 $0x0;
	v1 =	vmov s0;
	s0 =	simm.s32 $0x0  }
.LBB2_6:
0x48: {  	s12 =	ssub.s32 s11, s28  }
0x49: {  	s13 =	sshll.u32 s11, $0x7;
	s12 =	sshll.u32 s12, $0x7  }
0x4a: {  	p2 =	slt.s32 s11, s28;
	s13 =	sadd.s32 s25, s13;
	s12 =	sadd.s32 s26, s12  }
0x4b: {  	s12 =	smov.u32 @p2 s13  }
0x4c: {  	s13 =	sshrl.u32 s12, $0x3  }
0x4d: {  	s16 =	sadd.s32 s6, s13  }
0x4e: {  	[tilespmem:s0], [sflag:$0x2] =	stream.linear.gather [hbm4b:s16+s0], $0x80, $0x38;
	[tilespmem:$0x19950] =	vst v63  }
0x4f: {  	_ =	swait.ge [sflag:s18], $0x80  }
0x50: {  	[sflag:s18] =	ssyncset.done $0x0  }
0x51: {  	s12 =	sadd.s32 s31, s12;
	s13 =	sadd.s32 s7, s13;
	[sflag:s18] =	ssyncadd.s32 $0xFFFFFF80  }
0x52: {  	[tilespmem:s20], [sflag:$0x2] =	stream.linear.gather [hbm4b:s13+s0], $0x80, $0x38;
	[tilespmem:$0x19950] =	vst v63  }
0x53: {  	s12 =	sshll.u32 s12, $0x1;
	_ =	swait.ge [sflag:s18], $0x80  }
0x54: {  	s12 =	sand.u32 $0x1FFFFF00, s12;
	[sflag:s18] =	ssyncset.done $0x0  }
0x55: {  	s12 =	sadd.s32 s4, s12;
	[sflag:s18] =	ssyncadd.s32 $0xFFFFFF80  }
0x56: {  	[tilespmem:s21], [sflag:$0x2] =	stream.linear.gather [hbm4b:s12+s0], $0x800, $0x38;
	[tilespmem:$0x19950] =	vst v63  }
0x57: {  	_ =	swait.ge [sflag:s18], $0x800  }
0x58: {  	[sflag:s18] =	ssyncset.done $0x0  }
0x59: {  	[sflag:s18] =	ssyncadd.s32 $0xFFFFF800  }
0x5a: {  	v2 =	vld [tilespmem:$0x0]  }
0x5b: {  	v3 =	vld [tilespmem:$0x10]  }
0x5c: {  	v4 =	vld [tilespmem:$0x20]  }
0x5d: {  	v5 =	vld [tilespmem:$0x30]  }
0x5e: {  	v6 =	vld [tilespmem:$0x40]  }
0x5f: {  	v7 =	vld [tilespmem:$0x50];
	v2 =	vadd.s32 v1, v2  }
0x60: {  	[tilespmem:$0x0] =	vst v2;
	v2 =	vadd.s32 v1, v3;
	v3 =	vld [tilespmem:$0x60]  }
0x61: {  	v63 =	vld [tilespmem:$0x70];
	[tilespmem:$0x10] =	vst v2;
	v2 =	vadd.s32 v1, v4  }
0x62: {  	[tilespmem:$0x20] =	vst v2;
	v2 =	vadd.s32 v1, v5  }
0x63: {  	[tilespmem:$0x30] =	vst v2;
	v2 =	vadd.s32 v1, v6  }
0x64: {  	[tilespmem:$0x40] =	vst v2;
	v2 =	vadd.s32 v1, v7  }
0x65: {  	[tilespmem:$0x50] =	vst v2;
	v2 =	vadd.s32 v1, v3  }
0x66: {  	[tilespmem:$0x60] =	vst v2;
	v2 =	vadd.s32 v1, v63  }
0x67: {  	[tilespmem:$0x70] =	vst v2  }
0x68: {  	[tilespmem:s22], [sflag:$0x1] =	stream.indirect.gather [hbm4b:s1+s20], $0x10, s0, s20, $0xb8;
	[tilespmem:$0x19950] =	vst v63  }
0x69: {  	_ =	swait.ge [sflag:s23], $0x800  }
0x6a: {  	[sflag:s23] =	ssyncset.done $0x0  }
0x6b: {  	s12 =	simm.s32 $0x0;
	[sflag:s23] =	ssyncadd.s32 $0xFFFFF800  }
0x6c: {  	s13 =	simm.s32 $0x40;
	v2 =	vld [tilespmem:s12+$0x100]  }
.LBB2_7:
0x6d: {  	p2 =	sne.s32 s13, $0x1FC0;
	v3 =	vld [tilespmem:s12+$0x900];
	_ =	sdelay $0x3  }
.Ltmp6:
0x6e: {  	(pc) =	sbr.rel @p2 .LBB2_7-.Ltmp6, $3  }
0x6f: {  	v2 =	vadd.f32 v2, v3;
	_ =	sdelay $0x1  }
0x70: {  	s16 =	sshra.s32 s13, $0x2;
	v3 =	vmax.f32 v2, $0.0e+00  }
0x71: {  	s13 =	sadd.s32 $0x40, s13;
	v2 =	vld [tilespmem:s16+$0x100];
	[tilespmem:s12+$0x900] =	vst v3;
	s12 =	smov.u32 s16  }
0x72: {  	v3 =	vld [tilespmem:s12+$0x900];
	_ =	sdelay $0x4  }
0x73: {  	v2 =	vadd.f32 v2, v3;
	_ =	sdelay $0x1  }
0x74: {  	s11 =	sadd.s32 $0x1, s11;
	v2 =	vmax.f32 v2, $0.0e+00  }
0x75: {  	p2 =	sne.s32 s11, s29;
	[tilespmem:s12+$0x900] =	vst v2  }
0x76: {  	[spmem:s2] =	stream.indirect.scatter.add.f32 [tilespmem:s22], [sflag:$0x2], $0x10, s20, s20, $0xb8;
	[tilespmem:$0x19950] =	vst v63  }
.Ltmp7:
0x77: {  	_ = 	snop;
	(pc) =	sbr.rel @p2 .LBB2_6-.Ltmp7, $4  }
.Ltmp8:
0x78: {  	_ = 	snop;
	(pc) =	sbr.rel @!p2 .LBB2_9-.Ltmp8, $4  }
0x79: {  	_ =	swait.ge [sflag:s18], $0x800  }
0x7a: {  	[sflag:s18] =	ssyncset.done $0x0  }
0x7b: {  	[sflag:s18] =	ssyncadd.s32 $0xFFFFF800  }
0x7c: {  	_ = 	snop  }
.LBB2_11:
0x7d: {  	_ =	sfence.sel $0x180000  }
0x7e: {  	[bflag:$0x0] =	sbarrier.arrive $0xFFFF  }
0x7f: {  	_ =	strace $0x90000050  }
0x80: {  	[bflag:$0x2] =	sbarrier.arrive $0xFFFF  }
0x81: {  	p0 =	sne.s32 s5, $0x0;
	s0 =	rddreg [dreg:$0x3]  }
0x82: {  	s0 =	sadd.s32 @!p0 $0x100000, s0  }
0x83: {  	[sflag:s0] =	ssyncadd.tile.s32 @!p0 $0x1;
	_ =	shalt  }
.Lfunc_end2:
_tile_overlayer_lowered:
.L_overlay_start_2:
0x84: {  	(tag) =	ssettag $0x2  }
0x85: {  	s0 =	rddreg [dreg:$0x0];
	s2 =	stileid.u32  }
0x86: {  	s1 =	rddreg [dreg:$0x1];
	p0 =	sne.s32 s2, $0x0  }
0x87: {  	s3 =	rddreg [dreg:$0x2];
	[bflag:$0x3] =	sbarrier.arrive $0xFFFF;
	s2 =	simm.s32 @!p0 $0x1C02  }
0x88: {  	[timem:s3], [sflag:s2] =	dma.local @!p0 [hbm:s0], s1  }
0x89: {  	s0 =	simm.s32 @!p0 $0x2  }
0x8a: {  	_ =	swait.ge @!p0 [sflag:s0], s1  }
0x8b: {  	s1 =	ssub.s32 @!p0 $0x0, s1;
	[sflag:s0] =	ssyncset.done @!p0 $0x0  }
0x8c: {  	[sflag:s0] =	ssyncadd.s32 @!p0 s1  }
0x8d: {  	[bflag:$0x3] =	sbarrier.arrive $0xFFFF  }
0x8e: {  	_ =	shalt  }

// kernel: kernel.26.cloned.1.call-start
scs
__scs_entry_jumppad:
0x0: {  	(pc) =	sbr.rel $0x88, $3  }
0x1: {  	(tag) =	ssettag $0x0;
	lr =	simm.s32 $0x1  }
0x2: {  	[smem:$0x3F6F] =	sst lr;
	_ =	strace $0xD0000000  }
0x3: {  	_ = 	snop  }
0x4: {  	_ = 	snop  }
0x5: {  	_ = 	snop  }
0x6: {  	_ = 	snop  }
0x7: {  	_ = 	snop  }
__scs_overlays_trampoline_lowered:
0x8: {  	[smem:$0x3F7E] =	sst s0  }
0x9: {  	[smem:$0x3F7F] =	sst s1  }
0xa: {  	[smem:$0x3F80] =	sst s2  }
0xb: {  	[smem:$0x3F81] =	sst s3  }
0xc: {  	[smem:$0x3F82] =	sst s4  }
0xd: {  	[smem:$0x3F83] =	sst s5  }
0xe: {  	[smem:$0x3F84] =	sst s6  }
0xf: {  	[smem:$0x3F85] =	sst s7  }
0x10: {  	[smem:$0x3F86] =	sst s8  }
0x11: {  	[smem:$0x3F87] =	sst s9;
	s0 =	simm.s32 @!p0 $0x0  }
0x12: {  	s1 =	sld [smem:$0x3F6D];
	s0 =	simm.s32 @p0 $0x1  }
0x13: {  	[smem:$0x3F88] =	sst s0;
	s0 =	simm.s32 @!p1 $0x0  }
0x14: {  	s2 =	sld [smem:$0x3F6C];
	s0 =	simm.s32 @p1 $0x1  }
0x15: {  	[smem:$0x3F89] =	sst s0;
	s0 =	simm.s32 @!p2 $0x0  }
0x16: {  	s3 =	sld [smem:$0x3FDB];
	s0 =	simm.s32 @p2 $0x1  }
0x17: {  	s4 =	simm.s32 $0x1BF5;
	[smem:$0x3F8B] =	sst s0  }
0x18: {  	s0 =	sld [smem:$0x3F6E];
	_ =	swait.ge [sflag:s4], $0x0  }
0x19: {  	s7 =	sld [smem:$0x3F6F]  }
0x1a: {  	s8 =	sadd.s32 $0xFFFFE003, lr  }
0x1b: {  	s9 =	sadd.s32 $0xFFFFFEF7, lr;
	s5 =	simm.s32 $0xFFFFFFFF;
	p2 =	slt.u32 s8, $0xFFFFF086  }
0x1c: {  	p1 =	slt.u32 s9, $0xF7A;
	s5 =	simm.s32 @!p2 $0x0  }
0x1d: {  	s5 =	simm.s32 @p1 $0x1;
	p0 =	seq.s32 s7, s2  }
0x1e: {  	s7 =	smul.u32 @!p0 $0xF7A, s2;
	p2 =	seq.s32 @!p0 s5, $0x0  }
0x1f: {  	s9 =	smul.u32 $0xF7A, s1;
	s8 =	simm.s32 @!p0 $0x1BF5;
	p2 =	por !p2, p0  }
0x20: {  	[sflag:s8] =	ssyncset.s32 @!p0 $0xFFFFF086;
	s6 =	sadd.s32 @!p0 s3, s7;
	s7 =	simm.s32 @!p0 $0x108  }
0x21: {  	s3 =	sadd.s32 s3, s9;
	s6 =	sadd.s32 @!p0 $0x88, s6;
	s7 =	simm.s32 @p2 $0x1082  }
0x22: {  	[simem:s7], [sflag:s8] =	dma.local @!p0 [hbm:s6], $0xF7A  }
0x23: {  	s9 =	sor.u32 $0xD0000000, s2;
	s6 =	simm.s32 $0x108;
	_ =	swait.ge @!p0 [sflag:s8], $0x0  }
0x24: {  	s3 =	sadd.s32 $0x88, s3;
	s6 =	simm.s32 @!p1 $0x1082;
	[sflag:s4] =	ssyncset.s32 $0xFFFFF086  }
0x25: {  	[simem:s6], [sflag:s4] =	dma.local [hbm:s3], $0xF7A  }
0x26: {  	[smem:$0x3F6F] =	sst s1;
	(tag) =	ssettag s2;
	_ =	strace s9  }
0x27: {  	s1 =	sld [smem:$0x3F7F]  }
0x28: {  	s2 =	sld [smem:$0x3F80]  }
0x29: {  	s4 =	sld [smem:$0x3F82]  }
0x2a: {  	p0 =	seq.s32 s5, $0x0;
	s5 =	sld [smem:$0x3F83]  }
0x2b: {  	s6 =	sld [smem:$0x3F84]  }
0x2c: {  	s7 =	sld [smem:$0x3F85]  }
0x2d: {  	s3 =	simm.s32 $0x108;
	s8 =	sld [smem:$0x3F86]  }
0x2e: {  	s3 =	simm.s32 @!p0 $0x1082;
	s9 =	sld [smem:$0x3F87]  }
0x2f: {  	lr =	sadd.s32 s0, s3;
	s0 =	sld [smem:$0x3F7E]  }
0x30: {  	s3 =	sld [smem:$0x3F81]  }
0x31: {  	[smem:$0x3F8A] =	sst s10  }
0x32: {  	s10 =	sld [smem:$0x3F88];
	_ =	sdelay $0x3  }
0x33: {  	p0 =	seq.s32 s10, $0x1;
	s10 =	sld [smem:$0x3F8A];
	_ =	sdelay $0x3  }
0x34: {  	[smem:$0x3F8A] =	sst s10  }
0x35: {  	s10 =	sld [smem:$0x3F89];
	_ =	sdelay $0x3  }
0x36: {  	p1 =	seq.s32 s10, $0x1;
	s10 =	sld [smem:$0x3F8A];
	_ =	sdelay $0x3  }
0x37: {  	[smem:$0x3F8A] =	sst s10  }
0x38: {  	s10 =	sld [smem:$0x3F8B]  }
0x39: {  	_ = 	snop;
	(pc) =	sbr.ind lr, $3  }
0x3a: {  	_ = 	snop  }
0x3b: {  	_ = 	snop  }
0x3c: {  	p2 =	seq.s32 s10, $0x1;
	s10 =	sld [smem:$0x3F8A]  }
0x3d: {  	_ =	shalt  }
0x3e: {  	_ =	shalt  }
0x3f: {  	_ =	shalt  }
0x40: {  	_ =	shalt  }
0x41: {  	_ =	shalt  }
0x42: {  	_ =	shalt  }
0x43: {  	_ =	shalt  }
0x44: {  	_ =	shalt  }
0x45: {  	_ =	shalt  }
0x46: {  	_ =	shalt  }
0x47: {  	_ =	shalt  }
0x48: {  	_ =	shalt  }
0x49: {  	_ =	shalt  }
0x4a: {  	_ =	shalt  }
0x4b: {  	_ =	shalt  }
0x4c: {  	_ =	shalt  }
0x4d: {  	_ =	shalt  }
0x4e: {  	_ =	shalt  }
0x4f: {  	_ =	shalt  }
0x50: {  	_ =	shalt  }
0x51: {  	_ =	shalt  }
0x52: {  	_ =	shalt  }
0x53: {  	_ =	shalt  }
0x54: {  	_ =	shalt  }
0x55: {  	_ =	shalt  }
0x56: {  	_ =	shalt  }
0x57: {  	_ =	shalt  }
0x58: {  	_ =	shalt  }
0x59: {  	_ =	shalt  }
0x5a: {  	_ =	shalt  }
0x5b: {  	_ =	shalt  }
0x5c: {  	_ =	shalt  }
0x5d: {  	_ =	shalt  }
0x5e: {  	_ =	shalt  }
0x5f: {  	_ =	shalt  }
0x60: {  	_ =	shalt  }
0x61: {  	_ =	shalt  }
0x62: {  	_ =	shalt  }
0x63: {  	_ =	shalt  }
0x64: {  	_ =	shalt  }
0x65: {  	_ =	shalt  }
0x66: {  	_ =	shalt  }
0x67: {  	_ =	shalt  }
0x68: {  	_ =	shalt  }
0x69: {  	_ =	shalt  }
0x6a: {  	_ =	shalt  }
0x6b: {  	_ =	shalt  }
0x6c: {  	_ =	shalt  }
0x6d: {  	_ =	shalt  }
0x6e: {  	_ =	shalt  }
0x6f: {  	_ =	shalt  }
0x70: {  	_ =	shalt  }
0x71: {  	_ =	shalt  }
0x72: {  	_ =	shalt  }
0x73: {  	_ =	shalt  }
0x74: {  	_ =	shalt  }
0x75: {  	_ =	shalt  }
0x76: {  	_ =	shalt  }
0x77: {  	_ =	shalt  }
0x78: {  	_ =	shalt  }
0x79: {  	_ =	shalt  }
0x7a: {  	_ =	shalt  }
0x7b: {  	_ =	shalt  }
0x7c: {  	_ =	shalt  }
0x7d: {  	_ =	shalt  }
0x7e: {  	_ =	shalt  }
0x7f: {  	_ =	shalt  }
0x80: {  	_ =	shalt  }
0x81: {  	_ =	shalt  }
0x82: {  	_ =	shalt  }
0x83: {  	_ =	shalt  }
0x84: {  	_ =	shalt  }
0x85: {  	_ =	shalt  }
0x86: {  	_ =	shalt  }
0x87: {  	_ =	shalt  }
.Lfunc_end0:
.L_simem_size_0:
called_computation.4_lowered:
.L_overlay_start_0:
0x88: {  	s2 =	sld [smem:$0x3FD9]  }
0x89: {  	s3 =	sld [smem:$0x3FFE];
	_ =	sdelay $0x1  }
0x8a: {  	s1 =	srdreg.scid  }
0x8b: {  	s0 =	sand.u32 $0x1, s1  }
0x8c: {  	s17 =	sshll.u32 s0, $0xA;
	s2 =	sadd.s32 s3, s2  }
0x8d: {  	s2 =	sadd.s32 s2, s17  }
0x8e: {  	[smem:$0x3F96] =	sst s2  }
0x8f: {  	_ = 	snop  }
0x90: {  	s2 =	sld [smem:$0x3FD0];
	(tm) =	ssettm $0x1  }
0x91: {  	s18 =	sld [smem:$0x3FFB];
	_ =	sdelay $0x3  }
0x92: {  	_ =	strace s18  }
0x93: {  	s3 =	sld [smem:$0x3FFC];
	_ =	sdelay $0x3  }
0x94: {  	_ =	strace s3  }
0x95: {  	s3 =	sld [smem:$0x3FFD];
	_ =	sdelay $0x3  }
0x96: {  	_ =	strace s3  }
0x97: {  	_ =	strace $0x8FFFFFFF  }
0x98: {  	s19 =	sld [smem:$0x3FDB];
	_ =	sdelay $0x1  }
0x99: {  	s4 =	simm.s32 $_scs_section_size  }
0x9a: {  	s5 =	simm.s32 $_size__tile_overlayer_lowered;
	s6 =	simm.s32 $_tile_overlayer_lowered  }
0x9b: {  	s22 =	simm.s32 $0x1BFF;
	s21 =	sshll.u32 s6, $0x1;
	s3 =	sadd.s32 s4, s19  }
0x9c: {  	s7 =	simm.s32 $0x0;
	s20 =	sshll.u32 s5, $0x1;
	s5 =	sadd.s32 s21, s3  }
0x9d: {  	[timem:s7], [sflag:s22] =	dma.local [hbm:s5], s20  }
0x9e: {  	_ =	swait.ge [sflag:s22], s20  }
0x9f: {  	s4 =	ssub.s32 $0x0, s20;
	[sflag:s22] =	ssyncset.done $0x0  }
0xa0: {  	[sflag:s22] =	ssyncadd.s32 s4;
	_ =	sdelay $0x1  }
0xa1: {  	s23 =	simm.s32 $0x1B8B  }
0xa2: {  	_ =	swait.ge [sflag:s23], $0x1  }
0xa3: {  	[sflag:s23] =	ssyncset.done $0x0  }
0xa4: {  	s25 =	simm.s32 $0x1B8E;
	s24 =	sld [smem:$0x3FFE];
	[sflag:s23] =	ssyncadd.s32 $0xFFFFFFFF  }
0xa5: {  	s26 =	simm.s32 $execute0_lowered;
	[smem:$0x3FD2] =	sst s25  }
0xa6: {  	s5 =	sshll.u32 s26, $0x1;
	_ =	strace $0x80000052;
	[dreg:$0x1] =	wrdreg $0xFFFFFFFF  }
0xa7: {  	s28 =	simm.s32 $_size_execute0_lowered;
	s3 =	sadd.s32 s3, s5;
	[dreg:$0x0] =	wrdreg $0x0  }
0xa8: {  	s5 =	sshll.u32 s28, $0x1;
	[dreg:$0x2] =	wrdreg s3  }
0xa9: {  	[dreg:$0x3] =	wrdreg s5  }
0xaa: {  	[dreg:$0x4] =	wrdreg $0xC0  }
0xab: {  	_ =	task [dreg:s7], $0x5FFFF  }
0xac: {  	[dreg:$0x1] =	wrdreg $0xFFFFFFFF  }
0xad: {  	[dreg:$0x0] =	wrdreg $0x60  }
0xae: {  	[dreg:$0x2] =	wrdreg s2  }
0xaf: {  	[dreg:$0x3] =	wrdreg s24  }
0xb0: {  	[dreg:$0x4] =	wrdreg $0xD5300  }
0xb1: {  	[dreg:$0x5] =	wrdreg $0x9  }
0xb2: {  	_ =	task.clear_ibuf [dreg:s7], $0x6FFFF;
	_ =	strace $0x90000052  }
0xb3: {  	s29 =	simm.s32 $0x9;
	_ =	strace $0x80000054  }
0xb4: {  	_ =	swait.ge [sflag:s29], $0x1  }
0xb5: {  	[sflag:s29] =	ssyncadd.s32 $0xFFFFFFFF  }
0xb6: {  	_ =	strace $0x90000054  }
0xb7: {  	_ =	sfence  }
0xb8: {  	s30 =	sld [smem:$0x0];
	_ =	sdelay $0x2  }
0xb9: {  	s31 =	sshll.u32 s1, $0xD;
	s1 =	sshrl.u32 s1, $0x2  }
0xba: {  	s3 =	sand.u32 $0x4000, s31;
	s1 =	sadd.s32 s1, s30  }
0xbb: {  	s0 =	sor.u32 s3, s0;
	s1 =	sshll.u32 s1, $0x11  }
0xbc: {  	s0 =	sor.u32 s1, s0  }
0xbd: {  	s0 =	sadd.s32 $0x8F2B, s0  }
0xbe: {  	[sflag:s0] =	ssyncadd.remote.s32 $0x1  }
0xbf: {  	_ =	sfence.sel $0xFFFF  }
0xc0: {  	[dreg:$0x0] =	wrdreg $0xFFFFFFFF;
	(pc) =	sbr.abs _section_cstart, $3  }
0xc1: {  	[dreg:$0x1] =	wrdreg $0xFFFFFFFF  }
0xc2: {  	_ =	task.clear_ibuf [dreg:s7], $0x2FFFF;
	_ =	strace $0x9FFFFFFF  }
0xc3: {  	(tm) =	ssettm $0x7FFFFFFF  }
tec
execute0_lowered:
.L_overlay_start_1:
0x0: {  	(tag) =	ssettag $0x1  }
0x1: {  	s1 =	rddreg [dreg:$0x0]  }
0x2: {  	s0 =	rddreg [dreg:$0x1]  }
0x3: {  	s2 =	rddreg [dreg:$0x2];
	s3 =	simm.s32 $0x0  }
0x4: {  	s5 =	srdreg.scid;
	s17 =	simm.s32 $0xD520;
	s18 =	simm.s32 $0x2  }
0x5: {  	s19 =	simm.s32 $0x1100;
	s20 =	simm.s32 $0x80;
	s21 =	simm.s32 $0x100  }
0x6: {  	s22 =	simm.s32 $0x900;
	s23 =	simm.s32 $0x1;
	s24 =	simm.s32 $0x0  }
0x7: {  	[smem:$0x7FF] =	sst s3;
	s4 =	sadd.s32 $0xCE1400, s0;
	s11 =	sand.u32 $0x1, s5  }
0x8: {  	s6 =	sadd.s32 $0x133EE00, s0;
	s5 =	stileid.u32;
	s9 =	ssub.s32 $0x2, s11  }
0x9: {  	s7 =	sadd.s32 $0x1326200, s0;
	s12 =	sshll.u32 s5, $0x1;
	s10 =	sshrl.u32 s9, $0x1  }
0xa: {  	s8 =	sadd.s32 $0x499600, s0;
	s16 =	ssub.s32 s9, s10;
	s10 =	sadd.s32 s0, s12  }
.Ltmp0:
0xb: {  	_ =	strace $0x80000053;
	s0 =	sadd.s32 $0x40, s10;
	(pc) =	sbr.rel .LBB2_1-.Ltmp0, $4  }
0xc: {  	s13 =	smul.u32 $0x31080, s5;
	s29 =	sadd.s32 $0x20, s10;
	[dreg:$0x4] =	wrdreg s0  }
0xd: {  	s14 =	sshll.u32 s11, $0x1;
	s12 =	sadd.s32 $0x60, s10;
	[dreg:$0x5] =	wrdreg s29  }
0xe: {  	s30 =	sshrl.u32 s13, $0x2;
	s31 =	smax.u32 s16, $0x1;
	[dreg:$0x6] =	wrdreg s12  }
0xf: {  	v0 =	vimm.f32 $0.0e+00;
	s9 =	smul.u32 $0xC42, s5;
	s15 =	sadd.s32 s30, s2;
	[dreg:$0x7] =	wrdreg s31  }
.LBB2_10:
0x10: {  	s24 =	sadd.s32 $0x1, s24;
	s0 =	rddreg [dreg:$0x7]  }
0x11: {  	p0 =	sne.s32 s24, s0  }
.Ltmp1:
0x12: {  	_ = 	snop;
	(pc) =	sbr.rel @!p0 .LBB2_11-.Ltmp1, $1  }
0x13: {  	_ =	sdelay $0x3  }
.LBB2_1:
0x14: {  	[tilespmem:s17], [sflag:$0x2] =	stream.linear.gather [hbm4b:s10+s3], $0x10, $0x38;
	[tilespmem:$0x19950] =	vst v63  }
0x15: {  	_ =	swait.ge [sflag:s18], $0x10  }
0x16: {  	[sflag:s18] =	ssyncset.done $0x0  }
0x17: {  	s0 =	rddreg [dreg:$0x4];
	[sflag:s18] =	ssyncadd.s32 $0xFFFFFFF0  }
0x18: {  	v1 =	vld [tilespmem:$0xD520];
	[tilespmem:s17], [sflag:$0x2] =	stream.linear.gather [hbm4b:s0+s3], $0x10, $0x38  }
0x19: {  	_ =	swait.ge [sflag:s18], $0x10  }
0x1a: {  	[sflag:s18] =	ssyncset.done $0x0  }
0x1b: {  	[sflag:s18] =	ssyncadd.s32 $0xFFFFFFF0  }
0x1c: {  	v2 =	vld [tilespmem:$0xD520];
	_ =	sdelay $0x4  }
0x1d: {  	(v2sf) =	vpush v2, $0x0;
	_ =	sdelay $0xc  }
0x1e: {  	s30 =	rddreg [dreg:$0x5]  }
0x1f: {  	[tilespmem:s17], [sflag:$0x2] =	stream.linear.gather [hbm4b:s30+s3], $0x10, $0x38;
	[tilespmem:$0x19950] =	vst v63  }
0x20: {  	s25 =	spop (v2sf)  }
0x21: {  	_ =	swait.ge [sflag:s18], $0x10  }
0x22: {  	[sflag:s18] =	ssyncset.done $0x0  }
0x23: {  	s31 =	rddreg [dreg:$0x6];
	[sflag:s18] =	ssyncadd.s32 $0xFFFFFFF0  }
0x24: {  	v2 =	vld [tilespmem:$0xD520];
	[tilespmem:s17], [sflag:$0x2] =	stream.linear.gather [hbm4b:s31+s3], $0x10, $0x38  }
0x25: {  	_ =	swait.ge [sflag:s18], $0x10  }
0x26: {  	[sflag:s18] =	ssyncset.done $0x0  }
0x27: {  	[sflag:s18] =	ssyncadd.s32 $0xFFFFFFF0  }
0x28: {  	v3 =	vld [tilespmem:$0xD520];
	_ =	sdelay $0x4  }
0x29: {  	(v2sf) =	vpush v3, $0x0;
	_ =	sdelay $0xe  }
0x2a: {  	s11 =	simm.s32 $0x0;
	s0 =	simm.s32 $0x40;
	s26 =	spop (v2sf)  }
.LBB2_2:
0x2b: {  	p0 =	seq.s32 s0, $0x31040;
	[tilespmem:s11+$0x1100] =	vst v0;
	s11 =	smov.u32 s0;
	s0 =	sadd.s32 $0x40, s0  }
.Ltmp2:
0x2c: {  	(pc) =	sbr.rel @!p0 .LBB2_2-.Ltmp2, $2  }
0x2d: {  	_ =	sdelay $0x2  }
0x2e: {  	s11 =	sshra.s32 s11, $0x2  }
0x2f: {  	(v2sf) =	vpush v1, $0x0  }
0x30: {  	(v2sf) =	vpush v2, $0x0;
	_ =	sdelay $0xc  }
.Ltmp3:
0x31: {  	_ = 	snop;
	(pc) =	sbr.rel .LBB2_4-.Ltmp3, $4  }
0x32: {  	s28 =	spop (v2sf)  }
0x33: {  	s0 =	spop (v2sf)  }
0x34: {  	s29 =	sadd.s32 s28, s0  }
0x35: {  	[tilespmem:s11+$0x1100] =	vst v0;
	p2 =	por $0x1, $0x1;
	s0 =	simm.s32 $0x0;
	p0 =	slt.s32 s29, $0x1  }
.LBB2_9:
0x36: {  	s0 =	smul.u32 $0xC420, s30;
	_ =	sdelay $0x1  }
0x37: {  	s0 =	sadd.s32 s9, s0  }
0x38: {  	[bflag:$0x0] =	sbarrier.arrive $0xFFFF;
	s11 =	sshll.u32 s5, $0x6;
	s0 =	sshll.u32 s0, $0x1  }
0x39: {  	s12 =	sshrl.u32 s15, $0x3;
	s11 =	sor.u32 $0x1C02, s11;
	s0 =	sadd.s32 s8, s0  }
0x3a: {  	[hbm:s0], [sflag:s11] =	dma.local [spmem:s12], $0x1884  }
.Ltmp4:
0x3b: {  	_ =	swait.ge [sflag:s18], $0x1884;
	(pc) =	sbr.rel @!p1 .LBB2_10-.Ltmp4, $4  }
0x3c: {  	[sflag:s18] =	ssyncset.done $0x0  }
0x3d: {  	[sflag:s18] =	ssyncadd.s32 $0xFFFFE77C  }
0x3e: {  	[bflag:$0x0] =	sbarrier.arrive $0xFFFF  }
0x3f: {  	p2 =	por $0x0, $0x0;
	s0 =	simm.s32 $0x1  }
.LBB2_4:
0x40: {  	[spmem:s15] =	stream.linear.scatter [tilespmem:s19], [sflag:$0x2], $0xC420, $0x38;
	[tilespmem:$0x19950] =	vst v63  }
.Ltmp5:
0x41: {  	_ =	swait.ge [sflag:s18], $0xC420;
	(pc) =	sbr.rel @p0 .LBB2_9-.Ltmp5, $4  }
0x42: {  	[sflag:s18] =	ssyncset.done $0x0  }
0x43: {  	[sflag:s18] =	ssyncadd.s32 $0xFFFF3BE0  }
0x44: {  	[bflag:$0x0] =	sbarrier.arrive $0xFFFF  }
0x45: {  	p1 =	por p2, p2;
	s30 =	sor.u32 s14, s0  }
0x46: {  	s0 =	smul.u32 $0xC350, s30;
	_ =	sdelay $0x1  }
0x47: {  	s31 =	smul.u32 $0xC6000, s30;
	s11 =	simm.s32 $0x0;
	v1 =	vmov s0;
	s0 =	simm.s32 $0x0  }
.LBB2_6:
0x48: {  	s12 =	ssub.s32 s11, s28  }
0x49: {  	s13 =	sshll.u32 s11, $0x7;
	s12 =	sshll.u32 s12, $0x7  }
0x4a: {  	p2 =	slt.s32 s11, s28;
	s13 =	sadd.s32 s25, s13;
	s12 =	sadd.s32 s26, s12  }
0x4b: {  	s12 =	smov.u32 @p2 s13  }
0x4c: {  	s13 =	sshrl.u32 s12, $0x3  }
0x4d: {  	s16 =	sadd.s32 s6, s13  }
0x4e: {  	[tilespmem:s0], [sflag:$0x2] =	stream.linear.gather [hbm4b:s16+s0], $0x80, $0x38;
	[tilespmem:$0x19950] =	vst v63  }
0x4f: {  	_ =	swait.ge [sflag:s18], $0x80  }
0x50: {  	[sflag:s18] =	ssyncset.done $0x0  }
0x51: {  	s12 =	sadd.s32 s31, s12;
	s13 =	sadd.s32 s7, s13;
	[sflag:s18] =	ssyncadd.s32 $0xFFFFFF80  }
0x52: {  	[tilespmem:s20], [sflag:$0x2] =	stream.linear.gather [hbm4b:s13+s0], $0x80, $0x38;
	[tilespmem:$0x19950] =	vst v63  }
0x53: {  	s12 =	sshll.u32 s12, $0x1;
	_ =	swait.ge [sflag:s18], $0x80  }
0x54: {  	s12 =	sand.u32 $0x1FFFFF00, s12;
	[sflag:s18] =	ssyncset.done $0x0  }
0x55: {  	s12 =	sadd.s32 s4, s12;
	[sflag:s18] =	ssyncadd.s32 $0xFFFFFF80  }
0x56: {  	[tilespmem:s21], [sflag:$0x2] =	stream.linear.gather [hbm4b:s12+s0], $0x800, $0x38;
	[tilespmem:$0x19950] =	vst v63  }
0x57: {  	_ =	swait.ge [sflag:s18], $0x800  }
0x58: {  	[sflag:s18] =	ssyncset.done $0x0  }
0x59: {  	[sflag:s18] =	ssyncadd.s32 $0xFFFFF800  }
0x5a: {  	v2 =	vld [tilespmem:$0x0]  }
0x5b: {  	v3 =	vld [tilespmem:$0x10]  }
0x5c: {  	v4 =	vld [tilespmem:$0x20]  }
0x5d: {  	v5 =	vld [tilespmem:$0x30]  }
0x5e: {  	v6 =	vld [tilespmem:$0x40]  }
0x5f: {  	v7 =	vld [tilespmem:$0x50];
	v2 =	vadd.s32 v1, v2  }
0x60: {  	[tilespmem:$0x0] =	vst v2;
	v2 =	vadd.s32 v1, v3;
	v3 =	vld [tilespmem:$0x60]  }
0x61: {  	v63 =	vld [tilespmem:$0x70];
	[tilespmem:$0x10] =	vst v2;
	v2 =	vadd.s32 v1, v4  }
0x62: {  	[tilespmem:$0x20] =	vst v2;
	v2 =	vadd.s32 v1, v5  }
0x63: {  	[tilespmem:$0x30] =	vst v2;
	v2 =	vadd.s32 v1, v6  }
0x64: {  	[tilespmem:$0x40] =	vst v2;
	v2 =	vadd.s32 v1, v7  }
0x65: {  	[tilespmem:$0x50] =	vst v2;
	v2 =	vadd.s32 v1, v3  }
0x66: {  	[tilespmem:$0x60] =	vst v2;
	v2 =	vadd.s32 v1, v63  }
0x67: {  	[tilespmem:$0x70] =	vst v2  }
0x68: {  	[tilespmem:s22], [sflag:$0x1] =	stream.indirect.gather [hbm4b:s1+s20], $0x10, s0, s20, $0xb8;
	[tilespmem:$0x19950] =	vst v63  }
0x69: {  	_ =	swait.ge [sflag:s23], $0x800  }
0x6a: {  	[sflag:s23] =	ssyncset.done $0x0  }
0x6b: {  	s12 =	simm.s32 $0x0;
	[sflag:s23] =	ssyncadd.s32 $0xFFFFF800  }
0x6c: {  	s13 =	simm.s32 $0x40;
	v2 =	vld [tilespmem:s12+$0x100]  }
.LBB2_7:
0x6d: {  	p2 =	sne.s32 s13, $0x1FC0;
	v3 =	vld [tilespmem:s12+$0x900];
	_ =	sdelay $0x3  }
.Ltmp6:
0x6e: {  	(pc) =	sbr.rel @p2 .LBB2_7-.Ltmp6, $3  }
0x6f: {  	v2 =	vadd.f32 v2, v3;
	_ =	sdelay $0x1  }
0x70: {  	s16 =	sshra.s32 s13, $0x2;
	v3 =	vmax.f32 v2, $0.0e+00  }
0x71: {  	s13 =	sadd.s32 $0x40, s13;
	v2 =	vld [tilespmem:s16+$0x100];
	[tilespmem:s12+$0x900] =	vst v3;
	s12 =	smov.u32 s16  }
0x72: {  	v3 =	vld [tilespmem:s12+$0x900];
	_ =	sdelay $0x4  }
0x73: {  	v2 =	vadd.f32 v2, v3;
	_ =	sdelay $0x1  }
0x74: {  	s11 =	sadd.s32 $0x1, s11;
	v2 =	vmax.f32 v2, $0.0e+00  }
0x75: {  	p2 =	sne.s32 s11, s29;
	[tilespmem:s12+$0x900] =	vst v2  }
0x76: {  	[spmem:s2] =	stream.indirect.scatter.add.f32 [tilespmem:s22], [sflag:$0x2], $0x10, s20, s20, $0xb8;
	[tilespmem:$0x19950] =	vst v63  }
.Ltmp7:
0x77: {  	_ = 	snop;
	(pc) =	sbr.rel @p2 .LBB2_6-.Ltmp7, $4  }
.Ltmp8:
0x78: {  	_ = 	snop;
	(pc) =	sbr.rel @!p2 .LBB2_9-.Ltmp8, $4  }
0x79: {  	_ =	swait.ge [sflag:s18], $0x800  }
0x7a: {  	[sflag:s18] =	ssyncset.done $0x0  }
0x7b: {  	[sflag:s18] =	ssyncadd.s32 $0xFFFFF800  }
0x7c: {  	_ = 	snop  }
.LBB2_11:
0x7d: {  	_ =	sfence.sel $0x180000  }
0x7e: {  	[bflag:$0x0] =	sbarrier.arrive $0xFFFF  }
0x7f: {  	_ =	strace $0x90000053  }
0x80: {  	[bflag:$0x2] =	sbarrier.arrive $0xFFFF  }
0x81: {  	p0 =	sne.s32 s5, $0x0;
	s0 =	rddreg [dreg:$0x3]  }
0x82: {  	s0 =	sadd.s32 @!p0 $0x100000, s0  }
0x83: {  	[sflag:s0] =	ssyncadd.tile.s32 @!p0 $0x1;
	_ =	shalt  }
.Lfunc_end2:
_tile_overlayer_lowered:
.L_overlay_start_2:
0x84: {  	(tag) =	ssettag $0x2  }
0x85: {  	s0 =	rddreg [dreg:$0x0];
	s2 =	stileid.u32  }
0x86: {  	s1 =	rddreg [dreg:$0x1];
	p0 =	sne.s32 s2, $0x0  }
0x87: {  	s3 =	rddreg [dreg:$0x2];
	[bflag:$0x3] =	sbarrier.arrive $0xFFFF;
	s2 =	simm.s32 @!p0 $0x1C02  }
0x88: {  	[timem:s3], [sflag:s2] =	dma.local @!p0 [hbm:s0], s1  }
0x89: {  	s0 =	simm.s32 @!p0 $0x2  }
0x8a: {  	_ =	swait.ge @!p0 [sflag:s0], s1  }
0x8b: {  	s1 =	ssub.s32 @!p0 $0x0, s1;
	[sflag:s0] =	ssyncset.done @!p0 $0x0  }
0x8c: {  	[sflag:s0] =	ssyncadd.s32 @!p0 s1  }
0x8d: {  	[bflag:$0x3] =	sbarrier.arrive $0xFFFF  }
0x8e: {  	_ =	shalt  }

// kernel: kernel.29.cloned.1.call-start
scs
__scs_entry_jumppad:
0x0: {  	(pc) =	sbr.rel $0x88, $3  }
0x1: {  	(tag) =	ssettag $0x0;
	lr =	simm.s32 $0x1  }
0x2: {  	[smem:$0x3F6F] =	sst lr;
	_ =	strace $0xD0000000  }
0x3: {  	_ = 	snop  }
0x4: {  	_ = 	snop  }
0x5: {  	_ = 	snop  }
0x6: {  	_ = 	snop  }
0x7: {  	_ = 	snop  }
__scs_overlays_trampoline_lowered:
0x8: {  	[smem:$0x3F7E] =	sst s0  }
0x9: {  	[smem:$0x3F7F] =	sst s1  }
0xa: {  	[smem:$0x3F80] =	sst s2  }
0xb: {  	[smem:$0x3F81] =	sst s3  }
0xc: {  	[smem:$0x3F82] =	sst s4  }
0xd: {  	[smem:$0x3F83] =	sst s5  }
0xe: {  	[smem:$0x3F84] =	sst s6  }
0xf: {  	[smem:$0x3F85] =	sst s7  }
0x10: {  	[smem:$0x3F86] =	sst s8  }
0x11: {  	[smem:$0x3F87] =	sst s9;
	s0 =	simm.s32 @!p0 $0x0  }
0x12: {  	s1 =	sld [smem:$0x3F6D];
	s0 =	simm.s32 @p0 $0x1  }
0x13: {  	[smem:$0x3F88] =	sst s0;
	s0 =	simm.s32 @!p1 $0x0  }
0x14: {  	s2 =	sld [smem:$0x3F6C];
	s0 =	simm.s32 @p1 $0x1  }
0x15: {  	[smem:$0x3F89] =	sst s0;
	s0 =	simm.s32 @!p2 $0x0  }
0x16: {  	s3 =	sld [smem:$0x3FDB];
	s0 =	simm.s32 @p2 $0x1  }
0x17: {  	s4 =	simm.s32 $0x1BF5;
	[smem:$0x3F8B] =	sst s0  }
0x18: {  	s0 =	sld [smem:$0x3F6E];
	_ =	swait.ge [sflag:s4], $0x0  }
0x19: {  	s7 =	sld [smem:$0x3F6F]  }
0x1a: {  	s8 =	sadd.s32 $0xFFFFE003, lr  }
0x1b: {  	s9 =	sadd.s32 $0xFFFFFEF7, lr;
	s5 =	simm.s32 $0xFFFFFFFF;
	p2 =	slt.u32 s8, $0xFFFFF086  }
0x1c: {  	p1 =	slt.u32 s9, $0xF7A;
	s5 =	simm.s32 @!p2 $0x0  }
0x1d: {  	s5 =	simm.s32 @p1 $0x1;
	p0 =	seq.s32 s7, s2  }
0x1e: {  	s7 =	smul.u32 @!p0 $0xF7A, s2;
	p2 =	seq.s32 @!p0 s5, $0x0  }
0x1f: {  	s9 =	smul.u32 $0xF7A, s1;
	s8 =	simm.s32 @!p0 $0x1BF5;
	p2 =	por !p2, p0  }
0x20: {  	[sflag:s8] =	ssyncset.s32 @!p0 $0xFFFFF086;
	s6 =	sadd.s32 @!p0 s3, s7;
	s7 =	simm.s32 @!p0 $0x108  }
0x21: {  	s3 =	sadd.s32 s3, s9;
	s6 =	sadd.s32 @!p0 $0x88, s6;
	s7 =	simm.s32 @p2 $0x1082  }
0x22: {  	[simem:s7], [sflag:s8] =	dma.local @!p0 [hbm:s6], $0xF7A  }
0x23: {  	s9 =	sor.u32 $0xD0000000, s2;
	s6 =	simm.s32 $0x108;
	_ =	swait.ge @!p0 [sflag:s8], $0x0  }
0x24: {  	s3 =	sadd.s32 $0x88, s3;
	s6 =	simm.s32 @!p1 $0x1082;
	[sflag:s4] =	ssyncset.s32 $0xFFFFF086  }
0x25: {  	[simem:s6], [sflag:s4] =	dma.local [hbm:s3], $0xF7A  }
0x26: {  	[smem:$0x3F6F] =	sst s1;
	(tag) =	ssettag s2;
	_ =	strace s9  }
0x27: {  	s1 =	sld [smem:$0x3F7F]  }
0x28: {  	s2 =	sld [smem:$0x3F80]  }
0x29: {  	s4 =	sld [smem:$0x3F82]  }
0x2a: {  	p0 =	seq.s32 s5, $0x0;
	s5 =	sld [smem:$0x3F83]  }
0x2b: {  	s6 =	sld [smem:$0x3F84]  }
0x2c: {  	s7 =	sld [smem:$0x3F85]  }
0x2d: {  	s3 =	simm.s32 $0x108;
	s8 =	sld [smem:$0x3F86]  }
0x2e: {  	s3 =	simm.s32 @!p0 $0x1082;
	s9 =	sld [smem:$0x3F87]  }
0x2f: {  	lr =	sadd.s32 s0, s3;
	s0 =	sld [smem:$0x3F7E]  }
0x30: {  	s3 =	sld [smem:$0x3F81]  }
0x31: {  	[smem:$0x3F8A] =	sst s10  }
0x32: {  	s10 =	sld [smem:$0x3F88];
	_ =	sdelay $0x3  }
0x33: {  	p0 =	seq.s32 s10, $0x1;
	s10 =	sld [smem:$0x3F8A];
	_ =	sdelay $0x3  }
0x34: {  	[smem:$0x3F8A] =	sst s10  }
0x35: {  	s10 =	sld [smem:$0x3F89];
	_ =	sdelay $0x3  }
0x36: {  	p1 =	seq.s32 s10, $0x1;
	s10 =	sld [smem:$0x3F8A];
	_ =	sdelay $0x3  }
0x37: {  	[smem:$0x3F8A] =	sst s10  }
0x38: {  	s10 =	sld [smem:$0x3F8B]  }
0x39: {  	_ = 	snop;
	(pc) =	sbr.ind lr, $3  }
0x3a: {  	_ = 	snop  }
0x3b: {  	_ = 	snop  }
0x3c: {  	p2 =	seq.s32 s10, $0x1;
	s10 =	sld [smem:$0x3F8A]  }
0x3d: {  	_ =	shalt  }
0x3e: {  	_ =	shalt  }
0x3f: {  	_ =	shalt  }
0x40: {  	_ =	shalt  }
0x41: {  	_ =	shalt  }
0x42: {  	_ =	shalt  }
0x43: {  	_ =	shalt  }
0x44: {  	_ =	shalt  }
0x45: {  	_ =	shalt  }
0x46: {  	_ =	shalt  }
0x47: {  	_ =	shalt  }
0x48: {  	_ =	shalt  }
0x49: {  	_ =	shalt  }
0x4a: {  	_ =	shalt  }
0x4b: {  	_ =	shalt  }
0x4c: {  	_ =	shalt  }
0x4d: {  	_ =	shalt  }
0x4e: {  	_ =	shalt  }
0x4f: {  	_ =	shalt  }
0x50: {  	_ =	shalt  }
0x51: {  	_ =	shalt  }
0x52: {  	_ =	shalt  }
0x53: {  	_ =	shalt  }
0x54: {  	_ =	shalt  }
0x55: {  	_ =	shalt  }
0x56: {  	_ =	shalt  }
0x57: {  	_ =	shalt  }
0x58: {  	_ =	shalt  }
0x59: {  	_ =	shalt  }
0x5a: {  	_ =	shalt  }
0x5b: {  	_ =	shalt  }
0x5c: {  	_ =	shalt  }
0x5d: {  	_ =	shalt  }
0x5e: {  	_ =	shalt  }
0x5f: {  	_ =	shalt  }
0x60: {  	_ =	shalt  }
0x61: {  	_ =	shalt  }
0x62: {  	_ =	shalt  }
0x63: {  	_ =	shalt  }
0x64: {  	_ =	shalt  }
0x65: {  	_ =	shalt  }
0x66: {  	_ =	shalt  }
0x67: {  	_ =	shalt  }
0x68: {  	_ =	shalt  }
0x69: {  	_ =	shalt  }
0x6a: {  	_ =	shalt  }
0x6b: {  	_ =	shalt  }
0x6c: {  	_ =	shalt  }
0x6d: {  	_ =	shalt  }
0x6e: {  	_ =	shalt  }
0x6f: {  	_ =	shalt  }
0x70: {  	_ =	shalt  }
0x71: {  	_ =	shalt  }
0x72: {  	_ =	shalt  }
0x73: {  	_ =	shalt  }
0x74: {  	_ =	shalt  }
0x75: {  	_ =	shalt  }
0x76: {  	_ =	shalt  }
0x77: {  	_ =	shalt  }
0x78: {  	_ =	shalt  }
0x79: {  	_ =	shalt  }
0x7a: {  	_ =	shalt  }
0x7b: {  	_ =	shalt  }
0x7c: {  	_ =	shalt  }
0x7d: {  	_ =	shalt  }
0x7e: {  	_ =	shalt  }
0x7f: {  	_ =	shalt  }
0x80: {  	_ =	shalt  }
0x81: {  	_ =	shalt  }
0x82: {  	_ =	shalt  }
0x83: {  	_ =	shalt  }
0x84: {  	_ =	shalt  }
0x85: {  	_ =	shalt  }
0x86: {  	_ =	shalt  }
0x87: {  	_ =	shalt  }
.Lfunc_end0:
.L_simem_size_0:
called_computation.5_lowered:
.L_overlay_start_0:
0x88: {  	s2 =	sld [smem:$0x3FD9]  }
0x89: {  	s3 =	sld [smem:$0x3FFE];
	_ =	sdelay $0x1  }
0x8a: {  	s1 =	srdreg.scid  }
0x8b: {  	s0 =	sand.u32 $0x1, s1  }
0x8c: {  	s17 =	sshll.u32 s0, $0xA;
	s2 =	sadd.s32 s3, s2  }
0x8d: {  	s2 =	sadd.s32 s2, s17  }
0x8e: {  	[smem:$0x3F96] =	sst s2  }
0x8f: {  	_ = 	snop  }
0x90: {  	s2 =	sld [smem:$0x3FD0];
	(tm) =	ssettm $0x1  }
0x91: {  	s18 =	sld [smem:$0x3FFB];
	_ =	sdelay $0x3  }
0x92: {  	_ =	strace s18  }
0x93: {  	s3 =	sld [smem:$0x3FFC];
	_ =	sdelay $0x3  }
0x94: {  	_ =	strace s3  }
0x95: {  	s3 =	sld [smem:$0x3FFD];
	_ =	sdelay $0x3  }
0x96: {  	_ =	strace s3  }
0x97: {  	_ =	strace $0x8FFFFFFF  }
0x98: {  	s19 =	sld [smem:$0x3FDB];
	_ =	sdelay $0x1  }
0x99: {  	s4 =	simm.s32 $_scs_section_size  }
0x9a: {  	s5 =	simm.s32 $_size__tile_overlayer_lowered;
	s6 =	simm.s32 $_tile_overlayer_lowered  }
0x9b: {  	s22 =	simm.s32 $0x1BFF;
	s21 =	sshll.u32 s6, $0x1;
	s3 =	sadd.s32 s4, s19  }
0x9c: {  	s7 =	simm.s32 $0x0;
	s20 =	sshll.u32 s5, $0x1;
	s5 =	sadd.s32 s21, s3  }
0x9d: {  	[timem:s7], [sflag:s22] =	dma.local [hbm:s5], s20  }
0x9e: {  	_ =	swait.ge [sflag:s22], s20  }
0x9f: {  	s4 =	ssub.s32 $0x0, s20;
	[sflag:s22] =	ssyncset.done $0x0  }
0xa0: {  	[sflag:s22] =	ssyncadd.s32 s4;
	_ =	sdelay $0x1  }
0xa1: {  	s23 =	simm.s32 $0x1B8B  }
0xa2: {  	_ =	swait.ge [sflag:s23], $0x1  }
0xa3: {  	[sflag:s23] =	ssyncset.done $0x0  }
0xa4: {  	s25 =	simm.s32 $0x1B8E;
	s24 =	sld [smem:$0x3FFE];
	[sflag:s23] =	ssyncadd.s32 $0xFFFFFFFF  }
0xa5: {  	s26 =	simm.s32 $execute0_lowered;
	[smem:$0x3FD2] =	sst s25  }
0xa6: {  	s5 =	sshll.u32 s26, $0x1;
	_ =	strace $0x80000055;
	[dreg:$0x1] =	wrdreg $0xFFFFFFFF  }
0xa7: {  	s28 =	simm.s32 $_size_execute0_lowered;
	s3 =	sadd.s32 s3, s5;
	[dreg:$0x0] =	wrdreg $0x0  }
0xa8: {  	s5 =	sshll.u32 s28, $0x1;
	[dreg:$0x2] =	wrdreg s3  }
0xa9: {  	[dreg:$0x3] =	wrdreg s5  }
0xaa: {  	[dreg:$0x4] =	wrdreg $0xC0  }
0xab: {  	_ =	task [dreg:s7], $0x5FFFF  }
0xac: {  	[dreg:$0x1] =	wrdreg $0xFFFFFFFF  }
0xad: {  	[dreg:$0x0] =	wrdreg $0x60  }
0xae: {  	[dreg:$0x2] =	wrdreg s2  }
0xaf: {  	[dreg:$0x3] =	wrdreg s24  }
0xb0: {  	[dreg:$0x4] =	wrdreg $0xD5300  }
0xb1: {  	[dreg:$0x5] =	wrdreg $0x9  }
0xb2: {  	_ =	task.clear_ibuf [dreg:s7], $0x6FFFF;
	_ =	strace $0x90000055  }
0xb3: {  	s29 =	simm.s32 $0x9;
	_ =	strace $0x80000057  }
0xb4: {  	_ =	swait.ge [sflag:s29], $0x1  }
0xb5: {  	[sflag:s29] =	ssyncadd.s32 $0xFFFFFFFF  }
0xb6: {  	_ =	strace $0x90000057  }
0xb7: {  	_ =	sfence  }
0xb8: {  	s30 =	sld [smem:$0x0];
	_ =	sdelay $0x2  }
0xb9: {  	s31 =	sshll.u32 s1, $0xD;
	s1 =	sshrl.u32 s1, $0x2  }
0xba: {  	s3 =	sand.u32 $0x4000, s31;
	s1 =	sadd.s32 s1, s30  }
0xbb: {  	s0 =	sor.u32 s3, s0;
	s1 =	sshll.u32 s1, $0x11  }
0xbc: {  	s0 =	sor.u32 s1, s0  }
0xbd: {  	s0 =	sadd.s32 $0x8F2B, s0  }
0xbe: {  	[sflag:s0] =	ssyncadd.remote.s32 $0x1  }
0xbf: {  	_ =	sfence.sel $0xFFFF  }
0xc0: {  	[dreg:$0x0] =	wrdreg $0xFFFFFFFF;
	(pc) =	sbr.abs _section_cstart, $3  }
0xc1: {  	[dreg:$0x1] =	wrdreg $0xFFFFFFFF  }
0xc2: {  	_ =	task.clear_ibuf [dreg:s7], $0x2FFFF;
	_ =	strace $0x9FFFFFFF  }
0xc3: {  	(tm) =	ssettm $0x7FFFFFFF  }
tec
execute0_lowered:
.L_overlay_start_1:
0x0: {  	(tag) =	ssettag $0x1  }
0x1: {  	s1 =	rddreg [dreg:$0x0]  }
0x2: {  	s0 =	rddreg [dreg:$0x1]  }
0x3: {  	s2 =	rddreg [dreg:$0x2];
	s3 =	simm.s32 $0x0  }
0x4: {  	s5 =	srdreg.scid;
	s17 =	simm.s32 $0xD520;
	s18 =	simm.s32 $0x2  }
0x5: {  	s19 =	simm.s32 $0x1100;
	s20 =	simm.s32 $0x80;
	s21 =	simm.s32 $0x100  }
0x6: {  	s22 =	simm.s32 $0x900;
	s23 =	simm.s32 $0x1;
	s24 =	simm.s32 $0x0  }
0x7: {  	[smem:$0x7FF] =	sst s3;
	s4 =	sadd.s32 $0x6B1400, s0;
	s11 =	sand.u32 $0x1, s5  }
0x8: {  	s6 =	sadd.s32 $0x133EE00, s0;
	s5 =	stileid.u32;
	s9 =	ssub.s32 $0x2, s11  }
0x9: {  	s7 =	sadd.s32 $0x1326200, s0;
	s12 =	sshll.u32 s5, $0x1;
	s10 =	sshrl.u32 s9, $0x1  }
0xa: {  	s8 =	sadd.s32 $0x499600, s0;
	s16 =	ssub.s32 s9, s10;
	s10 =	sadd.s32 s0, s12  }
.Ltmp0:
0xb: {  	_ =	strace $0x80000056;
	s0 =	sadd.s32 $0x40, s10;
	(pc) =	sbr.rel .LBB2_1-.Ltmp0, $4  }
0xc: {  	s13 =	smul.u32 $0x31080, s5;
	s29 =	sadd.s32 $0x20, s10;
	[dreg:$0x4] =	wrdreg s0  }
0xd: {  	s14 =	sshll.u32 s11, $0x1;
	s12 =	sadd.s32 $0x60, s10;
	[dreg:$0x5] =	wrdreg s29  }
0xe: {  	s30 =	sshrl.u32 s13, $0x2;
	s31 =	smax.u32 s16, $0x1;
	[dreg:$0x6] =	wrdreg s12  }
0xf: {  	v0 =	vimm.f32 $0.0e+00;
	s9 =	smul.u32 $0xC42, s5;
	s15 =	sadd.s32 s30, s2;
	[dreg:$0x7] =	wrdreg s31  }
.LBB2_10:
0x10: {  	s24 =	sadd.s32 $0x1, s24;
	s0 =	rddreg [dreg:$0x7]  }
0x11: {  	p0 =	sne.s32 s24, s0  }
.Ltmp1:
0x12: {  	_ = 	snop;
	(pc) =	sbr.rel @!p0 .LBB2_11-.Ltmp1, $1  }
0x13: {  	_ =	sdelay $0x3  }
.LBB2_1:
0x14: {  	[tilespmem:s17], [sflag:$0x2] =	stream.linear.gather [hbm4b:s10+s3], $0x10, $0x38;
	[tilespmem:$0x19950] =	vst v63  }
0x15: {  	_ =	swait.ge [sflag:s18], $0x10  }
0x16: {  	[sflag:s18] =	ssyncset.done $0x0  }
0x17: {  	s0 =	rddreg [dreg:$0x4];
	[sflag:s18] =	ssyncadd.s32 $0xFFFFFFF0  }
0x18: {  	v1 =	vld [tilespmem:$0xD520];
	[tilespmem:s17], [sflag:$0x2] =	stream.linear.gather [hbm4b:s0+s3], $0x10, $0x38  }
0x19: {  	_ =	swait.ge [sflag:s18], $0x10  }
0x1a: {  	[sflag:s18] =	ssyncset.done $0x0  }
0x1b: {  	[sflag:s18] =	ssyncadd.s32 $0xFFFFFFF0  }
0x1c: {  	v2 =	vld [tilespmem:$0xD520];
	_ =	sdelay $0x4  }
0x1d: {  	(v2sf) =	vpush v2, $0x0;
	_ =	sdelay $0xc  }
0x1e: {  	s30 =	rddreg [dreg:$0x5]  }
0x1f: {  	[tilespmem:s17], [sflag:$0x2] =	stream.linear.gather [hbm4b:s30+s3], $0x10, $0x38;
	[tilespmem:$0x19950] =	vst v63  }
0x20: {  	s25 =	spop (v2sf)  }
0x21: {  	_ =	swait.ge [sflag:s18], $0x10  }
0x22: {  	[sflag:s18] =	ssyncset.done $0x0  }
0x23: {  	s31 =	rddreg [dreg:$0x6];
	[sflag:s18] =	ssyncadd.s32 $0xFFFFFFF0  }
0x24: {  	v2 =	vld [tilespmem:$0xD520];
	[tilespmem:s17], [sflag:$0x2] =	stream.linear.gather [hbm4b:s31+s3], $0x10, $0x38  }
0x25: {  	_ =	swait.ge [sflag:s18], $0x10  }
0x26: {  	[sflag:s18] =	ssyncset.done $0x0  }
0x27: {  	[sflag:s18] =	ssyncadd.s32 $0xFFFFFFF0  }
0x28: {  	v3 =	vld [tilespmem:$0xD520];
	_ =	sdelay $0x4  }
0x29: {  	(v2sf) =	vpush v3, $0x0;
	_ =	sdelay $0xe  }
0x2a: {  	s11 =	simm.s32 $0x0;
	s0 =	simm.s32 $0x40;
	s26 =	spop (v2sf)  }
.LBB2_2:
0x2b: {  	p0 =	seq.s32 s0, $0x31040;
	[tilespmem:s11+$0x1100] =	vst v0;
	s11 =	smov.u32 s0;
	s0 =	sadd.s32 $0x40, s0  }
.Ltmp2:
0x2c: {  	(pc) =	sbr.rel @!p0 .LBB2_2-.Ltmp2, $2  }
0x2d: {  	_ =	sdelay $0x2  }
0x2e: {  	s11 =	sshra.s32 s11, $0x2  }
0x2f: {  	(v2sf) =	vpush v1, $0x0  }
0x30: {  	(v2sf) =	vpush v2, $0x0;
	_ =	sdelay $0xc  }
.Ltmp3:
0x31: {  	_ = 	snop;
	(pc) =	sbr.rel .LBB2_4-.Ltmp3, $4  }
0x32: {  	s28 =	spop (v2sf)  }
0x33: {  	s0 =	spop (v2sf)  }
0x34: {  	s29 =	sadd.s32 s28, s0  }
0x35: {  	[tilespmem:s11+$0x1100] =	vst v0;
	p2 =	por $0x1, $0x1;
	s0 =	simm.s32 $0x0;
	p0 =	slt.s32 s29, $0x1  }
.LBB2_9:
0x36: {  	s0 =	smul.u32 $0xC420, s30;
	_ =	sdelay $0x1  }
0x37: {  	s0 =	sadd.s32 s9, s0  }
0x38: {  	[bflag:$0x0] =	sbarrier.arrive $0xFFFF;
	s11 =	sshll.u32 s5, $0x6;
	s0 =	sshll.u32 s0, $0x1  }
0x39: {  	s12 =	sshrl.u32 s15, $0x3;
	s11 =	sor.u32 $0x1C02, s11;
	s0 =	sadd.s32 s8, s0  }
0x3a: {  	[hbm:s0], [sflag:s11] =	dma.local [spmem:s12], $0x1884  }
.Ltmp4:
0x3b: {  	_ =	swait.ge [sflag:s18], $0x1884;
	(pc) =	sbr.rel @!p1 .LBB2_10-.Ltmp4, $4  }
0x3c: {  	[sflag:s18] =	ssyncset.done $0x0  }
0x3d: {  	[sflag:s18] =	ssyncadd.s32 $0xFFFFE77C  }
0x3e: {  	[bflag:$0x0] =	sbarrier.arrive $0xFFFF  }
0x3f: {  	p2 =	por $0x0, $0x0;
	s0 =	simm.s32 $0x1  }
.LBB2_4:
0x40: {  	[spmem:s15] =	stream.linear.scatter [tilespmem:s19], [sflag:$0x2], $0xC420, $0x38;
	[tilespmem:$0x19950] =	vst v63  }
.Ltmp5:
0x41: {  	_ =	swait.ge [sflag:s18], $0xC420;
	(pc) =	sbr.rel @p0 .LBB2_9-.Ltmp5, $4  }
0x42: {  	[sflag:s18] =	ssyncset.done $0x0  }
0x43: {  	[sflag:s18] =	ssyncadd.s32 $0xFFFF3BE0  }
0x44: {  	[bflag:$0x0] =	sbarrier.arrive $0xFFFF  }
0x45: {  	p1 =	por p2, p2;
	s30 =	sor.u32 s14, s0  }
0x46: {  	s0 =	smul.u32 $0xC350, s30;
	_ =	sdelay $0x1  }
0x47: {  	s31 =	smul.u32 $0xC6000, s30;
	s11 =	simm.s32 $0x0;
	v1 =	vmov s0;
	s0 =	simm.s32 $0x0  }
.LBB2_6:
0x48: {  	s12 =	ssub.s32 s11, s28  }
0x49: {  	s13 =	sshll.u32 s11, $0x7;
	s12 =	sshll.u32 s12, $0x7  }
0x4a: {  	p2 =	slt.s32 s11, s28;
	s13 =	sadd.s32 s25, s13;
	s12 =	sadd.s32 s26, s12  }
0x4b: {  	s12 =	smov.u32 @p2 s13  }
0x4c: {  	s13 =	sshrl.u32 s12, $0x3  }
0x4d: {  	s16 =	sadd.s32 s6, s13  }
0x4e: {  	[tilespmem:s0], [sflag:$0x2] =	stream.linear.gather [hbm4b:s16+s0], $0x80, $0x38;
	[tilespmem:$0x19950] =	vst v63  }
0x4f: {  	_ =	swait.ge [sflag:s18], $0x80  }
0x50: {  	[sflag:s18] =	ssyncset.done $0x0  }
0x51: {  	s12 =	sadd.s32 s31, s12;
	s13 =	sadd.s32 s7, s13;
	[sflag:s18] =	ssyncadd.s32 $0xFFFFFF80  }
0x52: {  	[tilespmem:s20], [sflag:$0x2] =	stream.linear.gather [hbm4b:s13+s0], $0x80, $0x38;
	[tilespmem:$0x19950] =	vst v63  }
0x53: {  	s12 =	sshll.u32 s12, $0x1;
	_ =	swait.ge [sflag:s18], $0x80  }
0x54: {  	s12 =	sand.u32 $0x1FFFFF00, s12;
	[sflag:s18] =	ssyncset.done $0x0  }
0x55: {  	s12 =	sadd.s32 s4, s12;
	[sflag:s18] =	ssyncadd.s32 $0xFFFFFF80  }
0x56: {  	[tilespmem:s21], [sflag:$0x2] =	stream.linear.gather [hbm4b:s12+s0], $0x800, $0x38;
	[tilespmem:$0x19950] =	vst v63  }
0x57: {  	_ =	swait.ge [sflag:s18], $0x800  }
0x58: {  	[sflag:s18] =	ssyncset.done $0x0  }
0x59: {  	[sflag:s18] =	ssyncadd.s32 $0xFFFFF800  }
0x5a: {  	v2 =	vld [tilespmem:$0x0]  }
0x5b: {  	v3 =	vld [tilespmem:$0x10]  }
0x5c: {  	v4 =	vld [tilespmem:$0x20]  }
0x5d: {  	v5 =	vld [tilespmem:$0x30]  }
0x5e: {  	v6 =	vld [tilespmem:$0x40]  }
0x5f: {  	v7 =	vld [tilespmem:$0x50];
	v2 =	vadd.s32 v1, v2  }
0x60: {  	[tilespmem:$0x0] =	vst v2;
	v2 =	vadd.s32 v1, v3;
	v3 =	vld [tilespmem:$0x60]  }
0x61: {  	v63 =	vld [tilespmem:$0x70];
	[tilespmem:$0x10] =	vst v2;
	v2 =	vadd.s32 v1, v4  }
0x62: {  	[tilespmem:$0x20] =	vst v2;
	v2 =	vadd.s32 v1, v5  }
0x63: {  	[tilespmem:$0x30] =	vst v2;
	v2 =	vadd.s32 v1, v6  }
0x64: {  	[tilespmem:$0x40] =	vst v2;
	v2 =	vadd.s32 v1, v7  }
0x65: {  	[tilespmem:$0x50] =	vst v2;
	v2 =	vadd.s32 v1, v3  }
0x66: {  	[tilespmem:$0x60] =	vst v2;
	v2 =	vadd.s32 v1, v63  }
0x67: {  	[tilespmem:$0x70] =	vst v2  }
0x68: {  	[tilespmem:s22], [sflag:$0x1] =	stream.indirect.gather [hbm4b:s1+s20], $0x10, s0, s20, $0xb8;
	[tilespmem:$0x19950] =	vst v63  }
0x69: {  	_ =	swait.ge [sflag:s23], $0x800  }
0x6a: {  	[sflag:s23] =	ssyncset.done $0x0  }
0x6b: {  	s12 =	simm.s32 $0x0;
	[sflag:s23] =	ssyncadd.s32 $0xFFFFF800  }
0x6c: {  	s13 =	simm.s32 $0x40;
	v2 =	vld [tilespmem:s12+$0x100]  }
.LBB2_7:
0x6d: {  	p2 =	sne.s32 s13, $0x1FC0;
	v3 =	vld [tilespmem:s12+$0x900];
	_ =	sdelay $0x3  }
.Ltmp6:
0x6e: {  	(pc) =	sbr.rel @p2 .LBB2_7-.Ltmp6, $3  }
0x6f: {  	v2 =	vadd.f32 v2, v3;
	_ =	sdelay $0x1  }
0x70: {  	s16 =	sshra.s32 s13, $0x2;
	v3 =	vmax.f32 v2, $0.0e+00  }
0x71: {  	s13 =	sadd.s32 $0x40, s13;
	v2 =	vld [tilespmem:s16+$0x100];
	[tilespmem:s12+$0x900] =	vst v3;
	s12 =	smov.u32 s16  }
0x72: {  	v3 =	vld [tilespmem:s12+$0x900];
	_ =	sdelay $0x4  }
0x73: {  	v2 =	vadd.f32 v2, v3;
	_ =	sdelay $0x1  }
0x74: {  	s11 =	sadd.s32 $0x1, s11;
	v2 =	vmax.f32 v2, $0.0e+00  }
0x75: {  	p2 =	sne.s32 s11, s29;
	[tilespmem:s12+$0x900] =	vst v2  }
0x76: {  	[spmem:s2] =	stream.indirect.scatter.add.f32 [tilespmem:s22], [sflag:$0x2], $0x10, s20, s20, $0xb8;
	[tilespmem:$0x19950] =	vst v63  }
.Ltmp7:
0x77: {  	_ = 	snop;
	(pc) =	sbr.rel @p2 .LBB2_6-.Ltmp7, $4  }
.Ltmp8:
0x78: {  	_ = 	snop;
	(pc) =	sbr.rel @!p2 .LBB2_9-.Ltmp8, $4  }
0x79: {  	_ =	swait.ge [sflag:s18], $0x800  }
0x7a: {  	[sflag:s18] =	ssyncset.done $0x0  }
0x7b: {  	[sflag:s18] =	ssyncadd.s32 $0xFFFFF800  }
0x7c: {  	_ = 	snop  }
.LBB2_11:
0x7d: {  	_ =	sfence.sel $0x180000  }
0x7e: {  	[bflag:$0x0] =	sbarrier.arrive $0xFFFF  }
0x7f: {  	_ =	strace $0x90000056  }
0x80: {  	[bflag:$0x2] =	sbarrier.arrive $0xFFFF  }
0x81: {  	p0 =	sne.s32 s5, $0x0;
	s0 =	rddreg [dreg:$0x3]  }
0x82: {  	s0 =	sadd.s32 @!p0 $0x100000, s0  }
0x83: {  	[sflag:s0] =	ssyncadd.tile.s32 @!p0 $0x1;
	_ =	shalt  }
.Lfunc_end2:
_tile_overlayer_lowered:
.L_overlay_start_2:
0x84: {  	(tag) =	ssettag $0x2  }
0x85: {  	s0 =	rddreg [dreg:$0x0];
	s2 =	stileid.u32  }
0x86: {  	s1 =	rddreg [dreg:$0x1];
	p0 =	sne.s32 s2, $0x0  }
0x87: {  	s3 =	rddreg [dreg:$0x2];
	[bflag:$0x3] =	sbarrier.arrive $0xFFFF;
	s2 =	simm.s32 @!p0 $0x1C02  }
0x88: {  	[timem:s3], [sflag:s2] =	dma.local @!p0 [hbm:s0], s1  }
0x89: {  	s0 =	simm.s32 @!p0 $0x2  }
0x8a: {  	_ =	swait.ge @!p0 [sflag:s0], s1  }
0x8b: {  	s1 =	ssub.s32 @!p0 $0x0, s1;
	[sflag:s0] =	ssyncset.done @!p0 $0x0  }
0x8c: {  	[sflag:s0] =	ssyncadd.s32 @!p0 s1  }
0x8d: {  	[bflag:$0x3] =	sbarrier.arrive $0xFFFF  }
0x8e: {  	_ =	shalt  }

// kernel: kernel.32.cloned.1.call-start
scs
__scs_entry_jumppad:
0x0: {  	(pc) =	sbr.rel $0x88, $3  }
0x1: {  	(tag) =	ssettag $0x0;
	lr =	simm.s32 $0x1  }
0x2: {  	[smem:$0x3F6F] =	sst lr;
	_ =	strace $0xD0000000  }
0x3: {  	_ = 	snop  }
0x4: {  	_ = 	snop  }
0x5: {  	_ = 	snop  }
0x6: {  	_ = 	snop  }
0x7: {  	_ = 	snop  }
__scs_overlays_trampoline_lowered:
0x8: {  	[smem:$0x3F7E] =	sst s0  }
0x9: {  	[smem:$0x3F7F] =	sst s1  }
0xa: {  	[smem:$0x3F80] =	sst s2  }
0xb: {  	[smem:$0x3F81] =	sst s3  }
0xc: {  	[smem:$0x3F82] =	sst s4  }
0xd: {  	[smem:$0x3F83] =	sst s5  }
0xe: {  	[smem:$0x3F84] =	sst s6  }
0xf: {  	[smem:$0x3F85] =	sst s7  }
0x10: {  	[smem:$0x3F86] =	sst s8  }
0x11: {  	[smem:$0x3F87] =	sst s9;
	s0 =	simm.s32 @!p0 $0x0  }
0x12: {  	s1 =	sld [smem:$0x3F6D];
	s0 =	simm.s32 @p0 $0x1  }
0x13: {  	[smem:$0x3F88] =	sst s0;
	s0 =	simm.s32 @!p1 $0x0  }
0x14: {  	s2 =	sld [smem:$0x3F6C];
	s0 =	simm.s32 @p1 $0x1  }
0x15: {  	[smem:$0x3F89] =	sst s0;
	s0 =	simm.s32 @!p2 $0x0  }
0x16: {  	s3 =	sld [smem:$0x3FDB];
	s0 =	simm.s32 @p2 $0x1  }
0x17: {  	s4 =	simm.s32 $0x1BF5;
	[smem:$0x3F8B] =	sst s0  }
0x18: {  	s0 =	sld [smem:$0x3F6E];
	_ =	swait.ge [sflag:s4], $0x0  }
0x19: {  	s7 =	sld [smem:$0x3F6F]  }
0x1a: {  	s8 =	sadd.s32 $0xFFFFE003, lr  }
0x1b: {  	s9 =	sadd.s32 $0xFFFFFEF7, lr;
	s5 =	simm.s32 $0xFFFFFFFF;
	p2 =	slt.u32 s8, $0xFFFFF086  }
0x1c: {  	p1 =	slt.u32 s9, $0xF7A;
	s5 =	simm.s32 @!p2 $0x0  }
0x1d: {  	s5 =	simm.s32 @p1 $0x1;
	p0 =	seq.s32 s7, s2  }
0x1e: {  	s7 =	smul.u32 @!p0 $0xF7A, s2;
	p2 =	seq.s32 @!p0 s5, $0x0  }
0x1f: {  	s9 =	smul.u32 $0xF7A, s1;
	s8 =	simm.s32 @!p0 $0x1BF5;
	p2 =	por !p2, p0  }
0x20: {  	[sflag:s8] =	ssyncset.s32 @!p0 $0xFFFFF086;
	s6 =	sadd.s32 @!p0 s3, s7;
	s7 =	simm.s32 @!p0 $0x108  }
0x21: {  	s3 =	sadd.s32 s3, s9;
	s6 =	sadd.s32 @!p0 $0x88, s6;
	s7 =	simm.s32 @p2 $0x1082  }
0x22: {  	[simem:s7], [sflag:s8] =	dma.local @!p0 [hbm:s6], $0xF7A  }
0x23: {  	s9 =	sor.u32 $0xD0000000, s2;
	s6 =	simm.s32 $0x108;
	_ =	swait.ge @!p0 [sflag:s8], $0x0  }
0x24: {  	s3 =	sadd.s32 $0x88, s3;
	s6 =	simm.s32 @!p1 $0x1082;
	[sflag:s4] =	ssyncset.s32 $0xFFFFF086  }
0x25: {  	[simem:s6], [sflag:s4] =	dma.local [hbm:s3], $0xF7A  }
0x26: {  	[smem:$0x3F6F] =	sst s1;
	(tag) =	ssettag s2;
	_ =	strace s9  }
0x27: {  	s1 =	sld [smem:$0x3F7F]  }
0x28: {  	s2 =	sld [smem:$0x3F80]  }
0x29: {  	s4 =	sld [smem:$0x3F82]  }
0x2a: {  	p0 =	seq.s32 s5, $0x0;
	s5 =	sld [smem:$0x3F83]  }
0x2b: {  	s6 =	sld [smem:$0x3F84]  }
0x2c: {  	s7 =	sld [smem:$0x3F85]  }
0x2d: {  	s3 =	simm.s32 $0x108;
	s8 =	sld [smem:$0x3F86]  }
0x2e: {  	s3 =	simm.s32 @!p0 $0x1082;
	s9 =	sld [smem:$0x3F87]  }
0x2f: {  	lr =	sadd.s32 s0, s3;
	s0 =	sld [smem:$0x3F7E]  }
0x30: {  	s3 =	sld [smem:$0x3F81]  }
0x31: {  	[smem:$0x3F8A] =	sst s10  }
0x32: {  	s10 =	sld [smem:$0x3F88];
	_ =	sdelay $0x3  }
0x33: {  	p0 =	seq.s32 s10, $0x1;
	s10 =	sld [smem:$0x3F8A];
	_ =	sdelay $0x3  }
0x34: {  	[smem:$0x3F8A] =	sst s10  }
0x35: {  	s10 =	sld [smem:$0x3F89];
	_ =	sdelay $0x3  }
0x36: {  	p1 =	seq.s32 s10, $0x1;
	s10 =	sld [smem:$0x3F8A];
	_ =	sdelay $0x3  }
0x37: {  	[smem:$0x3F8A] =	sst s10  }
0x38: {  	s10 =	sld [smem:$0x3F8B]  }
0x39: {  	_ = 	snop;
	(pc) =	sbr.ind lr, $3  }
0x3a: {  	_ = 	snop  }
0x3b: {  	_ = 	snop  }
0x3c: {  	p2 =	seq.s32 s10, $0x1;
	s10 =	sld [smem:$0x3F8A]  }
0x3d: {  	_ =	shalt  }
0x3e: {  	_ =	shalt  }
0x3f: {  	_ =	shalt  }
0x40: {  	_ =	shalt  }
0x41: {  	_ =	shalt  }
0x42: {  	_ =	shalt  }
0x43: {  	_ =	shalt  }
0x44: {  	_ =	shalt  }
0x45: {  	_ =	shalt  }
0x46: {  	_ =	shalt  }
0x47: {  	_ =	shalt  }
0x48: {  	_ =	shalt  }
0x49: {  	_ =	shalt  }
0x4a: {  	_ =	shalt  }
0x4b: {  	_ =	shalt  }
0x4c: {  	_ =	shalt  }
0x4d: {  	_ =	shalt  }
0x4e: {  	_ =	shalt  }
0x4f: {  	_ =	shalt  }
0x50: {  	_ =	shalt  }
0x51: {  	_ =	shalt  }
0x52: {  	_ =	shalt  }
0x53: {  	_ =	shalt  }
0x54: {  	_ =	shalt  }
0x55: {  	_ =	shalt  }
0x56: {  	_ =	shalt  }
0x57: {  	_ =	shalt  }
0x58: {  	_ =	shalt  }
0x59: {  	_ =	shalt  }
0x5a: {  	_ =	shalt  }
0x5b: {  	_ =	shalt  }
0x5c: {  	_ =	shalt  }
0x5d: {  	_ =	shalt  }
0x5e: {  	_ =	shalt  }
0x5f: {  	_ =	shalt  }
0x60: {  	_ =	shalt  }
0x61: {  	_ =	shalt  }
0x62: {  	_ =	shalt  }
0x63: {  	_ =	shalt  }
0x64: {  	_ =	shalt  }
0x65: {  	_ =	shalt  }
0x66: {  	_ =	shalt  }
0x67: {  	_ =	shalt  }
0x68: {  	_ =	shalt  }
0x69: {  	_ =	shalt  }
0x6a: {  	_ =	shalt  }
0x6b: {  	_ =	shalt  }
0x6c: {  	_ =	shalt  }
0x6d: {  	_ =	shalt  }
0x6e: {  	_ =	shalt  }
0x6f: {  	_ =	shalt  }
0x70: {  	_ =	shalt  }
0x71: {  	_ =	shalt  }
0x72: {  	_ =	shalt  }
0x73: {  	_ =	shalt  }
0x74: {  	_ =	shalt  }
0x75: {  	_ =	shalt  }
0x76: {  	_ =	shalt  }
0x77: {  	_ =	shalt  }
0x78: {  	_ =	shalt  }
0x79: {  	_ =	shalt  }
0x7a: {  	_ =	shalt  }
0x7b: {  	_ =	shalt  }
0x7c: {  	_ =	shalt  }
0x7d: {  	_ =	shalt  }
0x7e: {  	_ =	shalt  }
0x7f: {  	_ =	shalt  }
0x80: {  	_ =	shalt  }
0x81: {  	_ =	shalt  }
0x82: {  	_ =	shalt  }
0x83: {  	_ =	shalt  }
0x84: {  	_ =	shalt  }
0x85: {  	_ =	shalt  }
0x86: {  	_ =	shalt  }
0x87: {  	_ =	shalt  }
.Lfunc_end0:
.L_simem_size_0:
called_computation.6_lowered:
.L_overlay_start_0:
0x88: {  	s2 =	sld [smem:$0x3FD9]  }
0x89: {  	s3 =	sld [smem:$0x3FFE];
	_ =	sdelay $0x1  }
0x8a: {  	s1 =	srdreg.scid  }
0x8b: {  	s0 =	sand.u32 $0x1, s1  }
0x8c: {  	s17 =	sshll.u32 s0, $0xA;
	s2 =	sadd.s32 s3, s2  }
0x8d: {  	s2 =	sadd.s32 s2, s17  }
0x8e: {  	[smem:$0x3F96] =	sst s2  }
0x8f: {  	_ = 	snop  }
0x90: {  	s2 =	sld [smem:$0x3FD0];
	(tm) =	ssettm $0x1  }
0x91: {  	s18 =	sld [smem:$0x3FFB];
	_ =	sdelay $0x3  }
0x92: {  	_ =	strace s18  }
0x93: {  	s3 =	sld [smem:$0x3FFC];
	_ =	sdelay $0x3  }
0x94: {  	_ =	strace s3  }
0x95: {  	s3 =	sld [smem:$0x3FFD];
	_ =	sdelay $0x3  }
0x96: {  	_ =	strace s3  }
0x97: {  	_ =	strace $0x8FFFFFFF  }
0x98: {  	s19 =	sld [smem:$0x3FDB];
	_ =	sdelay $0x1  }
0x99: {  	s4 =	simm.s32 $_scs_section_size  }
0x9a: {  	s5 =	simm.s32 $_size__tile_overlayer_lowered;
	s6 =	simm.s32 $_tile_overlayer_lowered  }
0x9b: {  	s22 =	simm.s32 $0x1BFF;
	s21 =	sshll.u32 s6, $0x1;
	s3 =	sadd.s32 s4, s19  }
0x9c: {  	s7 =	simm.s32 $0x0;
	s20 =	sshll.u32 s5, $0x1;
	s5 =	sadd.s32 s21, s3  }
0x9d: {  	[timem:s7], [sflag:s22] =	dma.local [hbm:s5], s20  }
0x9e: {  	_ =	swait.ge [sflag:s22], s20  }
0x9f: {  	s4 =	ssub.s32 $0x0, s20;
	[sflag:s22] =	ssyncset.done $0x0  }
0xa0: {  	[sflag:s22] =	ssyncadd.s32 s4;
	_ =	sdelay $0x1  }
0xa1: {  	s23 =	simm.s32 $0x1B8B  }
0xa2: {  	_ =	swait.ge [sflag:s23], $0x1  }
0xa3: {  	[sflag:s23] =	ssyncset.done $0x0  }
0xa4: {  	s25 =	simm.s32 $0x1B8E;
	s24 =	sld [smem:$0x3FFE];
	[sflag:s23] =	ssyncadd.s32 $0xFFFFFFFF  }
0xa5: {  	s26 =	simm.s32 $execute0_lowered;
	[smem:$0x3FD2] =	sst s25  }
0xa6: {  	s5 =	sshll.u32 s26, $0x1;
	_ =	strace $0x80000058;
	[dreg:$0x1] =	wrdreg $0xFFFFFFFF  }
0xa7: {  	s28 =	simm.s32 $_size_execute0_lowered;
	s3 =	sadd.s32 s3, s5;
	[dreg:$0x0] =	wrdreg $0x0  }
0xa8: {  	s5 =	sshll.u32 s28, $0x1;
	[dreg:$0x2] =	wrdreg s3  }
0xa9: {  	[dreg:$0x3] =	wrdreg s5  }
0xaa: {  	[dreg:$0x4] =	wrdreg $0xC0  }
0xab: {  	_ =	task [dreg:s7], $0x5FFFF  }
0xac: {  	[dreg:$0x1] =	wrdreg $0xFFFFFFFF  }
0xad: {  	[dreg:$0x0] =	wrdreg $0x60  }
0xae: {  	[dreg:$0x2] =	wrdreg s2  }
0xaf: {  	[dreg:$0x3] =	wrdreg s24  }
0xb0: {  	[dreg:$0x4] =	wrdreg $0xD5300  }
0xb1: {  	[dreg:$0x5] =	wrdreg $0x9  }
0xb2: {  	_ =	task.clear_ibuf [dreg:s7], $0x6FFFF;
	_ =	strace $0x90000058  }
0xb3: {  	s29 =	simm.s32 $0x9;
	_ =	strace $0x8000005A  }
0xb4: {  	_ =	swait.ge [sflag:s29], $0x1  }
0xb5: {  	[sflag:s29] =	ssyncadd.s32 $0xFFFFFFFF  }
0xb6: {  	_ =	strace $0x9000005A  }
0xb7: {  	_ =	sfence  }
0xb8: {  	s30 =	sld [smem:$0x0];
	_ =	sdelay $0x2  }
0xb9: {  	s31 =	sshll.u32 s1, $0xD;
	s1 =	sshrl.u32 s1, $0x2  }
0xba: {  	s3 =	sand.u32 $0x4000, s31;
	s1 =	sadd.s32 s1, s30  }
0xbb: {  	s0 =	sor.u32 s3, s0;
	s1 =	sshll.u32 s1, $0x11  }
0xbc: {  	s0 =	sor.u32 s1, s0  }
0xbd: {  	s0 =	sadd.s32 $0x8F2B, s0  }
0xbe: {  	[sflag:s0] =	ssyncadd.remote.s32 $0x1  }
0xbf: {  	_ =	sfence.sel $0xFFFF  }
0xc0: {  	[dreg:$0x0] =	wrdreg $0xFFFFFFFF;
	(pc) =	sbr.abs _section_cstart, $3  }
0xc1: {  	[dreg:$0x1] =	wrdreg $0xFFFFFFFF  }
0xc2: {  	_ =	task.clear_ibuf [dreg:s7], $0x2FFFF;
	_ =	strace $0x9FFFFFFF  }
0xc3: {  	(tm) =	ssettm $0x7FFFFFFF  }
tec
execute0_lowered:
.L_overlay_start_1:
0x0: {  	(tag) =	ssettag $0x1  }
0x1: {  	s1 =	rddreg [dreg:$0x0]  }
0x2: {  	s0 =	rddreg [dreg:$0x1]  }
0x3: {  	s2 =	rddreg [dreg:$0x2];
	s3 =	simm.s32 $0x0  }
0x4: {  	s5 =	srdreg.scid;
	s17 =	simm.s32 $0xD520;
	s18 =	simm.s32 $0x2  }
0x5: {  	s19 =	simm.s32 $0x1100;
	s20 =	simm.s32 $0x80;
	s21 =	simm.s32 $0x100  }
0x6: {  	s22 =	simm.s32 $0x900;
	s23 =	simm.s32 $0x1;
	s24 =	simm.s32 $0x0  }
0x7: {  	[smem:$0x7FF] =	sst s3;
	s4 =	sadd.s32 $0xCE1400, s0;
	s11 =	sand.u32 $0x1, s5  }
0x8: {  	s6 =	sadd.s32 $0x133EE00, s0;
	s5 =	stileid.u32;
	s9 =	ssub.s32 $0x2, s11  }
0x9: {  	s7 =	sadd.s32 $0x1326200, s0;
	s12 =	sshll.u32 s5, $0x1;
	s10 =	sshrl.u32 s9, $0x1  }
0xa: {  	s8 =	sadd.s32 $0x499600, s0;
	s16 =	ssub.s32 s9, s10;
	s10 =	sadd.s32 s0, s12  }
.Ltmp0:
0xb: {  	_ =	strace $0x80000059;
	s0 =	sadd.s32 $0x40, s10;
	(pc) =	sbr.rel .LBB2_1-.Ltmp0, $4  }
0xc: {  	s13 =	smul.u32 $0x31080, s5;
	s29 =	sadd.s32 $0x20, s10;
	[dreg:$0x4] =	wrdreg s0  }
0xd: {  	s14 =	sshll.u32 s11, $0x1;
	s12 =	sadd.s32 $0x60, s10;
	[dreg:$0x5] =	wrdreg s29  }
0xe: {  	s30 =	sshrl.u32 s13, $0x2;
	s31 =	smax.u32 s16, $0x1;
	[dreg:$0x6] =	wrdreg s12  }
0xf: {  	v0 =	vimm.f32 $0.0e+00;
	s9 =	smul.u32 $0xC42, s5;
	s15 =	sadd.s32 s30, s2;
	[dreg:$0x7] =	wrdreg s31  }
.LBB2_10:
0x10: {  	s24 =	sadd.s32 $0x1, s24;
	s0 =	rddreg [dreg:$0x7]  }
0x11: {  	p0 =	sne.s32 s24, s0  }
.Ltmp1:
0x12: {  	_ = 	snop;
	(pc) =	sbr.rel @!p0 .LBB2_11-.Ltmp1, $1  }
0x13: {  	_ =	sdelay $0x3  }
.LBB2_1:
0x14: {  	[tilespmem:s17], [sflag:$0x2] =	stream.linear.gather [hbm4b:s10+s3], $0x10, $0x38;
	[tilespmem:$0x19950] =	vst v63  }
0x15: {  	_ =	swait.ge [sflag:s18], $0x10  }
0x16: {  	[sflag:s18] =	ssyncset.done $0x0  }
0x17: {  	s0 =	rddreg [dreg:$0x4];
	[sflag:s18] =	ssyncadd.s32 $0xFFFFFFF0  }
0x18: {  	v1 =	vld [tilespmem:$0xD520];
	[tilespmem:s17], [sflag:$0x2] =	stream.linear.gather [hbm4b:s0+s3], $0x10, $0x38  }
0x19: {  	_ =	swait.ge [sflag:s18], $0x10  }
0x1a: {  	[sflag:s18] =	ssyncset.done $0x0  }
0x1b: {  	[sflag:s18] =	ssyncadd.s32 $0xFFFFFFF0  }
0x1c: {  	v2 =	vld [tilespmem:$0xD520];
	_ =	sdelay $0x4  }
0x1d: {  	(v2sf) =	vpush v2, $0x0;
	_ =	sdelay $0xc  }
0x1e: {  	s30 =	rddreg [dreg:$0x5]  }
0x1f: {  	[tilespmem:s17], [sflag:$0x2] =	stream.linear.gather [hbm4b:s30+s3], $0x10, $0x38;
	[tilespmem:$0x19950] =	vst v63  }
0x20: {  	s25 =	spop (v2sf)  }
0x21: {  	_ =	swait.ge [sflag:s18], $0x10  }
0x22: {  	[sflag:s18] =	ssyncset.done $0x0  }
0x23: {  	s31 =	rddreg [dreg:$0x6];
	[sflag:s18] =	ssyncadd.s32 $0xFFFFFFF0  }
0x24: {  	v2 =	vld [tilespmem:$0xD520];
	[tilespmem:s17], [sflag:$0x2] =	stream.linear.gather [hbm4b:s31+s3], $0x10, $0x38  }
0x25: {  	_ =	swait.ge [sflag:s18], $0x10  }
0x26: {  	[sflag:s18] =	ssyncset.done $0x0  }
0x27: {  	[sflag:s18] =	ssyncadd.s32 $0xFFFFFFF0  }
0x28: {  	v3 =	vld [tilespmem:$0xD520];
	_ =	sdelay $0x4  }
0x29: {  	(v2sf) =	vpush v3, $0x0;
	_ =	sdelay $0xe  }
0x2a: {  	s11 =	simm.s32 $0x0;
	s0 =	simm.s32 $0x40;
	s26 =	spop (v2sf)  }
.LBB2_2:
0x2b: {  	p0 =	seq.s32 s0, $0x31040;
	[tilespmem:s11+$0x1100] =	vst v0;
	s11 =	smov.u32 s0;
	s0 =	sadd.s32 $0x40, s0  }
.Ltmp2:
0x2c: {  	(pc) =	sbr.rel @!p0 .LBB2_2-.Ltmp2, $2  }
0x2d: {  	_ =	sdelay $0x2  }
0x2e: {  	s11 =	sshra.s32 s11, $0x2  }
0x2f: {  	(v2sf) =	vpush v1, $0x0  }
0x30: {  	(v2sf) =	vpush v2, $0x0;
	_ =	sdelay $0xc  }
.Ltmp3:
0x31: {  	_ = 	snop;
	(pc) =	sbr.rel .LBB2_4-.Ltmp3, $4  }
0x32: {  	s28 =	spop (v2sf)  }
0x33: {  	s0 =	spop (v2sf)  }
0x34: {  	s29 =	sadd.s32 s28, s0  }
0x35: {  	[tilespmem:s11+$0x1100] =	vst v0;
	p2 =	por $0x1, $0x1;
	s0 =	simm.s32 $0x0;
	p0 =	slt.s32 s29, $0x1  }
.LBB2_9:
0x36: {  	s0 =	smul.u32 $0xC420, s30;
	_ =	sdelay $0x1  }
0x37: {  	s0 =	sadd.s32 s9, s0  }
0x38: {  	[bflag:$0x0] =	sbarrier.arrive $0xFFFF;
	s11 =	sshll.u32 s5, $0x6;
	s0 =	sshll.u32 s0, $0x1  }
0x39: {  	s12 =	sshrl.u32 s15, $0x3;
	s11 =	sor.u32 $0x1C02, s11;
	s0 =	sadd.s32 s8, s0  }
0x3a: {  	[hbm:s0], [sflag:s11] =	dma.local [spmem:s12], $0x1884  }
.Ltmp4:
0x3b: {  	_ =	swait.ge [sflag:s18], $0x1884;
	(pc) =	sbr.rel @!p1 .LBB2_10-.Ltmp4, $4  }
0x3c: {  	[sflag:s18] =	ssyncset.done $0x0  }
0x3d: {  	[sflag:s18] =	ssyncadd.s32 $0xFFFFE77C  }
0x3e: {  	[bflag:$0x0] =	sbarrier.arrive $0xFFFF  }
0x3f: {  	p2 =	por $0x0, $0x0;
	s0 =	simm.s32 $0x1  }
.LBB2_4:
0x40: {  	[spmem:s15] =	stream.linear.scatter [tilespmem:s19], [sflag:$0x2], $0xC420, $0x38;
	[tilespmem:$0x19950] =	vst v63  }
.Ltmp5:
0x41: {  	_ =	swait.ge [sflag:s18], $0xC420;
	(pc) =	sbr.rel @p0 .LBB2_9-.Ltmp5, $4  }
0x42: {  	[sflag:s18] =	ssyncset.done $0x0  }
0x43: {  	[sflag:s18] =	ssyncadd.s32 $0xFFFF3BE0  }
0x44: {  	[bflag:$0x0] =	sbarrier.arrive $0xFFFF  }
0x45: {  	p1 =	por p2, p2;
	s30 =	sor.u32 s14, s0  }
0x46: {  	s0 =	smul.u32 $0xC350, s30;
	_ =	sdelay $0x1  }
0x47: {  	s31 =	smul.u32 $0xC6000, s30;
	s11 =	simm.s32 $0x0;
	v1 =	vmov s0;
	s0 =	simm.s32 $0x0  }
.LBB2_6:
0x48: {  	s12 =	ssub.s32 s11, s28  }
0x49: {  	s13 =	sshll.u32 s11, $0x7;
	s12 =	sshll.u32 s12, $0x7  }
0x4a: {  	p2 =	slt.s32 s11, s28;
	s13 =	sadd.s32 s25, s13;
	s12 =	sadd.s32 s26, s12  }
0x4b: {  	s12 =	smov.u32 @p2 s13  }
0x4c: {  	s13 =	sshrl.u32 s12, $0x3  }
0x4d: {  	s16 =	sadd.s32 s6, s13  }
0x4e: {  	[tilespmem:s0], [sflag:$0x2] =	stream.linear.gather [hbm4b:s16+s0], $0x80, $0x38;
	[tilespmem:$0x19950] =	vst v63  }
0x4f: {  	_ =	swait.ge [sflag:s18], $0x80  }
0x50: {  	[sflag:s18] =	ssyncset.done $0x0  }
0x51: {  	s12 =	sadd.s32 s31, s12;
	s13 =	sadd.s32 s7, s13;
	[sflag:s18] =	ssyncadd.s32 $0xFFFFFF80  }
0x52: {  	[tilespmem:s20], [sflag:$0x2] =	stream.linear.gather [hbm4b:s13+s0], $0x80, $0x38;
	[tilespmem:$0x19950] =	vst v63  }
0x53: {  	s12 =	sshll.u32 s12, $0x1;
	_ =	swait.ge [sflag:s18], $0x80  }
0x54: {  	s12 =	sand.u32 $0x1FFFFF00, s12;
	[sflag:s18] =	ssyncset.done $0x0  }
0x55: {  	s12 =	sadd.s32 s4, s12;
	[sflag:s18] =	ssyncadd.s32 $0xFFFFFF80  }
0x56: {  	[tilespmem:s21], [sflag:$0x2] =	stream.linear.gather [hbm4b:s12+s0], $0x800, $0x38;
	[tilespmem:$0x19950] =	vst v63  }
0x57: {  	_ =	swait.ge [sflag:s18], $0x800  }
0x58: {  	[sflag:s18] =	ssyncset.done $0x0  }
0x59: {  	[sflag:s18] =	ssyncadd.s32 $0xFFFFF800  }
0x5a: {  	v2 =	vld [tilespmem:$0x0]  }
0x5b: {  	v3 =	vld [tilespmem:$0x10]  }
0x5c: {  	v4 =	vld [tilespmem:$0x20]  }
0x5d: {  	v5 =	vld [tilespmem:$0x30]  }
0x5e: {  	v6 =	vld [tilespmem:$0x40]  }
0x5f: {  	v7 =	vld [tilespmem:$0x50];
	v2 =	vadd.s32 v1, v2  }
0x60: {  	[tilespmem:$0x0] =	vst v2;
	v2 =	vadd.s32 v1, v3;
	v3 =	vld [tilespmem:$0x60]  }
0x61: {  	v63 =	vld [tilespmem:$0x70];
	[tilespmem:$0x10] =	vst v2;
	v2 =	vadd.s32 v1, v4  }
0x62: {  	[tilespmem:$0x20] =	vst v2;
	v2 =	vadd.s32 v1, v5  }
0x63: {  	[tilespmem:$0x30] =	vst v2;
	v2 =	vadd.s32 v1, v6  }
0x64: {  	[tilespmem:$0x40] =	vst v2;
	v2 =	vadd.s32 v1, v7  }
0x65: {  	[tilespmem:$0x50] =	vst v2;
	v2 =	vadd.s32 v1, v3  }
0x66: {  	[tilespmem:$0x60] =	vst v2;
	v2 =	vadd.s32 v1, v63  }
0x67: {  	[tilespmem:$0x70] =	vst v2  }
0x68: {  	[tilespmem:s22], [sflag:$0x1] =	stream.indirect.gather [hbm4b:s1+s20], $0x10, s0, s20, $0xb8;
	[tilespmem:$0x19950] =	vst v63  }
0x69: {  	_ =	swait.ge [sflag:s23], $0x800  }
0x6a: {  	[sflag:s23] =	ssyncset.done $0x0  }
0x6b: {  	s12 =	simm.s32 $0x0;
	[sflag:s23] =	ssyncadd.s32 $0xFFFFF800  }
0x6c: {  	s13 =	simm.s32 $0x40;
	v2 =	vld [tilespmem:s12+$0x100]  }
.LBB2_7:
0x6d: {  	p2 =	sne.s32 s13, $0x1FC0;
	v3 =	vld [tilespmem:s12+$0x900];
	_ =	sdelay $0x3  }
.Ltmp6:
0x6e: {  	(pc) =	sbr.rel @p2 .LBB2_7-.Ltmp6, $3  }
0x6f: {  	v2 =	vadd.f32 v2, v3;
	_ =	sdelay $0x1  }
0x70: {  	s16 =	sshra.s32 s13, $0x2;
	v3 =	vmax.f32 v2, $0.0e+00  }
0x71: {  	s13 =	sadd.s32 $0x40, s13;
	v2 =	vld [tilespmem:s16+$0x100];
	[tilespmem:s12+$0x900] =	vst v3;
	s12 =	smov.u32 s16  }
0x72: {  	v3 =	vld [tilespmem:s12+$0x900];
	_ =	sdelay $0x4  }
0x73: {  	v2 =	vadd.f32 v2, v3;
	_ =	sdelay $0x1  }
0x74: {  	s11 =	sadd.s32 $0x1, s11;
	v2 =	vmax.f32 v2, $0.0e+00  }
0x75: {  	p2 =	sne.s32 s11, s29;
	[tilespmem:s12+$0x900] =	vst v2  }
0x76: {  	[spmem:s2] =	stream.indirect.scatter.add.f32 [tilespmem:s22], [sflag:$0x2], $0x10, s20, s20, $0xb8;
	[tilespmem:$0x19950] =	vst v63  }
.Ltmp7:
0x77: {  	_ = 	snop;
	(pc) =	sbr.rel @p2 .LBB2_6-.Ltmp7, $4  }
.Ltmp8:
0x78: {  	_ = 	snop;
	(pc) =	sbr.rel @!p2 .LBB2_9-.Ltmp8, $4  }
0x79: {  	_ =	swait.ge [sflag:s18], $0x800  }
0x7a: {  	[sflag:s18] =	ssyncset.done $0x0  }
0x7b: {  	[sflag:s18] =	ssyncadd.s32 $0xFFFFF800  }
0x7c: {  	_ = 	snop  }
.LBB2_11:
0x7d: {  	_ =	sfence.sel $0x180000  }
0x7e: {  	[bflag:$0x0] =	sbarrier.arrive $0xFFFF  }
0x7f: {  	_ =	strace $0x90000059  }
0x80: {  	[bflag:$0x2] =	sbarrier.arrive $0xFFFF  }
0x81: {  	p0 =	sne.s32 s5, $0x0;
	s0 =	rddreg [dreg:$0x3]  }
0x82: {  	s0 =	sadd.s32 @!p0 $0x100000, s0  }
0x83: {  	[sflag:s0] =	ssyncadd.tile.s32 @!p0 $0x1;
	_ =	shalt  }
.Lfunc_end2:
_tile_overlayer_lowered:
.L_overlay_start_2:
0x84: {  	(tag) =	ssettag $0x2  }
0x85: {  	s0 =	rddreg [dreg:$0x0];
	s2 =	stileid.u32  }
0x86: {  	s1 =	rddreg [dreg:$0x1];
	p0 =	sne.s32 s2, $0x0  }
0x87: {  	s3 =	rddreg [dreg:$0x2];
	[bflag:$0x3] =	sbarrier.arrive $0xFFFF;
	s2 =	simm.s32 @!p0 $0x1C02  }
0x88: {  	[timem:s3], [sflag:s2] =	dma.local @!p0 [hbm:s0], s1  }
0x89: {  	s0 =	simm.s32 @!p0 $0x2  }
0x8a: {  	_ =	swait.ge @!p0 [sflag:s0], s1  }
0x8b: {  	s1 =	ssub.s32 @!p0 $0x0, s1;
	[sflag:s0] =	ssyncset.done @!p0 $0x0  }
0x8c: {  	[sflag:s0] =	ssyncadd.s32 @!p0 s1  }
0x8d: {  	[bflag:$0x3] =	sbarrier.arrive $0xFFFF  }
0x8e: {  	_ =	shalt  }

// kernel: kernel.35.cloned.1.call-start
scs
__scs_entry_jumppad:
0x0: {  	(pc) =	sbr.rel $0x88, $3  }
0x1: {  	(tag) =	ssettag $0x0;
	lr =	simm.s32 $0x1  }
0x2: {  	[smem:$0x3F6F] =	sst lr;
	_ =	strace $0xD0000000  }
0x3: {  	_ = 	snop  }
0x4: {  	_ = 	snop  }
0x5: {  	_ = 	snop  }
0x6: {  	_ = 	snop  }
0x7: {  	_ = 	snop  }
__scs_overlays_trampoline_lowered:
0x8: {  	[smem:$0x3F7E] =	sst s0  }
0x9: {  	[smem:$0x3F7F] =	sst s1  }
0xa: {  	[smem:$0x3F80] =	sst s2  }
0xb: {  	[smem:$0x3F81] =	sst s3  }
0xc: {  	[smem:$0x3F82] =	sst s4  }
0xd: {  	[smem:$0x3F83] =	sst s5  }
0xe: {  	[smem:$0x3F84] =	sst s6  }
0xf: {  	[smem:$0x3F85] =	sst s7  }
0x10: {  	[smem:$0x3F86] =	sst s8  }
0x11: {  	[smem:$0x3F87] =	sst s9;
	s0 =	simm.s32 @!p0 $0x0  }
0x12: {  	s1 =	sld [smem:$0x3F6D];
	s0 =	simm.s32 @p0 $0x1  }
0x13: {  	[smem:$0x3F88] =	sst s0;
	s0 =	simm.s32 @!p1 $0x0  }
0x14: {  	s2 =	sld [smem:$0x3F6C];
	s0 =	simm.s32 @p1 $0x1  }
0x15: {  	[smem:$0x3F89] =	sst s0;
	s0 =	simm.s32 @!p2 $0x0  }
0x16: {  	s3 =	sld [smem:$0x3FDB];
	s0 =	simm.s32 @p2 $0x1  }
0x17: {  	s4 =	simm.s32 $0x1BF5;
	[smem:$0x3F8B] =	sst s0  }
0x18: {  	s0 =	sld [smem:$0x3F6E];
	_ =	swait.ge [sflag:s4], $0x0  }
0x19: {  	s7 =	sld [smem:$0x3F6F]  }
0x1a: {  	s8 =	sadd.s32 $0xFFFFE003, lr  }
0x1b: {  	s9 =	sadd.s32 $0xFFFFFEF7, lr;
	s5 =	simm.s32 $0xFFFFFFFF;
	p2 =	slt.u32 s8, $0xFFFFF086  }
0x1c: {  	p1 =	slt.u32 s9, $0xF7A;
	s5 =	simm.s32 @!p2 $0x0  }
0x1d: {  	s5 =	simm.s32 @p1 $0x1;
	p0 =	seq.s32 s7, s2  }
0x1e: {  	s7 =	smul.u32 @!p0 $0xF7A, s2;
	p2 =	seq.s32 @!p0 s5, $0x0  }
0x1f: {  	s9 =	smul.u32 $0xF7A, s1;
	s8 =	simm.s32 @!p0 $0x1BF5;
	p2 =	por !p2, p0  }
0x20: {  	[sflag:s8] =	ssyncset.s32 @!p0 $0xFFFFF086;
	s6 =	sadd.s32 @!p0 s3, s7;
	s7 =	simm.s32 @!p0 $0x108  }
0x21: {  	s3 =	sadd.s32 s3, s9;
	s6 =	sadd.s32 @!p0 $0x88, s6;
	s7 =	simm.s32 @p2 $0x1082  }
0x22: {  	[simem:s7], [sflag:s8] =	dma.local @!p0 [hbm:s6], $0xF7A  }
0x23: {  	s9 =	sor.u32 $0xD0000000, s2;
	s6 =	simm.s32 $0x108;
	_ =	swait.ge @!p0 [sflag:s8], $0x0  }
0x24: {  	s3 =	sadd.s32 $0x88, s3;
	s6 =	simm.s32 @!p1 $0x1082;
	[sflag:s4] =	ssyncset.s32 $0xFFFFF086  }
0x25: {  	[simem:s6], [sflag:s4] =	dma.local [hbm:s3], $0xF7A  }
0x26: {  	[smem:$0x3F6F] =	sst s1;
	(tag) =	ssettag s2;
	_ =	strace s9  }
0x27: {  	s1 =	sld [smem:$0x3F7F]  }
0x28: {  	s2 =	sld [smem:$0x3F80]  }
0x29: {  	s4 =	sld [smem:$0x3F82]  }
0x2a: {  	p0 =	seq.s32 s5, $0x0;
	s5 =	sld [smem:$0x3F83]  }
0x2b: {  	s6 =	sld [smem:$0x3F84]  }
0x2c: {  	s7 =	sld [smem:$0x3F85]  }
0x2d: {  	s3 =	simm.s32 $0x108;
	s8 =	sld [smem:$0x3F86]  }
0x2e: {  	s3 =	simm.s32 @!p0 $0x1082;
	s9 =	sld [smem:$0x3F87]  }
0x2f: {  	lr =	sadd.s32 s0, s3;
	s0 =	sld [smem:$0x3F7E]  }
0x30: {  	s3 =	sld [smem:$0x3F81]  }
0x31: {  	[smem:$0x3F8A] =	sst s10  }
0x32: {  	s10 =	sld [smem:$0x3F88];
	_ =	sdelay $0x3  }
0x33: {  	p0 =	seq.s32 s10, $0x1;
	s10 =	sld [smem:$0x3F8A];
	_ =	sdelay $0x3  }
0x34: {  	[smem:$0x3F8A] =	sst s10  }
0x35: {  	s10 =	sld [smem:$0x3F89];
	_ =	sdelay $0x3  }
0x36: {  	p1 =	seq.s32 s10, $0x1;
	s10 =	sld [smem:$0x3F8A];
	_ =	sdelay $0x3  }
0x37: {  	[smem:$0x3F8A] =	sst s10  }
0x38: {  	s10 =	sld [smem:$0x3F8B]  }
0x39: {  	_ = 	snop;
	(pc) =	sbr.ind lr, $3  }
0x3a: {  	_ = 	snop  }
0x3b: {  	_ = 	snop  }
0x3c: {  	p2 =	seq.s32 s10, $0x1;
	s10 =	sld [smem:$0x3F8A]  }
0x3d: {  	_ =	shalt  }
0x3e: {  	_ =	shalt  }
0x3f: {  	_ =	shalt  }
0x40: {  	_ =	shalt  }
0x41: {  	_ =	shalt  }
0x42: {  	_ =	shalt  }
0x43: {  	_ =	shalt  }
0x44: {  	_ =	shalt  }
0x45: {  	_ =	shalt  }
0x46: {  	_ =	shalt  }
0x47: {  	_ =	shalt  }
0x48: {  	_ =	shalt  }
0x49: {  	_ =	shalt  }
0x4a: {  	_ =	shalt  }
0x4b: {  	_ =	shalt  }
0x4c: {  	_ =	shalt  }
0x4d: {  	_ =	shalt  }
0x4e: {  	_ =	shalt  }
0x4f: {  	_ =	shalt  }
0x50: {  	_ =	shalt  }
0x51: {  	_ =	shalt  }
0x52: {  	_ =	shalt  }
0x53: {  	_ =	shalt  }
0x54: {  	_ =	shalt  }
0x55: {  	_ =	shalt  }
0x56: {  	_ =	shalt  }
0x57: {  	_ =	shalt  }
0x58: {  	_ =	shalt  }
0x59: {  	_ =	shalt  }
0x5a: {  	_ =	shalt  }
0x5b: {  	_ =	shalt  }
0x5c: {  	_ =	shalt  }
0x5d: {  	_ =	shalt  }
0x5e: {  	_ =	shalt  }
0x5f: {  	_ =	shalt  }
0x60: {  	_ =	shalt  }
0x61: {  	_ =	shalt  }
0x62: {  	_ =	shalt  }
0x63: {  	_ =	shalt  }
0x64: {  	_ =	shalt  }
0x65: {  	_ =	shalt  }
0x66: {  	_ =	shalt  }
0x67: {  	_ =	shalt  }
0x68: {  	_ =	shalt  }
0x69: {  	_ =	shalt  }
0x6a: {  	_ =	shalt  }
0x6b: {  	_ =	shalt  }
0x6c: {  	_ =	shalt  }
0x6d: {  	_ =	shalt  }
0x6e: {  	_ =	shalt  }
0x6f: {  	_ =	shalt  }
0x70: {  	_ =	shalt  }
0x71: {  	_ =	shalt  }
0x72: {  	_ =	shalt  }
0x73: {  	_ =	shalt  }
0x74: {  	_ =	shalt  }
0x75: {  	_ =	shalt  }
0x76: {  	_ =	shalt  }
0x77: {  	_ =	shalt  }
0x78: {  	_ =	shalt  }
0x79: {  	_ =	shalt  }
0x7a: {  	_ =	shalt  }
0x7b: {  	_ =	shalt  }
0x7c: {  	_ =	shalt  }
0x7d: {  	_ =	shalt  }
0x7e: {  	_ =	shalt  }
0x7f: {  	_ =	shalt  }
0x80: {  	_ =	shalt  }
0x81: {  	_ =	shalt  }
0x82: {  	_ =	shalt  }
0x83: {  	_ =	shalt  }
0x84: {  	_ =	shalt  }
0x85: {  	_ =	shalt  }
0x86: {  	_ =	shalt  }
0x87: {  	_ =	shalt  }
.Lfunc_end0:
.L_simem_size_0:
called_computation.7_lowered:
.L_overlay_start_0:
0x88: {  	s2 =	sld [smem:$0x3FD9]  }
0x89: {  	s3 =	sld [smem:$0x3FFE];
	_ =	sdelay $0x1  }
0x8a: {  	s1 =	srdreg.scid  }
0x8b: {  	s0 =	sand.u32 $0x1, s1  }
0x8c: {  	s17 =	sshll.u32 s0, $0xA;
	s2 =	sadd.s32 s3, s2  }
0x8d: {  	s2 =	sadd.s32 s2, s17  }
0x8e: {  	[smem:$0x3F96] =	sst s2  }
0x8f: {  	_ = 	snop  }
0x90: {  	s2 =	sld [smem:$0x3FD0];
	(tm) =	ssettm $0x1  }
0x91: {  	s18 =	sld [smem:$0x3FFB];
	_ =	sdelay $0x3  }
0x92: {  	_ =	strace s18  }
0x93: {  	s3 =	sld [smem:$0x3FFC];
	_ =	sdelay $0x3  }
0x94: {  	_ =	strace s3  }
0x95: {  	s3 =	sld [smem:$0x3FFD];
	_ =	sdelay $0x3  }
0x96: {  	_ =	strace s3  }
0x97: {  	_ =	strace $0x8FFFFFFF  }
0x98: {  	s19 =	sld [smem:$0x3FDB];
	_ =	sdelay $0x1  }
0x99: {  	s4 =	simm.s32 $_scs_section_size  }
0x9a: {  	s5 =	simm.s32 $_size__tile_overlayer_lowered;
	s6 =	simm.s32 $_tile_overlayer_lowered  }
0x9b: {  	s22 =	simm.s32 $0x1BFF;
	s21 =	sshll.u32 s6, $0x1;
	s3 =	sadd.s32 s4, s19  }
0x9c: {  	s7 =	simm.s32 $0x0;
	s20 =	sshll.u32 s5, $0x1;
	s5 =	sadd.s32 s21, s3  }
0x9d: {  	[timem:s7], [sflag:s22] =	dma.local [hbm:s5], s20  }
0x9e: {  	_ =	swait.ge [sflag:s22], s20  }
0x9f: {  	s4 =	ssub.s32 $0x0, s20;
	[sflag:s22] =	ssyncset.done $0x0  }
0xa0: {  	[sflag:s22] =	ssyncadd.s32 s4;
	_ =	sdelay $0x1  }
0xa1: {  	s23 =	simm.s32 $0x1B8B  }
0xa2: {  	_ =	swait.ge [sflag:s23], $0x1  }
0xa3: {  	[sflag:s23] =	ssyncset.done $0x0  }
0xa4: {  	s25 =	simm.s32 $0x1B8E;
	s24 =	sld [smem:$0x3FFE];
	[sflag:s23] =	ssyncadd.s32 $0xFFFFFFFF  }
0xa5: {  	s26 =	simm.s32 $execute0_lowered;
	[smem:$0x3FD2] =	sst s25  }
0xa6: {  	s5 =	sshll.u32 s26, $0x1;
	_ =	strace $0x8000005B;
	[dreg:$0x1] =	wrdreg $0xFFFFFFFF  }
0xa7: {  	s28 =	simm.s32 $_size_execute0_lowered;
	s3 =	sadd.s32 s3, s5;
	[dreg:$0x0] =	wrdreg $0x0  }
0xa8: {  	s5 =	sshll.u32 s28, $0x1;
	[dreg:$0x2] =	wrdreg s3  }
0xa9: {  	[dreg:$0x3] =	wrdreg s5  }
0xaa: {  	[dreg:$0x4] =	wrdreg $0xC0  }
0xab: {  	_ =	task [dreg:s7], $0x5FFFF  }
0xac: {  	[dreg:$0x1] =	wrdreg $0xFFFFFFFF  }
0xad: {  	[dreg:$0x0] =	wrdreg $0x60  }
0xae: {  	[dreg:$0x2] =	wrdreg s2  }
0xaf: {  	[dreg:$0x3] =	wrdreg s24  }
0xb0: {  	[dreg:$0x4] =	wrdreg $0xD5300  }
0xb1: {  	[dreg:$0x5] =	wrdreg $0x9  }
0xb2: {  	_ =	task.clear_ibuf [dreg:s7], $0x6FFFF;
	_ =	strace $0x9000005B  }
0xb3: {  	s29 =	simm.s32 $0x9;
	_ =	strace $0x8000005D  }
0xb4: {  	_ =	swait.ge [sflag:s29], $0x1  }
0xb5: {  	[sflag:s29] =	ssyncadd.s32 $0xFFFFFFFF  }
0xb6: {  	_ =	strace $0x9000005D  }
0xb7: {  	_ =	sfence  }
0xb8: {  	s30 =	sld [smem:$0x0];
	_ =	sdelay $0x2  }
0xb9: {  	s31 =	sshll.u32 s1, $0xD;
	s1 =	sshrl.u32 s1, $0x2  }
0xba: {  	s3 =	sand.u32 $0x4000, s31;
	s1 =	sadd.s32 s1, s30  }
0xbb: {  	s0 =	sor.u32 s3, s0;
	s1 =	sshll.u32 s1, $0x11  }
0xbc: {  	s0 =	sor.u32 s1, s0  }
0xbd: {  	s0 =	sadd.s32 $0x8F2B, s0  }
0xbe: {  	[sflag:s0] =	ssyncadd.remote.s32 $0x1  }
0xbf: {  	_ =	sfence.sel $0xFFFF  }
0xc0: {  	[dreg:$0x0] =	wrdreg $0xFFFFFFFF;
	(pc) =	sbr.abs _section_cstart, $3  }
0xc1: {  	[dreg:$0x1] =	wrdreg $0xFFFFFFFF  }
0xc2: {  	_ =	task.clear_ibuf [dreg:s7], $0x2FFFF;
	_ =	strace $0x9FFFFFFF  }
0xc3: {  	(tm) =	ssettm $0x7FFFFFFF  }
tec
execute0_lowered:
.L_overlay_start_1:
0x0: {  	(tag) =	ssettag $0x1  }
0x1: {  	s1 =	rddreg [dreg:$0x0]  }
0x2: {  	s0 =	rddreg [dreg:$0x1]  }
0x3: {  	s2 =	rddreg [dreg:$0x2];
	s3 =	simm.s32 $0x0  }
0x4: {  	s5 =	srdreg.scid;
	s17 =	simm.s32 $0xD520;
	s18 =	simm.s32 $0x2  }
0x5: {  	s19 =	simm.s32 $0x1100;
	s20 =	simm.s32 $0x80;
	s21 =	simm.s32 $0x100  }
0x6: {  	s22 =	simm.s32 $0x900;
	s23 =	simm.s32 $0x1;
	s24 =	simm.s32 $0x0  }
0x7: {  	[smem:$0x7FF] =	sst s3;
	s4 =	sadd.s32 $0x4FB800, s0;
	s11 =	sand.u32 $0x1, s5  }
0x8: {  	s6 =	sadd.s32 $0x133EE00, s0;
	s5 =	stileid.u32;
	s9 =	ssub.s32 $0x2, s11  }
0x9: {  	s7 =	sadd.s32 $0x1326200, s0;
	s12 =	sshll.u32 s5, $0x1;
	s10 =	sshrl.u32 s9, $0x1  }
0xa: {  	s8 =	sadd.s32 $0x200, s0;
	s16 =	ssub.s32 s9, s10;
	s10 =	sadd.s32 s0, s12  }
.Ltmp0:
0xb: {  	_ =	strace $0x8000005C;
	s0 =	sadd.s32 $0x40, s10;
	(pc) =	sbr.rel .LBB2_1-.Ltmp0, $4  }
0xc: {  	s13 =	smul.u32 $0x31080, s5;
	s29 =	sadd.s32 $0x20, s10;
	[dreg:$0x4] =	wrdreg s0  }
0xd: {  	s14 =	sshll.u32 s11, $0x1;
	s12 =	sadd.s32 $0x60, s10;
	[dreg:$0x5] =	wrdreg s29  }
0xe: {  	s30 =	sshrl.u32 s13, $0x2;
	s31 =	smax.u32 s16, $0x1;
	[dreg:$0x6] =	wrdreg s12  }
0xf: {  	v0 =	vimm.f32 $0.0e+00;
	s9 =	smul.u32 $0xC42, s5;
	s15 =	sadd.s32 s30, s2;
	[dreg:$0x7] =	wrdreg s31  }
.LBB2_10:
0x10: {  	s24 =	sadd.s32 $0x1, s24;
	s0 =	rddreg [dreg:$0x7]  }
0x11: {  	p0 =	sne.s32 s24, s0  }
.Ltmp1:
0x12: {  	_ = 	snop;
	(pc) =	sbr.rel @!p0 .LBB2_11-.Ltmp1, $1  }
0x13: {  	_ =	sdelay $0x3  }
.LBB2_1:
0x14: {  	[tilespmem:s17], [sflag:$0x2] =	stream.linear.gather [hbm4b:s10+s3], $0x10, $0x38;
	[tilespmem:$0x19950] =	vst v63  }
0x15: {  	_ =	swait.ge [sflag:s18], $0x10  }
0x16: {  	[sflag:s18] =	ssyncset.done $0x0  }
0x17: {  	s0 =	rddreg [dreg:$0x4];
	[sflag:s18] =	ssyncadd.s32 $0xFFFFFFF0  }
0x18: {  	v1 =	vld [tilespmem:$0xD520];
	[tilespmem:s17], [sflag:$0x2] =	stream.linear.gather [hbm4b:s0+s3], $0x10, $0x38  }
0x19: {  	_ =	swait.ge [sflag:s18], $0x10  }
0x1a: {  	[sflag:s18] =	ssyncset.done $0x0  }
0x1b: {  	[sflag:s18] =	ssyncadd.s32 $0xFFFFFFF0  }
0x1c: {  	v2 =	vld [tilespmem:$0xD520];
	_ =	sdelay $0x4  }
0x1d: {  	(v2sf) =	vpush v2, $0x0;
	_ =	sdelay $0xc  }
0x1e: {  	s30 =	rddreg [dreg:$0x5]  }
0x1f: {  	[tilespmem:s17], [sflag:$0x2] =	stream.linear.gather [hbm4b:s30+s3], $0x10, $0x38;
	[tilespmem:$0x19950] =	vst v63  }
0x20: {  	s25 =	spop (v2sf)  }
0x21: {  	_ =	swait.ge [sflag:s18], $0x10  }
0x22: {  	[sflag:s18] =	ssyncset.done $0x0  }
0x23: {  	s31 =	rddreg [dreg:$0x6];
	[sflag:s18] =	ssyncadd.s32 $0xFFFFFFF0  }
0x24: {  	v2 =	vld [tilespmem:$0xD520];
	[tilespmem:s17], [sflag:$0x2] =	stream.linear.gather [hbm4b:s31+s3], $0x10, $0x38  }
0x25: {  	_ =	swait.ge [sflag:s18], $0x10  }
0x26: {  	[sflag:s18] =	ssyncset.done $0x0  }
0x27: {  	[sflag:s18] =	ssyncadd.s32 $0xFFFFFFF0  }
0x28: {  	v3 =	vld [tilespmem:$0xD520];
	_ =	sdelay $0x4  }
0x29: {  	(v2sf) =	vpush v3, $0x0;
	_ =	sdelay $0xe  }
0x2a: {  	s11 =	simm.s32 $0x0;
	s0 =	simm.s32 $0x40;
	s26 =	spop (v2sf)  }
.LBB2_2:
0x2b: {  	p0 =	seq.s32 s0, $0x31040;
	[tilespmem:s11+$0x1100] =	vst v0;
	s11 =	smov.u32 s0;
	s0 =	sadd.s32 $0x40, s0  }
.Ltmp2:
0x2c: {  	(pc) =	sbr.rel @!p0 .LBB2_2-.Ltmp2, $2  }
0x2d: {  	_ =	sdelay $0x2  }
0x2e: {  	s11 =	sshra.s32 s11, $0x2  }
0x2f: {  	(v2sf) =	vpush v1, $0x0  }
0x30: {  	(v2sf) =	vpush v2, $0x0;
	_ =	sdelay $0xc  }
.Ltmp3:
0x31: {  	_ = 	snop;
	(pc) =	sbr.rel .LBB2_4-.Ltmp3, $4  }
0x32: {  	s28 =	spop (v2sf)  }
0x33: {  	s0 =	spop (v2sf)  }
0x34: {  	s29 =	sadd.s32 s28, s0  }
0x35: {  	[tilespmem:s11+$0x1100] =	vst v0;
	p2 =	por $0x1, $0x1;
	s0 =	simm.s32 $0x0;
	p0 =	slt.s32 s29, $0x1  }
.LBB2_9:
0x36: {  	s0 =	smul.u32 $0xC420, s30;
	_ =	sdelay $0x1  }
0x37: {  	s0 =	sadd.s32 s9, s0  }
0x38: {  	[bflag:$0x0] =	sbarrier.arrive $0xFFFF;
	s11 =	sshll.u32 s5, $0x6;
	s0 =	sshll.u32 s0, $0x1  }
0x39: {  	s12 =	sshrl.u32 s15, $0x3;
	s11 =	sor.u32 $0x1C02, s11;
	s0 =	sadd.s32 s8, s0  }
0x3a: {  	[hbm:s0], [sflag:s11] =	dma.local [spmem:s12], $0x1884  }
.Ltmp4:
0x3b: {  	_ =	swait.ge [sflag:s18], $0x1884;
	(pc) =	sbr.rel @!p1 .LBB2_10-.Ltmp4, $4  }
0x3c: {  	[sflag:s18] =	ssyncset.done $0x0  }
0x3d: {  	[sflag:s18] =	ssyncadd.s32 $0xFFFFE77C  }
0x3e: {  	[bflag:$0x0] =	sbarrier.arrive $0xFFFF  }
0x3f: {  	p2 =	por $0x0, $0x0;
	s0 =	simm.s32 $0x1  }
.LBB2_4:
0x40: {  	[spmem:s15] =	stream.linear.scatter [tilespmem:s19], [sflag:$0x2], $0xC420, $0x38;
	[tilespmem:$0x19950] =	vst v63  }
.Ltmp5:
0x41: {  	_ =	swait.ge [sflag:s18], $0xC420;
	(pc) =	sbr.rel @p0 .LBB2_9-.Ltmp5, $4  }
0x42: {  	[sflag:s18] =	ssyncset.done $0x0  }
0x43: {  	[sflag:s18] =	ssyncadd.s32 $0xFFFF3BE0  }
0x44: {  	[bflag:$0x0] =	sbarrier.arrive $0xFFFF  }
0x45: {  	p1 =	por p2, p2;
	s30 =	sor.u32 s14, s0  }
0x46: {  	s0 =	smul.u32 $0xC350, s30;
	_ =	sdelay $0x1  }
0x47: {  	s31 =	smul.u32 $0xC6000, s30;
	s11 =	simm.s32 $0x0;
	v1 =	vmov s0;
	s0 =	simm.s32 $0x0  }
.LBB2_6:
0x48: {  	s12 =	ssub.s32 s11, s28  }
0x49: {  	s13 =	sshll.u32 s11, $0x7;
	s12 =	sshll.u32 s12, $0x7  }
0x4a: {  	p2 =	slt.s32 s11, s28;
	s13 =	sadd.s32 s25, s13;
	s12 =	sadd.s32 s26, s12  }
0x4b: {  	s12 =	smov.u32 @p2 s13  }
0x4c: {  	s13 =	sshrl.u32 s12, $0x3  }
0x4d: {  	s16 =	sadd.s32 s6, s13  }
0x4e: {  	[tilespmem:s0], [sflag:$0x2] =	stream.linear.gather [hbm4b:s16+s0], $0x80, $0x38;
	[tilespmem:$0x19950] =	vst v63  }
0x4f: {  	_ =	swait.ge [sflag:s18], $0x80  }
0x50: {  	[sflag:s18] =	ssyncset.done $0x0  }
0x51: {  	s12 =	sadd.s32 s31, s12;
	s13 =	sadd.s32 s7, s13;
	[sflag:s18] =	ssyncadd.s32 $0xFFFFFF80  }
0x52: {  	[tilespmem:s20], [sflag:$0x2] =	stream.linear.gather [hbm4b:s13+s0], $0x80, $0x38;
	[tilespmem:$0x19950] =	vst v63  }
0x53: {  	s12 =	sshll.u32 s12, $0x1;
	_ =	swait.ge [sflag:s18], $0x80  }
0x54: {  	s12 =	sand.u32 $0x1FFFFF00, s12;
	[sflag:s18] =	ssyncset.done $0x0  }
0x55: {  	s12 =	sadd.s32 s4, s12;
	[sflag:s18] =	ssyncadd.s32 $0xFFFFFF80  }
0x56: {  	[tilespmem:s21], [sflag:$0x2] =	stream.linear.gather [hbm4b:s12+s0], $0x800, $0x38;
	[tilespmem:$0x19950] =	vst v63  }
0x57: {  	_ =	swait.ge [sflag:s18], $0x800  }
0x58: {  	[sflag:s18] =	ssyncset.done $0x0  }
0x59: {  	[sflag:s18] =	ssyncadd.s32 $0xFFFFF800  }
0x5a: {  	v2 =	vld [tilespmem:$0x0]  }
0x5b: {  	v3 =	vld [tilespmem:$0x10]  }
0x5c: {  	v4 =	vld [tilespmem:$0x20]  }
0x5d: {  	v5 =	vld [tilespmem:$0x30]  }
0x5e: {  	v6 =	vld [tilespmem:$0x40]  }
0x5f: {  	v7 =	vld [tilespmem:$0x50];
	v2 =	vadd.s32 v1, v2  }
0x60: {  	[tilespmem:$0x0] =	vst v2;
	v2 =	vadd.s32 v1, v3;
	v3 =	vld [tilespmem:$0x60]  }
0x61: {  	v63 =	vld [tilespmem:$0x70];
	[tilespmem:$0x10] =	vst v2;
	v2 =	vadd.s32 v1, v4  }
0x62: {  	[tilespmem:$0x20] =	vst v2;
	v2 =	vadd.s32 v1, v5  }
0x63: {  	[tilespmem:$0x30] =	vst v2;
	v2 =	vadd.s32 v1, v6  }
0x64: {  	[tilespmem:$0x40] =	vst v2;
	v2 =	vadd.s32 v1, v7  }
0x65: {  	[tilespmem:$0x50] =	vst v2;
	v2 =	vadd.s32 v1, v3  }
0x66: {  	[tilespmem:$0x60] =	vst v2;
	v2 =	vadd.s32 v1, v63  }
0x67: {  	[tilespmem:$0x70] =	vst v2  }
0x68: {  	[tilespmem:s22], [sflag:$0x1] =	stream.indirect.gather [hbm4b:s1+s20], $0x10, s0, s20, $0xb8;
	[tilespmem:$0x19950] =	vst v63  }
0x69: {  	_ =	swait.ge [sflag:s23], $0x800  }
0x6a: {  	[sflag:s23] =	ssyncset.done $0x0  }
0x6b: {  	s12 =	simm.s32 $0x0;
	[sflag:s23] =	ssyncadd.s32 $0xFFFFF800  }
0x6c: {  	s13 =	simm.s32 $0x40;
	v2 =	vld [tilespmem:s12+$0x100]  }
.LBB2_7:
0x6d: {  	p2 =	sne.s32 s13, $0x1FC0;
	v3 =	vld [tilespmem:s12+$0x900];
	_ =	sdelay $0x3  }
.Ltmp6:
0x6e: {  	(pc) =	sbr.rel @p2 .LBB2_7-.Ltmp6, $3  }
0x6f: {  	v2 =	vadd.f32 v2, v3;
	_ =	sdelay $0x1  }
0x70: {  	s16 =	sshra.s32 s13, $0x2;
	v3 =	vmax.f32 v2, $0.0e+00  }
0x71: {  	s13 =	sadd.s32 $0x40, s13;
	v2 =	vld [tilespmem:s16+$0x100];
	[tilespmem:s12+$0x900] =	vst v3;
	s12 =	smov.u32 s16  }
0x72: {  	v3 =	vld [tilespmem:s12+$0x900];
	_ =	sdelay $0x4  }
0x73: {  	v2 =	vadd.f32 v2, v3;
	_ =	sdelay $0x1  }
0x74: {  	s11 =	sadd.s32 $0x1, s11;
	v2 =	vmax.f32 v2, $0.0e+00  }
0x75: {  	p2 =	sne.s32 s11, s29;
	[tilespmem:s12+$0x900] =	vst v2  }
0x76: {  	[spmem:s2] =	stream.indirect.scatter.add.f32 [tilespmem:s22], [sflag:$0x2], $0x10, s20, s20, $0xb8;
	[tilespmem:$0x19950] =	vst v63  }
.Ltmp7:
0x77: {  	_ = 	snop;
	(pc) =	sbr.rel @p2 .LBB2_6-.Ltmp7, $4  }
.Ltmp8:
0x78: {  	_ = 	snop;
	(pc) =	sbr.rel @!p2 .LBB2_9-.Ltmp8, $4  }
0x79: {  	_ =	swait.ge [sflag:s18], $0x800  }
0x7a: {  	[sflag:s18] =	ssyncset.done $0x0  }
0x7b: {  	[sflag:s18] =	ssyncadd.s32 $0xFFFFF800  }
0x7c: {  	_ = 	snop  }
.LBB2_11:
0x7d: {  	_ =	sfence.sel $0x180000  }
0x7e: {  	[bflag:$0x0] =	sbarrier.arrive $0xFFFF  }
0x7f: {  	_ =	strace $0x9000005C  }
0x80: {  	[bflag:$0x2] =	sbarrier.arrive $0xFFFF  }
0x81: {  	p0 =	sne.s32 s5, $0x0;
	s0 =	rddreg [dreg:$0x3]  }
0x82: {  	s0 =	sadd.s32 @!p0 $0x100000, s0  }
0x83: {  	[sflag:s0] =	ssyncadd.tile.s32 @!p0 $0x1;
	_ =	shalt  }
.Lfunc_end2:
_tile_overlayer_lowered:
.L_overlay_start_2:
0x84: {  	(tag) =	ssettag $0x2  }
0x85: {  	s0 =	rddreg [dreg:$0x0];
	s2 =	stileid.u32  }
0x86: {  	s1 =	rddreg [dreg:$0x1];
	p0 =	sne.s32 s2, $0x0  }
0x87: {  	s3 =	rddreg [dreg:$0x2];
	[bflag:$0x3] =	sbarrier.arrive $0xFFFF;
	s2 =	simm.s32 @!p0 $0x1C02  }
0x88: {  	[timem:s3], [sflag:s2] =	dma.local @!p0 [hbm:s0], s1  }
0x89: {  	s0 =	simm.s32 @!p0 $0x2  }
0x8a: {  	_ =	swait.ge @!p0 [sflag:s0], s1  }
0x8b: {  	s1 =	ssub.s32 @!p0 $0x0, s1;
	[sflag:s0] =	ssyncset.done @!p0 $0x0  }
0x8c: {  	[sflag:s0] =	ssyncadd.s32 @!p0 s1  }
0x8d: {  	[bflag:$0x3] =	sbarrier.arrive $0xFFFF  }
0x8e: {  	_ =	shalt  }

// kernel: scatter_offload_async_start
scs
__scs_entry_jumppad:
0x0: {  	(pc) =	sbr.rel $0x88, $3  }
0x1: {  	(tag) =	ssettag $0x0;
	lr =	simm.s32 $0x1  }
0x2: {  	[smem:$0x3F6F] =	sst lr;
	_ =	strace $0xD0000000  }
0x3: {  	_ = 	snop  }
0x4: {  	_ = 	snop  }
0x5: {  	_ = 	snop  }
0x6: {  	_ = 	snop  }
0x7: {  	_ = 	snop  }
__scs_overlays_trampoline_lowered:
0x8: {  	[smem:$0x3F7E] =	sst s0  }
0x9: {  	[smem:$0x3F7F] =	sst s1  }
0xa: {  	[smem:$0x3F80] =	sst s2  }
0xb: {  	[smem:$0x3F81] =	sst s3  }
0xc: {  	[smem:$0x3F82] =	sst s4  }
0xd: {  	[smem:$0x3F83] =	sst s5  }
0xe: {  	[smem:$0x3F84] =	sst s6  }
0xf: {  	[smem:$0x3F85] =	sst s7  }
0x10: {  	[smem:$0x3F86] =	sst s8  }
0x11: {  	[smem:$0x3F87] =	sst s9;
	s0 =	simm.s32 @!p0 $0x0  }
0x12: {  	s1 =	sld [smem:$0x3F6D];
	s0 =	simm.s32 @p0 $0x1  }
0x13: {  	[smem:$0x3F88] =	sst s0;
	s0 =	simm.s32 @!p1 $0x0  }
0x14: {  	s2 =	sld [smem:$0x3F6C];
	s0 =	simm.s32 @p1 $0x1  }
0x15: {  	[smem:$0x3F89] =	sst s0;
	s0 =	simm.s32 @!p2 $0x0  }
0x16: {  	s3 =	sld [smem:$0x3FDB];
	s0 =	simm.s32 @p2 $0x1  }
0x17: {  	s4 =	simm.s32 $0x1BF5;
	[smem:$0x3F8B] =	sst s0  }
0x18: {  	s0 =	sld [smem:$0x3F6E];
	_ =	swait.ge [sflag:s4], $0x0  }
0x19: {  	s7 =	sld [smem:$0x3F6F]  }
0x1a: {  	s8 =	sadd.s32 $0xFFFFE003, lr  }
0x1b: {  	s9 =	sadd.s32 $0xFFFFFEF7, lr;
	s5 =	simm.s32 $0xFFFFFFFF;
	p2 =	slt.u32 s8, $0xFFFFF086  }
0x1c: {  	p1 =	slt.u32 s9, $0xF7A;
	s5 =	simm.s32 @!p2 $0x0  }
0x1d: {  	s5 =	simm.s32 @p1 $0x1;
	p0 =	seq.s32 s7, s2  }
0x1e: {  	s7 =	smul.u32 @!p0 $0xF7A, s2;
	p2 =	seq.s32 @!p0 s5, $0x0  }
0x1f: {  	s9 =	smul.u32 $0xF7A, s1;
	s8 =	simm.s32 @!p0 $0x1BF5;
	p2 =	por !p2, p0  }
0x20: {  	[sflag:s8] =	ssyncset.s32 @!p0 $0xFFFFF086;
	s6 =	sadd.s32 @!p0 s3, s7;
	s7 =	simm.s32 @!p0 $0x108  }
0x21: {  	s3 =	sadd.s32 s3, s9;
	s6 =	sadd.s32 @!p0 $0x88, s6;
	s7 =	simm.s32 @p2 $0x1082  }
0x22: {  	[simem:s7], [sflag:s8] =	dma.local @!p0 [hbm:s6], $0xF7A  }
0x23: {  	s9 =	sor.u32 $0xD0000000, s2;
	s6 =	simm.s32 $0x108;
	_ =	swait.ge @!p0 [sflag:s8], $0x0  }
0x24: {  	s3 =	sadd.s32 $0x88, s3;
	s6 =	simm.s32 @!p1 $0x1082;
	[sflag:s4] =	ssyncset.s32 $0xFFFFF086  }
0x25: {  	[simem:s6], [sflag:s4] =	dma.local [hbm:s3], $0xF7A  }
0x26: {  	[smem:$0x3F6F] =	sst s1;
	(tag) =	ssettag s2;
	_ =	strace s9  }
0x27: {  	s1 =	sld [smem:$0x3F7F]  }
0x28: {  	s2 =	sld [smem:$0x3F80]  }
0x29: {  	s4 =	sld [smem:$0x3F82]  }
0x2a: {  	p0 =	seq.s32 s5, $0x0;
	s5 =	sld [smem:$0x3F83]  }
0x2b: {  	s6 =	sld [smem:$0x3F84]  }
0x2c: {  	s7 =	sld [smem:$0x3F85]  }
0x2d: {  	s3 =	simm.s32 $0x108;
	s8 =	sld [smem:$0x3F86]  }
0x2e: {  	s3 =	simm.s32 @!p0 $0x1082;
	s9 =	sld [smem:$0x3F87]  }
0x2f: {  	lr =	sadd.s32 s0, s3;
	s0 =	sld [smem:$0x3F7E]  }
0x30: {  	s3 =	sld [smem:$0x3F81]  }
0x31: {  	[smem:$0x3F8A] =	sst s10  }
0x32: {  	s10 =	sld [smem:$0x3F88];
	_ =	sdelay $0x3  }
0x33: {  	p0 =	seq.s32 s10, $0x1;
	s10 =	sld [smem:$0x3F8A];
	_ =	sdelay $0x3  }
0x34: {  	[smem:$0x3F8A] =	sst s10  }
0x35: {  	s10 =	sld [smem:$0x3F89];
	_ =	sdelay $0x3  }
0x36: {  	p1 =	seq.s32 s10, $0x1;
	s10 =	sld [smem:$0x3F8A];
	_ =	sdelay $0x3  }
0x37: {  	[smem:$0x3F8A] =	sst s10  }
0x38: {  	s10 =	sld [smem:$0x3F8B]  }
0x39: {  	_ = 	snop;
	(pc) =	sbr.ind lr, $3  }
0x3a: {  	_ = 	snop  }
0x3b: {  	_ = 	snop  }
0x3c: {  	p2 =	seq.s32 s10, $0x1;
	s10 =	sld [smem:$0x3F8A]  }
0x3d: {  	_ =	shalt  }
0x3e: {  	_ =	shalt  }
0x3f: {  	_ =	shalt  }
0x40: {  	_ =	shalt  }
0x41: {  	_ =	shalt  }
0x42: {  	_ =	shalt  }
0x43: {  	_ =	shalt  }
0x44: {  	_ =	shalt  }
0x45: {  	_ =	shalt  }
0x46: {  	_ =	shalt  }
0x47: {  	_ =	shalt  }
0x48: {  	_ =	shalt  }
0x49: {  	_ =	shalt  }
0x4a: {  	_ =	shalt  }
0x4b: {  	_ =	shalt  }
0x4c: {  	_ =	shalt  }
0x4d: {  	_ =	shalt  }
0x4e: {  	_ =	shalt  }
0x4f: {  	_ =	shalt  }
0x50: {  	_ =	shalt  }
0x51: {  	_ =	shalt  }
0x52: {  	_ =	shalt  }
0x53: {  	_ =	shalt  }
0x54: {  	_ =	shalt  }
0x55: {  	_ =	shalt  }
0x56: {  	_ =	shalt  }
0x57: {  	_ =	shalt  }
0x58: {  	_ =	shalt  }
0x59: {  	_ =	shalt  }
0x5a: {  	_ =	shalt  }
0x5b: {  	_ =	shalt  }
0x5c: {  	_ =	shalt  }
0x5d: {  	_ =	shalt  }
0x5e: {  	_ =	shalt  }
0x5f: {  	_ =	shalt  }
0x60: {  	_ =	shalt  }
0x61: {  	_ =	shalt  }
0x62: {  	_ =	shalt  }
0x63: {  	_ =	shalt  }
0x64: {  	_ =	shalt  }
0x65: {  	_ =	shalt  }
0x66: {  	_ =	shalt  }
0x67: {  	_ =	shalt  }
0x68: {  	_ =	shalt  }
0x69: {  	_ =	shalt  }
0x6a: {  	_ =	shalt  }
0x6b: {  	_ =	shalt  }
0x6c: {  	_ =	shalt  }
0x6d: {  	_ =	shalt  }
0x6e: {  	_ =	shalt  }
0x6f: {  	_ =	shalt  }
0x70: {  	_ =	shalt  }
0x71: {  	_ =	shalt  }
0x72: {  	_ =	shalt  }
0x73: {  	_ =	shalt  }
0x74: {  	_ =	shalt  }
0x75: {  	_ =	shalt  }
0x76: {  	_ =	shalt  }
0x77: {  	_ =	shalt  }
0x78: {  	_ =	shalt  }
0x79: {  	_ =	shalt  }
0x7a: {  	_ =	shalt  }
0x7b: {  	_ =	shalt  }
0x7c: {  	_ =	shalt  }
0x7d: {  	_ =	shalt  }
0x7e: {  	_ =	shalt  }
0x7f: {  	_ =	shalt  }
0x80: {  	_ =	shalt  }
0x81: {  	_ =	shalt  }
0x82: {  	_ =	shalt  }
0x83: {  	_ =	shalt  }
0x84: {  	_ =	shalt  }
0x85: {  	_ =	shalt  }
0x86: {  	_ =	shalt  }
0x87: {  	_ =	shalt  }
.Lfunc_end0:
.L_simem_size_0:
called_computation_lowered:
.L_overlay_start_0:
0x88: {  	s0 =	sld [smem:$0x3FD9]  }
0x89: {  	s1 =	sld [smem:$0x3FFE];
	_ =	sdelay $0x3  }
0x8a: {  	s0 =	sadd.s32 s1, s0  }
0x8b: {  	[smem:$0x3F96] =	sst s0  }
0x8c: {  	_ = 	snop  }
0x8d: {  	(tm) =	ssettm $0x1  }
0x8e: {  	s15 =	sld [smem:$0x3FFB];
	_ =	sdelay $0x3  }
0x8f: {  	_ =	strace s15  }
0x90: {  	s0 =	sld [smem:$0x3FFC];
	_ =	sdelay $0x3  }
0x91: {  	_ =	strace s0  }
0x92: {  	s0 =	sld [smem:$0x3FFD];
	_ =	sdelay $0x3  }
0x93: {  	_ =	strace s0  }
0x94: {  	_ =	strace $0x8FFFFFFF  }
0x95: {  	s16 =	sld [smem:$0x3FDB];
	_ =	sdelay $0x1  }
0x96: {  	s17 =	simm.s32 $_scs_section_size  }
0x97: {  	s2 =	simm.s32 $_size__tile_overlayer_lowered;
	s3 =	simm.s32 $_tile_overlayer_lowered  }
0x98: {  	s20 =	simm.s32 $0x1BFF;
	s19 =	sshll.u32 s3, $0x1;
	s0 =	sadd.s32 s17, s16  }
0x99: {  	s4 =	simm.s32 $0x0;
	s18 =	sshll.u32 s2, $0x1;
	s2 =	sadd.s32 s19, s0  }
0x9a: {  	[timem:s4], [sflag:s20] =	dma.local [hbm:s2], s18  }
0x9b: {  	_ =	swait.ge [sflag:s20], s18  }
0x9c: {  	s1 =	ssub.s32 $0x0, s18;
	[sflag:s20] =	ssyncset.done $0x0  }
0x9d: {  	[sflag:s20] =	ssyncadd.s32 s1;
	_ =	sdelay $0x1  }
0x9e: {  	s21 =	simm.s32 $0x1B8B  }
0x9f: {  	_ =	swait.ge [sflag:s21], $0x1  }
0xa0: {  	[sflag:s21] =	ssyncset.done $0x0  }
0xa1: {  	s23 =	simm.s32 $0x1B8E;
	s22 =	sld [smem:$0x3FFE];
	[sflag:s21] =	ssyncadd.s32 $0xFFFFFFFF  }
0xa2: {  	s24 =	simm.s32 $execute0_lowered;
	[smem:$0x3FD2] =	sst s23  }
0xa3: {  	s2 =	sshll.u32 s24, $0x1;
	_ =	strace $0x80000046;
	[dreg:$0x1] =	wrdreg $0xFFFFFFFF  }
0xa4: {  	s25 =	simm.s32 $_size_execute0_lowered;
	s0 =	sadd.s32 s0, s2;
	[dreg:$0x0] =	wrdreg $0x0  }
0xa5: {  	s2 =	sshll.u32 s25, $0x1;
	[dreg:$0x2] =	wrdreg s0  }
0xa6: {  	[dreg:$0x3] =	wrdreg s2  }
0xa7: {  	[dreg:$0x4] =	wrdreg $0xC0  }
0xa8: {  	_ =	task [dreg:s4], $0x5FFFF  }
0xa9: {  	[dreg:$0x1] =	wrdreg $0xFFFFFFFF  }
0xaa: {  	[dreg:$0x0] =	wrdreg $0x60  }
0xab: {  	[dreg:$0x2] =	wrdreg s22  }
0xac: {  	[dreg:$0x3] =	wrdreg $0x9  }
0xad: {  	_ =	task.clear_ibuf [dreg:s4], $0x4FFFF;
	_ =	strace $0x90000046  }
0xae: {  	s26 =	simm.s32 $0x9;
	_ =	strace $0x80000048  }
0xaf: {  	_ =	swait.ge [sflag:s26], $0x1  }
0xb0: {  	[sflag:s26] =	ssyncadd.s32 $0xFFFFFFFF  }
0xb1: {  	_ =	strace $0x90000048  }
0xb2: {  	_ =	sfence  }
0xb3: {  	s28 =	sld [smem:$0x0];
	_ =	sdelay $0x1  }
0xb4: {  	s29 =	srdreg.scid  }
0xb5: {  	s30 =	sshll.u32 s29, $0xD;
	s31 =	sshrl.u32 s29, $0x2  }
0xb6: {  	s1 =	sand.u32 $0x1, s29;
	s2 =	sand.u32 $0x4000, s30;
	s0 =	sadd.s32 s31, s28  }
0xb7: {  	s1 =	sor.u32 s2, s1;
	s0 =	sshll.u32 s0, $0x11  }
0xb8: {  	s0 =	sor.u32 s0, s1  }
0xb9: {  	s0 =	sadd.s32 $0x8F2B, s0  }
0xba: {  	[sflag:s0] =	ssyncadd.remote.s32 $0x1  }
0xbb: {  	_ =	sfence.sel $0xFFFF  }
0xbc: {  	[dreg:$0x0] =	wrdreg $0xFFFFFFFF;
	(pc) =	sbr.abs _section_cstart, $3  }
0xbd: {  	[dreg:$0x1] =	wrdreg $0xFFFFFFFF  }
0xbe: {  	_ =	task.clear_ibuf [dreg:s4], $0x2FFFF;
	_ =	strace $0x9FFFFFFF  }
0xbf: {  	(tm) =	ssettm $0x7FFFFFFF  }
tec
execute0_lowered:
.L_overlay_start_1:
0x0: {  	(tag) =	ssettag $0x1  }
0x1: {  	s2 =	rddreg [dreg:$0x0]  }
0x2: {  	s0 =	rddreg [dreg:$0x1];
	_ =	strace $0x80000047  }
0x3: {  	s4 =	stileid.u32;
	s5 =	simm.s32 $0x3E;
	s1 =	sadd.s32 $0x372000, s2  }
0x4: {  	p0 =	sne.s32 s4, $0x0;
	[sflag:s5] =	ssyncpa.u1 $0x0;
	s29 =	smul.u32 $0x6, s4  }
0x5: {  	s30 =	smin.u32 s4, $0x4;
	s3 =	simm.s32 @!p0 $0x1C3E;
	s6 =	simm.s32 @!p0 $0x0  }
0x6: {  	[spmem:s6], [sflag:s3] =	dma.local @!p0 [hbm:s1], $0x10  }
0x7: {  	s3 =	sadd.s32 s30, s29  }
0x8: {  	p1 =	slt.u32 s4, $0x4;
	s4 =	simm.s32 $0xDAC0;
	s3 =	smul.u32 $0x1F40, s3  }
0x9: {  	s4 =	simm.s32 @!p1 $0xBB80  }
0xa: {  	s4 =	sadd.s32 s4, s3  }
0xb: {  	s4 =	smin.u32 s4, $0xC3500  }
0xc: {  	s7 =	ssub.s32 s4, s3  }
0xd: {  	p1 =	sgt.s32 s7, $0x0  }
0xe: {  	s7 =	simm.s32 @!p1 $0x0  }
0xf: {  	s6 =	simm.s32 @!p0 $0x3E;
	s31 =	smulhi.u32 $0x10624DD3, s7  }
0x10: {  	_ =	swait.ge @!p0 [sflag:s6], $0x10  }
0x11: {  	[sflag:s6] =	ssyncset.done @!p0 $0x0;
	s8 =	sshrl.u32 s31, $0x9  }
0x12: {  	s11 =	simm.s32 $0x0;
	[sflag:s6] =	ssyncadd.s32 @!p0 $0xFFFFFFF0;
	s9 =	smul.u32 $0x1F40, s8  }
.Ltmp0:
0x13: {  	s6 =	simm.s32 $0x2;
	[bflag:$0x0] =	sbarrier.arrive $0xFFFF;
	(pc) =	sbr.rel .LBB2_1-.Ltmp0, $4  }
0x14: {  	s10 =	smov.u32 s3;
	[sflag:s5] =	ssyncpa.u1 $0x1;
	s5 =	simm.s32 $0x1  }
0x15: {  	[sflag:s5] =	ssyncpa.u1 $0x0;
	p1 =	sne.s32 s7, s9;
	s9 =	simm.s32 $0x1  }
0x16: {  	(ifvalue) =	ssetifvalue $0x80;
	[sflag:s6] =	ssyncpa.u1 $0x0;
	s9 =	simm.s32 @!p1 $0x0  }
0x17: {  	vm0 =	vmmov $0xffff;
	s7 =	sadd.s32 $0x359800, s2;
	s8 =	sadd.s32 s9, s8;
	s9 =	simm.s32 $0x0  }
.LBB2_5:
0x18: {  	p2 =	sne.s32 s11, s8  }
.Ltmp1:
0x19: {  	_ = 	snop;
	(pc) =	sbr.rel @!p2 .LBB2_6-.Ltmp1, $4  }
0x1a: {  	_ = 	snop  }
0x1b: {  	s12 =	sadd.s32 $0x1F40, s10  }
0x1c: {  	s10 =	smov.u32 s3;
	s13 =	sadd.s32 $0x1, s11;
	p1 =	slt.s32 s12, s4  }
0x1d: {  	s11 =	smov.u32 s13;
	s10 =	smov.u32 @p1 s12  }
.LBB2_1:
0x1e: {  	p1 =	sge.u32 s11, s8  }
0x1f: {  	s12 =	sxor.u32 @!p1 $0xFFFFFFFF, s11  }
0x20: {  	s12 =	sand.u32 @!p1 $0x1, s12  }
0x21: {  	s12 =	smul.u32 @!p1 $0x1F40, s12  }
0x22: {  	s13 =	sshrl.u32 @!p1 s10, $0x3  }
0x23: {  	s16 =	sand.u32 @!p1 $0x7, s10;
	s14 =	sadd.s32 @!p1 s2, s13;
	s15 =	sor.u32 @!p1 $0x8, s12  }
0x24: {  	[tilespmem:s15], [sflag:$0x2] =	stream.linear.gather @!p1 [hbm4b:s14+s16], $0x1F40, $0x38;
	[tilespmem:$0x7D08] =	vst v63  }
0x25: {  	s13 =	sadd.s32 @!p1 s7, s13;
	s12 =	sadd.s32 @!p1 $0x3E88, s12  }
0x26: {  	[tilespmem:s12], [sflag:$0x2] =	stream.linear.gather @!p1 [hbm4b:s13+s16], $0x1F40, $0x38;
	[tilespmem:$0x7D08] =	vst v63  }
0x27: {  	p1 =	seq.s32 s11, $0x0  }
.Ltmp2:
0x28: {  	_ = 	snop;
	(pc) =	sbr.rel @p1 .LBB2_5-.Ltmp2, $1  }
0x29: {  	_ =	sdelay $0x3  }
0x2a: {  	s12 =	sand.u32 $0x1, s11  }
0x2b: {  	_ =	swait.ge [sflag:s6], $0x3E80;
	p1 =	seq.s32 s12, $0x1;
	s12 =	simm.s32 $0x1F40  }
0x2c: {  	[sflag:s6] =	ssyncset.done $0x0;
	s12 =	simm.s32 @!p1 $0x0  }
0x2d: {  	[sflag:s6] =	ssyncadd.s32 $0xFFFFC180;
	s14 =	sor.u32 $0x8, s12  }
0x2e: {  	v0 =	vld.msk [tilespmem:s14+$0x0 ss:$0x1], $0xffff;
	_ =	sdelay $0x4  }
0x2f: {  	v0 =	vmin.u32 v0, $0x80;
	_ =	sdelay $0x3  }
0x30: {  	s13 =	simm.s32 $0x0;
	s12 =	sadd.s32 $0x3E88, s12;
	s14 =	sadd.s32 $0x10, s14  }
0x31: {  	[spmem:s9] =	stream.indirect_vreg.scatter.add.s32 [tilespmem:s12], [sflag:$0x1], $0x1, v0, vm0, $0x4038;
	[tilespmem:$0x7D08] =	vst v63  }
.LBB2_3:
0x32: {  	v0 =	vld.msk [tilespmem:s14+$0x0 ss:$0x1], $0xffff;
	s13 =	sadd.s32 $0x10, s13  }
0x33: {  	p1 =	slt.u32 s13, $0x1F30;
	_ =	sdelay $0x4  }
0x34: {  	v0 =	vmin.u32 v0, $0x80  }
.Ltmp3:
0x35: {  	(pc) =	sbr.rel @p1 .LBB2_3-.Ltmp3, $3  }
0x36: {  	_ =	sdelay $0x1  }
0x37: {  	s14 =	sadd.s32 $0x10, s14;
	s12 =	sadd.s32 $0x10, s12  }
0x38: {  	[spmem:s9] =	stream.indirect_vreg.scatter.add.s32 [tilespmem:s12], [sflag:$0x1], $0x1, v0, vm0, $0x4038;
	[tilespmem:$0x7D08] =	vst v63  }
.Ltmp4:
0x39: {  	(pc) =	sbr.rel .LBB2_5-.Ltmp4, $4  }
0x3a: {  	_ = 	snop  }
0x3b: {  	_ =	swait.ge [sflag:s5], $0x1F40  }
0x3c: {  	[sflag:s5] =	ssyncset.done $0x0  }
0x3d: {  	[sflag:s5] =	ssyncadd.s32 $0xFFFFE0C0  }
.LBB2_6:
0x3e: {  	_ =	sfence.sel $0x180000  }
0x3f: {  	s2 =	simm.s32 $0x2;
	[bflag:$0x0] =	sbarrier.arrive $0xFFFF  }
0x40: {  	s30 =	simm.s32 $0x1;
	[sflag:s2] =	ssyncpa.u1 $0x1  }
0x41: {  	[sflag:s30] =	ssyncpa.u1 $0x1  }
0x42: {  	_ =	sfence.stream.spmem  }
0x43: {  	s31 =	simm.s32 $0x3D;
	[bflag:$0x0] =	sbarrier.arrive $0xFFFF  }
0x44: {  	s2 =	simm.s32 @p0 $0x3D;
	[sflag:s31] =	ssyncpa.u1 $0x0  }
0x45: {  	[sflag:s2] =	ssyncpa.u1 @p0 $0x1  }
0x46: {  	[bflag:$0x0] =	sbarrier.arrive @p0 $0xFFFF  }
0x47: {  	_ =	strace @p0 $0x90000047  }
0x48: {  	s3 =	simm.s32 @!p0 $0x1C3D;
	s2 =	simm.s32 @!p0 $0x0;
	[bflag:$0x2] =	sbarrier.arrive @p0 $0xFFFF  }
0x49: {  	[hbm:s1], [sflag:s3] =	dma.local @!p0 [spmem:s2], $0x10  }
0x4a: {  	s1 =	simm.s32 @!p0 $0x3D  }
0x4b: {  	_ =	swait.ge @!p0 [sflag:s1], $0x10  }
0x4c: {  	[sflag:s1] =	ssyncset.done @!p0 $0x0  }
0x4d: {  	[sflag:s1] =	ssyncadd.s32 @!p0 $0xFFFFFFF0  }
0x4e: {  	[sflag:s1] =	ssyncpa.u1 @!p0 $0x1  }
0x4f: {  	[bflag:$0x0] =	sbarrier.arrive @!p0 $0xFFFF  }
0x50: {  	_ =	strace @!p0 $0x90000047  }
0x51: {  	s0 =	sadd.s32 @!p0 $0x100000, s0;
	[bflag:$0x2] =	sbarrier.arrive @!p0 $0xFFFF  }
0x52: {  	[sflag:s0] =	ssyncadd.tile.s32 @!p0 $0x1;
	_ =	shalt  }
.Lfunc_end2:
_tile_overlayer_lowered:
.L_overlay_start_2:
0x53: {  	(tag) =	ssettag $0x2  }
0x54: {  	s0 =	rddreg [dreg:$0x0];
	s2 =	stileid.u32  }
0x55: {  	s1 =	rddreg [dreg:$0x1];
	p0 =	sne.s32 s2, $0x0  }
0x56: {  	s3 =	rddreg [dreg:$0x2];
	[bflag:$0x3] =	sbarrier.arrive $0xFFFF;
	s2 =	simm.s32 @!p0 $0x1C01  }
0x57: {  	[timem:s3], [sflag:s2] =	dma.local @!p0 [hbm:s0], s1  }
0x58: {  	s0 =	simm.s32 @!p0 $0x1  }
0x59: {  	_ =	swait.ge @!p0 [sflag:s0], s1  }
0x5a: {  	s1 =	ssub.s32 @!p0 $0x0, s1;
	[sflag:s0] =	ssyncset.done @!p0 $0x0  }
0x5b: {  	[sflag:s0] =	ssyncadd.s32 @!p0 s1  }
0x5c: {  	[bflag:$0x3] =	sbarrier.arrive $0xFFFF  }
0x5d: {  	_ =	shalt  }

// kernel: sparse-core-data-format-call.cloned.1.call-start
scs
called_computation.1_lowered:
.L_overlay_start_0:
0x0: {  	s2 =	sld [smem:$0x3FD9]  }
0x1: {  	s3 =	sld [smem:$0x3FFE];
	_ =	sdelay $0x1  }
0x2: {  	s1 =	srdreg.scid  }
0x3: {  	s0 =	sand.u32 $0x1, s1  }
0x4: {  	s18 =	sshll.u32 s0, $0xA;
	s2 =	sadd.s32 s3, s2  }
0x5: {  	s2 =	sadd.s32 s2, s18  }
0x6: {  	[smem:$0x3F96] =	sst s2  }
0x7: {  	_ = 	snop  }
0x8: {  	(tm) =	ssettm $0x1  }
0x9: {  	s19 =	sld [smem:$0x3FFB];
	_ =	sdelay $0x3  }
0xa: {  	_ =	strace s19  }
0xb: {  	s2 =	sld [smem:$0x3FFC];
	_ =	sdelay $0x3  }
0xc: {  	_ =	strace s2  }
0xd: {  	s2 =	sld [smem:$0x3FFD];
	_ =	sdelay $0x3  }
0xe: {  	_ =	strace s2  }
0xf: {  	_ =	strace $0x8FFFFFFF  }
0x10: {  	s20 =	sld [smem:$0x3FDB];
	_ =	sdelay $0x1  }
0x11: {  	s21 =	simm.s32 $_scs_section_size  }
0x12: {  	s4 =	simm.s32 $_size__tile_overlayer_lowered;
	s5 =	simm.s32 $_tile_overlayer_lowered  }
0x13: {  	s6 =	simm.s32 $0x1BFF;
	s22 =	sshll.u32 s5, $0x1;
	s3 =	sadd.s32 s21, s20  }
0x14: {  	s23 =	simm.s32 $0x0;
	s4 =	sshll.u32 s4, $0x1;
	s5 =	sadd.s32 s22, s3  }
0x15: {  	[timem:s23], [sflag:s6] =	dma.local [hbm:s5], s4  }
0x16: {  	_ =	swait.ge [sflag:s6], s4  }
0x17: {  	s4 =	ssub.s32 $0x0, s4;
	[sflag:s6] =	ssyncset.done $0x0  }
0x18: {  	[sflag:s6] =	ssyncadd.s32 s4;
	_ =	sdelay $0x1  }
0x19: {  	s24 =	simm.s32 $0x1B8B  }
0x1a: {  	_ =	swait.ge [sflag:s24], $0x1  }
0x1b: {  	[sflag:s24] =	ssyncset.done $0x0  }
0x1c: {  	[sflag:s24] =	ssyncadd.s32 $0xFFFFFFFF  }
0x1d: {  	s4 =	sld [smem:$0x0]  }
0x1e: {  	s5 =	sand.u32 $0xFFFFFFFE, s1  }
0x1f: {  	p0 =	sne.s32 s1, s5  }
0x20: {  	s5 =	sshll.u32 @p0 s5, $0xE  }
0x21: {  	s5 =	sadd.s32 @p0 $0x11B8D, s5;
	s6 =	sshll.u32 @p0 s4, $0x11  }
0x22: {  	s5 =	sor.u32 @p0 s6, s5  }
0x23: {  	[sflag:s5] =	ssyncadd.remote.s32 @p0 $0x1;
	_ =	sdelay $0x1  }
0x24: {  	s5 =	simm.s32 @p0 $0x1B8D  }
0x25: {  	_ =	swait.eq @p0 [sflag:s5], $0x1  }
0x26: {  	[sflag:s5] =	ssyncadd.s32 @p0 $0xFFFFFFFF  }
0x27: {  	s6 =	sshll.u32 @!p0 s1, $0xE  }
0x28: {  	s6 =	sor.u32 @!p0 $0x4000, s6;
	s5 =	simm.s32 @!p0 $0x1B8D  }
0x29: {  	s4 =	sshll.u32 @!p0 s4, $0x11;
	s6 =	sadd.s32 @!p0 $0x11B8D, s6;
	_ =	swait.eq @!p0 [sflag:s5], $0x1  }
0x2a: {  	s4 =	sor.u32 @!p0 s4, s6;
	[sflag:s5] =	ssyncadd.s32 @!p0 $0xFFFFFFFF  }
0x2b: {  	s26 =	simm.s32 $0x1B8E;
	s25 =	sld [smem:$0x3FFE];
	[sflag:s4] =	ssyncadd.remote.s32 @!p0 $0x1  }
0x2c: {  	s27 =	simm.s32 $execute0_lowered;
	[smem:$0x3FD2] =	sst s26  }
0x2d: {  	s5 =	sshll.u32 s27, $0x1;
	_ =	strace $0x80000049;
	[dreg:$0x1] =	wrdreg $0xFFFFFFFF  }
0x2e: {  	s28 =	simm.s32 $_size_execute0_lowered;
	s3 =	sadd.s32 s3, s5;
	[dreg:$0x0] =	wrdreg $0x0  }
0x2f: {  	s5 =	sshll.u32 s28, $0x1;
	[dreg:$0x2] =	wrdreg s3  }
0x30: {  	[dreg:$0x3] =	wrdreg s5  }
0x31: {  	[dreg:$0x4] =	wrdreg $0xC0  }
0x32: {  	_ =	task [dreg:s23], $0x5FFFF  }
0x33: {  	[dreg:$0x1] =	wrdreg $0xFFFFFFFF  }
0x34: {  	[dreg:$0x0] =	wrdreg $0x60  }
0x35: {  	[dreg:$0x2] =	wrdreg s25  }
0x36: {  	[dreg:$0x3] =	wrdreg $0xA  }
0x37: {  	_ =	task.clear_ibuf [dreg:s23], $0x4FFFF;
	_ =	strace $0x90000049  }
0x38: {  	s29 =	simm.s32 $0xA;
	_ =	strace $0x8000004B  }
0x39: {  	_ =	swait.ge [sflag:s29], $0x1  }
0x3a: {  	[sflag:s29] =	ssyncadd.s32 $0xFFFFFFFF  }
0x3b: {  	_ =	strace $0x9000004B  }
0x3c: {  	_ =	sfence  }
0x3d: {  	s30 =	sld [smem:$0x0];
	_ =	sdelay $0x2  }
0x3e: {  	s31 =	sshll.u32 s1, $0xD;
	s1 =	sshrl.u32 s1, $0x2  }
0x3f: {  	s4 =	sand.u32 $0x4000, s31;
	s1 =	sadd.s32 s1, s30  }
0x40: {  	s0 =	sor.u32 s4, s0;
	s1 =	sshll.u32 s1, $0x11  }
0x41: {  	s0 =	sor.u32 s1, s0  }
0x42: {  	s0 =	sadd.s32 $0x8F2B, s0  }
0x43: {  	[sflag:s0] =	ssyncadd.remote.s32 $0x1  }
0x44: {  	_ =	sfence.sel $0xFFFF  }
0x45: {  	[dreg:$0x0] =	wrdreg $0xFFFFFFFF;
	(pc) =	sbr.abs _section_cstart, $3  }
0x46: {  	[dreg:$0x1] =	wrdreg $0xFFFFFFFF  }
0x47: {  	_ =	task.clear_ibuf [dreg:s23], $0x2FFFF;
	_ =	strace $0x9FFFFFFF  }
0x48: {  	(tm) =	ssettm $0x7FFFFFFF  }
0x49: {  	_ =	shalt  }
tec
execute0_lowered:
.L_overlay_start_1:
0x0: {  	(tag) =	ssettag $0x1  }
0x1: {  	s1 =	rddreg [dreg:$0x0]  }
0x2: {  	s0 =	rddreg [dreg:$0x1]  }
0x3: {  	_ =	strace $0x8000004A;
	s4 =	srdreg.scid;
	s6 =	simm.s32 $0x2  }
0x4: {  	s13 =	simm.s32 $0x0;
	p0 =	por $0x0, $0x0;
	s15 =	simm.s32 $0x0  }
0x5: {  	s14 =	simm.s32 $0x0;
	s8 =	simm.s32 $0x0;
	s9 =	simm.s32 $0x0  }
.Ltmp0:
0x6: {  	s10 =	simm.s32 $0x0;
	s12 =	simm.s32 $0x0;
	(pc) =	sbr.rel .LBB1_1-.Ltmp0, $4  }
0x7: {  	s2 =	sadd.s32 $0x49800, s1;
	s3 =	sadd.s32 $0x372200, s1;
	s5 =	sshll.u32 s4, $0x4  }
0x8: {  	s1 =	stileid.u32;
	s4 =	simm.s32 $0x1;
	s5 =	sand.u32 $0x10, s5  }
0x9: {  	s7 =	simm.s32 $0x0;
	[sflag:s4] =	ssyncpa.u1 $0x0;
	s5 =	sor.u32 s1, s5  }
0xa: {  	[sflag:s6] =	ssyncpa.u1 $0x0;
	s6 =	simm.s32 $0x0;
	s11 =	smov.u32 s5  }
.LBB1_5:
0xb: {  	p1 =	slt.u32 s7, $0x2  }
0xc: {  	p2 =	sgt.s32 @!p1 s15, $0x1F  }
0xd: {  	s16 =	smov.u32 s15;
	s17 =	sshra.s32 @!p1 s15, $0x1F;
	p2 =	por !p2, p1  }
0xe: {  	s15 =	sand.u32 @!p1 s17, s15;
	s16 =	simm.s32 @p2 $0x1F  }
0xf: {  	p3 =	sgt.s32 @!p1 s13, $0x17F0;
	s15 =	ssub.s32 @!p1 s16, s15  }
0x10: {  	p3 =	por !p3, p1;
	s17 =	smov.u32 s13;
	s16 =	sadd.s32 @!p1 $0xFFFFFFE1, s15  }
0x11: {  	s15 =	ssub.s32 @!p1 $0x20, s15;
	p2 =	sgt.s32 @!p1 s16, $0x0;
	s16 =	sshra.s32 @!p1 s13, $0x1F  }
0x12: {  	s13 =	sand.u32 @!p1 s16, s13;
	s16 =	ssub.s32 @!p1 $0x0, s14;
	p2 =	por !p2, p1  }
0x13: {  	s17 =	simm.s32 @p3 $0x17F0;
	s14 =	smin.u32 @!p1 s14, s16;
	s15 =	simm.s32 @!p2 $0x0  }
0x14: {  	s13 =	ssub.s32 @!p1 s17, s13;
	s17 =	smov.u32 s11;
	p2 =	sgt.s32 @!p1 s14, $0x7F  }
0x15: {  	s16 =	sadd.s32 @!p1 $0xFFFFE810, s13;
	s14 =	ssub.s32 @!p1 $0x80, s14;
	p2 =	por !p2, p1  }
0x16: {  	s13 =	ssub.s32 @!p1 $0x1870, s13;
	p3 =	sgt.s32 @!p1 s16, $0x7F;
	s14 =	simm.s32 @!p2 $0x0  }
0x17: {  	s16 =	sadd.s32 $0x80, s10;
	p2 =	por !p3, p1;
	s14 =	smul.u32 @!p1 s14, s15  }
0x18: {  	s13 =	simm.s32 @!p2 $0x0;
	p2 =	sgt.s32 s16, $0x1869;
	s15 =	sadd.s32 $0x20, s11  }
0x19: {  	s18 =	smov.u32 s12;
	s17 =	smov.u32 @p2 s15  }
0x1a: {  	s13 =	smul.u32 @!p1 s13, s14;
	p3 =	sgt.s32 s17, $0x1F;
	s14 =	sadd.s32 $0x80, s12  }
0x1b: {  	s7 =	sadd.s32 $0x1, s7;
	p0 =	por !p0, !p0;
	s18 =	smov.u32 @p3 s14  }
0x1c: {  	s19 =	simm.s32 @!p1 $0x2;
	s16 =	simm.s32 @p2 $0x0;
	p2 =	sgt.s32 s18, $0x7F  }
0x1d: {  	s15 =	smov.u32 s8;
	s18 =	simm.s32 @p2 $0x0;
	p2 =	sne.s32 s7, $0x33  }
.Ltmp1:
0x1e: {  	s8 =	smov.u32 s11;
	s17 =	smov.u32 @p3 s5;
	(pc) =	sbr.rel @!p2 .LBB1_6-.Ltmp1, $4  }
0x1f: {  	s14 =	smov.u32 s9;
	s9 =	smov.u32 s12;
	s13 =	sand.u32 @!p1 $0x3FFFFFFF, s13  }
0x20: {  	s11 =	smov.u32 s17;
	_ =	swait.ge @!p1 [sflag:s19], s13;
	s20 =	ssub.s32 @!p1 $0x0, s13  }
0x21: {  	s13 =	smov.u32 s6;
	s6 =	smov.u32 s10;
	[sflag:s19] =	ssyncset.done @!p1 $0x0  }
0x22: {  	s10 =	smov.u32 s16;
	s12 =	smov.u32 s18;
	[sflag:s19] =	ssyncadd.s32 @!p1 s20  }
.LBB1_1:
0x23: {  	p1 =	sgt.u32 s7, $0x30  }
0x24: {  	s16 =	sshrl.u32 @!p1 s11, $0x3  }
0x25: {  	s17 =	sshll.u32 @!p1 s10, $0x3;
	s16 =	smul.u32 @!p1 $0xC400, s16  }
0x26: {  	s18 =	sshll.u32 @!p1 s11, $0x7;
	s17 =	sand.u32 @!p1 $0xFFFFFC00, s17  }
0x27: {  	s16 =	sadd.s32 @!p1 s16, s17;
	s17 =	sand.u32 @!p1 $0x380, s18  }
0x28: {  	s18 =	sand.u32 @!p1 $0x7F, s10;
	s16 =	sor.u32 @!p1 s17, s16  }
0x29: {  	s17 =	sor.u32 @!p1 s18, s16  }
0x2a: {  	s18 =	smulhi.u32 @!p1 $0x5397829D, s17  }
0x2b: {  	s16 =	smulhi.u32 @!p1 $0x5397829D, s16  }
0x2c: {  	s18 =	sshrl.u32 @!p1 s18, $0xB  }
0x2d: {  	s16 =	sshrl.u32 @!p1 s16, $0xB;
	s18 =	smul.u32 @!p1 $0x1880, s18  }
0x2e: {  	s19 =	sxor.u32 @!p1 $0xFFFFFFFF, s7;
	s20 =	smul.u32 @!p1 $0x6200, s12;
	s16 =	sand.u32 @!p1 $0x1F, s16  }
0x2f: {  	s19 =	sshll.u32 @!p1 s19, $0xE;
	s16 =	smul.u32 @!p1 $0x310, s16;
	s17 =	ssub.s32 @!p1 s17, s18  }
0x30: {  	s18 =	sand.u32 @!p1 $0x4000, s19;
	s19 =	sadd.s32 @!p1 s2, s20;
	s20 =	sand.u32 @!p1 $0x7, s17  }
0x31: {  	s17 =	sshrl.u32 @!p1 s17, $0x3;
	s16 =	sadd.s32 @!p1 s16, s19;
	s19 =	sshll.u32 @!p1 s20, $0x12  }
0x32: {  	s16 =	sadd.s32 @!p1 s17, s16;
	s17 =	sor.u32 @!p1 $0x80, s19;
	s19 =	simm.s32 @!p1 $0x31000  }
0x33: {  	[tilespmem:s18], [sflag:$0x1] =	stream.strided.gather @!p1 [hbm4b:s16+s17], $0x4000, s19, s17, $0x38;
	[tilespmem:$0x10100] =	vst v63  }
0x34: {  	p1 =	seq.s32 s7, $0x0  }
0x35: {  	p2 =	seq.s32 @!p1 s7, $0x32  }
0x36: {  	p1 =	por p1, p2  }
.Ltmp2:
0x37: {  	_ = 	snop;
	(pc) =	sbr.rel @p1 .LBB1_5-.Ltmp2, $1  }
0x38: {  	_ =	sdelay $0x3  }
0x39: {  	s16 =	simm.s32 $0x1  }
0x3a: {  	_ =	swait.ge [sflag:s4], $0x4000;
	s16 =	simm.s32 @!p0 $0x0  }
0x3b: {  	[sflag:s4] =	ssyncset.done $0x0;
	s17 =	sshll.u32 s16, $0xE  }
0x3c: {  	[sflag:s4] =	ssyncadd.s32 $0xFFFFC000;
	s17 =	sor.u32 $0x40, s17  }
0x3d: {  	s16 =	smul.u32 $0x10200, s16;
	v0 =	vld [tilespmem:s17+$0x30]  }
0x3e: {  	v1 =	vld [tilespmem:s17+$0xFFFFFFD0]  }
0x3f: {  	s16 =	sshrl.u32 s16, $0x2;
	v5 =	vld [tilespmem:s17+$0xFFFFFFE0]  }
0x40: {  	v6 =	vld [tilespmem:s17+$0xFFFFFFF0];
	s19 =	sor.u32 $0x8000, s16  }
0x41: {  	s31 =	sand.u32 $0x1, s7;
	v4 =	vld [tilespmem:s17+$0x0];
	s18 =	sadd.s32 $0x0, s19  }
0x42: {  	v3 =	vld [tilespmem:s17+$0x10];
	s16 =	smul.u32 $0x10200, s31;
	[tilespmem:s18+$0x3870 ss:$0x81] =	vst.msk $0xffff, v0  }
0x43: {  	v2 =	vld [tilespmem:s17+$0x20];
	[tilespmem:s18+$0x810 ss:$0x81] =	vst.msk $0xffff, v1  }
0x44: {  	s16 =	sshrl.u32 s16, $0x2;
	v0 =	vld [tilespmem:s17+$0xFFFFFFC0];
	[tilespmem:s18+$0x1020 ss:$0x81] =	vst.msk $0xffff, v5;
	s17 =	sadd.s32 $0x80, s17  }
0x45: {  	s20 =	simm.s32 $0x4;
	s21 =	simm.s32 $0x8;
	s16 =	sor.u32 $0x8000, s16;
	[tilespmem:s18+$0x1830 ss:$0x81] =	vst.msk $0xffff, v6;
	v1 =	vld [tilespmem:s17+$0x30]  }
.LBB1_3:
0x46: {  	p1 =	sne.s32 s21, $0x1FC;
	v5 =	vld [tilespmem:s17+$0xFFFFFFD0];
	[tilespmem:s18+$0x2040 ss:$0x81] =	vst.msk $0xffff, v4  }
0x47: {  	v6 =	vld [tilespmem:s17+$0xFFFFFFE0];
	[tilespmem:s18+$0x2850 ss:$0x81] =	vst.msk $0xffff, v3  }
0x48: {  	s22 =	sshra.s32 s20, $0x2;
	s20 =	smov.u32 s21;
	v7 =	vld [tilespmem:s17+$0xFFFFFFF0];
	[tilespmem:s18+$0x3060 ss:$0x81] =	vst.msk $0xffff, v2  }
.Ltmp3:
0x49: {  	v4 =	vld [tilespmem:s17+$0x0];
	[tilespmem:s18+$0x0 ss:$0x81] =	vst.msk $0xffff, v0;
	s18 =	sadd.s32 s22, s19;
	(pc) =	sbr.rel @p1 .LBB1_3-.Ltmp3, $4  }
0x4a: {  	v3 =	vld [tilespmem:s17+$0x10];
	[tilespmem:s18+$0x3870 ss:$0x81] =	vst.msk $0xffff, v1  }
0x4b: {  	[tilespmem:s18+$0x810 ss:$0x81] =	vst.msk $0xffff, v5;
	v2 =	vld [tilespmem:s17+$0x20]  }
0x4c: {  	v0 =	vld [tilespmem:s17+$0xFFFFFFC0];
	[tilespmem:s18+$0x1020 ss:$0x81] =	vst.msk $0xffff, v6;
	s17 =	sadd.s32 $0x80, s17  }
0x4d: {  	s21 =	sadd.s32 $0x4, s21;
	v1 =	vld [tilespmem:s17+$0x30];
	[tilespmem:s18+$0x1830 ss:$0x81] =	vst.msk $0xffff, v7  }
0x4e: {  	s21 =	sshll.u32 s6, $0x7  }
0x4f: {  	s22 =	sshll.u32 s9, $0x3;
	p1 =	sgt.s32 s8, $0x1F;
	s27 =	sshra.s32 s8, $0x1F  }
0x50: {  	s20 =	sshra.s32 s20, $0x2;
	s23 =	sand.u32 $0xFFFFFC00, s21;
	s22 =	sand.u32 $0xFFFFFC00, s22  }
0x51: {  	s30 =	ssub.s32 $0x0, s9;
	s21 =	sand.u32 $0x380, s21;
	s22 =	sadd.s32 s22, s23  }
0x52: {  	[tilespmem:s18+$0x2040 ss:$0x81] =	vst.msk $0xffff, v4;
	s31 =	sshra.s32 s6, $0x1F;
	s21 =	sor.u32 s21, s22;
	s22 =	smov.u32 s8  }
0x53: {  	s19 =	sadd.s32 s20, s19;
	[tilespmem:s18+$0x2850 ss:$0x81] =	vst.msk $0xffff, v3;
	s23 =	sand.u32 s27, s8;
	s22 =	simm.s32 @!p1 $0x1F  }
0x54: {  	v5 =	vld [tilespmem:s17+$0xFFFFFFD0];
	[tilespmem:s18+$0x3060 ss:$0x81] =	vst.msk $0xffff, v2;
	s27 =	smul.u32 $0x18700, s8;
	s21 =	sshrl.u32 s21, $0x7;
	s22 =	ssub.s32 s22, s23  }
0x55: {  	v58 =	vld [tilespmem:s17+$0xFFFFFFE0];
	[tilespmem:s18+$0x0 ss:$0x81] =	vst.msk $0xffff, v0;
	s18 =	sand.u32 s31, s6;
	s24 =	smulhi.u32 $0x29E71ED, s21;
	s28 =	sadd.s32 $0xFFFFFFE1, s22  }
0x56: {  	v59 =	vld [tilespmem:s17+$0xFFFFFFF0];
	s20 =	ssub.s32 $0x20, s22;
	s22 =	smov.u32 s6;
	p1 =	sgt.s32 s28, $0x0  }
0x57: {  	v60 =	vld [tilespmem:s17+$0x0];
	s29 =	sshrl.u32 s24, $0x6;
	s20 =	simm.s32 @p1 $0x0;
	p1 =	sgt.s32 s6, $0x17F0  }
0x58: {  	v61 =	vld [tilespmem:s17+$0x10];
	[tilespmem:s19+$0x3870 ss:$0x81] =	vst.msk $0xffff, v1;
	s24 =	smin.u32 s9, s30;
	s28 =	sshrl.u32 s9, $0x3;
	s22 =	simm.s32 @!p1 $0x17F0  }
0x59: {  	v62 =	vld [tilespmem:s17+$0x20];
	[tilespmem:s19+$0x810 ss:$0x81] =	vst.msk $0xffff, v5;
	p1 =	sgt.s32 s24, $0x7F;
	s24 =	ssub.s32 $0x80, s24;
	s18 =	ssub.s32 s22, s18  }
0x5a: {  	v63 =	vld [tilespmem:s17+$0xFFFFFFC0];
	[tilespmem:s19+$0x1020 ss:$0x81] =	vst.msk $0xffff, v58;
	s23 =	smul.u32 $0x1870, s29;
	s24 =	simm.s32 @p1 $0x0;
	s26 =	sadd.s32 $0xFFFFE810, s18  }
0x5b: {  	[tilespmem:s19+$0x1830 ss:$0x81] =	vst.msk $0xffff, v59;
	s25 =	smul.u32 s24, s20;
	s18 =	ssub.s32 $0x1870, s18;
	p1 =	sgt.s32 s26, $0x7F  }
.Ltmp4:
0x5c: {  	[tilespmem:s19+$0x2040 ss:$0x81] =	vst.msk $0xffff, v60;
	s29 =	sand.u32 $0xF, s28;
	s18 =	simm.s32 @p1 $0x0;
	(pc) =	sbr.rel .LBB1_5-.Ltmp4, $4  }
0x5d: {  	[tilespmem:s19+$0x2850 ss:$0x81] =	vst.msk $0xffff, v61;
	s21 =	ssub.s32 s21, s23;
	s20 =	sadd.s32 s3, s27;
	s17 =	smul.u32 s18, s25  }
0x5e: {  	[tilespmem:s19+$0x3060 ss:$0x81] =	vst.msk $0xffff, v62;
	s30 =	sshll.u32 s21, $0x4;
	s18 =	sadd.s32 s29, s20  }
0x5f: {  	s31 =	sand.u32 $0x7, s9;
	[tilespmem:s19+$0x0 ss:$0x81] =	vst.msk $0xffff, v63;
	s18 =	sadd.s32 s30, s18;
	s17 =	sand.u32 $0x3FFFFFFF, s17  }
0x60: {  	[hbm4b:s18+s31] =	stream.linear.scatter [tilespmem:s16], [sflag:$0x2], s17, $0x20;
	[tilespmem:$0x10100] =	vst v63  }
.LBB1_6:
0x61: {  	_ =	sfence.sel $0x180000  }
0x62: {  	s2 =	simm.s32 $0x1;
	[bflag:$0x0] =	sbarrier.arrive $0xFFFF  }
0x63: {  	s31 =	simm.s32 $0x2;
	[sflag:s2] =	ssyncpa.u1 $0x1  }
0x64: {  	[sflag:s31] =	ssyncpa.u1 $0x1  }
0x65: {  	p0 =	sne.s32 s1, $0x0;
	_ =	strace $0x9000004A  }
0x66: {  	s0 =	sadd.s32 @!p0 $0x100000, s0;
	[bflag:$0x2] =	sbarrier.arrive $0xFFFF  }
0x67: {  	[sflag:s0] =	ssyncadd.tile.s32 @!p0 $0x1;
	_ =	shalt  }
.Lfunc_end1:
_tile_overlayer_lowered:
.L_overlay_start_2:
0x68: {  	(tag) =	ssettag $0x2  }
0x69: {  	s0 =	rddreg [dreg:$0x0];
	s2 =	stileid.u32  }
0x6a: {  	s1 =	rddreg [dreg:$0x1];
	p0 =	sne.s32 s2, $0x0  }
0x6b: {  	s3 =	rddreg [dreg:$0x2];
	[bflag:$0x3] =	sbarrier.arrive $0xFFFF;
	s2 =	simm.s32 @!p0 $0x1C01  }
0x6c: {  	[timem:s3], [sflag:s2] =	dma.local @!p0 [hbm:s0], s1  }
0x6d: {  	s0 =	simm.s32 @!p0 $0x1  }
0x6e: {  	_ =	swait.ge @!p0 [sflag:s0], s1  }
0x6f: {  	s1 =	ssub.s32 @!p0 $0x0, s1;
	[sflag:s0] =	ssyncset.done @!p0 $0x0  }
0x70: {  	[sflag:s0] =	ssyncadd.s32 @!p0 s1  }
0x71: {  	[bflag:$0x3] =	sbarrier.arrive $0xFFFF  }
0x72: {  	_ =	shalt  }

</sc_bundles>
